<compile_context>
chip_gen: v7x
topology: tpu7x:2x2x1
jax: 0.10.2.dev20260603
libtpu: 0.0.44.dev20260713+nightly
codegen_flags: <defaults>
</compile_context>

<pallas_src>
import functools

import jax
import jax.numpy as jnp
from jax import lax
from jax.experimental import pallas as pl
from jax.experimental.pallas import tpu as pltpu
from jax.experimental.pallas import tpu_sc as plsc

_D = 128
_LANES = 16
_NSUB = 16
_CHUNK = 80
_CW = 16
_ZROWS = 40


def _round8(x):
  return ((x + 7) // 8) * 8


def _zero_2d(ref, rows, width):
  z = jnp.zeros((_LANES,), jnp.float32)

  def body(r, _):
    for c in range(width // _LANES):
      ref[r, pl.ds(c * _LANES, _LANES)] = z
    return ()

  lax.fori_loop(0, rows, body, ())


def _fill_iota(si, start):
  for k in range(_CHUNK // _LANES):
    si[pl.ds(k * _LANES, _LANES)] = (
        lax.iota(jnp.int32, _LANES) + (start + k * _LANES))


def _sc_side(tbl, gidx_hbm, sidx_hbm, sum_out, cnt_out, acc, cntacc,
             gb0, gb1, lbuf, ob, gi0, gi1, si0, si1, si2, si3, si8, one8,
             sem0, sem1, sid, n_seg, seg_pad, e):
  per_tile_rows = seg_pad // _NSUB
  cnt_rows = seg_pad // 8 // _NSUB
  out_main = _round8((n_seg + _NSUB - 1) // _NSUB)
  out_last = n_seg - (_NSUB - 1) * out_main
  per_tile_e = e // _NSUB
  n_chunks = per_tile_e // _CHUNK

  _zero_2d(gb0, _CHUNK, _D)
  _zero_2d(ob, _LANES, _D)
  one_v = jnp.where(lax.iota(jnp.int32, _LANES) == 0, 1.0, 0.0)
  for j in range(8):
    ob[j, pl.ds(j * _LANES, _LANES)] = one_v

  zbase = sid * per_tile_rows

  def zero_body(j, _):
    _fill_iota(si0, zbase + j * _CHUNK)
    pltpu.sync_copy(gb0, acc.at[si0])
    return ()

  lax.fori_loop(0, per_tile_rows // _CHUNK, zero_body, ())

  _fill_iota(si0, sid * cnt_rows)
  pltpu.sync_copy(gb0, cntacc.at[si0])

  si8[pl.ds(0, _LANES)] = lax.iota(jnp.int32, _LANES)

  @pl.when(sid == 0)
  def _():
    pltpu.sync_copy(ob, one8.at[si8])

  plsc.subcore_barrier()

  ebase = sid * per_tile_e

  def count_rows(si):
    for i in range(_CHUNK // _LANES):
      sg = si[pl.ds(i * _LANES, _LANES)]
      si2[pl.ds(i * _LANES, _LANES)] = jnp.bitwise_and(sg, 7)
      si3[pl.ds(i * _LANES, _LANES)] = lax.shift_right_logical(sg, 3)
    pltpu.sync_copy(one8.at[si2], lbuf)

  def pair_body(k, _):
    off = ebase + 2 * k * _CHUNK
    pltpu.sync_copy(gidx_hbm.at[pl.ds(off, _CHUNK)], gi0)
    pltpu.sync_copy(sidx_hbm.at[pl.ds(off, _CHUNK)], si0)
    cp0 = pltpu.async_copy(tbl.at[gi0], gb0, sem0)
    pltpu.sync_copy(gidx_hbm.at[pl.ds(off + _CHUNK, _CHUNK)], gi1)
    pltpu.sync_copy(sidx_hbm.at[pl.ds(off + _CHUNK, _CHUNK)], si1)
    cp1 = pltpu.async_copy(tbl.at[gi1], gb1, sem1)
    count_rows(si0)
    cp0.wait()
    pltpu.sync_copy(gb0, acc.at[si0], add=True)
    pltpu.sync_copy(lbuf, cntacc.at[si3], add=True)
    count_rows(si1)
    cp1.wait()
    pltpu.sync_copy(gb1, acc.at[si1], add=True)
    pltpu.sync_copy(lbuf, cntacc.at[si3], add=True)
    return ()

  lax.fori_loop(0, n_chunks // 2, pair_body, ())

  plsc.subcore_barrier()

  obase = sid * out_main

  def write_rows(total):
    done = 0
    while done < total:
      c = min(_CHUNK, total - done)
      _fill_iota(si0, obase + done)
      pltpu.sync_copy(acc.at[si0], gb0)
      pltpu.sync_copy(gb0.at[pl.ds(0, c)],
                      sum_out.at[pl.ds(obase + done, c)])
      done += c

  @pl.when(sid < _NSUB - 1)
  def _():
    write_rows(out_main)

  @pl.when(sid == _NSUB - 1)
  def _():
    write_rows(out_last)

  _fill_iota(si0, sid * cnt_rows)
  pltpu.sync_copy(cntacc.at[si0], gb0)
  pltpu.sync_copy(gb0, cnt_out.at[pl.ds(sid * cnt_rows, cnt_rows)])


def _make_sc_kernel(m, n, e):
  per_tile = -(-(max(m, n) + 1 + _NSUB - 1) // _NSUB // _CHUNK) * _CHUNK
  seg_pad = _NSUB * per_tile
  mesh = plsc.VectorSubcoreMesh(core_axis_name="c", subcore_axis_name="s")

  @functools.partial(
      pl.kernel,
      out_type=[
          jax.ShapeDtypeStruct((m, _D), jnp.float32),
          jax.ShapeDtypeStruct((seg_pad // 8, _D), jnp.float32),
          jax.ShapeDtypeStruct((n, _D), jnp.float32),
          jax.ShapeDtypeStruct((seg_pad // 8, _D), jnp.float32),
      ],
      mesh=mesh,
      scratch_types=[
          pltpu.VMEM((_CHUNK, _D), jnp.float32),
          pltpu.VMEM((_CHUNK, _D), jnp.float32),
          pltpu.VMEM((_CHUNK, _D), jnp.float32),
          pltpu.VMEM((_LANES, _D), jnp.float32),
          pltpu.VMEM((_CHUNK,), jnp.int32),
          pltpu.VMEM((_CHUNK,), jnp.int32),
          pltpu.VMEM((_CHUNK,), jnp.int32),
          pltpu.VMEM((_CHUNK,), jnp.int32),
          pltpu.VMEM((_CHUNK,), jnp.int32),
          pltpu.VMEM((_CHUNK,), jnp.int32),
          pltpu.VMEM((_LANES,), jnp.int32),
          pltpu.VMEM_SHARED((_LANES, _D), jnp.float32),
          pltpu.VMEM_SHARED((seg_pad, _D), jnp.float32),
          pltpu.VMEM_SHARED((seg_pad // 8, _D), jnp.float32),
          pltpu.SemaphoreType.DMA,
          pltpu.SemaphoreType.DMA,
      ],
  )
  def sc_kernel(x_v, x_f, col, row_t, row, col_t,
                sum_v, cnt_v, sum_f, cnt_f,
                gb0, gb1, lbuf, ob, gi0, gi1, si0, si1, si2, si3, si8,
                one8, acc, cntacc, sem0, sem1):
    cid = lax.axis_index("c")
    sid = lax.axis_index("s")

    @pl.when(cid == 0)
    def _():
      _sc_side(x_f, col, row_t, sum_v, cnt_v, acc, cntacc,
               gb0, gb1, lbuf, ob, gi0, gi1, si0, si1, si2, si3, si8, one8,
               sem0, sem1, sid, m, seg_pad, e)

    @pl.when(cid == 1)
    def _():
      _sc_side(x_v, row, col_t, sum_f, cnt_f, acc, cntacc,
               gb0, gb1, lbuf, ob, gi0, gi1, si0, si1, si2, si3, si8, one8,
               sem0, sem1, sid, n, seg_pad, e)

  return sc_kernel


def _mlp_body(x_ref, s_ref, c_ref, w1a_ref, w1b_ref, b1_ref, w2_ref, b2_ref,
              o_ref):
  cnt = jnp.maximum(jnp.sum(c_ref[...], axis=1, keepdims=True), 1.0)
  agg = s_ref[...] / cnt
  h = (jnp.dot(x_ref[...], w1a_ref[...], preferred_element_type=jnp.float32)
       + jnp.dot(agg, w1b_ref[...], preferred_element_type=jnp.float32)
       + b1_ref[...])
  h = jnp.where(h >= 0, h, 0.2 * h)
  o = jnp.dot(h, w2_ref[...], preferred_element_type=jnp.float32) + b2_ref[...]
  o_ref[...] = jnp.where(o >= 0, o, 0.2 * o)


def _mlp(x, s, c, w1, b1, w2, b2):
  m = x.shape[0]
  bm = 1000
  grid = (m // bm,)
  w1a = w1[:_D]
  w1b = w1[_D:]
  return pl.pallas_call(
      _mlp_body,
      grid=grid,
      in_specs=[
          pl.BlockSpec((bm, _D), lambda i: (i, 0)),
          pl.BlockSpec((bm, _D), lambda i: (i, 0)),
          pl.BlockSpec((bm, _CW), lambda i: (i, 0)),
          pl.BlockSpec((_D, _D), lambda i: (0, 0)),
          pl.BlockSpec((_D, _D), lambda i: (0, 0)),
          pl.BlockSpec((1, _D), lambda i: (0, 0)),
          pl.BlockSpec((_D, _D), lambda i: (0, 0)),
          pl.BlockSpec((1, _D), lambda i: (0, 0)),
      ],
      out_specs=pl.BlockSpec((bm, _D), lambda i: (i, 0)),
      out_shape=jax.ShapeDtypeStruct((m, _D), jnp.float32),
  )(x, s, c, w1a, w1b, b1.reshape(1, _D), w2, b2.reshape(1, _D))


@jax.jit
def kernel(x_v, x_f, edge_dual_v, edge_dual_f,
           W_v1, b_v1, W_v2, b_v2, W_f1, b_f1, W_f2, b_f2):
  m = x_v.shape[0]
  n = x_f.shape[0]
  e = edge_dual_v.shape[0]

  lin = edge_dual_v.astype(jnp.int32) * n + edge_dual_f.astype(jnp.int32)
  lin = jnp.sort(lin)
  dup = jnp.concatenate([jnp.zeros((1,), bool), lin[1:] == lin[:-1]])
  row = lin // n
  col = lin % n
  row_t = jnp.where(dup, m, row).astype(jnp.int32)
  col_t = jnp.where(dup, n, col).astype(jnp.int32)
  row = row.astype(jnp.int32)
  col = col.astype(jnp.int32)

  sum_v, cnt_v, sum_f, cnt_f = _make_sc_kernel(m, n, e)(
      x_v, x_f, col, row_t, row, col_t)

  cnt_v = cnt_v.reshape(-1, _CW)[:m]
  cnt_f = cnt_f.reshape(-1, _CW)[:n]

  out_v = _mlp(x_v, sum_v, cnt_v, W_v1, b_v1, W_v2, b_v2)
  out_f = _mlp(x_f, sum_f, cnt_f, W_f1, b_f1, W_f2, b_f2)
  return (out_v, out_f)

# --- scband reference (transcript-rebuilt; emitter-appended) ---
"""Pipeline reference for scband-dual-fusion-layer-40544491274781 (READ-ONLY COPY).

The authoritative reference and input builder live on the scoring server;
editing this copy changes nothing except your own understanding.
"""

import jax, jax.numpy as jnp
import numpy as np

M = 10000
N = 10000
E = 320000
D = 128


def _coalesce(row, col, m, n):
    # torch_geometric coalesce: sort edges by (row, col) row-major and remove duplicates
    lin = row.astype(jnp.int32) * n + col.astype(jnp.int32)
    lin = jnp.sort(lin)
    dup = jnp.concatenate([jnp.zeros((1,), bool), lin[1:] == lin[:-1]])
    r = jnp.where(dup, m, lin // n)
    c = jnp.where(dup, n, lin % n)
    return r, c


def _scatter_mean(src, index, num_segments):
    s = jax.ops.segment_sum(src, index, num_segments=num_segments)
    cnt = jax.ops.segment_sum(jnp.ones((index.shape[0], 1), src.dtype), index, num_segments=num_segments)
    return s / jnp.clip(cnt, 1.0)


def setup_inputs(seed: int = 0) -> dict:
    key = jax.random.key(seed)
    ks = jax.random.split(key, 12)
    x_v = jax.random.normal(ks[0], (M, D), jnp.float32)
    x_f = jax.random.normal(ks[1], (N, D), jnp.float32)
    edge_dual_v = jax.random.randint(ks[2], (E,), 0, M)
    edge_dual_f = jax.random.randint(ks[3], (E,), 0, N)
    # learned params: Linear(in, out) represented as W[in, out], b[out]
    W_v1 = jax.random.normal(ks[4], (2 * D, D), jnp.float32) * 0.05
    b_v1 = jnp.zeros((D,), jnp.float32)
    W_v2 = jax.random.normal(ks[5], (D, D), jnp.float32) * 0.05
    b_v2 = jnp.zeros((D,), jnp.float32)
    W_f1 = jax.random.normal(ks[6], (2 * D, D), jnp.float32) * 0.05
    b_f1 = jnp.zeros((D,), jnp.float32)
    W_f2 = jax.random.normal(ks[7], (D, D), jnp.float32) * 0.05
    b_f2 = jnp.zeros((D,), jnp.float32)
    return {
        "x_v": x_v, "x_f": x_f,
        "edge_dual_v": edge_dual_v, "edge_dual_f": edge_dual_f,
        "W_v1": W_v1, "b_v1": b_v1, "W_v2": W_v2, "b_v2": b_v2,
        "W_f1": W_f1, "b_f1": b_f1, "W_f2": W_f2, "b_f2": b_f2,
    }


def reference(x_v, x_f, edge_dual_v, edge_dual_f,
              W_v1, b_v1, W_v2, b_v2, W_f1, b_f1, W_f2, b_f2):
    m = x_v.shape[0]
    n = x_f.shape[0]
    row, col = _coalesce(edge_dual_v, edge_dual_f, m, n)
    # fusion(data_v.x, edge_dual, data_f.x): gather x_f[col], scatter-mean by row into m slots
    agg_v = _scatter_mean(x_f[col], row, m)
    h_v = jnp.concatenate([x_v, agg_v], axis=1)
    # fusion(data_f.x, edge_dual.flip(0), data_v.x): gather x_v[row], scatter-mean by col into n slots
    agg_f = _scatter_mean(x_v[row], col, n)
    h_f = jnp.concatenate([x_f, agg_f], axis=1)
    out_v = jax.nn.leaky_relu(h_v @ W_v1 + b_v1, 0.2)
    out_v = jax.nn.leaky_relu(out_v @ W_v2 + b_v2, 0.2)
    out_f = jax.nn.leaky_relu(h_f @ W_f1 + b_f1, 0.2)
    out_f = jax.nn.leaky_relu(out_f @ W_f2 + b_f2, 0.2)
    return (out_v, out_f)

if __name__ == "__main__":
    import jax
    _d = setup_inputs()
    print(jax.jit(kernel)(*tuple(_d.values())))

</pallas_src>

<mosaic_0001>
#map = affine_map<(d0, d1) -> (0, 0)>
#map1 = affine_map<(d0, d1) -> (0)>
module attributes {stable_mosaic.version = 14 : i64} {
  func.func @sc_kernel(%arg0: i32, %arg1: i32, %arg2: memref<10000x128xf32, #tpu.memory_space<hbm>>, %arg3: memref<10000x128xf32, #tpu.memory_space<hbm>>, %arg4: memref<320000xi32, #tpu.memory_space<hbm>>, %arg5: memref<320000xi32, #tpu.memory_space<hbm>>, %arg6: memref<320000xi32, #tpu.memory_space<hbm>>, %arg7: memref<320000xi32, #tpu.memory_space<hbm>>, %arg8: memref<10000x128xf32, #tpu.memory_space<hbm>>, %arg9: memref<1280x128xf32, #tpu.memory_space<hbm>>, %arg10: memref<10000x128xf32, #tpu.memory_space<hbm>>, %arg11: memref<1280x128xf32, #tpu.memory_space<hbm>>, %arg12: memref<80x128xf32, #tpu.memory_space<vmem>>, %arg13: memref<80x128xf32, #tpu.memory_space<vmem>>, %arg14: memref<80x128xf32, #tpu.memory_space<vmem>>, %arg15: memref<16x128xf32, #tpu.memory_space<vmem>>, %arg16: memref<80xi32, #tpu.memory_space<vmem>>, %arg17: memref<80xi32, #tpu.memory_space<vmem>>, %arg18: memref<80xi32, #tpu.memory_space<vmem>>, %arg19: memref<80xi32, #tpu.memory_space<vmem>>, %arg20: memref<80xi32, #tpu.memory_space<vmem>>, %arg21: memref<80xi32, #tpu.memory_space<vmem>>, %arg22: memref<16xi32, #tpu.memory_space<vmem>>, %arg23: memref<16x128xf32, #tpu.memory_space<vmem_shared>>, %arg24: memref<10240x128xf32, #tpu.memory_space<vmem_shared>>, %arg25: memref<1280x128xf32, #tpu.memory_space<vmem_shared>>, %arg26: memref<!tpu.dma_semaphore, #tpu.memory_space<semaphore_mem>>, %arg27: memref<!tpu.dma_semaphore, #tpu.memory_space<semaphore_mem>>) attributes {dimension_semantics = [#tpu.dimension_semantics<core_parallel>, #tpu.dimension_semantics<subcore_parallel>], iteration_bounds = array<i64: 2, 16>, scalar_prefetch = 0 : i64, scratch_operands = 16 : i64, tpu.core_type = #tpu.core_type<sc_vector_subcore>, window_params = [{transform_indices = #map}, {transform_indices = #map}, {transform_indices = #map1}, {transform_indices = #map1}, {transform_indices = #map1}, {transform_indices = #map1}, {transform_indices = #map}, {transform_indices = #map}, {transform_indices = #map}, {transform_indices = #map}]} {
    %eq3A = arith.constant 0 : i32
    %eq3A_0 = arith.cmpi eq, %arg0, %eq3A : i32
    %convert_element_type3A = arith.extui %eq3A_0 : i1 to i32
    %cond3A = arith.constant 0 : i32
    %cond3A_1 = arith.cmpi ne, %convert_element_type3A, %cond3A : i32
    scf.if %cond3A_1 {
      %broadcast_in_dim3A = arith.constant 0.000000e+00 : f32
      %broadcast_in_dim3A_7 = vector.broadcast %broadcast_in_dim3A : f32 to vector<16xf32>
      %scan3A = arith.constant 0 : i32
      %scan3A_8 = arith.constant 80 : i32
      %scan3A_9 = arith.addi %scan3A, %scan3A_8 : i32
      %scan3A_10 = arith.constant 1 : i32
      scf.for %scan3A_202 = %scan3A to %scan3A_9 step %scan3A_10  : i32 {
        %swap3A_203 = arith.index_cast %scan3A_202 : i32 to index
        %swap3A_204 = arith.constant 0 : index
        %swap3A_205 = tpu.vector_load %arg12[%swap3A_203, %swap3A_204] {strides = array<i32>} : memref<80x128xf32, #tpu.memory_space<vmem>>, vector<1x16xf32>,
        %swap3A_206 = vector.shape_cast %swap3A_205 : vector<1x16xf32> to vector<16xf32>
        %swap3A_207 = vector.shape_cast %broadcast_in_dim3A_7 : vector<16xf32> to vector<1x16xf32>
        tpu.vector_store %arg12[%swap3A_203, %swap3A_204], %swap3A_207 {strides = array<i32>} : memref<80x128xf32, #tpu.memory_space<vmem>>, vector<1x16xf32>,
        %swap3A_208 = arith.index_cast %scan3A_202 : i32 to index
        %swap3A_209 = arith.constant 16 : index
        %swap3A_210 = tpu.vector_load %arg12[%swap3A_208, %swap3A_209] {strides = array<i32>} : memref<80x128xf32, #tpu.memory_space<vmem>>, vector<1x16xf32>,
        %swap3A_211 = vector.shape_cast %swap3A_210 : vector<1x16xf32> to vector<16xf32>
        %swap3A_212 = vector.shape_cast %broadcast_in_dim3A_7 : vector<16xf32> to vector<1x16xf32>
        tpu.vector_store %arg12[%swap3A_208, %swap3A_209], %swap3A_212 {strides = array<i32>} : memref<80x128xf32, #tpu.memory_space<vmem>>, vector<1x16xf32>,
        %swap3A_213 = arith.index_cast %scan3A_202 : i32 to index
        %swap3A_214 = arith.constant 32 : index
        %swap3A_215 = tpu.vector_load %arg12[%swap3A_213, %swap3A_214] {strides = array<i32>} : memref<80x128xf32, #tpu.memory_space<vmem>>, vector<1x16xf32>,
        %swap3A_216 = vector.shape_cast %swap3A_215 : vector<1x16xf32> to vector<16xf32>
        %swap3A_217 = vector.shape_cast %broadcast_in_dim3A_7 : vector<16xf32> to vector<1x16xf32>
        tpu.vector_store %arg12[%swap3A_213, %swap3A_214], %swap3A_217 {strides = array<i32>} : memref<80x128xf32, #tpu.memory_space<vmem>>, vector<1x16xf32>,
        %swap3A_218 = arith.index_cast %scan3A_202 : i32 to index
        %swap3A_219 = arith.constant 48 : index
        %swap3A_220 = tpu.vector_load %arg12[%swap3A_218, %swap3A_219] {strides = array<i32>} : memref<80x128xf32, #tpu.memory_space<vmem>>, vector<1x16xf32>,
        %swap3A_221 = vector.shape_cast %swap3A_220 : vector<1x16xf32> to vector<16xf32>
        %swap3A_222 = vector.shape_cast %broadcast_in_dim3A_7 : vector<16xf32> to vector<1x16xf32>
        tpu.vector_store %arg12[%swap3A_218, %swap3A_219], %swap3A_222 {strides = array<i32>} : memref<80x128xf32, #tpu.memory_space<vmem>>, vector<1x16xf32>,
        %swap3A_223 = arith.index_cast %scan3A_202 : i32 to index
        %swap3A_224 = arith.constant 64 : index
        %swap3A_225 = tpu.vector_load %arg12[%swap3A_223, %swap3A_224] {strides = array<i32>} : memref<80x128xf32, #tpu.memory_space<vmem>>, vector<1x16xf32>,
        %swap3A_226 = vector.shape_cast %swap3A_225 : vector<1x16xf32> to vector<16xf32>
        %swap3A_227 = vector.shape_cast %broadcast_in_dim3A_7 : vector<16xf32> to vector<1x16xf32>
        tpu.vector_store %arg12[%swap3A_223, %swap3A_224], %swap3A_227 {strides = array<i32>} : memref<80x128xf32, #tpu.memory_space<vmem>>, vector<1x16xf32>,
        %swap3A_228 = arith.index_cast %scan3A_202 : i32 to index
        %swap3A_229 = arith.constant 80 : index
        %swap3A_230 = tpu.vector_load %arg12[%swap3A_228, %swap3A_229] {strides = array<i32>} : memref<80x128xf32, #tpu.memory_space<vmem>>, vector<1x16xf32>,
        %swap3A_231 = vector.shape_cast %swap3A_230 : vector<1x16xf32> to vector<16xf32>
        %swap3A_232 = vector.shape_cast %broadcast_in_dim3A_7 : vector<16xf32> to vector<1x16xf32>
        tpu.vector_store %arg12[%swap3A_228, %swap3A_229], %swap3A_232 {strides = array<i32>} : memref<80x128xf32, #tpu.memory_space<vmem>>, vector<1x16xf32>,
        %swap3A_233 = arith.index_cast %scan3A_202 : i32 to index
        %swap3A_234 = arith.constant 96 : index
        %swap3A_235 = tpu.vector_load %arg12[%swap3A_233, %swap3A_234] {strides = array<i32>} : memref<80x128xf32, #tpu.memory_space<vmem>>, vector<1x16xf32>,
        %swap3A_236 = vector.shape_cast %swap3A_235 : vector<1x16xf32> to vector<16xf32>
        %swap3A_237 = vector.shape_cast %broadcast_in_dim3A_7 : vector<16xf32> to vector<1x16xf32>
        tpu.vector_store %arg12[%swap3A_233, %swap3A_234], %swap3A_237 {strides = array<i32>} : memref<80x128xf32, #tpu.memory_space<vmem>>, vector<1x16xf32>,
        %swap3A_238 = arith.index_cast %scan3A_202 : i32 to index
        %swap3A_239 = arith.constant 112 : index
        %swap3A_240 = tpu.vector_load %arg12[%swap3A_238, %swap3A_239] {strides = array<i32>} : memref<80x128xf32, #tpu.memory_space<vmem>>, vector<1x16xf32>,
        %swap3A_241 = vector.shape_cast %swap3A_240 : vector<1x16xf32> to vector<16xf32>
        %swap3A_242 = vector.shape_cast %broadcast_in_dim3A_7 : vector<16xf32> to vector<1x16xf32>
        tpu.vector_store %arg12[%swap3A_238, %swap3A_239], %swap3A_242 {strides = array<i32>} : memref<80x128xf32, #tpu.memory_space<vmem>>, vector<1x16xf32>,
      }
      %scan3A_11 = arith.constant 80 : i32
      %broadcast_in_dim3A_12 = arith.constant 0.000000e+00 : f32
      %broadcast_in_dim3A_13 = vector.broadcast %broadcast_in_dim3A_12 : f32 to vector<16xf32>
      %scan3A_14 = arith.constant 0 : i32
      %scan3A_15 = arith.constant 16 : i32
      %scan3A_16 = arith.addi %scan3A_14, %scan3A_15 : i32
      %scan3A_17 = arith.constant 1 : i32
      scf.for %scan3A_202 = %scan3A_14 to %scan3A_16 step %scan3A_17  : i32 {
        %swap3A_203 = arith.index_cast %scan3A_202 : i32 to index
        %swap3A_204 = arith.constant 0 : index
        %swap3A_205 = tpu.vector_load %arg15[%swap3A_203, %swap3A_204] {strides = array<i32>} : memref<16x128xf32, #tpu.memory_space<vmem>>, vector<1x16xf32>,
        %swap3A_206 = vector.shape_cast %swap3A_205 : vector<1x16xf32> to vector<16xf32>
        %swap3A_207 = vector.shape_cast %broadcast_in_dim3A_13 : vector<16xf32> to vector<1x16xf32>
        tpu.vector_store %arg15[%swap3A_203, %swap3A_204], %swap3A_207 {strides = array<i32>} : memref<16x128xf32, #tpu.memory_space<vmem>>, vector<1x16xf32>,
        %swap3A_208 = arith.index_cast %scan3A_202 : i32 to index
        %swap3A_209 = arith.constant 16 : index
        %swap3A_210 = tpu.vector_load %arg15[%swap3A_208, %swap3A_209] {strides = array<i32>} : memref<16x128xf32, #tpu.memory_space<vmem>>, vector<1x16xf32>,
        %swap3A_211 = vector.shape_cast %swap3A_210 : vector<1x16xf32> to vector<16xf32>
        %swap3A_212 = vector.shape_cast %broadcast_in_dim3A_13 : vector<16xf32> to vector<1x16xf32>
        tpu.vector_store %arg15[%swap3A_208, %swap3A_209], %swap3A_212 {strides = array<i32>} : memref<16x128xf32, #tpu.memory_space<vmem>>, vector<1x16xf32>,
        %swap3A_213 = arith.index_cast %scan3A_202 : i32 to index
        %swap3A_214 = arith.constant 32 : index
        %swap3A_215 = tpu.vector_load %arg15[%swap3A_213, %swap3A_214] {strides = array<i32>} : memref<16x128xf32, #tpu.memory_space<vmem>>, vector<1x16xf32>,
        %swap3A_216 = vector.shape_cast %swap3A_215 : vector<1x16xf32> to vector<16xf32>
        %swap3A_217 = vector.shape_cast %broadcast_in_dim3A_13 : vector<16xf32> to vector<1x16xf32>
        tpu.vector_store %arg15[%swap3A_213, %swap3A_214], %swap3A_217 {strides = array<i32>} : memref<16x128xf32, #tpu.memory_space<vmem>>, vector<1x16xf32>,
        %swap3A_218 = arith.index_cast %scan3A_202 : i32 to index
        %swap3A_219 = arith.constant 48 : index
        %swap3A_220 = tpu.vector_load %arg15[%swap3A_218, %swap3A_219] {strides = array<i32>} : memref<16x128xf32, #tpu.memory_space<vmem>>, vector<1x16xf32>,
        %swap3A_221 = vector.shape_cast %swap3A_220 : vector<1x16xf32> to vector<16xf32>
        %swap3A_222 = vector.shape_cast %broadcast_in_dim3A_13 : vector<16xf32> to vector<1x16xf32>
        tpu.vector_store %arg15[%swap3A_218, %swap3A_219], %swap3A_222 {strides = array<i32>} : memref<16x128xf32, #tpu.memory_space<vmem>>, vector<1x16xf32>,
        %swap3A_223 = arith.index_cast %scan3A_202 : i32 to index
        %swap3A_224 = arith.constant 64 : index
        %swap3A_225 = tpu.vector_load %arg15[%swap3A_223, %swap3A_224] {strides = array<i32>} : memref<16x128xf32, #tpu.memory_space<vmem>>, vector<1x16xf32>,
        %swap3A_226 = vector.shape_cast %swap3A_225 : vector<1x16xf32> to vector<16xf32>
        %swap3A_227 = vector.shape_cast %broadcast_in_dim3A_13 : vector<16xf32> to vector<1x16xf32>
        tpu.vector_store %arg15[%swap3A_223, %swap3A_224], %swap3A_227 {strides = array<i32>} : memref<16x128xf32, #tpu.memory_space<vmem>>, vector<1x16xf32>,
        %swap3A_228 = arith.index_cast %scan3A_202 : i32 to index
        %swap3A_229 = arith.constant 80 : index
        %swap3A_230 = tpu.vector_load %arg15[%swap3A_228, %swap3A_229] {strides = array<i32>} : memref<16x128xf32, #tpu.memory_space<vmem>>, vector<1x16xf32>,
        %swap3A_231 = vector.shape_cast %swap3A_230 : vector<1x16xf32> to vector<16xf32>
        %swap3A_232 = vector.shape_cast %broadcast_in_dim3A_13 : vector<16xf32> to vector<1x16xf32>
        tpu.vector_store %arg15[%swap3A_228, %swap3A_229], %swap3A_232 {strides = array<i32>} : memref<16x128xf32, #tpu.memory_space<vmem>>, vector<1x16xf32>,
        %swap3A_233 = arith.index_cast %scan3A_202 : i32 to index
        %swap3A_234 = arith.constant 96 : index
        %swap3A_235 = tpu.vector_load %arg15[%swap3A_233, %swap3A_234] {strides = array<i32>} : memref<16x128xf32, #tpu.memory_space<vmem>>, vector<1x16xf32>,
        %swap3A_236 = vector.shape_cast %swap3A_235 : vector<1x16xf32> to vector<16xf32>
        %swap3A_237 = vector.shape_cast %broadcast_in_dim3A_13 : vector<16xf32> to vector<1x16xf32>
        tpu.vector_store %arg15[%swap3A_233, %swap3A_234], %swap3A_237 {strides = array<i32>} : memref<16x128xf32, #tpu.memory_space<vmem>>, vector<1x16xf32>,
        %swap3A_238 = arith.index_cast %scan3A_202 : i32 to index
        %swap3A_239 = arith.constant 112 : index
        %swap3A_240 = tpu.vector_load %arg15[%swap3A_238, %swap3A_239] {strides = array<i32>} : memref<16x128xf32, #tpu.memory_space<vmem>>, vector<1x16xf32>,
        %swap3A_241 = vector.shape_cast %swap3A_240 : vector<1x16xf32> to vector<16xf32>
        %swap3A_242 = vector.shape_cast %broadcast_in_dim3A_13 : vector<16xf32> to vector<1x16xf32>
        tpu.vector_store %arg15[%swap3A_238, %swap3A_239], %swap3A_242 {strides = array<i32>} : memref<16x128xf32, #tpu.memory_space<vmem>>, vector<1x16xf32>,
      }
      %scan3A_18 = arith.constant 16 : i32
      %iota3A = tpu.iota {dimensions = array<i32: 0>} : vector<16xi32>
      %eq3A_19 = arith.constant 0 : i32
      %eq3A_20 = vector.broadcast %eq3A_19 : i32 to vector<16xi32>
      %eq3A_21 = arith.cmpi eq, %iota3A, %eq3A_20 : vector<16xi32>
      %jit3A = arith.constant 1.000000e+00 : f32
      %jit3A_22 = arith.constant 0.000000e+00 : f32
      %broadcast_in_dim3A_23 = vector.broadcast %jit3A : f32 to vector<16xf32>
      %broadcast_in_dim3A_24 = vector.broadcast %jit3A_22 : f32 to vector<16xf32>
      %select_n3A = arith.select %eq3A_21, %broadcast_in_dim3A_23, %broadcast_in_dim3A_24 : vector<16xi1>, vector<16xf32>
      %swap3A = arith.constant 0 : i32
      %swap3A_25 = arith.index_cast %swap3A : i32 to index
      %swap3A_26 = arith.constant 0 : index
      %swap3A_27 = tpu.vector_load %arg15[%swap3A_25, %swap3A_26] {strides = array<i32>} : memref<16x128xf32, #tpu.memory_space<vmem>>, vector<1x16xf32>,
      %swap3A_28 = vector.shape_cast %swap3A_27 : vector<1x16xf32> to vector<16xf32>
      %swap3A_29 = vector.shape_cast %select_n3A : vector<16xf32> to vector<1x16xf32>
      tpu.vector_store %arg15[%swap3A_25, %swap3A_26], %swap3A_29 {strides = array<i32>} : memref<16x128xf32, #tpu.memory_space<vmem>>, vector<1x16xf32>,
      %swap3A_30 = arith.constant 1 : i32
      %swap3A_31 = arith.index_cast %swap3A_30 : i32 to index
      %swap3A_32 = arith.constant 16 : index
      %swap3A_33 = tpu.vector_load %arg15[%swap3A_31, %swap3A_32] {strides = array<i32>} : memref<16x128xf32, #tpu.memory_space<vmem>>, vector<1x16xf32>,
      %swap3A_34 = vector.shape_cast %swap3A_33 : vector<1x16xf32> to vector<16xf32>
      %swap3A_35 = vector.shape_cast %select_n3A : vector<16xf32> to vector<1x16xf32>
      tpu.vector_store %arg15[%swap3A_31, %swap3A_32], %swap3A_35 {strides = array<i32>} : memref<16x128xf32, #tpu.memory_space<vmem>>, vector<1x16xf32>,
      %swap3A_36 = arith.constant 2 : i32
      %swap3A_37 = arith.index_cast %swap3A_36 : i32 to index
      %swap3A_38 = arith.constant 32 : index
      %swap3A_39 = tpu.vector_load %arg15[%swap3A_37, %swap3A_38] {strides = array<i32>} : memref<16x128xf32, #tpu.memory_space<vmem>>, vector<1x16xf32>,
      %swap3A_40 = vector.shape_cast %swap3A_39 : vector<1x16xf32> to vector<16xf32>
      %swap3A_41 = vector.shape_cast %select_n3A : vector<16xf32> to vector<1x16xf32>
      tpu.vector_store %arg15[%swap3A_37, %swap3A_38], %swap3A_41 {strides = array<i32>} : memref<16x128xf32, #tpu.memory_space<vmem>>, vector<1x16xf32>,
      %swap3A_42 = arith.constant 3 : i32
      %swap3A_43 = arith.index_cast %swap3A_42 : i32 to index
      %swap3A_44 = arith.constant 48 : index
      %swap3A_45 = tpu.vector_load %arg15[%swap3A_43, %swap3A_44] {strides = array<i32>} : memref<16x128xf32, #tpu.memory_space<vmem>>, vector<1x16xf32>,
      %swap3A_46 = vector.shape_cast %swap3A_45 : vector<1x16xf32> to vector<16xf32>
      %swap3A_47 = vector.shape_cast %select_n3A : vector<16xf32> to vector<1x16xf32>
      tpu.vector_store %arg15[%swap3A_43, %swap3A_44], %swap3A_47 {strides = array<i32>} : memref<16x128xf32, #tpu.memory_space<vmem>>, vector<1x16xf32>,
      %swap3A_48 = arith.constant 4 : i32
      %swap3A_49 = arith.index_cast %swap3A_48 : i32 to index
      %swap3A_50 = arith.constant 64 : index
      %swap3A_51 = tpu.vector_load %arg15[%swap3A_49, %swap3A_50] {strides = array<i32>} : memref<16x128xf32, #tpu.memory_space<vmem>>, vector<1x16xf32>,
      %swap3A_52 = vector.shape_cast %swap3A_51 : vector<1x16xf32> to vector<16xf32>
      %swap3A_53 = vector.shape_cast %select_n3A : vector<16xf32> to vector<1x16xf32>
      tpu.vector_store %arg15[%swap3A_49, %swap3A_50], %swap3A_53 {strides = array<i32>} : memref<16x128xf32, #tpu.memory_space<vmem>>, vector<1x16xf32>,
      %swap3A_54 = arith.constant 5 : i32
      %swap3A_55 = arith.index_cast %swap3A_54 : i32 to index
      %swap3A_56 = arith.constant 80 : index
      %swap3A_57 = tpu.vector_load %arg15[%swap3A_55, %swap3A_56] {strides = array<i32>} : memref<16x128xf32, #tpu.memory_space<vmem>>, vector<1x16xf32>,
      %swap3A_58 = vector.shape_cast %swap3A_57 : vector<1x16xf32> to vector<16xf32>
      %swap3A_59 = vector.shape_cast %select_n3A : vector<16xf32> to vector<1x16xf32>
      tpu.vector_store %arg15[%swap3A_55, %swap3A_56], %swap3A_59 {strides = array<i32>} : memref<16x128xf32, #tpu.memory_space<vmem>>, vector<1x16xf32>,
      %swap3A_60 = arith.constant 6 : i32
      %swap3A_61 = arith.index_cast %swap3A_60 : i32 to index
      %swap3A_62 = arith.constant 96 : index
      %swap3A_63 = tpu.vector_load %arg15[%swap3A_61, %swap3A_62] {strides = array<i32>} : memref<16x128xf32, #tpu.memory_space<vmem>>, vector<1x16xf32>,
      %swap3A_64 = vector.shape_cast %swap3A_63 : vector<1x16xf32> to vector<16xf32>
      %swap3A_65 = vector.shape_cast %select_n3A : vector<16xf32> to vector<1x16xf32>
      tpu.vector_store %arg15[%swap3A_61, %swap3A_62], %swap3A_65 {strides = array<i32>} : memref<16x128xf32, #tpu.memory_space<vmem>>, vector<1x16xf32>,
      %swap3A_66 = arith.constant 7 : i32
      %swap3A_67 = arith.index_cast %swap3A_66 : i32 to index
      %swap3A_68 = arith.constant 112 : index
      %swap3A_69 = tpu.vector_load %arg15[%swap3A_67, %swap3A_68] {strides = array<i32>} : memref<16x128xf32, #tpu.memory_space<vmem>>, vector<1x16xf32>,
      %swap3A_70 = vector.shape_cast %swap3A_69 : vector<1x16xf32> to vector<16xf32>
      %swap3A_71 = vector.shape_cast %select_n3A : vector<16xf32> to vector<1x16xf32>
      tpu.vector_store %arg15[%swap3A_67, %swap3A_68], %swap3A_71 {strides = array<i32>} : memref<16x128xf32, #tpu.memory_space<vmem>>, vector<1x16xf32>,
      %mul3A = arith.constant 640 : i32
      %mul3A_72 = arith.muli %arg1, %mul3A : i32
      %scan3A_73 = arith.constant 0 : i32
      %scan3A_74 = arith.constant 8 : i32
      %scan3A_75 = arith.addi %scan3A_73, %scan3A_74 : i32
      %scan3A_76 = arith.constant 1 : i32
      scf.for %scan3A_202 = %scan3A_73 to %scan3A_75 step %scan3A_76  : i32 {
        %mul3A_203 = arith.constant 80 : i32
        %mul3A_204 = arith.muli %scan3A_202, %mul3A_203 : i32
        %add3A_205 = arith.addi %mul3A_72, %mul3A_204 : i32
        %iota3A_206 = tpu.iota {dimensions = array<i32: 0>} : vector<16xi32>
        %add3A_207 = arith.constant 0 : i32
        %add3A_208 = arith.addi %add3A_205, %add3A_207 : i32
        %add3A_209 = vector.broadcast %add3A_208 : i32 to vector<16xi32>
        %add3A_210 = arith.addi %iota3A_206, %add3A_209 : vector<16xi32>
        %swap3A_211 = arith.constant 0 : index
        %swap3A_212 = tpu.vector_load %arg18[%swap3A_211] {strides = array<i32>} : memref<80xi32, #tpu.memory_space<vmem>>, vector<16xi32>,
        %swap3A_213 = vector.shape_cast %swap3A_212 : vector<16xi32> to vector<16xi32>
        %swap3A_214 = vector.shape_cast %add3A_210 : vector<16xi32> to vector<16xi32>
        tpu.vector_store %arg18[%swap3A_211], %swap3A_214 {strides = array<i32>} : memref<80xi32, #tpu.memory_space<vmem>>, vector<16xi32>,
        %iota3A_215 = tpu.iota {dimensions = array<i32: 0>} : vector<16xi32>
        %add3A_216 = arith.constant 16 : i32
        %add3A_217 = arith.addi %add3A_205, %add3A_216 : i32
        %add3A_218 = vector.broadcast %add3A_217 : i32 to vector<16xi32>
        %add3A_219 = arith.addi %iota3A_215, %add3A_218 : vector<16xi32>
        %swap3A_220 = arith.constant 16 : index
        %swap3A_221 = tpu.vector_load %arg18[%swap3A_220] {strides = array<i32>} : memref<80xi32, #tpu.memory_space<vmem>>, vector<16xi32>,
        %swap3A_222 = vector.shape_cast %swap3A_221 : vector<16xi32> to vector<16xi32>
        %swap3A_223 = vector.shape_cast %add3A_219 : vector<16xi32> to vector<16xi32>
        tpu.vector_store %arg18[%swap3A_220], %swap3A_223 {strides = array<i32>} : memref<80xi32, #tpu.memory_space<vmem>>, vector<16xi32>,
        %iota3A_224 = tpu.iota {dimensions = array<i32: 0>} : vector<16xi32>
        %add3A_225 = arith.constant 32 : i32
        %add3A_226 = arith.addi %add3A_205, %add3A_225 : i32
        %add3A_227 = vector.broadcast %add3A_226 : i32 to vector<16xi32>
        %add3A_228 = arith.addi %iota3A_224, %add3A_227 : vector<16xi32>
        %swap3A_229 = arith.constant 32 : index
        %swap3A_230 = tpu.vector_load %arg18[%swap3A_229] {strides = array<i32>} : memref<80xi32, #tpu.memory_space<vmem>>, vector<16xi32>,
        %swap3A_231 = vector.shape_cast %swap3A_230 : vector<16xi32> to vector<16xi32>
        %swap3A_232 = vector.shape_cast %add3A_228 : vector<16xi32> to vector<16xi32>
        tpu.vector_store %arg18[%swap3A_229], %swap3A_232 {strides = array<i32>} : memref<80xi32, #tpu.memory_space<vmem>>, vector<16xi32>,
        %iota3A_233 = tpu.iota {dimensions = array<i32: 0>} : vector<16xi32>
        %add3A_234 = arith.constant 48 : i32
        %add3A_235 = arith.addi %add3A_205, %add3A_234 : i32
        %add3A_236 = vector.broadcast %add3A_235 : i32 to vector<16xi32>
        %add3A_237 = arith.addi %iota3A_233, %add3A_236 : vector<16xi32>
        %swap3A_238 = arith.constant 48 : index
        %swap3A_239 = tpu.vector_load %arg18[%swap3A_238] {strides = array<i32>} : memref<80xi32, #tpu.memory_space<vmem>>, vector<16xi32>,
        %swap3A_240 = vector.shape_cast %swap3A_239 : vector<16xi32> to vector<16xi32>
        %swap3A_241 = vector.shape_cast %add3A_237 : vector<16xi32> to vector<16xi32>
        tpu.vector_store %arg18[%swap3A_238], %swap3A_241 {strides = array<i32>} : memref<80xi32, #tpu.memory_space<vmem>>, vector<16xi32>,
        %iota3A_242 = tpu.iota {dimensions = array<i32: 0>} : vector<16xi32>
        %add3A_243 = arith.constant 64 : i32
        %add3A_244 = arith.addi %add3A_205, %add3A_243 : i32
        %add3A_245 = vector.broadcast %add3A_244 : i32 to vector<16xi32>
        %add3A_246 = arith.addi %iota3A_242, %add3A_245 : vector<16xi32>
        %swap3A_247 = arith.constant 64 : index
        %swap3A_248 = tpu.vector_load %arg18[%swap3A_247] {strides = array<i32>} : memref<80xi32, #tpu.memory_space<vmem>>, vector<16xi32>,
        %swap3A_249 = vector.shape_cast %swap3A_248 : vector<16xi32> to vector<16xi32>
        %swap3A_250 = vector.shape_cast %add3A_246 : vector<16xi32> to vector<16xi32>
        tpu.vector_store %arg18[%swap3A_247], %swap3A_250 {strides = array<i32>} : memref<80xi32, #tpu.memory_space<vmem>>, vector<16xi32>,
        "tpu.region"() ({
          %run_scoped3A = tpu.sem_alloc : memref<!tpu.dma_semaphore, #tpu.memory_space<semaphore_mem>>
          %dma_start3A = arith.constant 0 : i32
          %dma_start3A_251 = arith.constant 0 : i32
          %dma_start3A_252 = tpu.memref_slice %arg24[%dma_start3A, %dma_start3A_251] : memref<10240x128xf32, #tpu.memory_space<vmem_shared>> -> memref<10240x128xf32, #tpu.memory_space<vmem_shared>>
          tpu.enqueue_indirect_dma source(%arg12 : memref<80x128xf32, #tpu.memory_space<vmem>>) target(%dma_start3A_252 : memref<10240x128xf32, #tpu.memory_space<vmem_shared>>) offsets(%arg18 : memref<80xi32, #tpu.memory_space<vmem>>) semaphore(%run_scoped3A : memref<!tpu.dma_semaphore, #tpu.memory_space<semaphore_mem>>)
          %dma_wait3A = arith.constant 0 : i32
          %dma_wait3A_253 = arith.constant 0 : i32
          %dma_wait3A_254 = tpu.memref_slice %arg24[%dma_wait3A, %dma_wait3A_253] : memref<10240x128xf32, #tpu.memory_space<vmem_shared>> -> memref<10240x128xf32, #tpu.memory_space<vmem_shared>>
          tpu.wait_indirect_dma semaphore(%run_scoped3A : memref<!tpu.dma_semaphore, #tpu.memory_space<semaphore_mem>>) src(%arg12 : memref<80x128xf32, #tpu.memory_space<vmem>>) dst(%dma_wait3A_254 : memref<10240x128xf32, #tpu.memory_space<vmem_shared>>)
          tpu.yield
        }) : () -> ()
      }
      %scan3A_77 = arith.constant 8 : i32
      %mul3A_78 = arith.constant 80 : i32
      %mul3A_79 = arith.muli %arg1, %mul3A_78 : i32
      %iota3A_80 = tpu.iota {dimensions = array<i32: 0>} : vector<16xi32>
      %add3A = arith.constant 0 : i32
      %add3A_81 = arith.addi %mul3A_79, %add3A : i32
      %add3A_82 = vector.broadcast %add3A_81 : i32 to vector<16xi32>
      %add3A_83 = arith.addi %iota3A_80, %add3A_82 : vector<16xi32>
      %swap3A_84 = arith.constant 0 : index
      %swap3A_85 = tpu.vector_load %arg18[%swap3A_84] {strides = array<i32>} : memref<80xi32, #tpu.memory_space<vmem>>, vector<16xi32>,
      %swap3A_86 = vector.shape_cast %swap3A_85 : vector<16xi32> to vector<16xi32>
      %swap3A_87 = vector.shape_cast %add3A_83 : vector<16xi32> to vector<16xi32>
      tpu.vector_store %arg18[%swap3A_84], %swap3A_87 {strides = array<i32>} : memref<80xi32, #tpu.memory_space<vmem>>, vector<16xi32>,
      %iota3A_88 = tpu.iota {dimensions = array<i32: 0>} : vector<16xi32>
      %add3A_89 = arith.constant 16 : i32
      %add3A_90 = arith.addi %mul3A_79, %add3A_89 : i32
      %add3A_91 = vector.broadcast %add3A_90 : i32 to vector<16xi32>
      %add3A_92 = arith.addi %iota3A_88, %add3A_91 : vector<16xi32>
      %swap3A_93 = arith.constant 16 : index
      %swap3A_94 = tpu.vector_load %arg18[%swap3A_93] {strides = array<i32>} : memref<80xi32, #tpu.memory_space<vmem>>, vector<16xi32>,
      %swap3A_95 = vector.shape_cast %swap3A_94 : vector<16xi32> to vector<16xi32>
      %swap3A_96 = vector.shape_cast %add3A_92 : vector<16xi32> to vector<16xi32>
      tpu.vector_store %arg18[%swap3A_93], %swap3A_96 {strides = array<i32>} : memref<80xi32, #tpu.memory_space<vmem>>, vector<16xi32>,
      %iota3A_97 = tpu.iota {dimensions = array<i32: 0>} : vector<16xi32>
      %add3A_98 = arith.constant 32 : i32
      %add3A_99 = arith.addi %mul3A_79, %add3A_98 : i32
      %add3A_100 = vector.broadcast %add3A_99 : i32 to vector<16xi32>
      %add3A_101 = arith.addi %iota3A_97, %add3A_100 : vector<16xi32>
      %swap3A_102 = arith.constant 32 : index
      %swap3A_103 = tpu.vector_load %arg18[%swap3A_102] {strides = array<i32>} : memref<80xi32, #tpu.memory_space<vmem>>, vector<16xi32>,
      %swap3A_104 = vector.shape_cast %swap3A_103 : vector<16xi32> to vector<16xi32>
      %swap3A_105 = vector.shape_cast %add3A_101 : vector<16xi32> to vector<16xi32>
      tpu.vector_store %arg18[%swap3A_102], %swap3A_105 {strides = array<i32>} : memref<80xi32, #tpu.memory_space<vmem>>, vector<16xi32>,
      %iota3A_106 = tpu.iota {dimensions = array<i32: 0>} : vector<16xi32>
      %add3A_107 = arith.constant 48 : i32
      %add3A_108 = arith.addi %mul3A_79, %add3A_107 : i32
      %add3A_109 = vector.broadcast %add3A_108 : i32 to vector<16xi32>
      %add3A_110 = arith.addi %iota3A_106, %add3A_109 : vector<16xi32>
      %swap3A_111 = arith.constant 48 : index
      %swap3A_112 = tpu.vector_load %arg18[%swap3A_111] {strides = array<i32>} : memref<80xi32, #tpu.memory_space<vmem>>, vector<16xi32>,
      %swap3A_113 = vector.shape_cast %swap3A_112 : vector<16xi32> to vector<16xi32>
      %swap3A_114 = vector.shape_cast %add3A_110 : vector<16xi32> to vector<16xi32>
      tpu.vector_store %arg18[%swap3A_111], %swap3A_114 {strides = array<i32>} : memref<80xi32, #tpu.memory_space<vmem>>, vector<16xi32>,
      %iota3A_115 = tpu.iota {dimensions = array<i32: 0>} : vector<16xi32>
      %add3A_116 = arith.constant 64 : i32
      %add3A_117 = arith.addi %mul3A_79, %add3A_116 : i32
      %add3A_118 = vector.broadcast %add3A_117 : i32 to vector<16xi32>
      %add3A_119 = arith.addi %iota3A_115, %add3A_118 : vector<16xi32>
      %swap3A_120 = arith.constant 64 : index
      %swap3A_121 = tpu.vector_load %arg18[%swap3A_120] {strides = array<i32>} : memref<80xi32, #tpu.memory_space<vmem>>, vector<16xi32>,
      %swap3A_122 = vector.shape_cast %swap3A_121 : vector<16xi32> to vector<16xi32>
      %swap3A_123 = vector.shape_cast %add3A_119 : vector<16xi32> to vector<16xi32>
      tpu.vector_store %arg18[%swap3A_120], %swap3A_123 {strides = array<i32>} : memref<80xi32, #tpu.memory_space<vmem>>, vector<16xi32>,
      "tpu.region"() ({
        %run_scoped3A = tpu.sem_alloc : memref<!tpu.dma_semaphore, #tpu.memory_space<semaphore_mem>>
        %dma_start3A = arith.constant 0 : i32
        %dma_start3A_202 = arith.constant 0 : i32
        %dma_start3A_203 = tpu.memref_slice %arg25[%dma_start3A, %dma_start3A_202] : memref<1280x128xf32, #tpu.memory_space<vmem_shared>> -> memref<1280x128xf32, #tpu.memory_space<vmem_shared>>
        tpu.enqueue_indirect_dma source(%arg12 : memref<80x128xf32, #tpu.memory_space<vmem>>) target(%dma_start3A_203 : memref<1280x128xf32, #tpu.memory_space<vmem_shared>>) offsets(%arg18 : memref<80xi32, #tpu.memory_space<vmem>>) semaphore(%run_scoped3A : memref<!tpu.dma_semaphore, #tpu.memory_space<semaphore_mem>>)
        %dma_wait3A = arith.constant 0 : i32
        %dma_wait3A_204 = arith.constant 0 : i32
        %dma_wait3A_205 = tpu.memref_slice %arg25[%dma_wait3A, %dma_wait3A_204] : memref<1280x128xf32, #tpu.memory_space<vmem_shared>> -> memref<1280x128xf32, #tpu.memory_space<vmem_shared>>
        tpu.wait_indirect_dma semaphore(%run_scoped3A : memref<!tpu.dma_semaphore, #tpu.memory_space<semaphore_mem>>) src(%arg12 : memref<80x128xf32, #tpu.memory_space<vmem>>) dst(%dma_wait3A_205 : memref<1280x128xf32, #tpu.memory_space<vmem_shared>>)
        tpu.yield
      }) : () -> ()
      %iota3A_124 = tpu.iota {dimensions = array<i32: 0>} : vector<16xi32>
      %swap3A_125 = arith.constant 0 : index
      %swap3A_126 = tpu.vector_load %arg22[%swap3A_125] {strides = array<i32>} : memref<16xi32, #tpu.memory_space<vmem>>, vector<16xi32>,
      %swap3A_127 = vector.shape_cast %swap3A_126 : vector<16xi32> to vector<16xi32>
      %swap3A_128 = vector.shape_cast %iota3A_124 : vector<16xi32> to vector<16xi32>
      tpu.vector_store %arg22[%swap3A_125], %swap3A_128 {strides = array<i32>} : memref<16xi32, #tpu.memory_space<vmem>>, vector<16xi32>,
      %eq3A_129 = arith.constant 0 : i32
      %eq3A_130 = arith.cmpi eq, %arg1, %eq3A_129 : i32
      %convert_element_type3A_131 = arith.extui %eq3A_130 : i1 to i32
      %cond3A_132 = arith.constant 0 : i32
      %cond3A_133 = arith.cmpi ne, %convert_element_type3A_131, %cond3A_132 : i32
      scf.if %cond3A_133 {
        "tpu.region"() ({
          %run_scoped3A = tpu.sem_alloc : memref<!tpu.dma_semaphore, #tpu.memory_space<semaphore_mem>>
          %dma_start3A = arith.constant 0 : i32
          %dma_start3A_202 = arith.constant 0 : i32
          %dma_start3A_203 = tpu.memref_slice %arg23[%dma_start3A, %dma_start3A_202] : memref<16x128xf32, #tpu.memory_space<vmem_shared>> -> memref<16x128xf32, #tpu.memory_space<vmem_shared>>
          tpu.enqueue_indirect_dma source(%arg15 : memref<16x128xf32, #tpu.memory_space<vmem>>) target(%dma_start3A_203 : memref<16x128xf32, #tpu.memory_space<vmem_shared>>) offsets(%arg22 : memref<16xi32, #tpu.memory_space<vmem>>) semaphore(%run_scoped3A : memref<!tpu.dma_semaphore, #tpu.memory_space<semaphore_mem>>)
          %dma_wait3A = arith.constant 0 : i32
          %dma_wait3A_204 = arith.constant 0 : i32
          %dma_wait3A_205 = tpu.memref_slice %arg23[%dma_wait3A, %dma_wait3A_204] : memref<16x128xf32, #tpu.memory_space<vmem_shared>> -> memref<16x128xf32, #tpu.memory_space<vmem_shared>>
          tpu.wait_indirect_dma semaphore(%run_scoped3A : memref<!tpu.dma_semaphore, #tpu.memory_space<semaphore_mem>>) src(%arg15 : memref<16x128xf32, #tpu.memory_space<vmem>>) dst(%dma_wait3A_205 : memref<16x128xf32, #tpu.memory_space<vmem_shared>>)
          tpu.yield
        }) : () -> ()
      } else {
      }
      %barrier3A = arith.constant 0 : index
      tpu.barrier barrier_id(%barrier3A)
      %mul3A_134 = arith.constant 20000 : i32
      %mul3A_135 = arith.muli %arg1, %mul3A_134 : i32
      %scan3A_136 = arith.constant 0 : i32
      %scan3A_137 = arith.constant 125 : i32
      %scan3A_138 = arith.addi %scan3A_136, %scan3A_137 : i32
      %scan3A_139 = arith.constant 1 : i32
      scf.for %scan3A_202 = %scan3A_136 to %scan3A_138 step %scan3A_139  : i32 {
        %mul3A_203 = arith.constant 2 : i32
        %mul3A_204 = arith.muli %mul3A_203, %scan3A_202 : i32
        %mul3A_205 = arith.constant 80 : i32
        %mul3A_206 = arith.muli %mul3A_204, %mul3A_205 : i32
        %add3A_207 = arith.addi %mul3A_135, %mul3A_206 : i32
        "tpu.region"() ({
          %run_scoped3A = tpu.sem_alloc : memref<!tpu.dma_semaphore, #tpu.memory_space<semaphore_mem>>
          %dma_start3A_389 = tpu.memref_slice %arg4[%add3A_207] : memref<320000xi32, #tpu.memory_space<hbm>> -> memref<80xi32, #tpu.memory_space<hbm>>
          %dma_start3A_390 = tpu.memref_slice %arg4[%add3A_207] : memref<320000xi32, #tpu.memory_space<hbm>> -> memref<80xi32, #tpu.memory_space<hbm>>
          tpu.enqueue_dma source(%dma_start3A_390 : memref<80xi32, #tpu.memory_space<hbm>>) target(%arg16 : memref<80xi32, #tpu.memory_space<vmem>>) target_semaphore(%run_scoped3A : memref<!tpu.dma_semaphore, #tpu.memory_space<semaphore_mem>>)
          %dma_wait3A_391 = tpu.memref_slice %arg4[%add3A_207] : memref<320000xi32, #tpu.memory_space<hbm>> -> memref<80xi32, #tpu.memory_space<hbm>>
          %dma_wait3A_392 = tpu.memref_slice %arg4[%add3A_207] : memref<320000xi32, #tpu.memory_space<hbm>> -> memref<80xi32, #tpu.memory_space<hbm>>
          tpu.wait_dma2 semaphore(%run_scoped3A : memref<!tpu.dma_semaphore, #tpu.memory_space<semaphore_mem>>) src(%dma_wait3A_392 : memref<80xi32, #tpu.memory_space<hbm>>) dst(%arg16 : memref<80xi32, #tpu.memory_space<vmem>>)
          tpu.yield
        }) : () -> ()
        "tpu.region"() ({
          %run_scoped3A = tpu.sem_alloc : memref<!tpu.dma_semaphore, #tpu.memory_space<semaphore_mem>>
          %dma_start3A_389 = tpu.memref_slice %arg5[%add3A_207] : memref<320000xi32, #tpu.memory_space<hbm>> -> memref<80xi32, #tpu.memory_space<hbm>>
          %dma_start3A_390 = tpu.memref_slice %arg5[%add3A_207] : memref<320000xi32, #tpu.memory_space<hbm>> -> memref<80xi32, #tpu.memory_space<hbm>>
          tpu.enqueue_dma source(%dma_start3A_390 : memref<80xi32, #tpu.memory_space<hbm>>) target(%arg18 : memref<80xi32, #tpu.memory_space<vmem>>) target_semaphore(%run_scoped3A : memref<!tpu.dma_semaphore, #tpu.memory_space<semaphore_mem>>)
          %dma_wait3A_391 = tpu.memref_slice %arg5[%add3A_207] : memref<320000xi32, #tpu.memory_space<hbm>> -> memref<80xi32, #tpu.memory_space<hbm>>
          %dma_wait3A_392 = tpu.memref_slice %arg5[%add3A_207] : memref<320000xi32, #tpu.memory_space<hbm>> -> memref<80xi32, #tpu.memory_space<hbm>>
          tpu.wait_dma2 semaphore(%run_scoped3A : memref<!tpu.dma_semaphore, #tpu.memory_space<semaphore_mem>>) src(%dma_wait3A_392 : memref<80xi32, #tpu.memory_space<hbm>>) dst(%arg18 : memref<80xi32, #tpu.memory_space<vmem>>)
          tpu.yield
        }) : () -> ()
        %dma_start3A = arith.constant 0 : i32
        %dma_start3A_208 = arith.constant 0 : i32
        %dma_start3A_209 = tpu.memref_slice %arg3[%dma_start3A, %dma_start3A_208] : memref<10000x128xf32, #tpu.memory_space<hbm>> -> memref<10000x128xf32, #tpu.memory_space<hbm>>
        tpu.enqueue_indirect_dma source(%dma_start3A_209 : memref<10000x128xf32, #tpu.memory_space<hbm>>) target(%arg12 : memref<80x128xf32, #tpu.memory_space<vmem>>) offsets(%arg16 : memref<80xi32, #tpu.memory_space<vmem>>) semaphore(%arg26 : memref<!tpu.dma_semaphore, #tpu.memory_space<semaphore_mem>>)
        %add3A_210 = arith.constant 80 : i32
        %add3A_211 = arith.addi %add3A_207, %add3A_210 : i32
        "tpu.region"() ({
          %run_scoped3A = tpu.sem_alloc : memref<!tpu.dma_semaphore, #tpu.memory_space<semaphore_mem>>
          %dma_start3A_389 = tpu.memref_slice %arg4[%add3A_211] : memref<320000xi32, #tpu.memory_space<hbm>> -> memref<80xi32, #tpu.memory_space<hbm>>
          %dma_start3A_390 = tpu.memref_slice %arg4[%add3A_211] : memref<320000xi32, #tpu.memory_space<hbm>> -> memref<80xi32, #tpu.memory_space<hbm>>
          tpu.enqueue_dma source(%dma_start3A_390 : memref<80xi32, #tpu.memory_space<hbm>>) target(%arg17 : memref<80xi32, #tpu.memory_space<vmem>>) target_semaphore(%run_scoped3A : memref<!tpu.dma_semaphore, #tpu.memory_space<semaphore_mem>>)
          %dma_wait3A_391 = tpu.memref_slice %arg4[%add3A_211] : memref<320000xi32, #tpu.memory_space<hbm>> -> memref<80xi32, #tpu.memory_space<hbm>>
          %dma_wait3A_392 = tpu.memref_slice %arg4[%add3A_211] : memref<320000xi32, #tpu.memory_space<hbm>> -> memref<80xi32, #tpu.memory_space<hbm>>
          tpu.wait_dma2 semaphore(%run_scoped3A : memref<!tpu.dma_semaphore, #tpu.memory_space<semaphore_mem>>) src(%dma_wait3A_392 : memref<80xi32, #tpu.memory_space<hbm>>) dst(%arg17 : memref<80xi32, #tpu.memory_space<vmem>>)
          tpu.yield
        }) : () -> ()
        %add3A_212 = arith.constant 80 : i32
        %add3A_213 = arith.addi %add3A_207, %add3A_212 : i32
        "tpu.region"() ({
          %run_scoped3A = tpu.sem_alloc : memref<!tpu.dma_semaphore, #tpu.memory_space<semaphore_mem>>
          %dma_start3A_389 = tpu.memref_slice %arg5[%add3A_213] : memref<320000xi32, #tpu.memory_space<hbm>> -> memref<80xi32, #tpu.memory_space<hbm>>
          %dma_start3A_390 = tpu.memref_slice %arg5[%add3A_213] : memref<320000xi32, #tpu.memory_space<hbm>> -> memref<80xi32, #tpu.memory_space<hbm>>
          tpu.enqueue_dma source(%dma_start3A_390 : memref<80xi32, #tpu.memory_space<hbm>>) target(%arg19 : memref<80xi32, #tpu.memory_space<vmem>>) target_semaphore(%run_scoped3A : memref<!tpu.dma_semaphore, #tpu.memory_space<semaphore_mem>>)
          %dma_wait3A_391 = tpu.memref_slice %arg5[%add3A_213] : memref<320000xi32, #tpu.memory_space<hbm>> -> memref<80xi32, #tpu.memory_space<hbm>>
          %dma_wait3A_392 = tpu.memref_slice %arg5[%add3A_213] : memref<320000xi32, #tpu.memory_space<hbm>> -> memref<80xi32, #tpu.memory_space<hbm>>
          tpu.wait_dma2 semaphore(%run_scoped3A : memref<!tpu.dma_semaphore, #tpu.memory_space<semaphore_mem>>) src(%dma_wait3A_392 : memref<80xi32, #tpu.memory_space<hbm>>) dst(%arg19 : memref<80xi32, #tpu.memory_space<vmem>>)
          tpu.yield
        }) : () -> ()
        %dma_start3A_214 = arith.constant 0 : i32
        %dma_start3A_215 = arith.constant 0 : i32
        %dma_start3A_216 = tpu.memref_slice %arg3[%dma_start3A_214, %dma_start3A_215] : memref<10000x128xf32, #tpu.memory_space<hbm>> -> memref<10000x128xf32, #tpu.memory_space<hbm>>
        tpu.enqueue_indirect_dma source(%dma_start3A_216 : memref<10000x128xf32, #tpu.memory_space<hbm>>) target(%arg13 : memref<80x128xf32, #tpu.memory_space<vmem>>) offsets(%arg17 : memref<80xi32, #tpu.memory_space<vmem>>) semaphore(%arg27 : memref<!tpu.dma_semaphore, #tpu.memory_space<semaphore_mem>>)
        %get3A = arith.constant 0 : index
        %get3A_217 = tpu.vector_load %arg18[%get3A] {strides = array<i32>} : memref<80xi32, #tpu.memory_space<vmem>>, vector<16xi32>,
        %get3A_218 = vector.shape_cast %get3A_217 : vector<16xi32> to vector<16xi32>
        %and3A = arith.constant 7 : i32
        %and3A_219 = vector.broadcast %and3A : i32 to vector<16xi32>
        %and3A_220 = arith.andi %get3A_218, %and3A_219 : vector<16xi32>
        %swap3A_221 = arith.constant 0 : index
        %swap3A_222 = tpu.vector_load %arg20[%swap3A_221] {strides = array<i32>} : memref<80xi32, #tpu.memory_space<vmem>>, vector<16xi32>,
        %swap3A_223 = vector.shape_cast %swap3A_222 : vector<16xi32> to vector<16xi32>
        %swap3A_224 = vector.shape_cast %and3A_220 : vector<16xi32> to vector<16xi32>
        tpu.vector_store %arg20[%swap3A_221], %swap3A_224 {strides = array<i32>} : memref<80xi32, #tpu.memory_space<vmem>>, vector<16xi32>,
        %shift_right_logical3A = arith.constant 3 : i32
        %shift_right_logical3A_225 = vector.broadcast %shift_right_logical3A : i32 to vector<16xi32>
        %shift_right_logical3A_226 = arith.shrui %get3A_218, %shift_right_logical3A_225 : vector<16xi32>
        %swap3A_227 = arith.constant 0 : index
        %swap3A_228 = tpu.vector_load %arg21[%swap3A_227] {strides = array<i32>} : memref<80xi32, #tpu.memory_space<vmem>>, vector<16xi32>,
        %swap3A_229 = vector.shape_cast %swap3A_228 : vector<16xi32> to vector<16xi32>
        %swap3A_230 = vector.shape_cast %shift_right_logical3A_226 : vector<16xi32> to vector<16xi32>
        tpu.vector_store %arg21[%swap3A_227], %swap3A_230 {strides = array<i32>} : memref<80xi32, #tpu.memory_space<vmem>>, vector<16xi32>,
        %get3A_231 = arith.constant 16 : index
        %get3A_232 = tpu.vector_load %arg18[%get3A_231] {strides = array<i32>} : memref<80xi32, #tpu.memory_space<vmem>>, vector<16xi32>,
        %get3A_233 = vector.shape_cast %get3A_232 : vector<16xi32> to vector<16xi32>
        %and3A_234 = arith.constant 7 : i32
        %and3A_235 = vector.broadcast %and3A_234 : i32 to vector<16xi32>
        %and3A_236 = arith.andi %get3A_233, %and3A_235 : vector<16xi32>
        %swap3A_237 = arith.constant 16 : index
        %swap3A_238 = tpu.vector_load %arg20[%swap3A_237] {strides = array<i32>} : memref<80xi32, #tpu.memory_space<vmem>>, vector<16xi32>,
        %swap3A_239 = vector.shape_cast %swap3A_238 : vector<16xi32> to vector<16xi32>
        %swap3A_240 = vector.shape_cast %and3A_236 : vector<16xi32> to vector<16xi32>
        tpu.vector_store %arg20[%swap3A_237], %swap3A_240 {strides = array<i32>} : memref<80xi32, #tpu.memory_space<vmem>>, vector<16xi32>,
        %shift_right_logical3A_241 = arith.constant 3 : i32
        %shift_right_logical3A_242 = vector.broadcast %shift_right_logical3A_241 : i32 to vector<16xi32>
        %shift_right_logical3A_243 = arith.shrui %get3A_233, %shift_right_logical3A_242 : vector<16xi32>
        %swap3A_244 = arith.constant 16 : index
        %swap3A_245 = tpu.vector_load %arg21[%swap3A_244] {strides = array<i32>} : memref<80xi32, #tpu.memory_space<vmem>>, vector<16xi32>,
        %swap3A_246 = vector.shape_cast %swap3A_245 : vector<16xi32> to vector<16xi32>
        %swap3A_247 = vector.shape_cast %shift_right_logical3A_243 : vector<16xi32> to vector<16xi32>
        tpu.vector_store %arg21[%swap3A_244], %swap3A_247 {strides = array<i32>} : memref<80xi32, #tpu.memory_space<vmem>>, vector<16xi32>,
        %get3A_248 = arith.constant 32 : index
        %get3A_249 = tpu.vector_load %arg18[%get3A_248] {strides = array<i32>} : memref<80xi32, #tpu.memory_space<vmem>>, vector<16xi32>,
        %get3A_250 = vector.shape_cast %get3A_249 : vector<16xi32> to vector<16xi32>
        %and3A_251 = arith.constant 7 : i32
        %and3A_252 = vector.broadcast %and3A_251 : i32 to vector<16xi32>
        %and3A_253 = arith.andi %get3A_250, %and3A_252 : vector<16xi32>
        %swap3A_254 = arith.constant 32 : index
        %swap3A_255 = tpu.vector_load %arg20[%swap3A_254] {strides = array<i32>} : memref<80xi32, #tpu.memory_space<vmem>>, vector<16xi32>,
        %swap3A_256 = vector.shape_cast %swap3A_255 : vector<16xi32> to vector<16xi32>
        %swap3A_257 = vector.shape_cast %and3A_253 : vector<16xi32> to vector<16xi32>
        tpu.vector_store %arg20[%swap3A_254], %swap3A_257 {strides = array<i32>} : memref<80xi32, #tpu.memory_space<vmem>>, vector<16xi32>,
        %shift_right_logical3A_258 = arith.constant 3 : i32
        %shift_right_logical3A_259 = vector.broadcast %shift_right_logical3A_258 : i32 to vector<16xi32>
        %shift_right_logical3A_260 = arith.shrui %get3A_250, %shift_right_logical3A_259 : vector<16xi32>
        %swap3A_261 = arith.constant 32 : index
        %swap3A_262 = tpu.vector_load %arg21[%swap3A_261] {strides = array<i32>} : memref<80xi32, #tpu.memory_space<vmem>>, vector<16xi32>,
        %swap3A_263 = vector.shape_cast %swap3A_262 : vector<16xi32> to vector<16xi32>
        %swap3A_264 = vector.shape_cast %shift_right_logical3A_260 : vector<16xi32> to vector<16xi32>
        tpu.vector_store %arg21[%swap3A_261], %swap3A_264 {strides = array<i32>} : memref<80xi32, #tpu.memory_space<vmem>>, vector<16xi32>,
        %get3A_265 = arith.constant 48 : index
        %get3A_266 = tpu.vector_load %arg18[%get3A_265] {strides = array<i32>} : memref<80xi32, #tpu.memory_space<vmem>>, vector<16xi32>,
        %get3A_267 = vector.shape_cast %get3A_266 : vector<16xi32> to vector<16xi32>
        %and3A_268 = arith.constant 7 : i32
        %and3A_269 = vector.broadcast %and3A_268 : i32 to vector<16xi32>
        %and3A_270 = arith.andi %get3A_267, %and3A_269 : vector<16xi32>
        %swap3A_271 = arith.constant 48 : index
        %swap3A_272 = tpu.vector_load %arg20[%swap3A_271] {strides = array<i32>} : memref<80xi32, #tpu.memory_space<vmem>>, vector<16xi32>,
        %swap3A_273 = vector.shape_cast %swap3A_272 : vector<16xi32> to vector<16xi32>
        %swap3A_274 = vector.shape_cast %and3A_270 : vector<16xi32> to vector<16xi32>
        tpu.vector_store %arg20[%swap3A_271], %swap3A_274 {strides = array<i32>} : memref<80xi32, #tpu.memory_space<vmem>>, vector<16xi32>,
        %shift_right_logical3A_275 = arith.constant 3 : i32
        %shift_right_logical3A_276 = vector.broadcast %shift_right_logical3A_275 : i32 to vector<16xi32>
        %shift_right_logical3A_277 = arith.shrui %get3A_267, %shift_right_logical3A_276 : vector<16xi32>
        %swap3A_278 = arith.constant 48 : index
        %swap3A_279 = tpu.vector_load %arg21[%swap3A_278] {strides = array<i32>} : memref<80xi32, #tpu.memory_space<vmem>>, vector<16xi32>,
        %swap3A_280 = vector.shape_cast %swap3A_279 : vector<16xi32> to vector<16xi32>
        %swap3A_281 = vector.shape_cast %shift_right_logical3A_277 : vector<16xi32> to vector<16xi32>
        tpu.vector_store %arg21[%swap3A_278], %swap3A_281 {strides = array<i32>} : memref<80xi32, #tpu.memory_space<vmem>>, vector<16xi32>,
        %get3A_282 = arith.constant 64 : index
        %get3A_283 = tpu.vector_load %arg18[%get3A_282] {strides = array<i32>} : memref<80xi32, #tpu.memory_space<vmem>>, vector<16xi32>,
        %get3A_284 = vector.shape_cast %get3A_283 : vector<16xi32> to vector<16xi32>
        %and3A_285 = arith.constant 7 : i32
        %and3A_286 = vector.broadcast %and3A_285 : i32 to vector<16xi32>
        %and3A_287 = arith.andi %get3A_284, %and3A_286 : vector<16xi32>
        %swap3A_288 = arith.constant 64 : index
        %swap3A_289 = tpu.vector_load %arg20[%swap3A_288] {strides = array<i32>} : memref<80xi32, #tpu.memory_space<vmem>>, vector<16xi32>,
        %swap3A_290 = vector.shape_cast %swap3A_289 : vector<16xi32> to vector<16xi32>
        %swap3A_291 = vector.shape_cast %and3A_287 : vector<16xi32> to vector<16xi32>
        tpu.vector_store %arg20[%swap3A_288], %swap3A_291 {strides = array<i32>} : memref<80xi32, #tpu.memory_space<vmem>>, vector<16xi32>,
        %shift_right_logical3A_292 = arith.constant 3 : i32
        %shift_right_logical3A_293 = vector.broadcast %shift_right_logical3A_292 : i32 to vector<16xi32>
        %shift_right_logical3A_294 = arith.shrui %get3A_284, %shift_right_logical3A_293 : vector<16xi32>
        %swap3A_295 = arith.constant 64 : index
        %swap3A_296 = tpu.vector_load %arg21[%swap3A_295] {strides = array<i32>} : memref<80xi32, #tpu.memory_space<vmem>>, vector<16xi32>,
        %swap3A_297 = vector.shape_cast %swap3A_296 : vector<16xi32> to vector<16xi32>
        %swap3A_298 = vector.shape_cast %shift_right_logical3A_294 : vector<16xi32> to vector<16xi32>
        tpu.vector_store %arg21[%swap3A_295], %swap3A_298 {strides = array<i32>} : memref<80xi32, #tpu.memory_space<vmem>>, vector<16xi32>,
        "tpu.region"() ({
          %run_scoped3A = tpu.sem_alloc : memref<!tpu.dma_semaphore, #tpu.memory_space<semaphore_mem>>
          %dma_start3A_389 = arith.constant 0 : i32
          %dma_start3A_390 = arith.constant 0 : i32
          %dma_start3A_391 = tpu.memref_slice %arg23[%dma_start3A_389, %dma_start3A_390] : memref<16x128xf32, #tpu.memory_space<vmem_shared>> -> memref<16x128xf32, #tpu.memory_space<vmem_shared>>
          tpu.enqueue_indirect_dma source(%dma_start3A_391 : memref<16x128xf32, #tpu.memory_space<vmem_shared>>) target(%arg14 : memref<80x128xf32, #tpu.memory_space<vmem>>) offsets(%arg20 : memref<80xi32, #tpu.memory_space<vmem>>) semaphore(%run_scoped3A : memref<!tpu.dma_semaphore, #tpu.memory_space<semaphore_mem>>)
          %dma_wait3A_392 = arith.constant 0 : i32
          %dma_wait3A_393 = arith.constant 0 : i32
          %dma_wait3A_394 = tpu.memref_slice %arg23[%dma_wait3A_392, %dma_wait3A_393] : memref<16x128xf32, #tpu.memory_space<vmem_shared>> -> memref<16x128xf32, #tpu.memory_space<vmem_shared>>
          tpu.wait_indirect_dma semaphore(%run_scoped3A : memref<!tpu.dma_semaphore, #tpu.memory_space<semaphore_mem>>) src(%dma_wait3A_394 : memref<16x128xf32, #tpu.memory_space<vmem_shared>>) dst(%arg14 : memref<80x128xf32, #tpu.memory_space<vmem>>)
          tpu.yield
        }) : () -> ()
        %dma_wait3A = arith.constant 0 : i32
        %dma_wait3A_299 = arith.constant 0 : i32
        %dma_wait3A_300 = tpu.memref_slice %arg3[%dma_wait3A, %dma_wait3A_299] : memref<10000x128xf32, #tpu.memory_space<hbm>> -> memref<10000x128xf32, #tpu.memory_space<hbm>>
        tpu.wait_indirect_dma semaphore(%arg26 : memref<!tpu.dma_semaphore, #tpu.memory_space<semaphore_mem>>) src(%dma_wait3A_300 : memref<10000x128xf32, #tpu.memory_space<hbm>>) dst(%arg12 : memref<80x128xf32, #tpu.memory_space<vmem>>)
        "tpu.region"() ({
          %run_scoped3A = tpu.sem_alloc : memref<!tpu.dma_semaphore, #tpu.memory_space<semaphore_mem>>
          %dma_start3A_389 = arith.constant 0 : i32
          %dma_start3A_390 = arith.constant 0 : i32
          %dma_start3A_391 = tpu.memref_slice %arg24[%dma_start3A_389, %dma_start3A_390] : memref<10240x128xf32, #tpu.memory_space<vmem_shared>> -> memref<10240x128xf32, #tpu.memory_space<vmem_shared>>
          tpu.enqueue_indirect_dma source(%arg12 : memref<80x128xf32, #tpu.memory_space<vmem>>) target(%dma_start3A_391 : memref<10240x128xf32, #tpu.memory_space<vmem_shared>>) offsets(%arg18 : memref<80xi32, #tpu.memory_space<vmem>>) semaphore(%run_scoped3A : memref<!tpu.dma_semaphore, #tpu.memory_space<semaphore_mem>>) {add = true}
          %dma_wait3A_392 = arith.constant 0 : i32
          %dma_wait3A_393 = arith.constant 0 : i32
          %dma_wait3A_394 = tpu.memref_slice %arg24[%dma_wait3A_392, %dma_wait3A_393] : memref<10240x128xf32, #tpu.memory_space<vmem_shared>> -> memref<10240x128xf32, #tpu.memory_space<vmem_shared>>
          tpu.wait_indirect_dma semaphore(%run_scoped3A : memref<!tpu.dma_semaphore, #tpu.memory_space<semaphore_mem>>) src(%arg12 : memref<80x128xf32, #tpu.memory_space<vmem>>) dst(%dma_wait3A_394 : memref<10240x128xf32, #tpu.memory_space<vmem_shared>>)
          tpu.yield
        }) : () -> ()
        "tpu.region"() ({
          %run_scoped3A = tpu.sem_alloc : memref<!tpu.dma_semaphore, #tpu.memory_space<semaphore_mem>>
          %dma_start3A_389 = arith.constant 0 : i32
          %dma_start3A_390 = arith.constant 0 : i32
          %dma_start3A_391 = tpu.memref_slice %arg25[%dma_start3A_389, %dma_start3A_390] : memref<1280x128xf32, #tpu.memory_space<vmem_shared>> -> memref<1280x128xf32, #tpu.memory_space<vmem_shared>>
          tpu.enqueue_indirect_dma source(%arg14 : memref<80x128xf32, #tpu.memory_space<vmem>>) target(%dma_start3A_391 : memref<1280x128xf32, #tpu.memory_space<vmem_shared>>) offsets(%arg21 : memref<80xi32, #tpu.memory_space<vmem>>) semaphore(%run_scoped3A : memref<!tpu.dma_semaphore, #tpu.memory_space<semaphore_mem>>) {add = true}
          %dma_wait3A_392 = arith.constant 0 : i32
          %dma_wait3A_393 = arith.constant 0 : i32
          %dma_wait3A_394 = tpu.memref_slice %arg25[%dma_wait3A_392, %dma_wait3A_393] : memref<1280x128xf32, #tpu.memory_space<vmem_shared>> -> memref<1280x128xf32, #tpu.memory_space<vmem_shared>>
          tpu.wait_indirect_dma semaphore(%run_scoped3A : memref<!tpu.dma_semaphore, #tpu.memory_space<semaphore_mem>>) src(%arg14 : memref<80x128xf32, #tpu.memory_space<vmem>>) dst(%dma_wait3A_394 : memref<1280x128xf32, #tpu.memory_space<vmem_shared>>)
          tpu.yield
        }) : () -> ()
        %get3A_301 = arith.constant 0 : index
        %get3A_302 = tpu.vector_load %arg19[%get3A_301] {strides = array<i32>} : memref<80xi32, #tpu.memory_space<vmem>>, vector<16xi32>,
        %get3A_303 = vector.shape_cast %get3A_302 : vector<16xi32> to vector<16xi32>
        %and3A_304 = arith.constant 7 : i32
        %and3A_305 = vector.broadcast %and3A_304 : i32 to vector<16xi32>
        %and3A_306 = arith.andi %get3A_303, %and3A_305 : vector<16xi32>
        %swap3A_307 = arith.constant 0 : index
        %swap3A_308 = tpu.vector_load %arg20[%swap3A_307] {strides = array<i32>} : memref<80xi32, #tpu.memory_space<vmem>>, vector<16xi32>,
        %swap3A_309 = vector.shape_cast %swap3A_308 : vector<16xi32> to vector<16xi32>
        %swap3A_310 = vector.shape_cast %and3A_306 : vector<16xi32> to vector<16xi32>
        tpu.vector_store %arg20[%swap3A_307], %swap3A_310 {strides = array<i32>} : memref<80xi32, #tpu.memory_space<vmem>>, vector<16xi32>,
        %shift_right_logical3A_311 = arith.constant 3 : i32
        %shift_right_logical3A_312 = vector.broadcast %shift_right_logical3A_311 : i32 to vector<16xi32>
        %shift_right_logical3A_313 = arith.shrui %get3A_303, %shift_right_logical3A_312 : vector<16xi32>
        %swap3A_314 = arith.constant 0 : index
        %swap3A_315 = tpu.vector_load %arg21[%swap3A_314] {strides = array<i32>} : memref<80xi32, #tpu.memory_space<vmem>>, vector<16xi32>,
        %swap3A_316 = vector.shape_cast %swap3A_315 : vector<16xi32> to vector<16xi32>
        %swap3A_317 = vector.shape_cast %shift_right_logical3A_313 : vector<16xi32> to vector<16xi32>
        tpu.vector_store %arg21[%swap3A_314], %swap3A_317 {strides = array<i32>} : memref<80xi32, #tpu.memory_space<vmem>>, vector<16xi32>,
        %get3A_318 = arith.constant 16 : index
        %get3A_319 = tpu.vector_load %arg19[%get3A_318] {strides = array<i32>} : memref<80xi32, #tpu.memory_space<vmem>>, vector<16xi32>,
        %get3A_320 = vector.shape_cast %get3A_319 : vector<16xi32> to vector<16xi32>
        %and3A_321 = arith.constant 7 : i32
        %and3A_322 = vector.broadcast %and3A_321 : i32 to vector<16xi32>
        %and3A_323 = arith.andi %get3A_320, %and3A_322 : vector<16xi32>
        %swap3A_324 = arith.constant 16 : index
        %swap3A_325 = tpu.vector_load %arg20[%swap3A_324] {strides = array<i32>} : memref<80xi32, #tpu.memory_space<vmem>>, vector<16xi32>,
        %swap3A_326 = vector.shape_cast %swap3A_325 : vector<16xi32> to vector<16xi32>
        %swap3A_327 = vector.shape_cast %and3A_323 : vector<16xi32> to vector<16xi32>
        tpu.vector_store %arg20[%swap3A_324], %swap3A_327 {strides = array<i32>} : memref<80xi32, #tpu.memory_space<vmem>>, vector<16xi32>,
        %shift_right_logical3A_328 = arith.constant 3 : i32
        %shift_right_logical3A_329 = vector.broadcast %shift_right_logical3A_328 : i32 to vector<16xi32>
        %shift_right_logical3A_330 = arith.shrui %get3A_320, %shift_right_logical3A_329 : vector<16xi32>
        %swap3A_331 = arith.constant 16 : index
        %swap3A_332 = tpu.vector_load %arg21[%swap3A_331] {strides = array<i32>} : memref<80xi32, #tpu.memory_space<vmem>>, vector<16xi32>,
        %swap3A_333 = vector.shape_cast %swap3A_332 : vector<16xi32> to vector<16xi32>
        %swap3A_334 = vector.shape_cast %shift_right_logical3A_330 : vector<16xi32> to vector<16xi32>
        tpu.vector_store %arg21[%swap3A_331], %swap3A_334 {strides = array<i32>} : memref<80xi32, #tpu.memory_space<vmem>>, vector<16xi32>,
        %get3A_335 = arith.constant 32 : index
        %get3A_336 = tpu.vector_load %arg19[%get3A_335] {strides = array<i32>} : memref<80xi32, #tpu.memory_space<vmem>>, vector<16xi32>,
        %get3A_337 = vector.shape_cast %get3A_336 : vector<16xi32> to vector<16xi32>
        %and3A_338 = arith.constant 7 : i32
        %and3A_339 = vector.broadcast %and3A_338 : i32 to vector<16xi32>
        %and3A_340 = arith.andi %get3A_337, %and3A_339 : vector<16xi32>
        %swap3A_341 = arith.constant 32 : index
        %swap3A_342 = tpu.vector_load %arg20[%swap3A_341] {strides = array<i32>} : memref<80xi32, #tpu.memory_space<vmem>>, vector<16xi32>,
        %swap3A_343 = vector.shape_cast %swap3A_342 : vector<16xi32> to vector<16xi32>
        %swap3A_344 = vector.shape_cast %and3A_340 : vector<16xi32> to vector<16xi32>
        tpu.vector_store %arg20[%swap3A_341], %swap3A_344 {strides = array<i32>} : memref<80xi32, #tpu.memory_space<vmem>>, vector<16xi32>,
        %shift_right_logical3A_345 = arith.constant 3 : i32
        %shift_right_logical3A_346 = vector.broadcast %shift_right_logical3A_345 : i32 to vector<16xi32>
        %shift_right_logical3A_347 = arith.shrui %get3A_337, %shift_right_logical3A_346 : vector<16xi32>
        %swap3A_348 = arith.constant 32 : index
        %swap3A_349 = tpu.vector_load %arg21[%swap3A_348] {strides = array<i32>} : memref<80xi32, #tpu.memory_space<vmem>>, vector<16xi32>,
        %swap3A_350 = vector.shape_cast %swap3A_349 : vector<16xi32> to vector<16xi32>
        %swap3A_351 = vector.shape_cast %shift_right_logical3A_347 : vector<16xi32> to vector<16xi32>
        tpu.vector_store %arg21[%swap3A_348], %swap3A_351 {strides = array<i32>} : memref<80xi32, #tpu.memory_space<vmem>>, vector<16xi32>,
        %get3A_352 = arith.constant 48 : index
        %get3A_353 = tpu.vector_load %arg19[%get3A_352] {strides = array<i32>} : memref<80xi32, #tpu.memory_space<vmem>>, vector<16xi32>,
        %get3A_354 = vector.shape_cast %get3A_353 : vector<16xi32> to vector<16xi32>
        %and3A_355 = arith.constant 7 : i32
        %and3A_356 = vector.broadcast %and3A_355 : i32 to vector<16xi32>
        %and3A_357 = arith.andi %get3A_354, %and3A_356 : vector<16xi32>
        %swap3A_358 = arith.constant 48 : index
        %swap3A_359 = tpu.vector_load %arg20[%swap3A_358] {strides = array<i32>} : memref<80xi32, #tpu.memory_space<vmem>>, vector<16xi32>,
        %swap3A_360 = vector.shape_cast %swap3A_359 : vector<16xi32> to vector<16xi32>
        %swap3A_361 = vector.shape_cast %and3A_357 : vector<16xi32> to vector<16xi32>
        tpu.vector_store %arg20[%swap3A_358], %swap3A_361 {strides = array<i32>} : memref<80xi32, #tpu.memory_space<vmem>>, vector<16xi32>,
        %shift_right_logical3A_362 = arith.constant 3 : i32
        %shift_right_logical3A_363 = vector.broadcast %shift_right_logical3A_362 : i32 to vector<16xi32>
        %shift_right_logical3A_364 = arith.shrui %get3A_354, %shift_right_logical3A_363 : vector<16xi32>
        %swap3A_365 = arith.constant 48 : index
        %swap3A_366 = tpu.vector_load %arg21[%swap3A_365] {strides = array<i32>} : memref<80xi32, #tpu.memory_space<vmem>>, vector<16xi32>,
        %swap3A_367 = vector.shape_cast %swap3A_366 : vector<16xi32> to vector<16xi32>
        %swap3A_368 = vector.shape_cast %shift_right_logical3A_364 : vector<16xi32> to vector<16xi32>
        tpu.vector_store %arg21[%swap3A_365], %swap3A_368 {strides = array<i32>} : memref<80xi32, #tpu.memory_space<vmem>>, vector<16xi32>,
        %get3A_369 = arith.constant 64 : index
        %get3A_370 = tpu.vector_load %arg19[%get3A_369] {strides = array<i32>} : memref<80xi32, #tpu.memory_space<vmem>>, vector<16xi32>,
        %get3A_371 = vector.shape_cast %get3A_370 : vector<16xi32> to vector<16xi32>
        %and3A_372 = arith.constant 7 : i32
        %and3A_373 = vector.broadcast %and3A_372 : i32 to vector<16xi32>
        %and3A_374 = arith.andi %get3A_371, %and3A_373 : vector<16xi32>
        %swap3A_375 = arith.constant 64 : index
        %swap3A_376 = tpu.vector_load %arg20[%swap3A_375] {strides = array<i32>} : memref<80xi32, #tpu.memory_space<vmem>>, vector<16xi32>,
        %swap3A_377 = vector.shape_cast %swap3A_376 : vector<16xi32> to vector<16xi32>
        %swap3A_378 = vector.shape_cast %and3A_374 : vector<16xi32> to vector<16xi32>
        tpu.vector_store %arg20[%swap3A_375], %swap3A_378 {strides = array<i32>} : memref<80xi32, #tpu.memory_space<vmem>>, vector<16xi32>,
        %shift_right_logical3A_379 = arith.constant 3 : i32
        %shift_right_logical3A_380 = vector.broadcast %shift_right_logical3A_379 : i32 to vector<16xi32>
        %shift_right_logical3A_381 = arith.shrui %get3A_371, %shift_right_logical3A_380 : vector<16xi32>
        %swap3A_382 = arith.constant 64 : index
        %swap3A_383 = tpu.vector_load %arg21[%swap3A_382] {strides = array<i32>} : memref<80xi32, #tpu.memory_space<vmem>>, vector<16xi32>,
        %swap3A_384 = vector.shape_cast %swap3A_383 : vector<16xi32> to vector<16xi32>
        %swap3A_385 = vector.shape_cast %shift_right_logical3A_381 : vector<16xi32> to vector<16xi32>
        tpu.vector_store %arg21[%swap3A_382], %swap3A_385 {strides = array<i32>} : memref<80xi32, #tpu.memory_space<vmem>>, vector<16xi32>,
        "tpu.region"() ({
          %run_scoped3A = tpu.sem_alloc : memref<!tpu.dma_semaphore, #tpu.memory_space<semaphore_mem>>
          %dma_start3A_389 = arith.constant 0 : i32
          %dma_start3A_390 = arith.constant 0 : i32
          %dma_start3A_391 = tpu.memref_slice %arg23[%dma_start3A_389, %dma_start3A_390] : memref<16x128xf32, #tpu.memory_space<vmem_shared>> -> memref<16x128xf32, #tpu.memory_space<vmem_shared>>
          tpu.enqueue_indirect_dma source(%dma_start3A_391 : memref<16x128xf32, #tpu.memory_space<vmem_shared>>) target(%arg14 : memref<80x128xf32, #tpu.memory_space<vmem>>) offsets(%arg20 : memref<80xi32, #tpu.memory_space<vmem>>) semaphore(%run_scoped3A : memref<!tpu.dma_semaphore, #tpu.memory_space<semaphore_mem>>)
          %dma_wait3A_392 = arith.constant 0 : i32
          %dma_wait3A_393 = arith.constant 0 : i32
          %dma_wait3A_394 = tpu.memref_slice %arg23[%dma_wait3A_392, %dma_wait3A_393] : memref<16x128xf32, #tpu.memory_space<vmem_shared>> -> memref<16x128xf32, #tpu.memory_space<vmem_shared>>
          tpu.wait_indirect_dma semaphore(%run_scoped3A : memref<!tpu.dma_semaphore, #tpu.memory_space<semaphore_mem>>) src(%dma_wait3A_394 : memref<16x128xf32, #tpu.memory_space<vmem_shared>>) dst(%arg14 : memref<80x128xf32, #tpu.memory_space<vmem>>)
          tpu.yield
        }) : () -> ()
        %dma_wait3A_386 = arith.constant 0 : i32
        %dma_wait3A_387 = arith.constant 0 : i32
        %dma_wait3A_388 = tpu.memref_slice %arg3[%dma_wait3A_386, %dma_wait3A_387] : memref<10000x128xf32, #tpu.memory_space<hbm>> -> memref<10000x128xf32, #tpu.memory_space<hbm>>
        tpu.wait_indirect_dma semaphore(%arg27 : memref<!tpu.dma_semaphore, #tpu.memory_space<semaphore_mem>>) src(%dma_wait3A_388 : memref<10000x128xf32, #tpu.memory_space<hbm>>) dst(%arg13 : memref<80x128xf32, #tpu.memory_space<vmem>>)
        "tpu.region"() ({
          %run_scoped3A = tpu.sem_alloc : memref<!tpu.dma_semaphore, #tpu.memory_space<semaphore_mem>>
          %dma_start3A_389 = arith.constant 0 : i32
          %dma_start3A_390 = arith.constant 0 : i32
          %dma_start3A_391 = tpu.memref_slice %arg24[%dma_start3A_389, %dma_start3A_390] : memref<10240x128xf32, #tpu.memory_space<vmem_shared>> -> memref<10240x128xf32, #tpu.memory_space<vmem_shared>>
          tpu.enqueue_indirect_dma source(%arg13 : memref<80x128xf32, #tpu.memory_space<vmem>>) target(%dma_start3A_391 : memref<10240x128xf32, #tpu.memory_space<vmem_shared>>) offsets(%arg19 : memref<80xi32, #tpu.memory_space<vmem>>) semaphore(%run_scoped3A : memref<!tpu.dma_semaphore, #tpu.memory_space<semaphore_mem>>) {add = true}
          %dma_wait3A_392 = arith.constant 0 : i32
          %dma_wait3A_393 = arith.constant 0 : i32
          %dma_wait3A_394 = tpu.memref_slice %arg24[%dma_wait3A_392, %dma_wait3A_393] : memref<10240x128xf32, #tpu.memory_space<vmem_shared>> -> memref<10240x128xf32, #tpu.memory_space<vmem_shared>>
          tpu.wait_indirect_dma semaphore(%run_scoped3A : memref<!tpu.dma_semaphore, #tpu.memory_space<semaphore_mem>>) src(%arg13 : memref<80x128xf32, #tpu.memory_space<vmem>>) dst(%dma_wait3A_394 : memref<10240x128xf32, #tpu.memory_space<vmem_shared>>)
          tpu.yield
        }) : () -> ()
        "tpu.region"() ({
          %run_scoped3A = tpu.sem_alloc : memref<!tpu.dma_semaphore, #tpu.memory_space<semaphore_mem>>
          %dma_start3A_389 = arith.constant 0 : i32
          %dma_start3A_390 = arith.constant 0 : i32
          %dma_start3A_391 = tpu.memref_slice %arg25[%dma_start3A_389, %dma_start3A_390] : memref<1280x128xf32, #tpu.memory_space<vmem_shared>> -> memref<1280x128xf32, #tpu.memory_space<vmem_shared>>
          tpu.enqueue_indirect_dma source(%arg14 : memref<80x128xf32, #tpu.memory_space<vmem>>) target(%dma_start3A_391 : memref<1280x128xf32, #tpu.memory_space<vmem_shared>>) offsets(%arg21 : memref<80xi32, #tpu.memory_space<vmem>>) semaphore(%run_scoped3A : memref<!tpu.dma_semaphore, #tpu.memory_space<semaphore_mem>>) {add = true}
          %dma_wait3A_392 = arith.constant 0 : i32
          %dma_wait3A_393 = arith.constant 0 : i32
          %dma_wait3A_394 = tpu.memref_slice %arg25[%dma_wait3A_392, %dma_wait3A_393] : memref<1280x128xf32, #tpu.memory_space<vmem_shared>> -> memref<1280x128xf32, #tpu.memory_space<vmem_shared>>
          tpu.wait_indirect_dma semaphore(%run_scoped3A : memref<!tpu.dma_semaphore, #tpu.memory_space<semaphore_mem>>) src(%arg14 : memref<80x128xf32, #tpu.memory_space<vmem>>) dst(%dma_wait3A_394 : memref<1280x128xf32, #tpu.memory_space<vmem_shared>>)
          tpu.yield
        }) : () -> ()
      }
      %scan3A_140 = arith.constant 125 : i32
      %barrier3A_141 = arith.constant 0 : index
      tpu.barrier barrier_id(%barrier3A_141)
      %mul3A_142 = arith.constant 632 : i32
      %mul3A_143 = arith.muli %arg1, %mul3A_142 : i32
      %lt3A = arith.constant 15 : i32
      %lt3A_144 = arith.cmpi slt, %arg1, %lt3A : i32
      %convert_element_type3A_145 = arith.extui %lt3A_144 : i1 to i32
      %cond3A_146 = arith.constant 0 : i32
      %cond3A_147 = arith.cmpi ne, %convert_element_type3A_145, %cond3A_146 : i32
      scf.if %cond3A_147 {
        %add3A_202 = arith.constant 0 : i32
        %add3A_203 = arith.addi %mul3A_143, %add3A_202 : i32
        %iota3A_204 = tpu.iota {dimensions = array<i32: 0>} : vector<16xi32>
        %add3A_205 = arith.constant 0 : i32
        %add3A_206 = arith.addi %add3A_203, %add3A_205 : i32
        %add3A_207 = vector.broadcast %add3A_206 : i32 to vector<16xi32>
        %add3A_208 = arith.addi %iota3A_204, %add3A_207 : vector<16xi32>
        %swap3A_209 = arith.constant 0 : index
        %swap3A_210 = tpu.vector_load %arg18[%swap3A_209] {strides = array<i32>} : memref<80xi32, #tpu.memory_space<vmem>>, vector<16xi32>,
        %swap3A_211 = vector.shape_cast %swap3A_210 : vector<16xi32> to vector<16xi32>
        %swap3A_212 = vector.shape_cast %add3A_208 : vector<16xi32> to vector<16xi32>
        tpu.vector_store %arg18[%swap3A_209], %swap3A_212 {strides = array<i32>} : memref<80xi32, #tpu.memory_space<vmem>>, vector<16xi32>,
        %iota3A_213 = tpu.iota {dimensions = array<i32: 0>} : vector<16xi32>
        %add3A_214 = arith.constant 16 : i32
        %add3A_215 = arith.addi %add3A_203, %add3A_214 : i32
        %add3A_216 = vector.broadcast %add3A_215 : i32 to vector<16xi32>
        %add3A_217 = arith.addi %iota3A_213, %add3A_216 : vector<16xi32>
        %swap3A_218 = arith.constant 16 : index
        %swap3A_219 = tpu.vector_load %arg18[%swap3A_218] {strides = array<i32>} : memref<80xi32, #tpu.memory_space<vmem>>, vector<16xi32>,
        %swap3A_220 = vector.shape_cast %swap3A_219 : vector<16xi32> to vector<16xi32>
        %swap3A_221 = vector.shape_cast %add3A_217 : vector<16xi32> to vector<16xi32>
        tpu.vector_store %arg18[%swap3A_218], %swap3A_221 {strides = array<i32>} : memref<80xi32, #tpu.memory_space<vmem>>, vector<16xi32>,
        %iota3A_222 = tpu.iota {dimensions = array<i32: 0>} : vector<16xi32>
        %add3A_223 = arith.constant 32 : i32
        %add3A_224 = arith.addi %add3A_203, %add3A_223 : i32
        %add3A_225 = vector.broadcast %add3A_224 : i32 to vector<16xi32>
        %add3A_226 = arith.addi %iota3A_222, %add3A_225 : vector<16xi32>
        %swap3A_227 = arith.constant 32 : index
        %swap3A_228 = tpu.vector_load %arg18[%swap3A_227] {strides = array<i32>} : memref<80xi32, #tpu.memory_space<vmem>>, vector<16xi32>,
        %swap3A_229 = vector.shape_cast %swap3A_228 : vector<16xi32> to vector<16xi32>
        %swap3A_230 = vector.shape_cast %add3A_226 : vector<16xi32> to vector<16xi32>
        tpu.vector_store %arg18[%swap3A_227], %swap3A_230 {strides = array<i32>} : memref<80xi32, #tpu.memory_space<vmem>>, vector<16xi32>,
        %iota3A_231 = tpu.iota {dimensions = array<i32: 0>} : vector<16xi32>
        %add3A_232 = arith.constant 48 : i32
        %add3A_233 = arith.addi %add3A_203, %add3A_232 : i32
        %add3A_234 = vector.broadcast %add3A_233 : i32 to vector<16xi32>
        %add3A_235 = arith.addi %iota3A_231, %add3A_234 : vector<16xi32>
        %swap3A_236 = arith.constant 48 : index
        %swap3A_237 = tpu.vector_load %arg18[%swap3A_236] {strides = array<i32>} : memref<80xi32, #tpu.memory_space<vmem>>, vector<16xi32>,
        %swap3A_238 = vector.shape_cast %swap3A_237 : vector<16xi32> to vector<16xi32>
        %swap3A_239 = vector.shape_cast %add3A_235 : vector<16xi32> to vector<16xi32>
        tpu.vector_store %arg18[%swap3A_236], %swap3A_239 {strides = array<i32>} : memref<80xi32, #tpu.memory_space<vmem>>, vector<16xi32>,
        %iota3A_240 = tpu.iota {dimensions = array<i32: 0>} : vector<16xi32>
        %add3A_241 = arith.constant 64 : i32
        %add3A_242 = arith.addi %add3A_203, %add3A_241 : i32
        %add3A_243 = vector.broadcast %add3A_242 : i32 to vector<16xi32>
        %add3A_244 = arith.addi %iota3A_240, %add3A_243 : vector<16xi32>
        %swap3A_245 = arith.constant 64 : index
        %swap3A_246 = tpu.vector_load %arg18[%swap3A_245] {strides = array<i32>} : memref<80xi32, #tpu.memory_space<vmem>>, vector<16xi32>,
        %swap3A_247 = vector.shape_cast %swap3A_246 : vector<16xi32> to vector<16xi32>
        %swap3A_248 = vector.shape_cast %add3A_244 : vector<16xi32> to vector<16xi32>
        tpu.vector_store %arg18[%swap3A_245], %swap3A_248 {strides = array<i32>} : memref<80xi32, #tpu.memory_space<vmem>>, vector<16xi32>,
        "tpu.region"() ({
          %run_scoped3A = tpu.sem_alloc : memref<!tpu.dma_semaphore, #tpu.memory_space<semaphore_mem>>
          %dma_start3A = arith.constant 0 : i32
          %dma_start3A_594 = arith.constant 0 : i32
          %dma_start3A_595 = tpu.memref_slice %arg24[%dma_start3A, %dma_start3A_594] : memref<10240x128xf32, #tpu.memory_space<vmem_shared>> -> memref<10240x128xf32, #tpu.memory_space<vmem_shared>>
          tpu.enqueue_indirect_dma source(%dma_start3A_595 : memref<10240x128xf32, #tpu.memory_space<vmem_shared>>) target(%arg12 : memref<80x128xf32, #tpu.memory_space<vmem>>) offsets(%arg18 : memref<80xi32, #tpu.memory_space<vmem>>) semaphore(%run_scoped3A : memref<!tpu.dma_semaphore, #tpu.memory_space<semaphore_mem>>)
          %dma_wait3A = arith.constant 0 : i32
          %dma_wait3A_596 = arith.constant 0 : i32
          %dma_wait3A_597 = tpu.memref_slice %arg24[%dma_wait3A, %dma_wait3A_596] : memref<10240x128xf32, #tpu.memory_space<vmem_shared>> -> memref<10240x128xf32, #tpu.memory_space<vmem_shared>>
          tpu.wait_indirect_dma semaphore(%run_scoped3A : memref<!tpu.dma_semaphore, #tpu.memory_space<semaphore_mem>>) src(%dma_wait3A_597 : memref<10240x128xf32, #tpu.memory_space<vmem_shared>>) dst(%arg12 : memref<80x128xf32, #tpu.memory_space<vmem>>)
          tpu.yield
        }) : () -> ()
        %add3A_249 = arith.constant 0 : i32
        %add3A_250 = arith.addi %mul3A_143, %add3A_249 : i32
        "tpu.region"() ({
          %run_scoped3A = tpu.sem_alloc : memref<!tpu.dma_semaphore, #tpu.memory_space<semaphore_mem>>
          %dma_start3A = arith.constant 0 : i32
          %dma_start3A_594 = arith.constant 0 : i32
          %dma_start3A_595 = tpu.memref_slice %arg12[%dma_start3A, %dma_start3A_594] : memref<80x128xf32, #tpu.memory_space<vmem>> -> memref<80x128xf32, #tpu.memory_space<vmem>>
          %dma_start3A_596 = arith.constant 0 : i32
          %dma_start3A_597 = tpu.memref_slice %arg8[%add3A_250, %dma_start3A_596] : memref<10000x128xf32, #tpu.memory_space<hbm>> -> memref<80x128xf32, #tpu.memory_space<hbm>>
          %dma_start3A_598 = arith.constant 0 : i32
          %dma_start3A_599 = tpu.memref_slice %arg8[%add3A_250, %dma_start3A_598] : memref<10000x128xf32, #tpu.memory_space<hbm>> -> memref<80x128xf32, #tpu.memory_space<hbm>>
          %dma_start3A_600 = arith.constant 0 : i32
          %dma_start3A_601 = arith.constant 0 : i32
          %dma_start3A_602 = tpu.memref_slice %arg12[%dma_start3A_600, %dma_start3A_601] : memref<80x128xf32, #tpu.memory_space<vmem>> -> memref<80x128xf32, #tpu.memory_space<vmem>>
          tpu.enqueue_dma source(%dma_start3A_602 : memref<80x128xf32, #tpu.memory_space<vmem>>) target(%dma_start3A_599 : memref<80x128xf32, #tpu.memory_space<hbm>>) target_semaphore(%run_scoped3A : memref<!tpu.dma_semaphore, #tpu.memory_space<semaphore_mem>>)
          %dma_wait3A = arith.constant 0 : i32
          %dma_wait3A_603 = arith.constant 0 : i32
          %dma_wait3A_604 = tpu.memref_slice %arg12[%dma_wait3A, %dma_wait3A_603] : memref<80x128xf32, #tpu.memory_space<vmem>> -> memref<80x128xf32, #tpu.memory_space<vmem>>
          %dma_wait3A_605 = arith.constant 0 : i32
          %dma_wait3A_606 = tpu.memref_slice %arg8[%add3A_250, %dma_wait3A_605] : memref<10000x128xf32, #tpu.memory_space<hbm>> -> memref<80x128xf32, #tpu.memory_space<hbm>>
          %dma_wait3A_607 = arith.constant 0 : i32
          %dma_wait3A_608 = tpu.memref_slice %arg8[%add3A_250, %dma_wait3A_607] : memref<10000x128xf32, #tpu.memory_space<hbm>> -> memref<80x128xf32, #tpu.memory_space<hbm>>
          %dma_wait3A_609 = arith.constant 0 : i32
          %dma_wait3A_610 = arith.constant 0 : i32
          %dma_wait3A_611 = tpu.memref_slice %arg12[%dma_wait3A_609, %dma_wait3A_610] : memref<80x128xf32, #tpu.memory_space<vmem>> -> memref<80x128xf32, #tpu.memory_space<vmem>>
          tpu.wait_dma2 semaphore(%run_scoped3A : memref<!tpu.dma_semaphore, #tpu.memory_space<semaphore_mem>>) src(%dma_wait3A_611 : memref<80x128xf32, #tpu.memory_space<vmem>>) dst(%dma_wait3A_608 : memref<80x128xf32, #tpu.memory_space<hbm>>)
          tpu.yield
        }) : () -> ()
        %add3A_251 = arith.constant 80 : i32
        %add3A_252 = arith.addi %mul3A_143, %add3A_251 : i32
        %iota3A_253 = tpu.iota {dimensions = array<i32: 0>} : vector<16xi32>
        %add3A_254 = arith.constant 0 : i32
        %add3A_255 = arith.addi %add3A_252, %add3A_254 : i32
        %add3A_256 = vector.broadcast %add3A_255 : i32 to vector<16xi32>
        %add3A_257 = arith.addi %iota3A_253, %add3A_256 : vector<16xi32>
        %swap3A_258 = arith.constant 0 : index
        %swap3A_259 = tpu.vector_load %arg18[%swap3A_258] {strides = array<i32>} : memref<80xi32, #tpu.memory_space<vmem>>, vector<16xi32>,
        %swap3A_260 = vector.shape_cast %swap3A_259 : vector<16xi32> to vector<16xi32>
        %swap3A_261 = vector.shape_cast %add3A_257 : vector<16xi32> to vector<16xi32>
        tpu.vector_store %arg18[%swap3A_258], %swap3A_261 {strides = array<i32>} : memref<80xi32, #tpu.memory_space<vmem>>, vector<16xi32>,
        %iota3A_262 = tpu.iota {dimensions = array<i32: 0>} : vector<16xi32>
        %add3A_263 = arith.constant 16 : i32
        %add3A_264 = arith.addi %add3A_252, %add3A_263 : i32
        %add3A_265 = vector.broadcast %add3A_264 : i32 to vector<16xi32>
        %add3A_266 = arith.addi %iota3A_262, %add3A_265 : vector<16xi32>
        %swap3A_267 = arith.constant 16 : index
        %swap3A_268 = tpu.vector_load %arg18[%swap3A_267] {strides = array<i32>} : memref<80xi32, #tpu.memory_space<vmem>>, vector<16xi32>,
        %swap3A_269 = vector.shape_cast %swap3A_268 : vector<16xi32> to vector<16xi32>
        %swap3A_270 = vector.shape_cast %add3A_266 : vector<16xi32> to vector<16xi32>
        tpu.vector_store %arg18[%swap3A_267], %swap3A_270 {strides = array<i32>} : memref<80xi32, #tpu.memory_space<vmem>>, vector<16xi32>,
        %iota3A_271 = tpu.iota {dimensions = array<i32: 0>} : vector<16xi32>
        %add3A_272 = arith.constant 32 : i32
        %add3A_273 = arith.addi %add3A_252, %add3A_272 : i32
        %add3A_274 = vector.broadcast %add3A_273 : i32 to vector<16xi32>
        %add3A_275 = arith.addi %iota3A_271, %add3A_274 : vector<16xi32>
        %swap3A_276 = arith.constant 32 : index
        %swap3A_277 = tpu.vector_load %arg18[%swap3A_276] {strides = array<i32>} : memref<80xi32, #tpu.memory_space<vmem>>, vector<16xi32>,
        %swap3A_278 = vector.shape_cast %swap3A_277 : vector<16xi32> to vector<16xi32>
        %swap3A_279 = vector.shape_cast %add3A_275 : vector<16xi32> to vector<16xi32>
        tpu.vector_store %arg18[%swap3A_276], %swap3A_279 {strides = array<i32>} : memref<80xi32, #tpu.memory_space<vmem>>, vector<16xi32>,
        %iota3A_280 = tpu.iota {dimensions = array<i32: 0>} : vector<16xi32>
        %add3A_281 = arith.constant 48 : i32
        %add3A_282 = arith.addi %add3A_252, %add3A_281 : i32
        %add3A_283 = vector.broadcast %add3A_282 : i32 to vector<16xi32>
        %add3A_284 = arith.addi %iota3A_280, %add3A_283 : vector<16xi32>
        %swap3A_285 = arith.constant 48 : index
        %swap3A_286 = tpu.vector_load %arg18[%swap3A_285] {strides = array<i32>} : memref<80xi32, #tpu.memory_space<vmem>>, vector<16xi32>,
        %swap3A_287 = vector.shape_cast %swap3A_286 : vector<16xi32> to vector<16xi32>
        %swap3A_288 = vector.shape_cast %add3A_284 : vector<16xi32> to vector<16xi32>
        tpu.vector_store %arg18[%swap3A_285], %swap3A_288 {strides = array<i32>} : memref<80xi32, #tpu.memory_space<vmem>>, vector<16xi32>,
        %iota3A_289 = tpu.iota {dimensions = array<i32: 0>} : vector<16xi32>
        %add3A_290 = arith.constant 64 : i32
        %add3A_291 = arith.addi %add3A_252, %add3A_290 : i32
        %add3A_292 = vector.broadcast %add3A_291 : i32 to vector<16xi32>
        %add3A_293 = arith.addi %iota3A_289, %add3A_292 : vector<16xi32>
        %swap3A_294 = arith.constant 64 : index
        %swap3A_295 = tpu.vector_load %arg18[%swap3A_294] {strides = array<i32>} : memref<80xi32, #tpu.memory_space<vmem>>, vector<16xi32>,
        %swap3A_296 = vector.shape_cast %swap3A_295 : vector<16xi32> to vector<16xi32>
        %swap3A_297 = vector.shape_cast %add3A_293 : vector<16xi32> to vector<16xi32>
        tpu.vector_store %arg18[%swap3A_294], %swap3A_297 {strides = array<i32>} : memref<80xi32, #tpu.memory_space<vmem>>, vector<16xi32>,
        "tpu.region"() ({
          %run_scoped3A = tpu.sem_alloc : memref<!tpu.dma_semaphore, #tpu.memory_space<semaphore_mem>>
          %dma_start3A = arith.constant 0 : i32
          %dma_start3A_594 = arith.constant 0 : i32
          %dma_start3A_595 = tpu.memref_slice %arg24[%dma_start3A, %dma_start3A_594] : memref<10240x128xf32, #tpu.memory_space<vmem_shared>> -> memref<10240x128xf32, #tpu.memory_space<vmem_shared>>
          tpu.enqueue_indirect_dma source(%dma_start3A_595 : memref<10240x128xf32, #tpu.memory_space<vmem_shared>>) target(%arg12 : memref<80x128xf32, #tpu.memory_space<vmem>>) offsets(%arg18 : memref<80xi32, #tpu.memory_space<vmem>>) semaphore(%run_scoped3A : memref<!tpu.dma_semaphore, #tpu.memory_space<semaphore_mem>>)
          %dma_wait3A = arith.constant 0 : i32
          %dma_wait3A_596 = arith.constant 0 : i32
          %dma_wait3A_597 = tpu.memref_slice %arg24[%dma_wait3A, %dma_wait3A_596] : memref<10240x128xf32, #tpu.memory_space<vmem_shared>> -> memref<10240x128xf32, #tpu.memory_space<vmem_shared>>
          tpu.wait_indirect_dma semaphore(%run_scoped3A : memref<!tpu.dma_semaphore, #tpu.memory_space<semaphore_mem>>) src(%dma_wait3A_597 : memref<10240x128xf32, #tpu.memory_space<vmem_shared>>) dst(%arg12 : memref<80x128xf32, #tpu.memory_space<vmem>>)
          tpu.yield
        }) : () -> ()
        %add3A_298 = arith.constant 80 : i32
        %add3A_299 = arith.addi %mul3A_143, %add3A_298 : i32
        "tpu.region"() ({
          %run_scoped3A = tpu.sem_alloc : memref<!tpu.dma_semaphore, #tpu.memory_space<semaphore_mem>>
          %dma_start3A = arith.constant 0 : i32
          %dma_start3A_594 = arith.constant 0 : i32
          %dma_start3A_595 = tpu.memref_slice %arg12[%dma_start3A, %dma_start3A_594] : memref<80x128xf32, #tpu.memory_space<vmem>> -> memref<80x128xf32, #tpu.memory_space<vmem>>
          %dma_start3A_596 = arith.constant 0 : i32
          %dma_start3A_597 = tpu.memref_slice %arg8[%add3A_299, %dma_start3A_596] : memref<10000x128xf32, #tpu.memory_space<hbm>> -> memref<80x128xf32, #tpu.memory_space<hbm>>
          %dma_start3A_598 = arith.constant 0 : i32
          %dma_start3A_599 = tpu.memref_slice %arg8[%add3A_299, %dma_start3A_598] : memref<10000x128xf32, #tpu.memory_space<hbm>> -> memref<80x128xf32, #tpu.memory_space<hbm>>
          %dma_start3A_600 = arith.constant 0 : i32
          %dma_start3A_601 = arith.constant 0 : i32
          %dma_start3A_602 = tpu.memref_slice %arg12[%dma_start3A_600, %dma_start3A_601] : memref<80x128xf32, #tpu.memory_space<vmem>> -> memref<80x128xf32, #tpu.memory_space<vmem>>
          tpu.enqueue_dma source(%dma_start3A_602 : memref<80x128xf32, #tpu.memory_space<vmem>>) target(%dma_start3A_599 : memref<80x128xf32, #tpu.memory_space<hbm>>) target_semaphore(%run_scoped3A : memref<!tpu.dma_semaphore, #tpu.memory_space<semaphore_mem>>)
          %dma_wait3A = arith.constant 0 : i32
          %dma_wait3A_603 = arith.constant 0 : i32
          %dma_wait3A_604 = tpu.memref_slice %arg12[%dma_wait3A, %dma_wait3A_603] : memref<80x128xf32, #tpu.memory_space<vmem>> -> memref<80x128xf32, #tpu.memory_space<vmem>>
          %dma_wait3A_605 = arith.constant 0 : i32
          %dma_wait3A_606 = tpu.memref_slice %arg8[%add3A_299, %dma_wait3A_605] : memref<10000x128xf32, #tpu.memory_space<hbm>> -> memref<80x128xf32, #tpu.memory_space<hbm>>
          %dma_wait3A_607 = arith.constant 0 : i32
          %dma_wait3A_608 = tpu.memref_slice %arg8[%add3A_299, %dma_wait3A_607] : memref<10000x128xf32, #tpu.memory_space<hbm>> -> memref<80x128xf32, #tpu.memory_space<hbm>>
          %dma_wait3A_609 = arith.constant 0 : i32
          %dma_wait3A_610 = arith.constant 0 : i32
          %dma_wait3A_611 = tpu.memref_slice %arg12[%dma_wait3A_609, %dma_wait3A_610] : memref<80x128xf32, #tpu.memory_space<vmem>> -> memref<80x128xf32, #tpu.memory_space<vmem>>
          tpu.wait_dma2 semaphore(%run_scoped3A : memref<!tpu.dma_semaphore, #tpu.memory_space<semaphore_mem>>) src(%dma_wait3A_611 : memref<80x128xf32, #tpu.memory_space<vmem>>) dst(%dma_wait3A_608 : memref<80x128xf32, #tpu.memory_space<hbm>>)
          tpu.yield
        }) : () -> ()
        %add3A_300 = arith.constant 160 : i32
        %add3A_301 = arith.addi %mul3A_143, %add3A_300 : i32
        %iota3A_302 = tpu.iota {dimensions = array<i32: 0>} : vector<16xi32>
        %add3A_303 = arith.constant 0 : i32
        %add3A_304 = arith.addi %add3A_301, %add3A_303 : i32
        %add3A_305 = vector.broadcast %add3A_304 : i32 to vector<16xi32>
        %add3A_306 = arith.addi %iota3A_302, %add3A_305 : vector<16xi32>
        %swap3A_307 = arith.constant 0 : index
        %swap3A_308 = tpu.vector_load %arg18[%swap3A_307] {strides = array<i32>} : memref<80xi32, #tpu.memory_space<vmem>>, vector<16xi32>,
        %swap3A_309 = vector.shape_cast %swap3A_308 : vector<16xi32> to vector<16xi32>
        %swap3A_310 = vector.shape_cast %add3A_306 : vector<16xi32> to vector<16xi32>
        tpu.vector_store %arg18[%swap3A_307], %swap3A_310 {strides = array<i32>} : memref<80xi32, #tpu.memory_space<vmem>>, vector<16xi32>,
        %iota3A_311 = tpu.iota {dimensions = array<i32: 0>} : vector<16xi32>
        %add3A_312 = arith.constant 16 : i32
        %add3A_313 = arith.addi %add3A_301, %add3A_312 : i32
        %add3A_314 = vector.broadcast %add3A_313 : i32 to vector<16xi32>
        %add3A_315 = arith.addi %iota3A_311, %add3A_314 : vector<16xi32>
        %swap3A_316 = arith.constant 16 : index
        %swap3A_317 = tpu.vector_load %arg18[%swap3A_316] {strides = array<i32>} : memref<80xi32, #tpu.memory_space<vmem>>, vector<16xi32>,
        %swap3A_318 = vector.shape_cast %swap3A_317 : vector<16xi32> to vector<16xi32>
        %swap3A_319 = vector.shape_cast %add3A_315 : vector<16xi32> to vector<16xi32>
        tpu.vector_store %arg18[%swap3A_316], %swap3A_319 {strides = array<i32>} : memref<80xi32, #tpu.memory_space<vmem>>, vector<16xi32>,
        %iota3A_320 = tpu.iota {dimensions = array<i32: 0>} : vector<16xi32>
        %add3A_321 = arith.constant 32 : i32
        %add3A_322 = arith.addi %add3A_301, %add3A_321 : i32
        %add3A_323 = vector.broadcast %add3A_322 : i32 to vector<16xi32>
        %add3A_324 = arith.addi %iota3A_320, %add3A_323 : vector<16xi32>
        %swap3A_325 = arith.constant 32 : index
        %swap3A_326 = tpu.vector_load %arg18[%swap3A_325] {strides = array<i32>} : memref<80xi32, #tpu.memory_space<vmem>>, vector<16xi32>,
        %swap3A_327 = vector.shape_cast %swap3A_326 : vector<16xi32> to vector<16xi32>
        %swap3A_328 = vector.shape_cast %add3A_324 : vector<16xi32> to vector<16xi32>
        tpu.vector_store %arg18[%swap3A_325], %swap3A_328 {strides = array<i32>} : memref<80xi32, #tpu.memory_space<vmem>>, vector<16xi32>,
        %iota3A_329 = tpu.iota {dimensions = array<i32: 0>} : vector<16xi32>
        %add3A_330 = arith.constant 48 : i32
        %add3A_331 = arith.addi %add3A_301, %add3A_330 : i32
        %add3A_332 = vector.broadcast %add3A_331 : i32 to vector<16xi32>
        %add3A_333 = arith.addi %iota3A_329, %add3A_332 : vector<16xi32>
        %swap3A_334 = arith.constant 48 : index
        %swap3A_335 = tpu.vector_load %arg18[%swap3A_334] {strides = array<i32>} : memref<80xi32, #tpu.memory_space<vmem>>, vector<16xi32>,
        %swap3A_336 = vector.shape_cast %swap3A_335 : vector<16xi32> to vector<16xi32>
        %swap3A_337 = vector.shape_cast %add3A_333 : vector<16xi32> to vector<16xi32>
        tpu.vector_store %arg18[%swap3A_334], %swap3A_337 {strides = array<i32>} : memref<80xi32, #tpu.memory_space<vmem>>, vector<16xi32>,
        %iota3A_338 = tpu.iota {dimensions = array<i32: 0>} : vector<16xi32>
        %add3A_339 = arith.constant 64 : i32
        %add3A_340 = arith.addi %add3A_301, %add3A_339 : i32
        %add3A_341 = vector.broadcast %add3A_340 : i32 to vector<16xi32>
        %add3A_342 = arith.addi %iota3A_338, %add3A_341 : vector<16xi32>
        %swap3A_343 = arith.constant 64 : index
        %swap3A_344 = tpu.vector_load %arg18[%swap3A_343] {strides = array<i32>} : memref<80xi32, #tpu.memory_space<vmem>>, vector<16xi32>,
        %swap3A_345 = vector.shape_cast %swap3A_344 : vector<16xi32> to vector<16xi32>
        %swap3A_346 = vector.shape_cast %add3A_342 : vector<16xi32> to vector<16xi32>
        tpu.vector_store %arg18[%swap3A_343], %swap3A_346 {strides = array<i32>} : memref<80xi32, #tpu.memory_space<vmem>>, vector<16xi32>,
        "tpu.region"() ({
          %run_scoped3A = tpu.sem_alloc : memref<!tpu.dma_semaphore, #tpu.memory_space<semaphore_mem>>
          %dma_start3A = arith.constant 0 : i32
          %dma_start3A_594 = arith.constant 0 : i32
          %dma_start3A_595 = tpu.memref_slice %arg24[%dma_start3A, %dma_start3A_594] : memref<10240x128xf32, #tpu.memory_space<vmem_shared>> -> memref<10240x128xf32, #tpu.memory_space<vmem_shared>>
          tpu.enqueue_indirect_dma source(%dma_start3A_595 : memref<10240x128xf32, #tpu.memory_space<vmem_shared>>) target(%arg12 : memref<80x128xf32, #tpu.memory_space<vmem>>) offsets(%arg18 : memref<80xi32, #tpu.memory_space<vmem>>) semaphore(%run_scoped3A : memref<!tpu.dma_semaphore, #tpu.memory_space<semaphore_mem>>)
          %dma_wait3A = arith.constant 0 : i32
          %dma_wait3A_596 = arith.constant 0 : i32
          %dma_wait3A_597 = tpu.memref_slice %arg24[%dma_wait3A, %dma_wait3A_596] : memref<10240x128xf32, #tpu.memory_space<vmem_shared>> -> memref<10240x128xf32, #tpu.memory_space<vmem_shared>>
          tpu.wait_indirect_dma semaphore(%run_scoped3A : memref<!tpu.dma_semaphore, #tpu.memory_space<semaphore_mem>>) src(%dma_wait3A_597 : memref<10240x128xf32, #tpu.memory_space<vmem_shared>>) dst(%arg12 : memref<80x128xf32, #tpu.memory_space<vmem>>)
          tpu.yield
        }) : () -> ()
        %add3A_347 = arith.constant 160 : i32
        %add3A_348 = arith.addi %mul3A_143, %add3A_347 : i32
        "tpu.region"() ({
          %run_scoped3A = tpu.sem_alloc : memref<!tpu.dma_semaphore, #tpu.memory_space<semaphore_mem>>
          %dma_start3A = arith.constant 0 : i32
          %dma_start3A_594 = arith.constant 0 : i32
          %dma_start3A_595 = tpu.memref_slice %arg12[%dma_start3A, %dma_start3A_594] : memref<80x128xf32, #tpu.memory_space<vmem>> -> memref<80x128xf32, #tpu.memory_space<vmem>>
          %dma_start3A_596 = arith.constant 0 : i32
          %dma_start3A_597 = tpu.memref_slice %arg8[%add3A_348, %dma_start3A_596] : memref<10000x128xf32, #tpu.memory_space<hbm>> -> memref<80x128xf32, #tpu.memory_space<hbm>>
          %dma_start3A_598 = arith.constant 0 : i32
          %dma_start3A_599 = tpu.memref_slice %arg8[%add3A_348, %dma_start3A_598] : memref<10000x128xf32, #tpu.memory_space<hbm>> -> memref<80x128xf32, #tpu.memory_space<hbm>>
          %dma_start3A_600 = arith.constant 0 : i32
          %dma_start3A_601 = arith.constant 0 : i32
          %dma_start3A_602 = tpu.memref_slice %arg12[%dma_start3A_600, %dma_start3A_601] : memref<80x128xf32, #tpu.memory_space<vmem>> -> memref<80x128xf32, #tpu.memory_space<vmem>>
          tpu.enqueue_dma source(%dma_start3A_602 : memref<80x128xf32, #tpu.memory_space<vmem>>) target(%dma_start3A_599 : memref<80x128xf32, #tpu.memory_space<hbm>>) target_semaphore(%run_scoped3A : memref<!tpu.dma_semaphore, #tpu.memory_space<semaphore_mem>>)
          %dma_wait3A = arith.constant 0 : i32
          %dma_wait3A_603 = arith.constant 0 : i32
          %dma_wait3A_604 = tpu.memref_slice %arg12[%dma_wait3A, %dma_wait3A_603] : memref<80x128xf32, #tpu.memory_space<vmem>> -> memref<80x128xf32, #tpu.memory_space<vmem>>
          %dma_wait3A_605 = arith.constant 0 : i32
          %dma_wait3A_606 = tpu.memref_slice %arg8[%add3A_348, %dma_wait3A_605] : memref<10000x128xf32, #tpu.memory_space<hbm>> -> memref<80x128xf32, #tpu.memory_space<hbm>>
          %dma_wait3A_607 = arith.constant 0 : i32
          %dma_wait3A_608 = tpu.memref_slice %arg8[%add3A_348, %dma_wait3A_607] : memref<10000x128xf32, #tpu.memory_space<hbm>> -> memref<80x128xf32, #tpu.memory_space<hbm>>
          %dma_wait3A_609 = arith.constant 0 : i32
          %dma_wait3A_610 = arith.constant 0 : i32
          %dma_wait3A_611 = tpu.memref_slice %arg12[%dma_wait3A_609, %dma_wait3A_610] : memref<80x128xf32, #tpu.memory_space<vmem>> -> memref<80x128xf32, #tpu.memory_space<vmem>>
          tpu.wait_dma2 semaphore(%run_scoped3A : memref<!tpu.dma_semaphore, #tpu.memory_space<semaphore_mem>>) src(%dma_wait3A_611 : memref<80x128xf32, #tpu.memory_space<vmem>>) dst(%dma_wait3A_608 : memref<80x128xf32, #tpu.memory_space<hbm>>)
          tpu.yield
        }) : () -> ()
        %add3A_349 = arith.constant 240 : i32
        %add3A_350 = arith.addi %mul3A_143, %add3A_349 : i32
        %iota3A_351 = tpu.iota {dimensions = array<i32: 0>} : vector<16xi32>
        %add3A_352 = arith.constant 0 : i32
        %add3A_353 = arith.addi %add3A_350, %add3A_352 : i32
        %add3A_354 = vector.broadcast %add3A_353 : i32 to vector<16xi32>
        %add3A_355 = arith.addi %iota3A_351, %add3A_354 : vector<16xi32>
        %swap3A_356 = arith.constant 0 : index
        %swap3A_357 = tpu.vector_load %arg18[%swap3A_356] {strides = array<i32>} : memref<80xi32, #tpu.memory_space<vmem>>, vector<16xi32>,
        %swap3A_358 = vector.shape_cast %swap3A_357 : vector<16xi32> to vector<16xi32>
        %swap3A_359 = vector.shape_cast %add3A_355 : vector<16xi32> to vector<16xi32>
        tpu.vector_store %arg18[%swap3A_356], %swap3A_359 {strides = array<i32>} : memref<80xi32, #tpu.memory_space<vmem>>, vector<16xi32>,
        %iota3A_360 = tpu.iota {dimensions = array<i32: 0>} : vector<16xi32>
        %add3A_361 = arith.constant 16 : i32
        %add3A_362 = arith.addi %add3A_350, %add3A_361 : i32
        %add3A_363 = vector.broadcast %add3A_362 : i32 to vector<16xi32>
        %add3A_364 = arith.addi %iota3A_360, %add3A_363 : vector<16xi32>
        %swap3A_365 = arith.constant 16 : index
        %swap3A_366 = tpu.vector_load %arg18[%swap3A_365] {strides = array<i32>} : memref<80xi32, #tpu.memory_space<vmem>>, vector<16xi32>,
        %swap3A_367 = vector.shape_cast %swap3A_366 : vector<16xi32> to vector<16xi32>
        %swap3A_368 = vector.shape_cast %add3A_364 : vector<16xi32> to vector<16xi32>
        tpu.vector_store %arg18[%swap3A_365], %swap3A_368 {strides = array<i32>} : memref<80xi32, #tpu.memory_space<vmem>>, vector<16xi32>,
        %iota3A_369 = tpu.iota {dimensions = array<i32: 0>} : vector<16xi32>
        %add3A_370 = arith.constant 32 : i32
        %add3A_371 = arith.addi %add3A_350, %add3A_370 : i32
        %add3A_372 = vector.broadcast %add3A_371 : i32 to vector<16xi32>
        %add3A_373 = arith.addi %iota3A_369, %add3A_372 : vector<16xi32>
        %swap3A_374 = arith.constant 32 : index
        %swap3A_375 = tpu.vector_load %arg18[%swap3A_374] {strides = array<i32>} : memref<80xi32, #tpu.memory_space<vmem>>, vector<16xi32>,
        %swap3A_376 = vector.shape_cast %swap3A_375 : vector<16xi32> to vector<16xi32>
        %swap3A_377 = vector.shape_cast %add3A_373 : vector<16xi32> to vector<16xi32>
        tpu.vector_store %arg18[%swap3A_374], %swap3A_377 {strides = array<i32>} : memref<80xi32, #tpu.memory_space<vmem>>, vector<16xi32>,
        %iota3A_378 = tpu.iota {dimensions = array<i32: 0>} : vector<16xi32>
        %add3A_379 = arith.constant 48 : i32
        %add3A_380 = arith.addi %add3A_350, %add3A_379 : i32
        %add3A_381 = vector.broadcast %add3A_380 : i32 to vector<16xi32>
        %add3A_382 = arith.addi %iota3A_378, %add3A_381 : vector<16xi32>
        %swap3A_383 = arith.constant 48 : index
        %swap3A_384 = tpu.vector_load %arg18[%swap3A_383] {strides = array<i32>} : memref<80xi32, #tpu.memory_space<vmem>>, vector<16xi32>,
        %swap3A_385 = vector.shape_cast %swap3A_384 : vector<16xi32> to vector<16xi32>
        %swap3A_386 = vector.shape_cast %add3A_382 : vector<16xi32> to vector<16xi32>
        tpu.vector_store %arg18[%swap3A_383], %swap3A_386 {strides = array<i32>} : memref<80xi32, #tpu.memory_space<vmem>>, vector<16xi32>,
        %iota3A_387 = tpu.iota {dimensions = array<i32: 0>} : vector<16xi32>
        %add3A_388 = arith.constant 64 : i32
        %add3A_389 = arith.addi %add3A_350, %add3A_388 : i32
        %add3A_390 = vector.broadcast %add3A_389 : i32 to vector<16xi32>
        %add3A_391 = arith.addi %iota3A_387, %add3A_390 : vector<16xi32>
        %swap3A_392 = arith.constant 64 : index
        %swap3A_393 = tpu.vector_load %arg18[%swap3A_392] {strides = array<i32>} : memref<80xi32, #tpu.memory_space<vmem>>, vector<16xi32>,
        %swap3A_394 = vector.shape_cast %swap3A_393 : vector<16xi32> to vector<16xi32>
        %swap3A_395 = vector.shape_cast %add3A_391 : vector<16xi32> to vector<16xi32>
        tpu.vector_store %arg18[%swap3A_392], %swap3A_395 {strides = array<i32>} : memref<80xi32, #tpu.memory_space<vmem>>, vector<16xi32>,
        "tpu.region"() ({
          %run_scoped3A = tpu.sem_alloc : memref<!tpu.dma_semaphore, #tpu.memory_space<semaphore_mem>>
          %dma_start3A = arith.constant 0 : i32
          %dma_start3A_594 = arith.constant 0 : i32
          %dma_start3A_595 = tpu.memref_slice %arg24[%dma_start3A, %dma_start3A_594] : memref<10240x128xf32, #tpu.memory_space<vmem_shared>> -> memref<10240x128xf32, #tpu.memory_space<vmem_shared>>
          tpu.enqueue_indirect_dma source(%dma_start3A_595 : memref<10240x128xf32, #tpu.memory_space<vmem_shared>>) target(%arg12 : memref<80x128xf32, #tpu.memory_space<vmem>>) offsets(%arg18 : memref<80xi32, #tpu.memory_space<vmem>>) semaphore(%run_scoped3A : memref<!tpu.dma_semaphore, #tpu.memory_space<semaphore_mem>>)
          %dma_wait3A = arith.constant 0 : i32
          %dma_wait3A_596 = arith.constant 0 : i32
          %dma_wait3A_597 = tpu.memref_slice %arg24[%dma_wait3A, %dma_wait3A_596] : memref<10240x128xf32, #tpu.memory_space<vmem_shared>> -> memref<10240x128xf32, #tpu.memory_space<vmem_shared>>
          tpu.wait_indirect_dma semaphore(%run_scoped3A : memref<!tpu.dma_semaphore, #tpu.memory_space<semaphore_mem>>) src(%dma_wait3A_597 : memref<10240x128xf32, #tpu.memory_space<vmem_shared>>) dst(%arg12 : memref<80x128xf32, #tpu.memory_space<vmem>>)
          tpu.yield
        }) : () -> ()
        %add3A_396 = arith.constant 240 : i32
        %add3A_397 = arith.addi %mul3A_143, %add3A_396 : i32
        "tpu.region"() ({
          %run_scoped3A = tpu.sem_alloc : memref<!tpu.dma_semaphore, #tpu.memory_space<semaphore_mem>>
          %dma_start3A = arith.constant 0 : i32
          %dma_start3A_594 = arith.constant 0 : i32
          %dma_start3A_595 = tpu.memref_slice %arg12[%dma_start3A, %dma_start3A_594] : memref<80x128xf32, #tpu.memory_space<vmem>> -> memref<80x128xf32, #tpu.memory_space<vmem>>
          %dma_start3A_596 = arith.constant 0 : i32
          %dma_start3A_597 = tpu.memref_slice %arg8[%add3A_397, %dma_start3A_596] : memref<10000x128xf32, #tpu.memory_space<hbm>> -> memref<80x128xf32, #tpu.memory_space<hbm>>
          %dma_start3A_598 = arith.constant 0 : i32
          %dma_start3A_599 = tpu.memref_slice %arg8[%add3A_397, %dma_start3A_598] : memref<10000x128xf32, #tpu.memory_space<hbm>> -> memref<80x128xf32, #tpu.memory_space<hbm>>
          %dma_start3A_600 = arith.constant 0 : i32
          %dma_start3A_601 = arith.constant 0 : i32
          %dma_start3A_602 = tpu.memref_slice %arg12[%dma_start3A_600, %dma_start3A_601] : memref<80x128xf32, #tpu.memory_space<vmem>> -> memref<80x128xf32, #tpu.memory_space<vmem>>
          tpu.enqueue_dma source(%dma_start3A_602 : memref<80x128xf32, #tpu.memory_space<vmem>>) target(%dma_start3A_599 : memref<80x128xf32, #tpu.memory_space<hbm>>) target_semaphore(%run_scoped3A : memref<!tpu.dma_semaphore, #tpu.memory_space<semaphore_mem>>)
          %dma_wait3A = arith.constant 0 : i32
          %dma_wait3A_603 = arith.constant 0 : i32
          %dma_wait3A_604 = tpu.memref_slice %arg12[%dma_wait3A, %dma_wait3A_603] : memref<80x128xf32, #tpu.memory_space<vmem>> -> memref<80x128xf32, #tpu.memory_space<vmem>>
          %dma_wait3A_605 = arith.constant 0 : i32
          %dma_wait3A_606 = tpu.memref_slice %arg8[%add3A_397, %dma_wait3A_605] : memref<10000x128xf32, #tpu.memory_space<hbm>> -> memref<80x128xf32, #tpu.memory_space<hbm>>
          %dma_wait3A_607 = arith.constant 0 : i32
          %dma_wait3A_608 = tpu.memref_slice %arg8[%add3A_397, %dma_wait3A_607] : memref<10000x128xf32, #tpu.memory_space<hbm>> -> memref<80x128xf32, #tpu.memory_space<hbm>>
          %dma_wait3A_609 = arith.constant 0 : i32
          %dma_wait3A_610 = arith.constant 0 : i32
          %dma_wait3A_611 = tpu.memref_slice %arg12[%dma_wait3A_609, %dma_wait3A_610] : memref<80x128xf32, #tpu.memory_space<vmem>> -> memref<80x128xf32, #tpu.memory_space<vmem>>
          tpu.wait_dma2 semaphore(%run_scoped3A : memref<!tpu.dma_semaphore, #tpu.memory_space<semaphore_mem>>) src(%dma_wait3A_611 : memref<80x128xf32, #tpu.memory_space<vmem>>) dst(%dma_wait3A_608 : memref<80x128xf32, #tpu.memory_space<hbm>>)
          tpu.yield
        }) : () -> ()
        %add3A_398 = arith.constant 320 : i32
        %add3A_399 = arith.addi %mul3A_143, %add3A_398 : i32
        %iota3A_400 = tpu.iota {dimensions = array<i32: 0>} : vector<16xi32>
        %add3A_401 = arith.constant 0 : i32
        %add3A_402 = arith.addi %add3A_399, %add3A_401 : i32
        %add3A_403 = vector.broadcast %add3A_402 : i32 to vector<16xi32>
        %add3A_404 = arith.addi %iota3A_400, %add3A_403 : vector<16xi32>
        %swap3A_405 = arith.constant 0 : index
        %swap3A_406 = tpu.vector_load %arg18[%swap3A_405] {strides = array<i32>} : memref<80xi32, #tpu.memory_space<vmem>>, vector<16xi32>,
        %swap3A_407 = vector.shape_cast %swap3A_406 : vector<16xi32> to vector<16xi32>
        %swap3A_408 = vector.shape_cast %add3A_404 : vector<16xi32> to vector<16xi32>
        tpu.vector_store %arg18[%swap3A_405], %swap3A_408 {strides = array<i32>} : memref<80xi32, #tpu.memory_space<vmem>>, vector<16xi32>,
        %iota3A_409 = tpu.iota {dimensions = array<i32: 0>} : vector<16xi32>
        %add3A_410 = arith.constant 16 : i32
        %add3A_411 = arith.addi %add3A_399, %add3A_410 : i32
        %add3A_412 = vector.broadcast %add3A_411 : i32 to vector<16xi32>
        %add3A_413 = arith.addi %iota3A_409, %add3A_412 : vector<16xi32>
        %swap3A_414 = arith.constant 16 : index
        %swap3A_415 = tpu.vector_load %arg18[%swap3A_414] {strides = array<i32>} : memref<80xi32, #tpu.memory_space<vmem>>, vector<16xi32>,
        %swap3A_416 = vector.shape_cast %swap3A_415 : vector<16xi32> to vector<16xi32>
        %swap3A_417 = vector.shape_cast %add3A_413 : vector<16xi32> to vector<16xi32>
        tpu.vector_store %arg18[%swap3A_414], %swap3A_417 {strides = array<i32>} : memref<80xi32, #tpu.memory_space<vmem>>, vector<16xi32>,
        %iota3A_418 = tpu.iota {dimensions = array<i32: 0>} : vector<16xi32>
        %add3A_419 = arith.constant 32 : i32
        %add3A_420 = arith.addi %add3A_399, %add3A_419 : i32
        %add3A_421 = vector.broadcast %add3A_420 : i32 to vector<16xi32>
        %add3A_422 = arith.addi %iota3A_418, %add3A_421 : vector<16xi32>
        %swap3A_423 = arith.constant 32 : index
        %swap3A_424 = tpu.vector_load %arg18[%swap3A_423] {strides = array<i32>} : memref<80xi32, #tpu.memory_space<vmem>>, vector<16xi32>,
        %swap3A_425 = vector.shape_cast %swap3A_424 : vector<16xi32> to vector<16xi32>
        %swap3A_426 = vector.shape_cast %add3A_422 : vector<16xi32> to vector<16xi32>
        tpu.vector_store %arg18[%swap3A_423], %swap3A_426 {strides = array<i32>} : memref<80xi32, #tpu.memory_space<vmem>>, vector<16xi32>,
        %iota3A_427 = tpu.iota {dimensions = array<i32: 0>} : vector<16xi32>
        %add3A_428 = arith.constant 48 : i32
        %add3A_429 = arith.addi %add3A_399, %add3A_428 : i32
        %add3A_430 = vector.broadcast %add3A_429 : i32 to vector<16xi32>
        %add3A_431 = arith.addi %iota3A_427, %add3A_430 : vector<16xi32>
        %swap3A_432 = arith.constant 48 : index
        %swap3A_433 = tpu.vector_load %arg18[%swap3A_432] {strides = array<i32>} : memref<80xi32, #tpu.memory_space<vmem>>, vector<16xi32>,
        %swap3A_434 = vector.shape_cast %swap3A_433 : vector<16xi32> to vector<16xi32>
        %swap3A_435 = vector.shape_cast %add3A_431 : vector<16xi32> to vector<16xi32>
        tpu.vector_store %arg18[%swap3A_432], %swap3A_435 {strides = array<i32>} : memref<80xi32, #tpu.memory_space<vmem>>, vector<16xi32>,
        %iota3A_436 = tpu.iota {dimensions = array<i32: 0>} : vector<16xi32>
        %add3A_437 = arith.constant 64 : i32
        %add3A_438 = arith.addi %add3A_399, %add3A_437 : i32
        %add3A_439 = vector.broadcast %add3A_438 : i32 to vector<16xi32>
        %add3A_440 = arith.addi %iota3A_436, %add3A_439 : vector<16xi32>
        %swap3A_441 = arith.constant 64 : index
        %swap3A_442 = tpu.vector_load %arg18[%swap3A_441] {strides = array<i32>} : memref<80xi32, #tpu.memory_space<vmem>>, vector<16xi32>,
        %swap3A_443 = vector.shape_cast %swap3A_442 : vector<16xi32> to vector<16xi32>
        %swap3A_444 = vector.shape_cast %add3A_440 : vector<16xi32> to vector<16xi32>
        tpu.vector_store %arg18[%swap3A_441], %swap3A_444 {strides = array<i32>} : memref<80xi32, #tpu.memory_space<vmem>>, vector<16xi32>,
        "tpu.region"() ({
          %run_scoped3A = tpu.sem_alloc : memref<!tpu.dma_semaphore, #tpu.memory_space<semaphore_mem>>
          %dma_start3A = arith.constant 0 : i32
          %dma_start3A_594 = arith.constant 0 : i32
          %dma_start3A_595 = tpu.memref_slice %arg24[%dma_start3A, %dma_start3A_594] : memref<10240x128xf32, #tpu.memory_space<vmem_shared>> -> memref<10240x128xf32, #tpu.memory_space<vmem_shared>>
          tpu.enqueue_indirect_dma source(%dma_start3A_595 : memref<10240x128xf32, #tpu.memory_space<vmem_shared>>) target(%arg12 : memref<80x128xf32, #tpu.memory_space<vmem>>) offsets(%arg18 : memref<80xi32, #tpu.memory_space<vmem>>) semaphore(%run_scoped3A : memref<!tpu.dma_semaphore, #tpu.memory_space<semaphore_mem>>)
          %dma_wait3A = arith.constant 0 : i32
          %dma_wait3A_596 = arith.constant 0 : i32
          %dma_wait3A_597 = tpu.memref_slice %arg24[%dma_wait3A, %dma_wait3A_596] : memref<10240x128xf32, #tpu.memory_space<vmem_shared>> -> memref<10240x128xf32, #tpu.memory_space<vmem_shared>>
          tpu.wait_indirect_dma semaphore(%run_scoped3A : memref<!tpu.dma_semaphore, #tpu.memory_space<semaphore_mem>>) src(%dma_wait3A_597 : memref<10240x128xf32, #tpu.memory_space<vmem_shared>>) dst(%arg12 : memref<80x128xf32, #tpu.memory_space<vmem>>)
          tpu.yield
        }) : () -> ()
        %add3A_445 = arith.constant 320 : i32
        %add3A_446 = arith.addi %mul3A_143, %add3A_445 : i32
        "tpu.region"() ({
          %run_scoped3A = tpu.sem_alloc : memref<!tpu.dma_semaphore, #tpu.memory_space<semaphore_mem>>
          %dma_start3A = arith.constant 0 : i32
          %dma_start3A_594 = arith.constant 0 : i32
          %dma_start3A_595 = tpu.memref_slice %arg12[%dma_start3A, %dma_start3A_594] : memref<80x128xf32, #tpu.memory_space<vmem>> -> memref<80x128xf32, #tpu.memory_space<vmem>>
          %dma_start3A_596 = arith.constant 0 : i32
          %dma_start3A_597 = tpu.memref_slice %arg8[%add3A_446, %dma_start3A_596] : memref<10000x128xf32, #tpu.memory_space<hbm>> -> memref<80x128xf32, #tpu.memory_space<hbm>>
          %dma_start3A_598 = arith.constant 0 : i32
          %dma_start3A_599 = tpu.memref_slice %arg8[%add3A_446, %dma_start3A_598] : memref<10000x128xf32, #tpu.memory_space<hbm>> -> memref<80x128xf32, #tpu.memory_space<hbm>>
          %dma_start3A_600 = arith.constant 0 : i32
          %dma_start3A_601 = arith.constant 0 : i32
          %dma_start3A_602 = tpu.memref_slice %arg12[%dma_start3A_600, %dma_start3A_601] : memref<80x128xf32, #tpu.memory_space<vmem>> -> memref<80x128xf32, #tpu.memory_space<vmem>>
          tpu.enqueue_dma source(%dma_start3A_602 : memref<80x128xf32, #tpu.memory_space<vmem>>) target(%dma_start3A_599 : memref<80x128xf32, #tpu.memory_space<hbm>>) target_semaphore(%run_scoped3A : memref<!tpu.dma_semaphore, #tpu.memory_space<semaphore_mem>>)
          %dma_wait3A = arith.constant 0 : i32
          %dma_wait3A_603 = arith.constant 0 : i32
          %dma_wait3A_604 = tpu.memref_slice %arg12[%dma_wait3A, %dma_wait3A_603] : memref<80x128xf32, #tpu.memory_space<vmem>> -> memref<80x128xf32, #tpu.memory_space<vmem>>
          %dma_wait3A_605 = arith.constant 0 : i32
          %dma_wait3A_606 = tpu.memref_slice %arg8[%add3A_446, %dma_wait3A_605] : memref<10000x128xf32, #tpu.memory_space<hbm>> -> memref<80x128xf32, #tpu.memory_space<hbm>>
          %dma_wait3A_607 = arith.constant 0 : i32
          %dma_wait3A_608 = tpu.memref_slice %arg8[%add3A_446, %dma_wait3A_607] : memref<10000x128xf32, #tpu.memory_space<hbm>> -> memref<80x128xf32, #tpu.memory_space<hbm>>
          %dma_wait3A_609 = arith.constant 0 : i32
          %dma_wait3A_610 = arith.constant 0 : i32
          %dma_wait3A_611 = tpu.memref_slice %arg12[%dma_wait3A_609, %dma_wait3A_610] : memref<80x128xf32, #tpu.memory_space<vmem>> -> memref<80x128xf32, #tpu.memory_space<vmem>>
          tpu.wait_dma2 semaphore(%run_scoped3A : memref<!tpu.dma_semaphore, #tpu.memory_space<semaphore_mem>>) src(%dma_wait3A_611 : memref<80x128xf32, #tpu.memory_space<vmem>>) dst(%dma_wait3A_608 : memref<80x128xf32, #tpu.memory_space<hbm>>)
          tpu.yield
        }) : () -> ()
        %add3A_447 = arith.constant 400 : i32
        %add3A_448 = arith.addi %mul3A_143, %add3A_447 : i32
        %iota3A_449 = tpu.iota {dimensions = array<i32: 0>} : vector<16xi32>
        %add3A_450 = arith.constant 0 : i32
        %add3A_451 = arith.addi %add3A_448, %add3A_450 : i32
        %add3A_452 = vector.broadcast %add3A_451 : i32 to vector<16xi32>
        %add3A_453 = arith.addi %iota3A_449, %add3A_452 : vector<16xi32>
        %swap3A_454 = arith.constant 0 : index
        %swap3A_455 = tpu.vector_load %arg18[%swap3A_454] {strides = array<i32>} : memref<80xi32, #tpu.memory_space<vmem>>, vector<16xi32>,
        %swap3A_456 = vector.shape_cast %swap3A_455 : vector<16xi32> to vector<16xi32>
        %swap3A_457 = vector.shape_cast %add3A_453 : vector<16xi32> to vector<16xi32>
        tpu.vector_store %arg18[%swap3A_454], %swap3A_457 {strides = array<i32>} : memref<80xi32, #tpu.memory_space<vmem>>, vector<16xi32>,
        %iota3A_458 = tpu.iota {dimensions = array<i32: 0>} : vector<16xi32>
        %add3A_459 = arith.constant 16 : i32
        %add3A_460 = arith.addi %add3A_448, %add3A_459 : i32
        %add3A_461 = vector.broadcast %add3A_460 : i32 to vector<16xi32>
        %add3A_462 = arith.addi %iota3A_458, %add3A_461 : vector<16xi32>
        %swap3A_463 = arith.constant 16 : index
        %swap3A_464 = tpu.vector_load %arg18[%swap3A_463] {strides = array<i32>} : memref<80xi32, #tpu.memory_space<vmem>>, vector<16xi32>,
        %swap3A_465 = vector.shape_cast %swap3A_464 : vector<16xi32> to vector<16xi32>
        %swap3A_466 = vector.shape_cast %add3A_462 : vector<16xi32> to vector<16xi32>
        tpu.vector_store %arg18[%swap3A_463], %swap3A_466 {strides = array<i32>} : memref<80xi32, #tpu.memory_space<vmem>>, vector<16xi32>,
        %iota3A_467 = tpu.iota {dimensions = array<i32: 0>} : vector<16xi32>
        %add3A_468 = arith.constant 32 : i32
        %add3A_469 = arith.addi %add3A_448, %add3A_468 : i32
        %add3A_470 = vector.broadcast %add3A_469 : i32 to vector<16xi32>
        %add3A_471 = arith.addi %iota3A_467, %add3A_470 : vector<16xi32>
        %swap3A_472 = arith.constant 32 : index
        %swap3A_473 = tpu.vector_load %arg18[%swap3A_472] {strides = array<i32>} : memref<80xi32, #tpu.memory_space<vmem>>, vector<16xi32>,
        %swap3A_474 = vector.shape_cast %swap3A_473 : vector<16xi32> to vector<16xi32>
        %swap3A_475 = vector.shape_cast %add3A_471 : vector<16xi32> to vector<16xi32>
        tpu.vector_store %arg18[%swap3A_472], %swap3A_475 {strides = array<i32>} : memref<80xi32, #tpu.memory_space<vmem>>, vector<16xi32>,
        %iota3A_476 = tpu.iota {dimensions = array<i32: 0>} : vector<16xi32>
        %add3A_477 = arith.constant 48 : i32
        %add3A_478 = arith.addi %add3A_448, %add3A_477 : i32
        %add3A_479 = vector.broadcast %add3A_478 : i32 to vector<16xi32>
        %add3A_480 = arith.addi %iota3A_476, %add3A_479 : vector<16xi32>
        %swap3A_481 = arith.constant 48 : index
        %swap3A_482 = tpu.vector_load %arg18[%swap3A_481] {strides = array<i32>} : memref<80xi32, #tpu.memory_space<vmem>>, vector<16xi32>,
        %swap3A_483 = vector.shape_cast %swap3A_482 : vector<16xi32> to vector<16xi32>
        %swap3A_484 = vector.shape_cast %add3A_480 : vector<16xi32> to vector<16xi32>
        tpu.vector_store %arg18[%swap3A_481], %swap3A_484 {strides = array<i32>} : memref<80xi32, #tpu.memory_space<vmem>>, vector<16xi32>,
        %iota3A_485 = tpu.iota {dimensions = array<i32: 0>} : vector<16xi32>
        %add3A_486 = arith.constant 64 : i32
        %add3A_487 = arith.addi %add3A_448, %add3A_486 : i32
        %add3A_488 = vector.broadcast %add3A_487 : i32 to vector<16xi32>
        %add3A_489 = arith.addi %iota3A_485, %add3A_488 : vector<16xi32>
        %swap3A_490 = arith.constant 64 : index
        %swap3A_491 = tpu.vector_load %arg18[%swap3A_490] {strides = array<i32>} : memref<80xi32, #tpu.memory_space<vmem>>, vector<16xi32>,
        %swap3A_492 = vector.shape_cast %swap3A_491 : vector<16xi32> to vector<16xi32>
        %swap3A_493 = vector.shape_cast %add3A_489 : vector<16xi32> to vector<16xi32>
        tpu.vector_store %arg18[%swap3A_490], %swap3A_493 {strides = array<i32>} : memref<80xi32, #tpu.memory_space<vmem>>, vector<16xi32>,
        "tpu.region"() ({
          %run_scoped3A = tpu.sem_alloc : memref<!tpu.dma_semaphore, #tpu.memory_space<semaphore_mem>>
          %dma_start3A = arith.constant 0 : i32
          %dma_start3A_594 = arith.constant 0 : i32
          %dma_start3A_595 = tpu.memref_slice %arg24[%dma_start3A, %dma_start3A_594] : memref<10240x128xf32, #tpu.memory_space<vmem_shared>> -> memref<10240x128xf32, #tpu.memory_space<vmem_shared>>
          tpu.enqueue_indirect_dma source(%dma_start3A_595 : memref<10240x128xf32, #tpu.memory_space<vmem_shared>>) target(%arg12 : memref<80x128xf32, #tpu.memory_space<vmem>>) offsets(%arg18 : memref<80xi32, #tpu.memory_space<vmem>>) semaphore(%run_scoped3A : memref<!tpu.dma_semaphore, #tpu.memory_space<semaphore_mem>>)
          %dma_wait3A = arith.constant 0 : i32
          %dma_wait3A_596 = arith.constant 0 : i32
          %dma_wait3A_597 = tpu.memref_slice %arg24[%dma_wait3A, %dma_wait3A_596] : memref<10240x128xf32, #tpu.memory_space<vmem_shared>> -> memref<10240x128xf32, #tpu.memory_space<vmem_shared>>
          tpu.wait_indirect_dma semaphore(%run_scoped3A : memref<!tpu.dma_semaphore, #tpu.memory_space<semaphore_mem>>) src(%dma_wait3A_597 : memref<10240x128xf32, #tpu.memory_space<vmem_shared>>) dst(%arg12 : memref<80x128xf32, #tpu.memory_space<vmem>>)
          tpu.yield
        }) : () -> ()
        %add3A_494 = arith.constant 400 : i32
        %add3A_495 = arith.addi %mul3A_143, %add3A_494 : i32
        "tpu.region"() ({
          %run_scoped3A = tpu.sem_alloc : memref<!tpu.dma_semaphore, #tpu.memory_space<semaphore_mem>>
          %dma_start3A = arith.constant 0 : i32
          %dma_start3A_594 = arith.constant 0 : i32
          %dma_start3A_595 = tpu.memref_slice %arg12[%dma_start3A, %dma_start3A_594] : memref<80x128xf32, #tpu.memory_space<vmem>> -> memref<80x128xf32, #tpu.memory_space<vmem>>
          %dma_start3A_596 = arith.constant 0 : i32
          %dma_start3A_597 = tpu.memref_slice %arg8[%add3A_495, %dma_start3A_596] : memref<10000x128xf32, #tpu.memory_space<hbm>> -> memref<80x128xf32, #tpu.memory_space<hbm>>
          %dma_start3A_598 = arith.constant 0 : i32
          %dma_start3A_599 = tpu.memref_slice %arg8[%add3A_495, %dma_start3A_598] : memref<10000x128xf32, #tpu.memory_space<hbm>> -> memref<80x128xf32, #tpu.memory_space<hbm>>
          %dma_start3A_600 = arith.constant 0 : i32
          %dma_start3A_601 = arith.constant 0 : i32
          %dma_start3A_602 = tpu.memref_slice %arg12[%dma_start3A_600, %dma_start3A_601] : memref<80x128xf32, #tpu.memory_space<vmem>> -> memref<80x128xf32, #tpu.memory_space<vmem>>
          tpu.enqueue_dma source(%dma_start3A_602 : memref<80x128xf32, #tpu.memory_space<vmem>>) target(%dma_start3A_599 : memref<80x128xf32, #tpu.memory_space<hbm>>) target_semaphore(%run_scoped3A : memref<!tpu.dma_semaphore, #tpu.memory_space<semaphore_mem>>)
          %dma_wait3A = arith.constant 0 : i32
          %dma_wait3A_603 = arith.constant 0 : i32
          %dma_wait3A_604 = tpu.memref_slice %arg12[%dma_wait3A, %dma_wait3A_603] : memref<80x128xf32, #tpu.memory_space<vmem>> -> memref<80x128xf32, #tpu.memory_space<vmem>>
          %dma_wait3A_605 = arith.constant 0 : i32
          %dma_wait3A_606 = tpu.memref_slice %arg8[%add3A_495, %dma_wait3A_605] : memref<10000x128xf32, #tpu.memory_space<hbm>> -> memref<80x128xf32, #tpu.memory_space<hbm>>
          %dma_wait3A_607 = arith.constant 0 : i32
          %dma_wait3A_608 = tpu.memref_slice %arg8[%add3A_495, %dma_wait3A_607] : memref<10000x128xf32, #tpu.memory_space<hbm>> -> memref<80x128xf32, #tpu.memory_space<hbm>>
          %dma_wait3A_609 = arith.constant 0 : i32
          %dma_wait3A_610 = arith.constant 0 : i32
          %dma_wait3A_611 = tpu.memref_slice %arg12[%dma_wait3A_609, %dma_wait3A_610] : memref<80x128xf32, #tpu.memory_space<vmem>> -> memref<80x128xf32, #tpu.memory_space<vmem>>
          tpu.wait_dma2 semaphore(%run_scoped3A : memref<!tpu.dma_semaphore, #tpu.memory_space<semaphore_mem>>) src(%dma_wait3A_611 : memref<80x128xf32, #tpu.memory_space<vmem>>) dst(%dma_wait3A_608 : memref<80x128xf32, #tpu.memory_space<hbm>>)
          tpu.yield
        }) : () -> ()
        %add3A_496 = arith.constant 480 : i32
        %add3A_497 = arith.addi %mul3A_143, %add3A_496 : i32
        %iota3A_498 = tpu.iota {dimensions = array<i32: 0>} : vector<16xi32>
        %add3A_499 = arith.constant 0 : i32
        %add3A_500 = arith.addi %add3A_497, %add3A_499 : i32
        %add3A_501 = vector.broadcast %add3A_500 : i32 to vector<16xi32>
        %add3A_502 = arith.addi %iota3A_498, %add3A_501 : vector<16xi32>
        %swap3A_503 = arith.constant 0 : index
        %swap3A_504 = tpu.vector_load %arg18[%swap3A_503] {strides = array<i32>} : memref<80xi32, #tpu.memory_space<vmem>>, vector<16xi32>,
        %swap3A_505 = vector.shape_cast %swap3A_504 : vector<16xi32> to vector<16xi32>
        %swap3A_506 = vector.shape_cast %add3A_502 : vector<16xi32> to vector<16xi32>
        tpu.vector_store %arg18[%swap3A_503], %swap3A_506 {strides = array<i32>} : memref<80xi32, #tpu.memory_space<vmem>>, vector<16xi32>,
        %iota3A_507 = tpu.iota {dimensions = array<i32: 0>} : vector<16xi32>
        %add3A_508 = arith.constant 16 : i32
        %add3A_509 = arith.addi %add3A_497, %add3A_508 : i32
        %add3A_510 = vector.broadcast %add3A_509 : i32 to vector<16xi32>
        %add3A_511 = arith.addi %iota3A_507, %add3A_510 : vector<16xi32>
        %swap3A_512 = arith.constant 16 : index
        %swap3A_513 = tpu.vector_load %arg18[%swap3A_512] {strides = array<i32>} : memref<80xi32, #tpu.memory_space<vmem>>, vector<16xi32>,
        %swap3A_514 = vector.shape_cast %swap3A_513 : vector<16xi32> to vector<16xi32>
        %swap3A_515 = vector.shape_cast %add3A_511 : vector<16xi32> to vector<16xi32>
        tpu.vector_store %arg18[%swap3A_512], %swap3A_515 {strides = array<i32>} : memref<80xi32, #tpu.memory_space<vmem>>, vector<16xi32>,
        %iota3A_516 = tpu.iota {dimensions = array<i32: 0>} : vector<16xi32>
        %add3A_517 = arith.constant 32 : i32
        %add3A_518 = arith.addi %add3A_497, %add3A_517 : i32
        %add3A_519 = vector.broadcast %add3A_518 : i32 to vector<16xi32>
        %add3A_520 = arith.addi %iota3A_516, %add3A_519 : vector<16xi32>
        %swap3A_521 = arith.constant 32 : index
        %swap3A_522 = tpu.vector_load %arg18[%swap3A_521] {strides = array<i32>} : memref<80xi32, #tpu.memory_space<vmem>>, vector<16xi32>,
        %swap3A_523 = vector.shape_cast %swap3A_522 : vector<16xi32> to vector<16xi32>
        %swap3A_524 = vector.shape_cast %add3A_520 : vector<16xi32> to vector<16xi32>
        tpu.vector_store %arg18[%swap3A_521], %swap3A_524 {strides = array<i32>} : memref<80xi32, #tpu.memory_space<vmem>>, vector<16xi32>,
        %iota3A_525 = tpu.iota {dimensions = array<i32: 0>} : vector<16xi32>
        %add3A_526 = arith.constant 48 : i32
        %add3A_527 = arith.addi %add3A_497, %add3A_526 : i32
        %add3A_528 = vector.broadcast %add3A_527 : i32 to vector<16xi32>
        %add3A_529 = arith.addi %iota3A_525, %add3A_528 : vector<16xi32>
        %swap3A_530 = arith.constant 48 : index
        %swap3A_531 = tpu.vector_load %arg18[%swap3A_530] {strides = array<i32>} : memref<80xi32, #tpu.memory_space<vmem>>, vector<16xi32>,
        %swap3A_532 = vector.shape_cast %swap3A_531 : vector<16xi32> to vector<16xi32>
        %swap3A_533 = vector.shape_cast %add3A_529 : vector<16xi32> to vector<16xi32>
        tpu.vector_store %arg18[%swap3A_530], %swap3A_533 {strides = array<i32>} : memref<80xi32, #tpu.memory_space<vmem>>, vector<16xi32>,
        %iota3A_534 = tpu.iota {dimensions = array<i32: 0>} : vector<16xi32>
        %add3A_535 = arith.constant 64 : i32
        %add3A_536 = arith.addi %add3A_497, %add3A_535 : i32
        %add3A_537 = vector.broadcast %add3A_536 : i32 to vector<16xi32>
        %add3A_538 = arith.addi %iota3A_534, %add3A_537 : vector<16xi32>
        %swap3A_539 = arith.constant 64 : index
        %swap3A_540 = tpu.vector_load %arg18[%swap3A_539] {strides = array<i32>} : memref<80xi32, #tpu.memory_space<vmem>>, vector<16xi32>,
        %swap3A_541 = vector.shape_cast %swap3A_540 : vector<16xi32> to vector<16xi32>
        %swap3A_542 = vector.shape_cast %add3A_538 : vector<16xi32> to vector<16xi32>
        tpu.vector_store %arg18[%swap3A_539], %swap3A_542 {strides = array<i32>} : memref<80xi32, #tpu.memory_space<vmem>>, vector<16xi32>,
        "tpu.region"() ({
          %run_scoped3A = tpu.sem_alloc : memref<!tpu.dma_semaphore, #tpu.memory_space<semaphore_mem>>
          %dma_start3A = arith.constant 0 : i32
          %dma_start3A_594 = arith.constant 0 : i32
          %dma_start3A_595 = tpu.memref_slice %arg24[%dma_start3A, %dma_start3A_594] : memref<10240x128xf32, #tpu.memory_space<vmem_shared>> -> memref<10240x128xf32, #tpu.memory_space<vmem_shared>>
          tpu.enqueue_indirect_dma source(%dma_start3A_595 : memref<10240x128xf32, #tpu.memory_space<vmem_shared>>) target(%arg12 : memref<80x128xf32, #tpu.memory_space<vmem>>) offsets(%arg18 : memref<80xi32, #tpu.memory_space<vmem>>) semaphore(%run_scoped3A : memref<!tpu.dma_semaphore, #tpu.memory_space<semaphore_mem>>)
          %dma_wait3A = arith.constant 0 : i32
          %dma_wait3A_596 = arith.constant 0 : i32
          %dma_wait3A_597 = tpu.memref_slice %arg24[%dma_wait3A, %dma_wait3A_596] : memref<10240x128xf32, #tpu.memory_space<vmem_shared>> -> memref<10240x128xf32, #tpu.memory_space<vmem_shared>>
          tpu.wait_indirect_dma semaphore(%run_scoped3A : memref<!tpu.dma_semaphore, #tpu.memory_space<semaphore_mem>>) src(%dma_wait3A_597 : memref<10240x128xf32, #tpu.memory_space<vmem_shared>>) dst(%arg12 : memref<80x128xf32, #tpu.memory_space<vmem>>)
          tpu.yield
        }) : () -> ()
        %add3A_543 = arith.constant 480 : i32
        %add3A_544 = arith.addi %mul3A_143, %add3A_543 : i32
        "tpu.region"() ({
          %run_scoped3A = tpu.sem_alloc : memref<!tpu.dma_semaphore, #tpu.memory_space<semaphore_mem>>
          %dma_start3A = arith.constant 0 : i32
          %dma_start3A_594 = arith.constant 0 : i32
          %dma_start3A_595 = tpu.memref_slice %arg12[%dma_start3A, %dma_start3A_594] : memref<80x128xf32, #tpu.memory_space<vmem>> -> memref<80x128xf32, #tpu.memory_space<vmem>>
          %dma_start3A_596 = arith.constant 0 : i32
          %dma_start3A_597 = tpu.memref_slice %arg8[%add3A_544, %dma_start3A_596] : memref<10000x128xf32, #tpu.memory_space<hbm>> -> memref<80x128xf32, #tpu.memory_space<hbm>>
          %dma_start3A_598 = arith.constant 0 : i32
          %dma_start3A_599 = tpu.memref_slice %arg8[%add3A_544, %dma_start3A_598] : memref<10000x128xf32, #tpu.memory_space<hbm>> -> memref<80x128xf32, #tpu.memory_space<hbm>>
          %dma_start3A_600 = arith.constant 0 : i32
          %dma_start3A_601 = arith.constant 0 : i32
          %dma_start3A_602 = tpu.memref_slice %arg12[%dma_start3A_600, %dma_start3A_601] : memref<80x128xf32, #tpu.memory_space<vmem>> -> memref<80x128xf32, #tpu.memory_space<vmem>>
          tpu.enqueue_dma source(%dma_start3A_602 : memref<80x128xf32, #tpu.memory_space<vmem>>) target(%dma_start3A_599 : memref<80x128xf32, #tpu.memory_space<hbm>>) target_semaphore(%run_scoped3A : memref<!tpu.dma_semaphore, #tpu.memory_space<semaphore_mem>>)
          %dma_wait3A = arith.constant 0 : i32
          %dma_wait3A_603 = arith.constant 0 : i32
          %dma_wait3A_604 = tpu.memref_slice %arg12[%dma_wait3A, %dma_wait3A_603] : memref<80x128xf32, #tpu.memory_space<vmem>> -> memref<80x128xf32, #tpu.memory_space<vmem>>
          %dma_wait3A_605 = arith.constant 0 : i32
          %dma_wait3A_606 = tpu.memref_slice %arg8[%add3A_544, %dma_wait3A_605] : memref<10000x128xf32, #tpu.memory_space<hbm>> -> memref<80x128xf32, #tpu.memory_space<hbm>>
          %dma_wait3A_607 = arith.constant 0 : i32
          %dma_wait3A_608 = tpu.memref_slice %arg8[%add3A_544, %dma_wait3A_607] : memref<10000x128xf32, #tpu.memory_space<hbm>> -> memref<80x128xf32, #tpu.memory_space<hbm>>
          %dma_wait3A_609 = arith.constant 0 : i32
          %dma_wait3A_610 = arith.constant 0 : i32
          %dma_wait3A_611 = tpu.memref_slice %arg12[%dma_wait3A_609, %dma_wait3A_610] : memref<80x128xf32, #tpu.memory_space<vmem>> -> memref<80x128xf32, #tpu.memory_space<vmem>>
          tpu.wait_dma2 semaphore(%run_scoped3A : memref<!tpu.dma_semaphore, #tpu.memory_space<semaphore_mem>>) src(%dma_wait3A_611 : memref<80x128xf32, #tpu.memory_space<vmem>>) dst(%dma_wait3A_608 : memref<80x128xf32, #tpu.memory_space<hbm>>)
          tpu.yield
        }) : () -> ()
        %add3A_545 = arith.constant 560 : i32
        %add3A_546 = arith.addi %mul3A_143, %add3A_545 : i32
        %iota3A_547 = tpu.iota {dimensions = array<i32: 0>} : vector<16xi32>
        %add3A_548 = arith.constant 0 : i32
        %add3A_549 = arith.addi %add3A_546, %add3A_548 : i32
        %add3A_550 = vector.broadcast %add3A_549 : i32 to vector<16xi32>
        %add3A_551 = arith.addi %iota3A_547, %add3A_550 : vector<16xi32>
        %swap3A_552 = arith.constant 0 : index
        %swap3A_553 = tpu.vector_load %arg18[%swap3A_552] {strides = array<i32>} : memref<80xi32, #tpu.memory_space<vmem>>, vector<16xi32>,
        %swap3A_554 = vector.shape_cast %swap3A_553 : vector<16xi32> to vector<16xi32>
        %swap3A_555 = vector.shape_cast %add3A_551 : vector<16xi32> to vector<16xi32>
        tpu.vector_store %arg18[%swap3A_552], %swap3A_555 {strides = array<i32>} : memref<80xi32, #tpu.memory_space<vmem>>, vector<16xi32>,
        %iota3A_556 = tpu.iota {dimensions = array<i32: 0>} : vector<16xi32>
        %add3A_557 = arith.constant 16 : i32
        %add3A_558 = arith.addi %add3A_546, %add3A_557 : i32
        %add3A_559 = vector.broadcast %add3A_558 : i32 to vector<16xi32>
        %add3A_560 = arith.addi %iota3A_556, %add3A_559 : vector<16xi32>
        %swap3A_561 = arith.constant 16 : index
        %swap3A_562 = tpu.vector_load %arg18[%swap3A_561] {strides = array<i32>} : memref<80xi32, #tpu.memory_space<vmem>>, vector<16xi32>,
        %swap3A_563 = vector.shape_cast %swap3A_562 : vector<16xi32> to vector<16xi32>
        %swap3A_564 = vector.shape_cast %add3A_560 : vector<16xi32> to vector<16xi32>
        tpu.vector_store %arg18[%swap3A_561], %swap3A_564 {strides = array<i32>} : memref<80xi32, #tpu.memory_space<vmem>>, vector<16xi32>,
        %iota3A_565 = tpu.iota {dimensions = array<i32: 0>} : vector<16xi32>
        %add3A_566 = arith.constant 32 : i32
        %add3A_567 = arith.addi %add3A_546, %add3A_566 : i32
        %add3A_568 = vector.broadcast %add3A_567 : i32 to vector<16xi32>
        %add3A_569 = arith.addi %iota3A_565, %add3A_568 : vector<16xi32>
        %swap3A_570 = arith.constant 32 : index
        %swap3A_571 = tpu.vector_load %arg18[%swap3A_570] {strides = array<i32>} : memref<80xi32, #tpu.memory_space<vmem>>, vector<16xi32>,
        %swap3A_572 = vector.shape_cast %swap3A_571 : vector<16xi32> to vector<16xi32>
        %swap3A_573 = vector.shape_cast %add3A_569 : vector<16xi32> to vector<16xi32>
        tpu.vector_store %arg18[%swap3A_570], %swap3A_573 {strides = array<i32>} : memref<80xi32, #tpu.memory_space<vmem>>, vector<16xi32>,
        %iota3A_574 = tpu.iota {dimensions = array<i32: 0>} : vector<16xi32>
        %add3A_575 = arith.constant 48 : i32
        %add3A_576 = arith.addi %add3A_546, %add3A_575 : i32
        %add3A_577 = vector.broadcast %add3A_576 : i32 to vector<16xi32>
        %add3A_578 = arith.addi %iota3A_574, %add3A_577 : vector<16xi32>
        %swap3A_579 = arith.constant 48 : index
        %swap3A_580 = tpu.vector_load %arg18[%swap3A_579] {strides = array<i32>} : memref<80xi32, #tpu.memory_space<vmem>>, vector<16xi32>,
        %swap3A_581 = vector.shape_cast %swap3A_580 : vector<16xi32> to vector<16xi32>
        %swap3A_582 = vector.shape_cast %add3A_578 : vector<16xi32> to vector<16xi32>
        tpu.vector_store %arg18[%swap3A_579], %swap3A_582 {strides = array<i32>} : memref<80xi32, #tpu.memory_space<vmem>>, vector<16xi32>,
        %iota3A_583 = tpu.iota {dimensions = array<i32: 0>} : vector<16xi32>
        %add3A_584 = arith.constant 64 : i32
        %add3A_585 = arith.addi %add3A_546, %add3A_584 : i32
        %add3A_586 = vector.broadcast %add3A_585 : i32 to vector<16xi32>
        %add3A_587 = arith.addi %iota3A_583, %add3A_586 : vector<16xi32>
        %swap3A_588 = arith.constant 64 : index
        %swap3A_589 = tpu.vector_load %arg18[%swap3A_588] {strides = array<i32>} : memref<80xi32, #tpu.memory_space<vmem>>, vector<16xi32>,
        %swap3A_590 = vector.shape_cast %swap3A_589 : vector<16xi32> to vector<16xi32>
        %swap3A_591 = vector.shape_cast %add3A_587 : vector<16xi32> to vector<16xi32>
        tpu.vector_store %arg18[%swap3A_588], %swap3A_591 {strides = array<i32>} : memref<80xi32, #tpu.memory_space<vmem>>, vector<16xi32>,
        "tpu.region"() ({
          %run_scoped3A = tpu.sem_alloc : memref<!tpu.dma_semaphore, #tpu.memory_space<semaphore_mem>>
          %dma_start3A = arith.constant 0 : i32
          %dma_start3A_594 = arith.constant 0 : i32
          %dma_start3A_595 = tpu.memref_slice %arg24[%dma_start3A, %dma_start3A_594] : memref<10240x128xf32, #tpu.memory_space<vmem_shared>> -> memref<10240x128xf32, #tpu.memory_space<vmem_shared>>
          tpu.enqueue_indirect_dma source(%dma_start3A_595 : memref<10240x128xf32, #tpu.memory_space<vmem_shared>>) target(%arg12 : memref<80x128xf32, #tpu.memory_space<vmem>>) offsets(%arg18 : memref<80xi32, #tpu.memory_space<vmem>>) semaphore(%run_scoped3A : memref<!tpu.dma_semaphore, #tpu.memory_space<semaphore_mem>>)
          %dma_wait3A = arith.constant 0 : i32
          %dma_wait3A_596 = arith.constant 0 : i32
          %dma_wait3A_597 = tpu.memref_slice %arg24[%dma_wait3A, %dma_wait3A_596] : memref<10240x128xf32, #tpu.memory_space<vmem_shared>> -> memref<10240x128xf32, #tpu.memory_space<vmem_shared>>
          tpu.wait_indirect_dma semaphore(%run_scoped3A : memref<!tpu.dma_semaphore, #tpu.memory_space<semaphore_mem>>) src(%dma_wait3A_597 : memref<10240x128xf32, #tpu.memory_space<vmem_shared>>) dst(%arg12 : memref<80x128xf32, #tpu.memory_space<vmem>>)
          tpu.yield
        }) : () -> ()
        %add3A_592 = arith.constant 560 : i32
        %add3A_593 = arith.addi %mul3A_143, %add3A_592 : i32
        "tpu.region"() ({
          %run_scoped3A = tpu.sem_alloc : memref<!tpu.dma_semaphore, #tpu.memory_space<semaphore_mem>>
          %dma_start3A = arith.constant 0 : i32
          %dma_start3A_594 = arith.constant 0 : i32
          %dma_start3A_595 = tpu.memref_slice %arg12[%dma_start3A, %dma_start3A_594] : memref<80x128xf32, #tpu.memory_space<vmem>> -> memref<72x128xf32, #tpu.memory_space<vmem>>
          %dma_start3A_596 = arith.constant 0 : i32
          %dma_start3A_597 = tpu.memref_slice %arg8[%add3A_593, %dma_start3A_596] : memref<10000x128xf32, #tpu.memory_space<hbm>> -> memref<72x128xf32, #tpu.memory_space<hbm>>
          %dma_start3A_598 = arith.constant 0 : i32
          %dma_start3A_599 = tpu.memref_slice %arg8[%add3A_593, %dma_start3A_598] : memref<10000x128xf32, #tpu.memory_space<hbm>> -> memref<72x128xf32, #tpu.memory_space<hbm>>
          %dma_start3A_600 = arith.constant 0 : i32
          %dma_start3A_601 = arith.constant 0 : i32
          %dma_start3A_602 = tpu.memref_slice %arg12[%dma_start3A_600, %dma_start3A_601] : memref<80x128xf32, #tpu.memory_space<vmem>> -> memref<72x128xf32, #tpu.memory_space<vmem>>
          tpu.enqueue_dma source(%dma_start3A_602 : memref<72x128xf32, #tpu.memory_space<vmem>>) target(%dma_start3A_599 : memref<72x128xf32, #tpu.memory_space<hbm>>) target_semaphore(%run_scoped3A : memref<!tpu.dma_semaphore, #tpu.memory_space<semaphore_mem>>)
          %dma_wait3A = arith.constant 0 : i32
          %dma_wait3A_603 = arith.constant 0 : i32
          %dma_wait3A_604 = tpu.memref_slice %arg12[%dma_wait3A, %dma_wait3A_603] : memref<80x128xf32, #tpu.memory_space<vmem>> -> memref<72x128xf32, #tpu.memory_space<vmem>>
          %dma_wait3A_605 = arith.constant 0 : i32
          %dma_wait3A_606 = tpu.memref_slice %arg8[%add3A_593, %dma_wait3A_605] : memref<10000x128xf32, #tpu.memory_space<hbm>> -> memref<72x128xf32, #tpu.memory_space<hbm>>
          %dma_wait3A_607 = arith.constant 0 : i32
          %dma_wait3A_608 = tpu.memref_slice %arg8[%add3A_593, %dma_wait3A_607] : memref<10000x128xf32, #tpu.memory_space<hbm>> -> memref<72x128xf32, #tpu.memory_space<hbm>>
          %dma_wait3A_609 = arith.constant 0 : i32
          %dma_wait3A_610 = arith.constant 0 : i32
          %dma_wait3A_611 = tpu.memref_slice %arg12[%dma_wait3A_609, %dma_wait3A_610] : memref<80x128xf32, #tpu.memory_space<vmem>> -> memref<72x128xf32, #tpu.memory_space<vmem>>
          tpu.wait_dma2 semaphore(%run_scoped3A : memref<!tpu.dma_semaphore, #tpu.memory_space<semaphore_mem>>) src(%dma_wait3A_611 : memref<72x128xf32, #tpu.memory_space<vmem>>) dst(%dma_wait3A_608 : memref<72x128xf32, #tpu.memory_space<hbm>>)
          tpu.yield
        }) : () -> ()
      } else {
      }
      %eq3A_148 = arith.constant 15 : i32
      %eq3A_149 = arith.cmpi eq, %arg1, %eq3A_148 : i32
      %convert_element_type3A_150 = arith.extui %eq3A_149 : i1 to i32
      %cond3A_151 = arith.constant 0 : i32
      %cond3A_152 = arith.cmpi ne, %convert_element_type3A_150, %cond3A_151 : i32
      scf.if %cond3A_152 {
        %add3A_202 = arith.constant 0 : i32
        %add3A_203 = arith.addi %mul3A_143, %add3A_202 : i32
        %iota3A_204 = tpu.iota {dimensions = array<i32: 0>} : vector<16xi32>
        %add3A_205 = arith.constant 0 : i32
        %add3A_206 = arith.addi %add3A_203, %add3A_205 : i32
        %add3A_207 = vector.broadcast %add3A_206 : i32 to vector<16xi32>
        %add3A_208 = arith.addi %iota3A_204, %add3A_207 : vector<16xi32>
        %swap3A_209 = arith.constant 0 : index
        %swap3A_210 = tpu.vector_load %arg18[%swap3A_209] {strides = array<i32>} : memref<80xi32, #tpu.memory_space<vmem>>, vector<16xi32>,
        %swap3A_211 = vector.shape_cast %swap3A_210 : vector<16xi32> to vector<16xi32>
        %swap3A_212 = vector.shape_cast %add3A_208 : vector<16xi32> to vector<16xi32>
        tpu.vector_store %arg18[%swap3A_209], %swap3A_212 {strides = array<i32>} : memref<80xi32, #tpu.memory_space<vmem>>, vector<16xi32>,
        %iota3A_213 = tpu.iota {dimensions = array<i32: 0>} : vector<16xi32>
        %add3A_214 = arith.constant 16 : i32
        %add3A_215 = arith.addi %add3A_203, %add3A_214 : i32
        %add3A_216 = vector.broadcast %add3A_215 : i32 to vector<16xi32>
        %add3A_217 = arith.addi %iota3A_213, %add3A_216 : vector<16xi32>
        %swap3A_218 = arith.constant 16 : index
        %swap3A_219 = tpu.vector_load %arg18[%swap3A_218] {strides = array<i32>} : memref<80xi32, #tpu.memory_space<vmem>>, vector<16xi32>,
        %swap3A_220 = vector.shape_cast %swap3A_219 : vector<16xi32> to vector<16xi32>
        %swap3A_221 = vector.shape_cast %add3A_217 : vector<16xi32> to vector<16xi32>
        tpu.vector_store %arg18[%swap3A_218], %swap3A_221 {strides = array<i32>} : memref<80xi32, #tpu.memory_space<vmem>>, vector<16xi32>,
        %iota3A_222 = tpu.iota {dimensions = array<i32: 0>} : vector<16xi32>
        %add3A_223 = arith.constant 32 : i32
        %add3A_224 = arith.addi %add3A_203, %add3A_223 : i32
        %add3A_225 = vector.broadcast %add3A_224 : i32 to vector<16xi32>
        %add3A_226 = arith.addi %iota3A_222, %add3A_225 : vector<16xi32>
        %swap3A_227 = arith.constant 32 : index
        %swap3A_228 = tpu.vector_load %arg18[%swap3A_227] {strides = array<i32>} : memref<80xi32, #tpu.memory_space<vmem>>, vector<16xi32>,
        %swap3A_229 = vector.shape_cast %swap3A_228 : vector<16xi32> to vector<16xi32>
        %swap3A_230 = vector.shape_cast %add3A_226 : vector<16xi32> to vector<16xi32>
        tpu.vector_store %arg18[%swap3A_227], %swap3A_230 {strides = array<i32>} : memref<80xi32, #tpu.memory_space<vmem>>, vector<16xi32>,
        %iota3A_231 = tpu.iota {dimensions = array<i32: 0>} : vector<16xi32>
        %add3A_232 = arith.constant 48 : i32
        %add3A_233 = arith.addi %add3A_203, %add3A_232 : i32
        %add3A_234 = vector.broadcast %add3A_233 : i32 to vector<16xi32>
        %add3A_235 = arith.addi %iota3A_231, %add3A_234 : vector<16xi32>
        %swap3A_236 = arith.constant 48 : index
        %swap3A_237 = tpu.vector_load %arg18[%swap3A_236] {strides = array<i32>} : memref<80xi32, #tpu.memory_space<vmem>>, vector<16xi32>,
        %swap3A_238 = vector.shape_cast %swap3A_237 : vector<16xi32> to vector<16xi32>
        %swap3A_239 = vector.shape_cast %add3A_235 : vector<16xi32> to vector<16xi32>
        tpu.vector_store %arg18[%swap3A_236], %swap3A_239 {strides = array<i32>} : memref<80xi32, #tpu.memory_space<vmem>>, vector<16xi32>,
        %iota3A_240 = tpu.iota {dimensions = array<i32: 0>} : vector<16xi32>
        %add3A_241 = arith.constant 64 : i32
        %add3A_242 = arith.addi %add3A_203, %add3A_241 : i32
        %add3A_243 = vector.broadcast %add3A_242 : i32 to vector<16xi32>
        %add3A_244 = arith.addi %iota3A_240, %add3A_243 : vector<16xi32>
        %swap3A_245 = arith.constant 64 : index
        %swap3A_246 = tpu.vector_load %arg18[%swap3A_245] {strides = array<i32>} : memref<80xi32, #tpu.memory_space<vmem>>, vector<16xi32>,
        %swap3A_247 = vector.shape_cast %swap3A_246 : vector<16xi32> to vector<16xi32>
        %swap3A_248 = vector.shape_cast %add3A_244 : vector<16xi32> to vector<16xi32>
        tpu.vector_store %arg18[%swap3A_245], %swap3A_248 {strides = array<i32>} : memref<80xi32, #tpu.memory_space<vmem>>, vector<16xi32>,
        "tpu.region"() ({
          %run_scoped3A = tpu.sem_alloc : memref<!tpu.dma_semaphore, #tpu.memory_space<semaphore_mem>>
          %dma_start3A = arith.constant 0 : i32
          %dma_start3A_545 = arith.constant 0 : i32
          %dma_start3A_546 = tpu.memref_slice %arg24[%dma_start3A, %dma_start3A_545] : memref<10240x128xf32, #tpu.memory_space<vmem_shared>> -> memref<10240x128xf32, #tpu.memory_space<vmem_shared>>
          tpu.enqueue_indirect_dma source(%dma_start3A_546 : memref<10240x128xf32, #tpu.memory_space<vmem_shared>>) target(%arg12 : memref<80x128xf32, #tpu.memory_space<vmem>>) offsets(%arg18 : memref<80xi32, #tpu.memory_space<vmem>>) semaphore(%run_scoped3A : memref<!tpu.dma_semaphore, #tpu.memory_space<semaphore_mem>>)
          %dma_wait3A = arith.constant 0 : i32
          %dma_wait3A_547 = arith.constant 0 : i32
          %dma_wait3A_548 = tpu.memref_slice %arg24[%dma_wait3A, %dma_wait3A_547] : memref<10240x128xf32, #tpu.memory_space<vmem_shared>> -> memref<10240x128xf32, #tpu.memory_space<vmem_shared>>
          tpu.wait_indirect_dma semaphore(%run_scoped3A : memref<!tpu.dma_semaphore, #tpu.memory_space<semaphore_mem>>) src(%dma_wait3A_548 : memref<10240x128xf32, #tpu.memory_space<vmem_shared>>) dst(%arg12 : memref<80x128xf32, #tpu.memory_space<vmem>>)
          tpu.yield
        }) : () -> ()
        %add3A_249 = arith.constant 0 : i32
        %add3A_250 = arith.addi %mul3A_143, %add3A_249 : i32
        "tpu.region"() ({
          %run_scoped3A = tpu.sem_alloc : memref<!tpu.dma_semaphore, #tpu.memory_space<semaphore_mem>>
          %dma_start3A = arith.constant 0 : i32
          %dma_start3A_545 = arith.constant 0 : i32
          %dma_start3A_546 = tpu.memref_slice %arg12[%dma_start3A, %dma_start3A_545] : memref<80x128xf32, #tpu.memory_space<vmem>> -> memref<80x128xf32, #tpu.memory_space<vmem>>
          %dma_start3A_547 = arith.constant 0 : i32
          %dma_start3A_548 = tpu.memref_slice %arg8[%add3A_250, %dma_start3A_547] : memref<10000x128xf32, #tpu.memory_space<hbm>> -> memref<80x128xf32, #tpu.memory_space<hbm>>
          %dma_start3A_549 = arith.constant 0 : i32
          %dma_start3A_550 = tpu.memref_slice %arg8[%add3A_250, %dma_start3A_549] : memref<10000x128xf32, #tpu.memory_space<hbm>> -> memref<80x128xf32, #tpu.memory_space<hbm>>
          %dma_start3A_551 = arith.constant 0 : i32
          %dma_start3A_552 = arith.constant 0 : i32
          %dma_start3A_553 = tpu.memref_slice %arg12[%dma_start3A_551, %dma_start3A_552] : memref<80x128xf32, #tpu.memory_space<vmem>> -> memref<80x128xf32, #tpu.memory_space<vmem>>
          tpu.enqueue_dma source(%dma_start3A_553 : memref<80x128xf32, #tpu.memory_space<vmem>>) target(%dma_start3A_550 : memref<80x128xf32, #tpu.memory_space<hbm>>) target_semaphore(%run_scoped3A : memref<!tpu.dma_semaphore, #tpu.memory_space<semaphore_mem>>)
          %dma_wait3A = arith.constant 0 : i32
          %dma_wait3A_554 = arith.constant 0 : i32
          %dma_wait3A_555 = tpu.memref_slice %arg12[%dma_wait3A, %dma_wait3A_554] : memref<80x128xf32, #tpu.memory_space<vmem>> -> memref<80x128xf32, #tpu.memory_space<vmem>>
          %dma_wait3A_556 = arith.constant 0 : i32
          %dma_wait3A_557 = tpu.memref_slice %arg8[%add3A_250, %dma_wait3A_556] : memref<10000x128xf32, #tpu.memory_space<hbm>> -> memref<80x128xf32, #tpu.memory_space<hbm>>
          %dma_wait3A_558 = arith.constant 0 : i32
          %dma_wait3A_559 = tpu.memref_slice %arg8[%add3A_250, %dma_wait3A_558] : memref<10000x128xf32, #tpu.memory_space<hbm>> -> memref<80x128xf32, #tpu.memory_space<hbm>>
          %dma_wait3A_560 = arith.constant 0 : i32
          %dma_wait3A_561 = arith.constant 0 : i32
          %dma_wait3A_562 = tpu.memref_slice %arg12[%dma_wait3A_560, %dma_wait3A_561] : memref<80x128xf32, #tpu.memory_space<vmem>> -> memref<80x128xf32, #tpu.memory_space<vmem>>
          tpu.wait_dma2 semaphore(%run_scoped3A : memref<!tpu.dma_semaphore, #tpu.memory_space<semaphore_mem>>) src(%dma_wait3A_562 : memref<80x128xf32, #tpu.memory_space<vmem>>) dst(%dma_wait3A_559 : memref<80x128xf32, #tpu.memory_space<hbm>>)
          tpu.yield
        }) : () -> ()
        %add3A_251 = arith.constant 80 : i32
        %add3A_252 = arith.addi %mul3A_143, %add3A_251 : i32
        %iota3A_253 = tpu.iota {dimensions = array<i32: 0>} : vector<16xi32>
        %add3A_254 = arith.constant 0 : i32
        %add3A_255 = arith.addi %add3A_252, %add3A_254 : i32
        %add3A_256 = vector.broadcast %add3A_255 : i32 to vector<16xi32>
        %add3A_257 = arith.addi %iota3A_253, %add3A_256 : vector<16xi32>
        %swap3A_258 = arith.constant 0 : index
        %swap3A_259 = tpu.vector_load %arg18[%swap3A_258] {strides = array<i32>} : memref<80xi32, #tpu.memory_space<vmem>>, vector<16xi32>,
        %swap3A_260 = vector.shape_cast %swap3A_259 : vector<16xi32> to vector<16xi32>
        %swap3A_261 = vector.shape_cast %add3A_257 : vector<16xi32> to vector<16xi32>
        tpu.vector_store %arg18[%swap3A_258], %swap3A_261 {strides = array<i32>} : memref<80xi32, #tpu.memory_space<vmem>>, vector<16xi32>,
        %iota3A_262 = tpu.iota {dimensions = array<i32: 0>} : vector<16xi32>
        %add3A_263 = arith.constant 16 : i32
        %add3A_264 = arith.addi %add3A_252, %add3A_263 : i32
        %add3A_265 = vector.broadcast %add3A_264 : i32 to vector<16xi32>
        %add3A_266 = arith.addi %iota3A_262, %add3A_265 : vector<16xi32>
        %swap3A_267 = arith.constant 16 : index
        %swap3A_268 = tpu.vector_load %arg18[%swap3A_267] {strides = array<i32>} : memref<80xi32, #tpu.memory_space<vmem>>, vector<16xi32>,
        %swap3A_269 = vector.shape_cast %swap3A_268 : vector<16xi32> to vector<16xi32>
        %swap3A_270 = vector.shape_cast %add3A_266 : vector<16xi32> to vector<16xi32>
        tpu.vector_store %arg18[%swap3A_267], %swap3A_270 {strides = array<i32>} : memref<80xi32, #tpu.memory_space<vmem>>, vector<16xi32>,
        %iota3A_271 = tpu.iota {dimensions = array<i32: 0>} : vector<16xi32>
        %add3A_272 = arith.constant 32 : i32
        %add3A_273 = arith.addi %add3A_252, %add3A_272 : i32
        %add3A_274 = vector.broadcast %add3A_273 : i32 to vector<16xi32>
        %add3A_275 = arith.addi %iota3A_271, %add3A_274 : vector<16xi32>
        %swap3A_276 = arith.constant 32 : index
        %swap3A_277 = tpu.vector_load %arg18[%swap3A_276] {strides = array<i32>} : memref<80xi32, #tpu.memory_space<vmem>>, vector<16xi32>,
        %swap3A_278 = vector.shape_cast %swap3A_277 : vector<16xi32> to vector<16xi32>
        %swap3A_279 = vector.shape_cast %add3A_275 : vector<16xi32> to vector<16xi32>
        tpu.vector_store %arg18[%swap3A_276], %swap3A_279 {strides = array<i32>} : memref<80xi32, #tpu.memory_space<vmem>>, vector<16xi32>,
        %iota3A_280 = tpu.iota {dimensions = array<i32: 0>} : vector<16xi32>
        %add3A_281 = arith.constant 48 : i32
        %add3A_282 = arith.addi %add3A_252, %add3A_281 : i32
        %add3A_283 = vector.broadcast %add3A_282 : i32 to vector<16xi32>
        %add3A_284 = arith.addi %iota3A_280, %add3A_283 : vector<16xi32>
        %swap3A_285 = arith.constant 48 : index
        %swap3A_286 = tpu.vector_load %arg18[%swap3A_285] {strides = array<i32>} : memref<80xi32, #tpu.memory_space<vmem>>, vector<16xi32>,
        %swap3A_287 = vector.shape_cast %swap3A_286 : vector<16xi32> to vector<16xi32>
        %swap3A_288 = vector.shape_cast %add3A_284 : vector<16xi32> to vector<16xi32>
        tpu.vector_store %arg18[%swap3A_285], %swap3A_288 {strides = array<i32>} : memref<80xi32, #tpu.memory_space<vmem>>, vector<16xi32>,
        %iota3A_289 = tpu.iota {dimensions = array<i32: 0>} : vector<16xi32>
        %add3A_290 = arith.constant 64 : i32
        %add3A_291 = arith.addi %add3A_252, %add3A_290 : i32
        %add3A_292 = vector.broadcast %add3A_291 : i32 to vector<16xi32>
        %add3A_293 = arith.addi %iota3A_289, %add3A_292 : vector<16xi32>
        %swap3A_294 = arith.constant 64 : index
        %swap3A_295 = tpu.vector_load %arg18[%swap3A_294] {strides = array<i32>} : memref<80xi32, #tpu.memory_space<vmem>>, vector<16xi32>,
        %swap3A_296 = vector.shape_cast %swap3A_295 : vector<16xi32> to vector<16xi32>
        %swap3A_297 = vector.shape_cast %add3A_293 : vector<16xi32> to vector<16xi32>
        tpu.vector_store %arg18[%swap3A_294], %swap3A_297 {strides = array<i32>} : memref<80xi32, #tpu.memory_space<vmem>>, vector<16xi32>,
        "tpu.region"() ({
          %run_scoped3A = tpu.sem_alloc : memref<!tpu.dma_semaphore, #tpu.memory_space<semaphore_mem>>
          %dma_start3A = arith.constant 0 : i32
          %dma_start3A_545 = arith.constant 0 : i32
          %dma_start3A_546 = tpu.memref_slice %arg24[%dma_start3A, %dma_start3A_545] : memref<10240x128xf32, #tpu.memory_space<vmem_shared>> -> memref<10240x128xf32, #tpu.memory_space<vmem_shared>>
          tpu.enqueue_indirect_dma source(%dma_start3A_546 : memref<10240x128xf32, #tpu.memory_space<vmem_shared>>) target(%arg12 : memref<80x128xf32, #tpu.memory_space<vmem>>) offsets(%arg18 : memref<80xi32, #tpu.memory_space<vmem>>) semaphore(%run_scoped3A : memref<!tpu.dma_semaphore, #tpu.memory_space<semaphore_mem>>)
          %dma_wait3A = arith.constant 0 : i32
          %dma_wait3A_547 = arith.constant 0 : i32
          %dma_wait3A_548 = tpu.memref_slice %arg24[%dma_wait3A, %dma_wait3A_547] : memref<10240x128xf32, #tpu.memory_space<vmem_shared>> -> memref<10240x128xf32, #tpu.memory_space<vmem_shared>>
          tpu.wait_indirect_dma semaphore(%run_scoped3A : memref<!tpu.dma_semaphore, #tpu.memory_space<semaphore_mem>>) src(%dma_wait3A_548 : memref<10240x128xf32, #tpu.memory_space<vmem_shared>>) dst(%arg12 : memref<80x128xf32, #tpu.memory_space<vmem>>)
          tpu.yield
        }) : () -> ()
        %add3A_298 = arith.constant 80 : i32
        %add3A_299 = arith.addi %mul3A_143, %add3A_298 : i32
        "tpu.region"() ({
          %run_scoped3A = tpu.sem_alloc : memref<!tpu.dma_semaphore, #tpu.memory_space<semaphore_mem>>
          %dma_start3A = arith.constant 0 : i32
          %dma_start3A_545 = arith.constant 0 : i32
          %dma_start3A_546 = tpu.memref_slice %arg12[%dma_start3A, %dma_start3A_545] : memref<80x128xf32, #tpu.memory_space<vmem>> -> memref<80x128xf32, #tpu.memory_space<vmem>>
          %dma_start3A_547 = arith.constant 0 : i32
          %dma_start3A_548 = tpu.memref_slice %arg8[%add3A_299, %dma_start3A_547] : memref<10000x128xf32, #tpu.memory_space<hbm>> -> memref<80x128xf32, #tpu.memory_space<hbm>>
          %dma_start3A_549 = arith.constant 0 : i32
          %dma_start3A_550 = tpu.memref_slice %arg8[%add3A_299, %dma_start3A_549] : memref<10000x128xf32, #tpu.memory_space<hbm>> -> memref<80x128xf32, #tpu.memory_space<hbm>>
          %dma_start3A_551 = arith.constant 0 : i32
          %dma_start3A_552 = arith.constant 0 : i32
          %dma_start3A_553 = tpu.memref_slice %arg12[%dma_start3A_551, %dma_start3A_552] : memref<80x128xf32, #tpu.memory_space<vmem>> -> memref<80x128xf32, #tpu.memory_space<vmem>>
          tpu.enqueue_dma source(%dma_start3A_553 : memref<80x128xf32, #tpu.memory_space<vmem>>) target(%dma_start3A_550 : memref<80x128xf32, #tpu.memory_space<hbm>>) target_semaphore(%run_scoped3A : memref<!tpu.dma_semaphore, #tpu.memory_space<semaphore_mem>>)
          %dma_wait3A = arith.constant 0 : i32
          %dma_wait3A_554 = arith.constant 0 : i32
          %dma_wait3A_555 = tpu.memref_slice %arg12[%dma_wait3A, %dma_wait3A_554] : memref<80x128xf32, #tpu.memory_space<vmem>> -> memref<80x128xf32, #tpu.memory_space<vmem>>
          %dma_wait3A_556 = arith.constant 0 : i32
          %dma_wait3A_557 = tpu.memref_slice %arg8[%add3A_299, %dma_wait3A_556] : memref<10000x128xf32, #tpu.memory_space<hbm>> -> memref<80x128xf32, #tpu.memory_space<hbm>>
          %dma_wait3A_558 = arith.constant 0 : i32
          %dma_wait3A_559 = tpu.memref_slice %arg8[%add3A_299, %dma_wait3A_558] : memref<10000x128xf32, #tpu.memory_space<hbm>> -> memref<80x128xf32, #tpu.memory_space<hbm>>
          %dma_wait3A_560 = arith.constant 0 : i32
          %dma_wait3A_561 = arith.constant 0 : i32
          %dma_wait3A_562 = tpu.memref_slice %arg12[%dma_wait3A_560, %dma_wait3A_561] : memref<80x128xf32, #tpu.memory_space<vmem>> -> memref<80x128xf32, #tpu.memory_space<vmem>>
          tpu.wait_dma2 semaphore(%run_scoped3A : memref<!tpu.dma_semaphore, #tpu.memory_space<semaphore_mem>>) src(%dma_wait3A_562 : memref<80x128xf32, #tpu.memory_space<vmem>>) dst(%dma_wait3A_559 : memref<80x128xf32, #tpu.memory_space<hbm>>)
          tpu.yield
        }) : () -> ()
        %add3A_300 = arith.constant 160 : i32
        %add3A_301 = arith.addi %mul3A_143, %add3A_300 : i32
        %iota3A_302 = tpu.iota {dimensions = array<i32: 0>} : vector<16xi32>
        %add3A_303 = arith.constant 0 : i32
        %add3A_304 = arith.addi %add3A_301, %add3A_303 : i32
        %add3A_305 = vector.broadcast %add3A_304 : i32 to vector<16xi32>
        %add3A_306 = arith.addi %iota3A_302, %add3A_305 : vector<16xi32>
        %swap3A_307 = arith.constant 0 : index
        %swap3A_308 = tpu.vector_load %arg18[%swap3A_307] {strides = array<i32>} : memref<80xi32, #tpu.memory_space<vmem>>, vector<16xi32>,
        %swap3A_309 = vector.shape_cast %swap3A_308 : vector<16xi32> to vector<16xi32>
        %swap3A_310 = vector.shape_cast %add3A_306 : vector<16xi32> to vector<16xi32>
        tpu.vector_store %arg18[%swap3A_307], %swap3A_310 {strides = array<i32>} : memref<80xi32, #tpu.memory_space<vmem>>, vector<16xi32>,
        %iota3A_311 = tpu.iota {dimensions = array<i32: 0>} : vector<16xi32>
        %add3A_312 = arith.constant 16 : i32
        %add3A_313 = arith.addi %add3A_301, %add3A_312 : i32
        %add3A_314 = vector.broadcast %add3A_313 : i32 to vector<16xi32>
        %add3A_315 = arith.addi %iota3A_311, %add3A_314 : vector<16xi32>
        %swap3A_316 = arith.constant 16 : index
        %swap3A_317 = tpu.vector_load %arg18[%swap3A_316] {strides = array<i32>} : memref<80xi32, #tpu.memory_space<vmem>>, vector<16xi32>,
        %swap3A_318 = vector.shape_cast %swap3A_317 : vector<16xi32> to vector<16xi32>
        %swap3A_319 = vector.shape_cast %add3A_315 : vector<16xi32> to vector<16xi32>
        tpu.vector_store %arg18[%swap3A_316], %swap3A_319 {strides = array<i32>} : memref<80xi32, #tpu.memory_space<vmem>>, vector<16xi32>,
        %iota3A_320 = tpu.iota {dimensions = array<i32: 0>} : vector<16xi32>
        %add3A_321 = arith.constant 32 : i32
        %add3A_322 = arith.addi %add3A_301, %add3A_321 : i32
        %add3A_323 = vector.broadcast %add3A_322 : i32 to vector<16xi32>
        %add3A_324 = arith.addi %iota3A_320, %add3A_323 : vector<16xi32>
        %swap3A_325 = arith.constant 32 : index
        %swap3A_326 = tpu.vector_load %arg18[%swap3A_325] {strides = array<i32>} : memref<80xi32, #tpu.memory_space<vmem>>, vector<16xi32>,
        %swap3A_327 = vector.shape_cast %swap3A_326 : vector<16xi32> to vector<16xi32>
        %swap3A_328 = vector.shape_cast %add3A_324 : vector<16xi32> to vector<16xi32>
        tpu.vector_store %arg18[%swap3A_325], %swap3A_328 {strides = array<i32>} : memref<80xi32, #tpu.memory_space<vmem>>, vector<16xi32>,
        %iota3A_329 = tpu.iota {dimensions = array<i32: 0>} : vector<16xi32>
        %add3A_330 = arith.constant 48 : i32
        %add3A_331 = arith.addi %add3A_301, %add3A_330 : i32
        %add3A_332 = vector.broadcast %add3A_331 : i32 to vector<16xi32>
        %add3A_333 = arith.addi %iota3A_329, %add3A_332 : vector<16xi32>
        %swap3A_334 = arith.constant 48 : index
        %swap3A_335 = tpu.vector_load %arg18[%swap3A_334] {strides = array<i32>} : memref<80xi32, #tpu.memory_space<vmem>>, vector<16xi32>,
        %swap3A_336 = vector.shape_cast %swap3A_335 : vector<16xi32> to vector<16xi32>
        %swap3A_337 = vector.shape_cast %add3A_333 : vector<16xi32> to vector<16xi32>
        tpu.vector_store %arg18[%swap3A_334], %swap3A_337 {strides = array<i32>} : memref<80xi32, #tpu.memory_space<vmem>>, vector<16xi32>,
        %iota3A_338 = tpu.iota {dimensions = array<i32: 0>} : vector<16xi32>
        %add3A_339 = arith.constant 64 : i32
        %add3A_340 = arith.addi %add3A_301, %add3A_339 : i32
        %add3A_341 = vector.broadcast %add3A_340 : i32 to vector<16xi32>
        %add3A_342 = arith.addi %iota3A_338, %add3A_341 : vector<16xi32>
        %swap3A_343 = arith.constant 64 : index
        %swap3A_344 = tpu.vector_load %arg18[%swap3A_343] {strides = array<i32>} : memref<80xi32, #tpu.memory_space<vmem>>, vector<16xi32>,
        %swap3A_345 = vector.shape_cast %swap3A_344 : vector<16xi32> to vector<16xi32>
        %swap3A_346 = vector.shape_cast %add3A_342 : vector<16xi32> to vector<16xi32>
        tpu.vector_store %arg18[%swap3A_343], %swap3A_346 {strides = array<i32>} : memref<80xi32, #tpu.memory_space<vmem>>, vector<16xi32>,
        "tpu.region"() ({
          %run_scoped3A = tpu.sem_alloc : memref<!tpu.dma_semaphore, #tpu.memory_space<semaphore_mem>>
          %dma_start3A = arith.constant 0 : i32
          %dma_start3A_545 = arith.constant 0 : i32
          %dma_start3A_546 = tpu.memref_slice %arg24[%dma_start3A, %dma_start3A_545] : memref<10240x128xf32, #tpu.memory_space<vmem_shared>> -> memref<10240x128xf32, #tpu.memory_space<vmem_shared>>
          tpu.enqueue_indirect_dma source(%dma_start3A_546 : memref<10240x128xf32, #tpu.memory_space<vmem_shared>>) target(%arg12 : memref<80x128xf32, #tpu.memory_space<vmem>>) offsets(%arg18 : memref<80xi32, #tpu.memory_space<vmem>>) semaphore(%run_scoped3A : memref<!tpu.dma_semaphore, #tpu.memory_space<semaphore_mem>>)
          %dma_wait3A = arith.constant 0 : i32
          %dma_wait3A_547 = arith.constant 0 : i32
          %dma_wait3A_548 = tpu.memref_slice %arg24[%dma_wait3A, %dma_wait3A_547] : memref<10240x128xf32, #tpu.memory_space<vmem_shared>> -> memref<10240x128xf32, #tpu.memory_space<vmem_shared>>
          tpu.wait_indirect_dma semaphore(%run_scoped3A : memref<!tpu.dma_semaphore, #tpu.memory_space<semaphore_mem>>) src(%dma_wait3A_548 : memref<10240x128xf32, #tpu.memory_space<vmem_shared>>) dst(%arg12 : memref<80x128xf32, #tpu.memory_space<vmem>>)
          tpu.yield
        }) : () -> ()
        %add3A_347 = arith.constant 160 : i32
        %add3A_348 = arith.addi %mul3A_143, %add3A_347 : i32
        "tpu.region"() ({
          %run_scoped3A = tpu.sem_alloc : memref<!tpu.dma_semaphore, #tpu.memory_space<semaphore_mem>>
          %dma_start3A = arith.constant 0 : i32
          %dma_start3A_545 = arith.constant 0 : i32
          %dma_start3A_546 = tpu.memref_slice %arg12[%dma_start3A, %dma_start3A_545] : memref<80x128xf32, #tpu.memory_space<vmem>> -> memref<80x128xf32, #tpu.memory_space<vmem>>
          %dma_start3A_547 = arith.constant 0 : i32
          %dma_start3A_548 = tpu.memref_slice %arg8[%add3A_348, %dma_start3A_547] : memref<10000x128xf32, #tpu.memory_space<hbm>> -> memref<80x128xf32, #tpu.memory_space<hbm>>
          %dma_start3A_549 = arith.constant 0 : i32
          %dma_start3A_550 = tpu.memref_slice %arg8[%add3A_348, %dma_start3A_549] : memref<10000x128xf32, #tpu.memory_space<hbm>> -> memref<80x128xf32, #tpu.memory_space<hbm>>
          %dma_start3A_551 = arith.constant 0 : i32
          %dma_start3A_552 = arith.constant 0 : i32
          %dma_start3A_553 = tpu.memref_slice %arg12[%dma_start3A_551, %dma_start3A_552] : memref<80x128xf32, #tpu.memory_space<vmem>> -> memref<80x128xf32, #tpu.memory_space<vmem>>
          tpu.enqueue_dma source(%dma_start3A_553 : memref<80x128xf32, #tpu.memory_space<vmem>>) target(%dma_start3A_550 : memref<80x128xf32, #tpu.memory_space<hbm>>) target_semaphore(%run_scoped3A : memref<!tpu.dma_semaphore, #tpu.memory_space<semaphore_mem>>)
          %dma_wait3A = arith.constant 0 : i32
          %dma_wait3A_554 = arith.constant 0 : i32
          %dma_wait3A_555 = tpu.memref_slice %arg12[%dma_wait3A, %dma_wait3A_554] : memref<80x128xf32, #tpu.memory_space<vmem>> -> memref<80x128xf32, #tpu.memory_space<vmem>>
          %dma_wait3A_556 = arith.constant 0 : i32
          %dma_wait3A_557 = tpu.memref_slice %arg8[%add3A_348, %dma_wait3A_556] : memref<10000x128xf32, #tpu.memory_space<hbm>> -> memref<80x128xf32, #tpu.memory_space<hbm>>
          %dma_wait3A_558 = arith.constant 0 : i32
          %dma_wait3A_559 = tpu.memref_slice %arg8[%add3A_348, %dma_wait3A_558] : memref<10000x128xf32, #tpu.memory_space<hbm>> -> memref<80x128xf32, #tpu.memory_space<hbm>>
          %dma_wait3A_560 = arith.constant 0 : i32
          %dma_wait3A_561 = arith.constant 0 : i32
          %dma_wait3A_562 = tpu.memref_slice %arg12[%dma_wait3A_560, %dma_wait3A_561] : memref<80x128xf32, #tpu.memory_space<vmem>> -> memref<80x128xf32, #tpu.memory_space<vmem>>
          tpu.wait_dma2 semaphore(%run_scoped3A : memref<!tpu.dma_semaphore, #tpu.memory_space<semaphore_mem>>) src(%dma_wait3A_562 : memref<80x128xf32, #tpu.memory_space<vmem>>) dst(%dma_wait3A_559 : memref<80x128xf32, #tpu.memory_space<hbm>>)
          tpu.yield
        }) : () -> ()
        %add3A_349 = arith.constant 240 : i32
        %add3A_350 = arith.addi %mul3A_143, %add3A_349 : i32
        %iota3A_351 = tpu.iota {dimensions = array<i32: 0>} : vector<16xi32>
        %add3A_352 = arith.constant 0 : i32
        %add3A_353 = arith.addi %add3A_350, %add3A_352 : i32
        %add3A_354 = vector.broadcast %add3A_353 : i32 to vector<16xi32>
        %add3A_355 = arith.addi %iota3A_351, %add3A_354 : vector<16xi32>
        %swap3A_356 = arith.constant 0 : index
        %swap3A_357 = tpu.vector_load %arg18[%swap3A_356] {strides = array<i32>} : memref<80xi32, #tpu.memory_space<vmem>>, vector<16xi32>,
        %swap3A_358 = vector.shape_cast %swap3A_357 : vector<16xi32> to vector<16xi32>
        %swap3A_359 = vector.shape_cast %add3A_355 : vector<16xi32> to vector<16xi32>
        tpu.vector_store %arg18[%swap3A_356], %swap3A_359 {strides = array<i32>} : memref<80xi32, #tpu.memory_space<vmem>>, vector<16xi32>,
        %iota3A_360 = tpu.iota {dimensions = array<i32: 0>} : vector<16xi32>
        %add3A_361 = arith.constant 16 : i32
        %add3A_362 = arith.addi %add3A_350, %add3A_361 : i32
        %add3A_363 = vector.broadcast %add3A_362 : i32 to vector<16xi32>
        %add3A_364 = arith.addi %iota3A_360, %add3A_363 : vector<16xi32>
        %swap3A_365 = arith.constant 16 : index
        %swap3A_366 = tpu.vector_load %arg18[%swap3A_365] {strides = array<i32>} : memref<80xi32, #tpu.memory_space<vmem>>, vector<16xi32>,
        %swap3A_367 = vector.shape_cast %swap3A_366 : vector<16xi32> to vector<16xi32>
        %swap3A_368 = vector.shape_cast %add3A_364 : vector<16xi32> to vector<16xi32>
        tpu.vector_store %arg18[%swap3A_365], %swap3A_368 {strides = array<i32>} : memref<80xi32, #tpu.memory_space<vmem>>, vector<16xi32>,
        %iota3A_369 = tpu.iota {dimensions = array<i32: 0>} : vector<16xi32>
        %add3A_370 = arith.constant 32 : i32
        %add3A_371 = arith.addi %add3A_350, %add3A_370 : i32
        %add3A_372 = vector.broadcast %add3A_371 : i32 to vector<16xi32>
        %add3A_373 = arith.addi %iota3A_369, %add3A_372 : vector<16xi32>
        %swap3A_374 = arith.constant 32 : index
        %swap3A_375 = tpu.vector_load %arg18[%swap3A_374] {strides = array<i32>} : memref<80xi32, #tpu.memory_space<vmem>>, vector<16xi32>,
        %swap3A_376 = vector.shape_cast %swap3A_375 : vector<16xi32> to vector<16xi32>
        %swap3A_377 = vector.shape_cast %add3A_373 : vector<16xi32> to vector<16xi32>
        tpu.vector_store %arg18[%swap3A_374], %swap3A_377 {strides = array<i32>} : memref<80xi32, #tpu.memory_space<vmem>>, vector<16xi32>,
        %iota3A_378 = tpu.iota {dimensions = array<i32: 0>} : vector<16xi32>
        %add3A_379 = arith.constant 48 : i32
        %add3A_380 = arith.addi %add3A_350, %add3A_379 : i32
        %add3A_381 = vector.broadcast %add3A_380 : i32 to vector<16xi32>
        %add3A_382 = arith.addi %iota3A_378, %add3A_381 : vector<16xi32>
        %swap3A_383 = arith.constant 48 : index
        %swap3A_384 = tpu.vector_load %arg18[%swap3A_383] {strides = array<i32>} : memref<80xi32, #tpu.memory_space<vmem>>, vector<16xi32>,
        %swap3A_385 = vector.shape_cast %swap3A_384 : vector<16xi32> to vector<16xi32>
        %swap3A_386 = vector.shape_cast %add3A_382 : vector<16xi32> to vector<16xi32>
        tpu.vector_store %arg18[%swap3A_383], %swap3A_386 {strides = array<i32>} : memref<80xi32, #tpu.memory_space<vmem>>, vector<16xi32>,
        %iota3A_387 = tpu.iota {dimensions = array<i32: 0>} : vector<16xi32>
        %add3A_388 = arith.constant 64 : i32
        %add3A_389 = arith.addi %add3A_350, %add3A_388 : i32
        %add3A_390 = vector.broadcast %add3A_389 : i32 to vector<16xi32>
        %add3A_391 = arith.addi %iota3A_387, %add3A_390 : vector<16xi32>
        %swap3A_392 = arith.constant 64 : index
        %swap3A_393 = tpu.vector_load %arg18[%swap3A_392] {strides = array<i32>} : memref<80xi32, #tpu.memory_space<vmem>>, vector<16xi32>,
        %swap3A_394 = vector.shape_cast %swap3A_393 : vector<16xi32> to vector<16xi32>
        %swap3A_395 = vector.shape_cast %add3A_391 : vector<16xi32> to vector<16xi32>
        tpu.vector_store %arg18[%swap3A_392], %swap3A_395 {strides = array<i32>} : memref<80xi32, #tpu.memory_space<vmem>>, vector<16xi32>,
        "tpu.region"() ({
          %run_scoped3A = tpu.sem_alloc : memref<!tpu.dma_semaphore, #tpu.memory_space<semaphore_mem>>
          %dma_start3A = arith.constant 0 : i32
          %dma_start3A_545 = arith.constant 0 : i32
          %dma_start3A_546 = tpu.memref_slice %arg24[%dma_start3A, %dma_start3A_545] : memref<10240x128xf32, #tpu.memory_space<vmem_shared>> -> memref<10240x128xf32, #tpu.memory_space<vmem_shared>>
          tpu.enqueue_indirect_dma source(%dma_start3A_546 : memref<10240x128xf32, #tpu.memory_space<vmem_shared>>) target(%arg12 : memref<80x128xf32, #tpu.memory_space<vmem>>) offsets(%arg18 : memref<80xi32, #tpu.memory_space<vmem>>) semaphore(%run_scoped3A : memref<!tpu.dma_semaphore, #tpu.memory_space<semaphore_mem>>)
          %dma_wait3A = arith.constant 0 : i32
          %dma_wait3A_547 = arith.constant 0 : i32
          %dma_wait3A_548 = tpu.memref_slice %arg24[%dma_wait3A, %dma_wait3A_547] : memref<10240x128xf32, #tpu.memory_space<vmem_shared>> -> memref<10240x128xf32, #tpu.memory_space<vmem_shared>>
          tpu.wait_indirect_dma semaphore(%run_scoped3A : memref<!tpu.dma_semaphore, #tpu.memory_space<semaphore_mem>>) src(%dma_wait3A_548 : memref<10240x128xf32, #tpu.memory_space<vmem_shared>>) dst(%arg12 : memref<80x128xf32, #tpu.memory_space<vmem>>)
          tpu.yield
        }) : () -> ()
        %add3A_396 = arith.constant 240 : i32
        %add3A_397 = arith.addi %mul3A_143, %add3A_396 : i32
        "tpu.region"() ({
          %run_scoped3A = tpu.sem_alloc : memref<!tpu.dma_semaphore, #tpu.memory_space<semaphore_mem>>
          %dma_start3A = arith.constant 0 : i32
          %dma_start3A_545 = arith.constant 0 : i32
          %dma_start3A_546 = tpu.memref_slice %arg12[%dma_start3A, %dma_start3A_545] : memref<80x128xf32, #tpu.memory_space<vmem>> -> memref<80x128xf32, #tpu.memory_space<vmem>>
          %dma_start3A_547 = arith.constant 0 : i32
          %dma_start3A_548 = tpu.memref_slice %arg8[%add3A_397, %dma_start3A_547] : memref<10000x128xf32, #tpu.memory_space<hbm>> -> memref<80x128xf32, #tpu.memory_space<hbm>>
          %dma_start3A_549 = arith.constant 0 : i32
          %dma_start3A_550 = tpu.memref_slice %arg8[%add3A_397, %dma_start3A_549] : memref<10000x128xf32, #tpu.memory_space<hbm>> -> memref<80x128xf32, #tpu.memory_space<hbm>>
          %dma_start3A_551 = arith.constant 0 : i32
          %dma_start3A_552 = arith.constant 0 : i32
          %dma_start3A_553 = tpu.memref_slice %arg12[%dma_start3A_551, %dma_start3A_552] : memref<80x128xf32, #tpu.memory_space<vmem>> -> memref<80x128xf32, #tpu.memory_space<vmem>>
          tpu.enqueue_dma source(%dma_start3A_553 : memref<80x128xf32, #tpu.memory_space<vmem>>) target(%dma_start3A_550 : memref<80x128xf32, #tpu.memory_space<hbm>>) target_semaphore(%run_scoped3A : memref<!tpu.dma_semaphore, #tpu.memory_space<semaphore_mem>>)
          %dma_wait3A = arith.constant 0 : i32
          %dma_wait3A_554 = arith.constant 0 : i32
          %dma_wait3A_555 = tpu.memref_slice %arg12[%dma_wait3A, %dma_wait3A_554] : memref<80x128xf32, #tpu.memory_space<vmem>> -> memref<80x128xf32, #tpu.memory_space<vmem>>
          %dma_wait3A_556 = arith.constant 0 : i32
          %dma_wait3A_557 = tpu.memref_slice %arg8[%add3A_397, %dma_wait3A_556] : memref<10000x128xf32, #tpu.memory_space<hbm>> -> memref<80x128xf32, #tpu.memory_space<hbm>>
          %dma_wait3A_558 = arith.constant 0 : i32
          %dma_wait3A_559 = tpu.memref_slice %arg8[%add3A_397, %dma_wait3A_558] : memref<10000x128xf32, #tpu.memory_space<hbm>> -> memref<80x128xf32, #tpu.memory_space<hbm>>
          %dma_wait3A_560 = arith.constant 0 : i32
          %dma_wait3A_561 = arith.constant 0 : i32
          %dma_wait3A_562 = tpu.memref_slice %arg12[%dma_wait3A_560, %dma_wait3A_561] : memref<80x128xf32, #tpu.memory_space<vmem>> -> memref<80x128xf32, #tpu.memory_space<vmem>>
          tpu.wait_dma2 semaphore(%run_scoped3A : memref<!tpu.dma_semaphore, #tpu.memory_space<semaphore_mem>>) src(%dma_wait3A_562 : memref<80x128xf32, #tpu.memory_space<vmem>>) dst(%dma_wait3A_559 : memref<80x128xf32, #tpu.memory_space<hbm>>)
          tpu.yield
        }) : () -> ()
        %add3A_398 = arith.constant 320 : i32
        %add3A_399 = arith.addi %mul3A_143, %add3A_398 : i32
        %iota3A_400 = tpu.iota {dimensions = array<i32: 0>} : vector<16xi32>
        %add3A_401 = arith.constant 0 : i32
        %add3A_402 = arith.addi %add3A_399, %add3A_401 : i32
        %add3A_403 = vector.broadcast %add3A_402 : i32 to vector<16xi32>
        %add3A_404 = arith.addi %iota3A_400, %add3A_403 : vector<16xi32>
        %swap3A_405 = arith.constant 0 : index
        %swap3A_406 = tpu.vector_load %arg18[%swap3A_405] {strides = array<i32>} : memref<80xi32, #tpu.memory_space<vmem>>, vector<16xi32>,
        %swap3A_407 = vector.shape_cast %swap3A_406 : vector<16xi32> to vector<16xi32>
        %swap3A_408 = vector.shape_cast %add3A_404 : vector<16xi32> to vector<16xi32>
        tpu.vector_store %arg18[%swap3A_405], %swap3A_408 {strides = array<i32>} : memref<80xi32, #tpu.memory_space<vmem>>, vector<16xi32>,
        %iota3A_409 = tpu.iota {dimensions = array<i32: 0>} : vector<16xi32>
        %add3A_410 = arith.constant 16 : i32
        %add3A_411 = arith.addi %add3A_399, %add3A_410 : i32
        %add3A_412 = vector.broadcast %add3A_411 : i32 to vector<16xi32>
        %add3A_413 = arith.addi %iota3A_409, %add3A_412 : vector<16xi32>
        %swap3A_414 = arith.constant 16 : index
        %swap3A_415 = tpu.vector_load %arg18[%swap3A_414] {strides = array<i32>} : memref<80xi32, #tpu.memory_space<vmem>>, vector<16xi32>,
        %swap3A_416 = vector.shape_cast %swap3A_415 : vector<16xi32> to vector<16xi32>
        %swap3A_417 = vector.shape_cast %add3A_413 : vector<16xi32> to vector<16xi32>
        tpu.vector_store %arg18[%swap3A_414], %swap3A_417 {strides = array<i32>} : memref<80xi32, #tpu.memory_space<vmem>>, vector<16xi32>,
        %iota3A_418 = tpu.iota {dimensions = array<i32: 0>} : vector<16xi32>
        %add3A_419 = arith.constant 32 : i32
        %add3A_420 = arith.addi %add3A_399, %add3A_419 : i32
        %add3A_421 = vector.broadcast %add3A_420 : i32 to vector<16xi32>
        %add3A_422 = arith.addi %iota3A_418, %add3A_421 : vector<16xi32>
        %swap3A_423 = arith.constant 32 : index
        %swap3A_424 = tpu.vector_load %arg18[%swap3A_423] {strides = array<i32>} : memref<80xi32, #tpu.memory_space<vmem>>, vector<16xi32>,
        %swap3A_425 = vector.shape_cast %swap3A_424 : vector<16xi32> to vector<16xi32>
        %swap3A_426 = vector.shape_cast %add3A_422 : vector<16xi32> to vector<16xi32>
        tpu.vector_store %arg18[%swap3A_423], %swap3A_426 {strides = array<i32>} : memref<80xi32, #tpu.memory_space<vmem>>, vector<16xi32>,
        %iota3A_427 = tpu.iota {dimensions = array<i32: 0>} : vector<16xi32>
        %add3A_428 = arith.constant 48 : i32
        %add3A_429 = arith.addi %add3A_399, %add3A_428 : i32
        %add3A_430 = vector.broadcast %add3A_429 : i32 to vector<16xi32>
        %add3A_431 = arith.addi %iota3A_427, %add3A_430 : vector<16xi32>
        %swap3A_432 = arith.constant 48 : index
        %swap3A_433 = tpu.vector_load %arg18[%swap3A_432] {strides = array<i32>} : memref<80xi32, #tpu.memory_space<vmem>>, vector<16xi32>,
        %swap3A_434 = vector.shape_cast %swap3A_433 : vector<16xi32> to vector<16xi32>
        %swap3A_435 = vector.shape_cast %add3A_431 : vector<16xi32> to vector<16xi32>
        tpu.vector_store %arg18[%swap3A_432], %swap3A_435 {strides = array<i32>} : memref<80xi32, #tpu.memory_space<vmem>>, vector<16xi32>,
        %iota3A_436 = tpu.iota {dimensions = array<i32: 0>} : vector<16xi32>
        %add3A_437 = arith.constant 64 : i32
        %add3A_438 = arith.addi %add3A_399, %add3A_437 : i32
        %add3A_439 = vector.broadcast %add3A_438 : i32 to vector<16xi32>
        %add3A_440 = arith.addi %iota3A_436, %add3A_439 : vector<16xi32>
        %swap3A_441 = arith.constant 64 : index
        %swap3A_442 = tpu.vector_load %arg18[%swap3A_441] {strides = array<i32>} : memref<80xi32, #tpu.memory_space<vmem>>, vector<16xi32>,
        %swap3A_443 = vector.shape_cast %swap3A_442 : vector<16xi32> to vector<16xi32>
        %swap3A_444 = vector.shape_cast %add3A_440 : vector<16xi32> to vector<16xi32>
        tpu.vector_store %arg18[%swap3A_441], %swap3A_444 {strides = array<i32>} : memref<80xi32, #tpu.memory_space<vmem>>, vector<16xi32>,
        "tpu.region"() ({
          %run_scoped3A = tpu.sem_alloc : memref<!tpu.dma_semaphore, #tpu.memory_space<semaphore_mem>>
          %dma_start3A = arith.constant 0 : i32
          %dma_start3A_545 = arith.constant 0 : i32
          %dma_start3A_546 = tpu.memref_slice %arg24[%dma_start3A, %dma_start3A_545] : memref<10240x128xf32, #tpu.memory_space<vmem_shared>> -> memref<10240x128xf32, #tpu.memory_space<vmem_shared>>
          tpu.enqueue_indirect_dma source(%dma_start3A_546 : memref<10240x128xf32, #tpu.memory_space<vmem_shared>>) target(%arg12 : memref<80x128xf32, #tpu.memory_space<vmem>>) offsets(%arg18 : memref<80xi32, #tpu.memory_space<vmem>>) semaphore(%run_scoped3A : memref<!tpu.dma_semaphore, #tpu.memory_space<semaphore_mem>>)
          %dma_wait3A = arith.constant 0 : i32
          %dma_wait3A_547 = arith.constant 0 : i32
          %dma_wait3A_548 = tpu.memref_slice %arg24[%dma_wait3A, %dma_wait3A_547] : memref<10240x128xf32, #tpu.memory_space<vmem_shared>> -> memref<10240x128xf32, #tpu.memory_space<vmem_shared>>
          tpu.wait_indirect_dma semaphore(%run_scoped3A : memref<!tpu.dma_semaphore, #tpu.memory_space<semaphore_mem>>) src(%dma_wait3A_548 : memref<10240x128xf32, #tpu.memory_space<vmem_shared>>) dst(%arg12 : memref<80x128xf32, #tpu.memory_space<vmem>>)
          tpu.yield
        }) : () -> ()
        %add3A_445 = arith.constant 320 : i32
        %add3A_446 = arith.addi %mul3A_143, %add3A_445 : i32
        "tpu.region"() ({
          %run_scoped3A = tpu.sem_alloc : memref<!tpu.dma_semaphore, #tpu.memory_space<semaphore_mem>>
          %dma_start3A = arith.constant 0 : i32
          %dma_start3A_545 = arith.constant 0 : i32
          %dma_start3A_546 = tpu.memref_slice %arg12[%dma_start3A, %dma_start3A_545] : memref<80x128xf32, #tpu.memory_space<vmem>> -> memref<80x128xf32, #tpu.memory_space<vmem>>
          %dma_start3A_547 = arith.constant 0 : i32
          %dma_start3A_548 = tpu.memref_slice %arg8[%add3A_446, %dma_start3A_547] : memref<10000x128xf32, #tpu.memory_space<hbm>> -> memref<80x128xf32, #tpu.memory_space<hbm>>
          %dma_start3A_549 = arith.constant 0 : i32
          %dma_start3A_550 = tpu.memref_slice %arg8[%add3A_446, %dma_start3A_549] : memref<10000x128xf32, #tpu.memory_space<hbm>> -> memref<80x128xf32, #tpu.memory_space<hbm>>
          %dma_start3A_551 = arith.constant 0 : i32
          %dma_start3A_552 = arith.constant 0 : i32
          %dma_start3A_553 = tpu.memref_slice %arg12[%dma_start3A_551, %dma_start3A_552] : memref<80x128xf32, #tpu.memory_space<vmem>> -> memref<80x128xf32, #tpu.memory_space<vmem>>
          tpu.enqueue_dma source(%dma_start3A_553 : memref<80x128xf32, #tpu.memory_space<vmem>>) target(%dma_start3A_550 : memref<80x128xf32, #tpu.memory_space<hbm>>) target_semaphore(%run_scoped3A : memref<!tpu.dma_semaphore, #tpu.memory_space<semaphore_mem>>)
          %dma_wait3A = arith.constant 0 : i32
          %dma_wait3A_554 = arith.constant 0 : i32
          %dma_wait3A_555 = tpu.memref_slice %arg12[%dma_wait3A, %dma_wait3A_554] : memref<80x128xf32, #tpu.memory_space<vmem>> -> memref<80x128xf32, #tpu.memory_space<vmem>>
          %dma_wait3A_556 = arith.constant 0 : i32
          %dma_wait3A_557 = tpu.memref_slice %arg8[%add3A_446, %dma_wait3A_556] : memref<10000x128xf32, #tpu.memory_space<hbm>> -> memref<80x128xf32, #tpu.memory_space<hbm>>
          %dma_wait3A_558 = arith.constant 0 : i32
          %dma_wait3A_559 = tpu.memref_slice %arg8[%add3A_446, %dma_wait3A_558] : memref<10000x128xf32, #tpu.memory_space<hbm>> -> memref<80x128xf32, #tpu.memory_space<hbm>>
          %dma_wait3A_560 = arith.constant 0 : i32
          %dma_wait3A_561 = arith.constant 0 : i32
          %dma_wait3A_562 = tpu.memref_slice %arg12[%dma_wait3A_560, %dma_wait3A_561] : memref<80x128xf32, #tpu.memory_space<vmem>> -> memref<80x128xf32, #tpu.memory_space<vmem>>
          tpu.wait_dma2 semaphore(%run_scoped3A : memref<!tpu.dma_semaphore, #tpu.memory_space<semaphore_mem>>) src(%dma_wait3A_562 : memref<80x128xf32, #tpu.memory_space<vmem>>) dst(%dma_wait3A_559 : memref<80x128xf32, #tpu.memory_space<hbm>>)
          tpu.yield
        }) : () -> ()
        %add3A_447 = arith.constant 400 : i32
        %add3A_448 = arith.addi %mul3A_143, %add3A_447 : i32
        %iota3A_449 = tpu.iota {dimensions = array<i32: 0>} : vector<16xi32>
        %add3A_450 = arith.constant 0 : i32
        %add3A_451 = arith.addi %add3A_448, %add3A_450 : i32
        %add3A_452 = vector.broadcast %add3A_451 : i32 to vector<16xi32>
        %add3A_453 = arith.addi %iota3A_449, %add3A_452 : vector<16xi32>
        %swap3A_454 = arith.constant 0 : index
        %swap3A_455 = tpu.vector_load %arg18[%swap3A_454] {strides = array<i32>} : memref<80xi32, #tpu.memory_space<vmem>>, vector<16xi32>,
        %swap3A_456 = vector.shape_cast %swap3A_455 : vector<16xi32> to vector<16xi32>
        %swap3A_457 = vector.shape_cast %add3A_453 : vector<16xi32> to vector<16xi32>
        tpu.vector_store %arg18[%swap3A_454], %swap3A_457 {strides = array<i32>} : memref<80xi32, #tpu.memory_space<vmem>>, vector<16xi32>,
        %iota3A_458 = tpu.iota {dimensions = array<i32: 0>} : vector<16xi32>
        %add3A_459 = arith.constant 16 : i32
        %add3A_460 = arith.addi %add3A_448, %add3A_459 : i32
        %add3A_461 = vector.broadcast %add3A_460 : i32 to vector<16xi32>
        %add3A_462 = arith.addi %iota3A_458, %add3A_461 : vector<16xi32>
        %swap3A_463 = arith.constant 16 : index
        %swap3A_464 = tpu.vector_load %arg18[%swap3A_463] {strides = array<i32>} : memref<80xi32, #tpu.memory_space<vmem>>, vector<16xi32>,
        %swap3A_465 = vector.shape_cast %swap3A_464 : vector<16xi32> to vector<16xi32>
        %swap3A_466 = vector.shape_cast %add3A_462 : vector<16xi32> to vector<16xi32>
        tpu.vector_store %arg18[%swap3A_463], %swap3A_466 {strides = array<i32>} : memref<80xi32, #tpu.memory_space<vmem>>, vector<16xi32>,
        %iota3A_467 = tpu.iota {dimensions = array<i32: 0>} : vector<16xi32>
        %add3A_468 = arith.constant 32 : i32
        %add3A_469 = arith.addi %add3A_448, %add3A_468 : i32
        %add3A_470 = vector.broadcast %add3A_469 : i32 to vector<16xi32>
        %add3A_471 = arith.addi %iota3A_467, %add3A_470 : vector<16xi32>
        %swap3A_472 = arith.constant 32 : index
        %swap3A_473 = tpu.vector_load %arg18[%swap3A_472] {strides = array<i32>} : memref<80xi32, #tpu.memory_space<vmem>>, vector<16xi32>,
        %swap3A_474 = vector.shape_cast %swap3A_473 : vector<16xi32> to vector<16xi32>
        %swap3A_475 = vector.shape_cast %add3A_471 : vector<16xi32> to vector<16xi32>
        tpu.vector_store %arg18[%swap3A_472], %swap3A_475 {strides = array<i32>} : memref<80xi32, #tpu.memory_space<vmem>>, vector<16xi32>,
        %iota3A_476 = tpu.iota {dimensions = array<i32: 0>} : vector<16xi32>
        %add3A_477 = arith.constant 48 : i32
        %add3A_478 = arith.addi %add3A_448, %add3A_477 : i32
        %add3A_479 = vector.broadcast %add3A_478 : i32 to vector<16xi32>
        %add3A_480 = arith.addi %iota3A_476, %add3A_479 : vector<16xi32>
        %swap3A_481 = arith.constant 48 : index
        %swap3A_482 = tpu.vector_load %arg18[%swap3A_481] {strides = array<i32>} : memref<80xi32, #tpu.memory_space<vmem>>, vector<16xi32>,
        %swap3A_483 = vector.shape_cast %swap3A_482 : vector<16xi32> to vector<16xi32>
        %swap3A_484 = vector.shape_cast %add3A_480 : vector<16xi32> to vector<16xi32>
        tpu.vector_store %arg18[%swap3A_481], %swap3A_484 {strides = array<i32>} : memref<80xi32, #tpu.memory_space<vmem>>, vector<16xi32>,
        %iota3A_485 = tpu.iota {dimensions = array<i32: 0>} : vector<16xi32>
        %add3A_486 = arith.constant 64 : i32
        %add3A_487 = arith.addi %add3A_448, %add3A_486 : i32
        %add3A_488 = vector.broadcast %add3A_487 : i32 to vector<16xi32>
        %add3A_489 = arith.addi %iota3A_485, %add3A_488 : vector<16xi32>
        %swap3A_490 = arith.constant 64 : index
        %swap3A_491 = tpu.vector_load %arg18[%swap3A_490] {strides = array<i32>} : memref<80xi32, #tpu.memory_space<vmem>>, vector<16xi32>,
        %swap3A_492 = vector.shape_cast %swap3A_491 : vector<16xi32> to vector<16xi32>
        %swap3A_493 = vector.shape_cast %add3A_489 : vector<16xi32> to vector<16xi32>
        tpu.vector_store %arg18[%swap3A_490], %swap3A_493 {strides = array<i32>} : memref<80xi32, #tpu.memory_space<vmem>>, vector<16xi32>,
        "tpu.region"() ({
          %run_scoped3A = tpu.sem_alloc : memref<!tpu.dma_semaphore, #tpu.memory_space<semaphore_mem>>
          %dma_start3A = arith.constant 0 : i32
          %dma_start3A_545 = arith.constant 0 : i32
          %dma_start3A_546 = tpu.memref_slice %arg24[%dma_start3A, %dma_start3A_545] : memref<10240x128xf32, #tpu.memory_space<vmem_shared>> -> memref<10240x128xf32, #tpu.memory_space<vmem_shared>>
          tpu.enqueue_indirect_dma source(%dma_start3A_546 : memref<10240x128xf32, #tpu.memory_space<vmem_shared>>) target(%arg12 : memref<80x128xf32, #tpu.memory_space<vmem>>) offsets(%arg18 : memref<80xi32, #tpu.memory_space<vmem>>) semaphore(%run_scoped3A : memref<!tpu.dma_semaphore, #tpu.memory_space<semaphore_mem>>)
          %dma_wait3A = arith.constant 0 : i32
          %dma_wait3A_547 = arith.constant 0 : i32
          %dma_wait3A_548 = tpu.memref_slice %arg24[%dma_wait3A, %dma_wait3A_547] : memref<10240x128xf32, #tpu.memory_space<vmem_shared>> -> memref<10240x128xf32, #tpu.memory_space<vmem_shared>>
          tpu.wait_indirect_dma semaphore(%run_scoped3A : memref<!tpu.dma_semaphore, #tpu.memory_space<semaphore_mem>>) src(%dma_wait3A_548 : memref<10240x128xf32, #tpu.memory_space<vmem_shared>>) dst(%arg12 : memref<80x128xf32, #tpu.memory_space<vmem>>)
          tpu.yield
        }) : () -> ()
        %add3A_494 = arith.constant 400 : i32
        %add3A_495 = arith.addi %mul3A_143, %add3A_494 : i32
        "tpu.region"() ({
          %run_scoped3A = tpu.sem_alloc : memref<!tpu.dma_semaphore, #tpu.memory_space<semaphore_mem>>
          %dma_start3A = arith.constant 0 : i32
          %dma_start3A_545 = arith.constant 0 : i32
          %dma_start3A_546 = tpu.memref_slice %arg12[%dma_start3A, %dma_start3A_545] : memref<80x128xf32, #tpu.memory_space<vmem>> -> memref<80x128xf32, #tpu.memory_space<vmem>>
          %dma_start3A_547 = arith.constant 0 : i32
          %dma_start3A_548 = tpu.memref_slice %arg8[%add3A_495, %dma_start3A_547] : memref<10000x128xf32, #tpu.memory_space<hbm>> -> memref<80x128xf32, #tpu.memory_space<hbm>>
          %dma_start3A_549 = arith.constant 0 : i32
          %dma_start3A_550 = tpu.memref_slice %arg8[%add3A_495, %dma_start3A_549] : memref<10000x128xf32, #tpu.memory_space<hbm>> -> memref<80x128xf32, #tpu.memory_space<hbm>>
          %dma_start3A_551 = arith.constant 0 : i32
          %dma_start3A_552 = arith.constant 0 : i32
          %dma_start3A_553 = tpu.memref_slice %arg12[%dma_start3A_551, %dma_start3A_552] : memref<80x128xf32, #tpu.memory_space<vmem>> -> memref<80x128xf32, #tpu.memory_space<vmem>>
          tpu.enqueue_dma source(%dma_start3A_553 : memref<80x128xf32, #tpu.memory_space<vmem>>) target(%dma_start3A_550 : memref<80x128xf32, #tpu.memory_space<hbm>>) target_semaphore(%run_scoped3A : memref<!tpu.dma_semaphore, #tpu.memory_space<semaphore_mem>>)
          %dma_wait3A = arith.constant 0 : i32
          %dma_wait3A_554 = arith.constant 0 : i32
          %dma_wait3A_555 = tpu.memref_slice %arg12[%dma_wait3A, %dma_wait3A_554] : memref<80x128xf32, #tpu.memory_space<vmem>> -> memref<80x128xf32, #tpu.memory_space<vmem>>
          %dma_wait3A_556 = arith.constant 0 : i32
          %dma_wait3A_557 = tpu.memref_slice %arg8[%add3A_495, %dma_wait3A_556] : memref<10000x128xf32, #tpu.memory_space<hbm>> -> memref<80x128xf32, #tpu.memory_space<hbm>>
          %dma_wait3A_558 = arith.constant 0 : i32
          %dma_wait3A_559 = tpu.memref_slice %arg8[%add3A_495, %dma_wait3A_558] : memref<10000x128xf32, #tpu.memory_space<hbm>> -> memref<80x128xf32, #tpu.memory_space<hbm>>
          %dma_wait3A_560 = arith.constant 0 : i32
          %dma_wait3A_561 = arith.constant 0 : i32
          %dma_wait3A_562 = tpu.memref_slice %arg12[%dma_wait3A_560, %dma_wait3A_561] : memref<80x128xf32, #tpu.memory_space<vmem>> -> memref<80x128xf32, #tpu.memory_space<vmem>>
          tpu.wait_dma2 semaphore(%run_scoped3A : memref<!tpu.dma_semaphore, #tpu.memory_space<semaphore_mem>>) src(%dma_wait3A_562 : memref<80x128xf32, #tpu.memory_space<vmem>>) dst(%dma_wait3A_559 : memref<80x128xf32, #tpu.memory_space<hbm>>)
          tpu.yield
        }) : () -> ()
        %add3A_496 = arith.constant 480 : i32
        %add3A_497 = arith.addi %mul3A_143, %add3A_496 : i32
        %iota3A_498 = tpu.iota {dimensions = array<i32: 0>} : vector<16xi32>
        %add3A_499 = arith.constant 0 : i32
        %add3A_500 = arith.addi %add3A_497, %add3A_499 : i32
        %add3A_501 = vector.broadcast %add3A_500 : i32 to vector<16xi32>
        %add3A_502 = arith.addi %iota3A_498, %add3A_501 : vector<16xi32>
        %swap3A_503 = arith.constant 0 : index
        %swap3A_504 = tpu.vector_load %arg18[%swap3A_503] {strides = array<i32>} : memref<80xi32, #tpu.memory_space<vmem>>, vector<16xi32>,
        %swap3A_505 = vector.shape_cast %swap3A_504 : vector<16xi32> to vector<16xi32>
        %swap3A_506 = vector.shape_cast %add3A_502 : vector<16xi32> to vector<16xi32>
        tpu.vector_store %arg18[%swap3A_503], %swap3A_506 {strides = array<i32>} : memref<80xi32, #tpu.memory_space<vmem>>, vector<16xi32>,
        %iota3A_507 = tpu.iota {dimensions = array<i32: 0>} : vector<16xi32>
        %add3A_508 = arith.constant 16 : i32
        %add3A_509 = arith.addi %add3A_497, %add3A_508 : i32
        %add3A_510 = vector.broadcast %add3A_509 : i32 to vector<16xi32>
        %add3A_511 = arith.addi %iota3A_507, %add3A_510 : vector<16xi32>
        %swap3A_512 = arith.constant 16 : index
        %swap3A_513 = tpu.vector_load %arg18[%swap3A_512] {strides = array<i32>} : memref<80xi32, #tpu.memory_space<vmem>>, vector<16xi32>,
        %swap3A_514 = vector.shape_cast %swap3A_513 : vector<16xi32> to vector<16xi32>
        %swap3A_515 = vector.shape_cast %add3A_511 : vector<16xi32> to vector<16xi32>
        tpu.vector_store %arg18[%swap3A_512], %swap3A_515 {strides = array<i32>} : memref<80xi32, #tpu.memory_space<vmem>>, vector<16xi32>,
        %iota3A_516 = tpu.iota {dimensions = array<i32: 0>} : vector<16xi32>
        %add3A_517 = arith.constant 32 : i32
        %add3A_518 = arith.addi %add3A_497, %add3A_517 : i32
        %add3A_519 = vector.broadcast %add3A_518 : i32 to vector<16xi32>
        %add3A_520 = arith.addi %iota3A_516, %add3A_519 : vector<16xi32>
        %swap3A_521 = arith.constant 32 : index
        %swap3A_522 = tpu.vector_load %arg18[%swap3A_521] {strides = array<i32>} : memref<80xi32, #tpu.memory_space<vmem>>, vector<16xi32>,
        %swap3A_523 = vector.shape_cast %swap3A_522 : vector<16xi32> to vector<16xi32>
        %swap3A_524 = vector.shape_cast %add3A_520 : vector<16xi32> to vector<16xi32>
        tpu.vector_store %arg18[%swap3A_521], %swap3A_524 {strides = array<i32>} : memref<80xi32, #tpu.memory_space<vmem>>, vector<16xi32>,
        %iota3A_525 = tpu.iota {dimensions = array<i32: 0>} : vector<16xi32>
        %add3A_526 = arith.constant 48 : i32
        %add3A_527 = arith.addi %add3A_497, %add3A_526 : i32
        %add3A_528 = vector.broadcast %add3A_527 : i32 to vector<16xi32>
        %add3A_529 = arith.addi %iota3A_525, %add3A_528 : vector<16xi32>
        %swap3A_530 = arith.constant 48 : index
        %swap3A_531 = tpu.vector_load %arg18[%swap3A_530] {strides = array<i32>} : memref<80xi32, #tpu.memory_space<vmem>>, vector<16xi32>,
        %swap3A_532 = vector.shape_cast %swap3A_531 : vector<16xi32> to vector<16xi32>
        %swap3A_533 = vector.shape_cast %add3A_529 : vector<16xi32> to vector<16xi32>
        tpu.vector_store %arg18[%swap3A_530], %swap3A_533 {strides = array<i32>} : memref<80xi32, #tpu.memory_space<vmem>>, vector<16xi32>,
        %iota3A_534 = tpu.iota {dimensions = array<i32: 0>} : vector<16xi32>
        %add3A_535 = arith.constant 64 : i32
        %add3A_536 = arith.addi %add3A_497, %add3A_535 : i32
        %add3A_537 = vector.broadcast %add3A_536 : i32 to vector<16xi32>
        %add3A_538 = arith.addi %iota3A_534, %add3A_537 : vector<16xi32>
        %swap3A_539 = arith.constant 64 : index
        %swap3A_540 = tpu.vector_load %arg18[%swap3A_539] {strides = array<i32>} : memref<80xi32, #tpu.memory_space<vmem>>, vector<16xi32>,
        %swap3A_541 = vector.shape_cast %swap3A_540 : vector<16xi32> to vector<16xi32>
        %swap3A_542 = vector.shape_cast %add3A_538 : vector<16xi32> to vector<16xi32>
        tpu.vector_store %arg18[%swap3A_539], %swap3A_542 {strides = array<i32>} : memref<80xi32, #tpu.memory_space<vmem>>, vector<16xi32>,
        "tpu.region"() ({
          %run_scoped3A = tpu.sem_alloc : memref<!tpu.dma_semaphore, #tpu.memory_space<semaphore_mem>>
          %dma_start3A = arith.constant 0 : i32
          %dma_start3A_545 = arith.constant 0 : i32
          %dma_start3A_546 = tpu.memref_slice %arg24[%dma_start3A, %dma_start3A_545] : memref<10240x128xf32, #tpu.memory_space<vmem_shared>> -> memref<10240x128xf32, #tpu.memory_space<vmem_shared>>
          tpu.enqueue_indirect_dma source(%dma_start3A_546 : memref<10240x128xf32, #tpu.memory_space<vmem_shared>>) target(%arg12 : memref<80x128xf32, #tpu.memory_space<vmem>>) offsets(%arg18 : memref<80xi32, #tpu.memory_space<vmem>>) semaphore(%run_scoped3A : memref<!tpu.dma_semaphore, #tpu.memory_space<semaphore_mem>>)
          %dma_wait3A = arith.constant 0 : i32
          %dma_wait3A_547 = arith.constant 0 : i32
          %dma_wait3A_548 = tpu.memref_slice %arg24[%dma_wait3A, %dma_wait3A_547] : memref<10240x128xf32, #tpu.memory_space<vmem_shared>> -> memref<10240x128xf32, #tpu.memory_space<vmem_shared>>
          tpu.wait_indirect_dma semaphore(%run_scoped3A : memref<!tpu.dma_semaphore, #tpu.memory_space<semaphore_mem>>) src(%dma_wait3A_548 : memref<10240x128xf32, #tpu.memory_space<vmem_shared>>) dst(%arg12 : memref<80x128xf32, #tpu.memory_space<vmem>>)
          tpu.yield
        }) : () -> ()
        %add3A_543 = arith.constant 480 : i32
        %add3A_544 = arith.addi %mul3A_143, %add3A_543 : i32
        "tpu.region"() ({
          %run_scoped3A = tpu.sem_alloc : memref<!tpu.dma_semaphore, #tpu.memory_space<semaphore_mem>>
          %dma_start3A = arith.constant 0 : i32
          %dma_start3A_545 = arith.constant 0 : i32
          %dma_start3A_546 = tpu.memref_slice %arg12[%dma_start3A, %dma_start3A_545] : memref<80x128xf32, #tpu.memory_space<vmem>> -> memref<40x128xf32, #tpu.memory_space<vmem>>
          %dma_start3A_547 = arith.constant 0 : i32
          %dma_start3A_548 = tpu.memref_slice %arg8[%add3A_544, %dma_start3A_547] : memref<10000x128xf32, #tpu.memory_space<hbm>> -> memref<40x128xf32, #tpu.memory_space<hbm>>
          %dma_start3A_549 = arith.constant 0 : i32
          %dma_start3A_550 = tpu.memref_slice %arg8[%add3A_544, %dma_start3A_549] : memref<10000x128xf32, #tpu.memory_space<hbm>> -> memref<40x128xf32, #tpu.memory_space<hbm>>
          %dma_start3A_551 = arith.constant 0 : i32
          %dma_start3A_552 = arith.constant 0 : i32
          %dma_start3A_553 = tpu.memref_slice %arg12[%dma_start3A_551, %dma_start3A_552] : memref<80x128xf32, #tpu.memory_space<vmem>> -> memref<40x128xf32, #tpu.memory_space<vmem>>
          tpu.enqueue_dma source(%dma_start3A_553 : memref<40x128xf32, #tpu.memory_space<vmem>>) target(%dma_start3A_550 : memref<40x128xf32, #tpu.memory_space<hbm>>) target_semaphore(%run_scoped3A : memref<!tpu.dma_semaphore, #tpu.memory_space<semaphore_mem>>)
          %dma_wait3A = arith.constant 0 : i32
          %dma_wait3A_554 = arith.constant 0 : i32
          %dma_wait3A_555 = tpu.memref_slice %arg12[%dma_wait3A, %dma_wait3A_554] : memref<80x128xf32, #tpu.memory_space<vmem>> -> memref<40x128xf32, #tpu.memory_space<vmem>>
          %dma_wait3A_556 = arith.constant 0 : i32
          %dma_wait3A_557 = tpu.memref_slice %arg8[%add3A_544, %dma_wait3A_556] : memref<10000x128xf32, #tpu.memory_space<hbm>> -> memref<40x128xf32, #tpu.memory_space<hbm>>
          %dma_wait3A_558 = arith.constant 0 : i32
          %dma_wait3A_559 = tpu.memref_slice %arg8[%add3A_544, %dma_wait3A_558] : memref<10000x128xf32, #tpu.memory_space<hbm>> -> memref<40x128xf32, #tpu.memory_space<hbm>>
          %dma_wait3A_560 = arith.constant 0 : i32
          %dma_wait3A_561 = arith.constant 0 : i32
          %dma_wait3A_562 = tpu.memref_slice %arg12[%dma_wait3A_560, %dma_wait3A_561] : memref<80x128xf32, #tpu.memory_space<vmem>> -> memref<40x128xf32, #tpu.memory_space<vmem>>
          tpu.wait_dma2 semaphore(%run_scoped3A : memref<!tpu.dma_semaphore, #tpu.memory_space<semaphore_mem>>) src(%dma_wait3A_562 : memref<40x128xf32, #tpu.memory_space<vmem>>) dst(%dma_wait3A_559 : memref<40x128xf32, #tpu.memory_space<hbm>>)
          tpu.yield
        }) : () -> ()
      } else {
      }
      %mul3A_153 = arith.constant 80 : i32
      %mul3A_154 = arith.muli %arg1, %mul3A_153 : i32
      %iota3A_155 = tpu.iota {dimensions = array<i32: 0>} : vector<16xi32>
      %add3A_156 = arith.constant 0 : i32
      %add3A_157 = arith.addi %mul3A_154, %add3A_156 : i32
      %add3A_158 = vector.broadcast %add3A_157 : i32 to vector<16xi32>
      %add3A_159 = arith.addi %iota3A_155, %add3A_158 : vector<16xi32>
      %swap3A_160 = arith.constant 0 : index
      %swap3A_161 = tpu.vector_load %arg18[%swap3A_160] {strides = array<i32>} : memref<80xi32, #tpu.memory_space<vmem>>, vector<16xi32>,
      %swap3A_162 = vector.shape_cast %swap3A_161 : vector<16xi32> to vector<16xi32>
      %swap3A_163 = vector.shape_cast %add3A_159 : vector<16xi32> to vector<16xi32>
      tpu.vector_store %arg18[%swap3A_160], %swap3A_163 {strides = array<i32>} : memref<80xi32, #tpu.memory_space<vmem>>, vector<16xi32>,
      %iota3A_164 = tpu.iota {dimensions = array<i32: 0>} : vector<16xi32>
      %add3A_165 = arith.constant 16 : i32
      %add3A_166 = arith.addi %mul3A_154, %add3A_165 : i32
      %add3A_167 = vector.broadcast %add3A_166 : i32 to vector<16xi32>
      %add3A_168 = arith.addi %iota3A_164, %add3A_167 : vector<16xi32>
      %swap3A_169 = arith.constant 16 : index
      %swap3A_170 = tpu.vector_load %arg18[%swap3A_169] {strides = array<i32>} : memref<80xi32, #tpu.memory_space<vmem>>, vector<16xi32>,
      %swap3A_171 = vector.shape_cast %swap3A_170 : vector<16xi32> to vector<16xi32>
      %swap3A_172 = vector.shape_cast %add3A_168 : vector<16xi32> to vector<16xi32>
      tpu.vector_store %arg18[%swap3A_169], %swap3A_172 {strides = array<i32>} : memref<80xi32, #tpu.memory_space<vmem>>, vector<16xi32>,
      %iota3A_173 = tpu.iota {dimensions = array<i32: 0>} : vector<16xi32>
      %add3A_174 = arith.constant 32 : i32
      %add3A_175 = arith.addi %mul3A_154, %add3A_174 : i32
      %add3A_176 = vector.broadcast %add3A_175 : i32 to vector<16xi32>
      %add3A_177 = arith.addi %iota3A_173, %add3A_176 : vector<16xi32>
      %swap3A_178 = arith.constant 32 : index
      %swap3A_179 = tpu.vector_load %arg18[%swap3A_178] {strides = array<i32>} : memref<80xi32, #tpu.memory_space<vmem>>, vector<16xi32>,
      %swap3A_180 = vector.shape_cast %swap3A_179 : vector<16xi32> to vector<16xi32>
      %swap3A_181 = vector.shape_cast %add3A_177 : vector<16xi32> to vector<16xi32>
      tpu.vector_store %arg18[%swap3A_178], %swap3A_181 {strides = array<i32>} : memref<80xi32, #tpu.memory_space<vmem>>, vector<16xi32>,
      %iota3A_182 = tpu.iota {dimensions = array<i32: 0>} : vector<16xi32>
      %add3A_183 = arith.constant 48 : i32
      %add3A_184 = arith.addi %mul3A_154, %add3A_183 : i32
      %add3A_185 = vector.broadcast %add3A_184 : i32 to vector<16xi32>
      %add3A_186 = arith.addi %iota3A_182, %add3A_185 : vector<16xi32>
      %swap3A_187 = arith.constant 48 : index
      %swap3A_188 = tpu.vector_load %arg18[%swap3A_187] {strides = array<i32>} : memref<80xi32, #tpu.memory_space<vmem>>, vector<16xi32>,
      %swap3A_189 = vector.shape_cast %swap3A_188 : vector<16xi32> to vector<16xi32>
      %swap3A_190 = vector.shape_cast %add3A_186 : vector<16xi32> to vector<16xi32>
      tpu.vector_store %arg18[%swap3A_187], %swap3A_190 {strides = array<i32>} : memref<80xi32, #tpu.memory_space<vmem>>, vector<16xi32>,
      %iota3A_191 = tpu.iota {dimensions = array<i32: 0>} : vector<16xi32>
      %add3A_192 = arith.constant 64 : i32
      %add3A_193 = arith.addi %mul3A_154, %add3A_192 : i32
      %add3A_194 = vector.broadcast %add3A_193 : i32 to vector<16xi32>
      %add3A_195 = arith.addi %iota3A_191, %add3A_194 : vector<16xi32>
      %swap3A_196 = arith.constant 64 : index
      %swap3A_197 = tpu.vector_load %arg18[%swap3A_196] {strides = array<i32>} : memref<80xi32, #tpu.memory_space<vmem>>, vector<16xi32>,
      %swap3A_198 = vector.shape_cast %swap3A_197 : vector<16xi32> to vector<16xi32>
      %swap3A_199 = vector.shape_cast %add3A_195 : vector<16xi32> to vector<16xi32>
      tpu.vector_store %arg18[%swap3A_196], %swap3A_199 {strides = array<i32>} : memref<80xi32, #tpu.memory_space<vmem>>, vector<16xi32>,
      "tpu.region"() ({
        %run_scoped3A = tpu.sem_alloc : memref<!tpu.dma_semaphore, #tpu.memory_space<semaphore_mem>>
        %dma_start3A = arith.constant 0 : i32
        %dma_start3A_202 = arith.constant 0 : i32
        %dma_start3A_203 = tpu.memref_slice %arg25[%dma_start3A, %dma_start3A_202] : memref<1280x128xf32, #tpu.memory_space<vmem_shared>> -> memref<1280x128xf32, #tpu.memory_space<vmem_shared>>
        tpu.enqueue_indirect_dma source(%dma_start3A_203 : memref<1280x128xf32, #tpu.memory_space<vmem_shared>>) target(%arg12 : memref<80x128xf32, #tpu.memory_space<vmem>>) offsets(%arg18 : memref<80xi32, #tpu.memory_space<vmem>>) semaphore(%run_scoped3A : memref<!tpu.dma_semaphore, #tpu.memory_space<semaphore_mem>>)
        %dma_wait3A = arith.constant 0 : i32
        %dma_wait3A_204 = arith.constant 0 : i32
        %dma_wait3A_205 = tpu.memref_slice %arg25[%dma_wait3A, %dma_wait3A_204] : memref<1280x128xf32, #tpu.memory_space<vmem_shared>> -> memref<1280x128xf32, #tpu.memory_space<vmem_shared>>
        tpu.wait_indirect_dma semaphore(%run_scoped3A : memref<!tpu.dma_semaphore, #tpu.memory_space<semaphore_mem>>) src(%dma_wait3A_205 : memref<1280x128xf32, #tpu.memory_space<vmem_shared>>) dst(%arg12 : memref<80x128xf32, #tpu.memory_space<vmem>>)
        tpu.yield
      }) : () -> ()
      %mul3A_200 = arith.constant 80 : i32
      %mul3A_201 = arith.muli %arg1, %mul3A_200 : i32
      "tpu.region"() ({
        %run_scoped3A = tpu.sem_alloc : memref<!tpu.dma_semaphore, #tpu.memory_space<semaphore_mem>>
        %dma_start3A = arith.constant 0 : i32
        %dma_start3A_202 = tpu.memref_slice %arg9[%mul3A_201, %dma_start3A] : memref<1280x128xf32, #tpu.memory_space<hbm>> -> memref<80x128xf32, #tpu.memory_space<hbm>>
        %dma_start3A_203 = arith.constant 0 : i32
        %dma_start3A_204 = tpu.memref_slice %arg9[%mul3A_201, %dma_start3A_203] : memref<1280x128xf32, #tpu.memory_space<hbm>> -> memref<80x128xf32, #tpu.memory_space<hbm>>
        tpu.enqueue_dma source(%arg12 : memref<80x128xf32, #tpu.memory_space<vmem>>) target(%dma_start3A_204 : memref<80x128xf32, #tpu.memory_space<hbm>>) target_semaphore(%run_scoped3A : memref<!tpu.dma_semaphore, #tpu.memory_space<semaphore_mem>>)
        %dma_wait3A = arith.constant 0 : i32
        %dma_wait3A_205 = tpu.memref_slice %arg9[%mul3A_201, %dma_wait3A] : memref<1280x128xf32, #tpu.memory_space<hbm>> -> memref<80x128xf32, #tpu.memory_space<hbm>>
        %dma_wait3A_206 = arith.constant 0 : i32
        %dma_wait3A_207 = tpu.memref_slice %arg9[%mul3A_201, %dma_wait3A_206] : memref<1280x128xf32, #tpu.memory_space<hbm>> -> memref<80x128xf32, #tpu.memory_space<hbm>>
        tpu.wait_dma2 semaphore(%run_scoped3A : memref<!tpu.dma_semaphore, #tpu.memory_space<semaphore_mem>>) src(%arg12 : memref<80x128xf32, #tpu.memory_space<vmem>>) dst(%dma_wait3A_207 : memref<80x128xf32, #tpu.memory_space<hbm>>)
        tpu.yield
      }) : () -> ()
    } else {
    }
    %eq3A_2 = arith.constant 1 : i32
    %eq3A_3 = arith.cmpi eq, %arg0, %eq3A_2 : i32
    %convert_element_type3A_4 = arith.extui %eq3A_3 : i1 to i32
    %cond3A_5 = arith.constant 0 : i32
    %cond3A_6 = arith.cmpi ne, %convert_element_type3A_4, %cond3A_5 : i32
    scf.if %cond3A_6 {
      %broadcast_in_dim3A = arith.constant 0.000000e+00 : f32
      %broadcast_in_dim3A_7 = vector.broadcast %broadcast_in_dim3A : f32 to vector<16xf32>
      %scan3A = arith.constant 0 : i32
      %scan3A_8 = arith.constant 80 : i32
      %scan3A_9 = arith.addi %scan3A, %scan3A_8 : i32
      %scan3A_10 = arith.constant 1 : i32
      scf.for %scan3A_202 = %scan3A to %scan3A_9 step %scan3A_10  : i32 {
        %swap3A_203 = arith.index_cast %scan3A_202 : i32 to index
        %swap3A_204 = arith.constant 0 : index
        %swap3A_205 = tpu.vector_load %arg12[%swap3A_203, %swap3A_204] {strides = array<i32>} : memref<80x128xf32, #tpu.memory_space<vmem>>, vector<1x16xf32>,
        %swap3A_206 = vector.shape_cast %swap3A_205 : vector<1x16xf32> to vector<16xf32>
        %swap3A_207 = vector.shape_cast %broadcast_in_dim3A_7 : vector<16xf32> to vector<1x16xf32>
        tpu.vector_store %arg12[%swap3A_203, %swap3A_204], %swap3A_207 {strides = array<i32>} : memref<80x128xf32, #tpu.memory_space<vmem>>, vector<1x16xf32>,
        %swap3A_208 = arith.index_cast %scan3A_202 : i32 to index
        %swap3A_209 = arith.constant 16 : index
        %swap3A_210 = tpu.vector_load %arg12[%swap3A_208, %swap3A_209] {strides = array<i32>} : memref<80x128xf32, #tpu.memory_space<vmem>>, vector<1x16xf32>,
        %swap3A_211 = vector.shape_cast %swap3A_210 : vector<1x16xf32> to vector<16xf32>
        %swap3A_212 = vector.shape_cast %broadcast_in_dim3A_7 : vector<16xf32> to vector<1x16xf32>
        tpu.vector_store %arg12[%swap3A_208, %swap3A_209], %swap3A_212 {strides = array<i32>} : memref<80x128xf32, #tpu.memory_space<vmem>>, vector<1x16xf32>,
        %swap3A_213 = arith.index_cast %scan3A_202 : i32 to index
        %swap3A_214 = arith.constant 32 : index
        %swap3A_215 = tpu.vector_load %arg12[%swap3A_213, %swap3A_214] {strides = array<i32>} : memref<80x128xf32, #tpu.memory_space<vmem>>, vector<1x16xf32>,
        %swap3A_216 = vector.shape_cast %swap3A_215 : vector<1x16xf32> to vector<16xf32>
        %swap3A_217 = vector.shape_cast %broadcast_in_dim3A_7 : vector<16xf32> to vector<1x16xf32>
        tpu.vector_store %arg12[%swap3A_213, %swap3A_214], %swap3A_217 {strides = array<i32>} : memref<80x128xf32, #tpu.memory_space<vmem>>, vector<1x16xf32>,
        %swap3A_218 = arith.index_cast %scan3A_202 : i32 to index
        %swap3A_219 = arith.constant 48 : index
        %swap3A_220 = tpu.vector_load %arg12[%swap3A_218, %swap3A_219] {strides = array<i32>} : memref<80x128xf32, #tpu.memory_space<vmem>>, vector<1x16xf32>,
        %swap3A_221 = vector.shape_cast %swap3A_220 : vector<1x16xf32> to vector<16xf32>
        %swap3A_222 = vector.shape_cast %broadcast_in_dim3A_7 : vector<16xf32> to vector<1x16xf32>
        tpu.vector_store %arg12[%swap3A_218, %swap3A_219], %swap3A_222 {strides = array<i32>} : memref<80x128xf32, #tpu.memory_space<vmem>>, vector<1x16xf32>,
        %swap3A_223 = arith.index_cast %scan3A_202 : i32 to index
        %swap3A_224 = arith.constant 64 : index
        %swap3A_225 = tpu.vector_load %arg12[%swap3A_223, %swap3A_224] {strides = array<i32>} : memref<80x128xf32, #tpu.memory_space<vmem>>, vector<1x16xf32>,
        %swap3A_226 = vector.shape_cast %swap3A_225 : vector<1x16xf32> to vector<16xf32>
        %swap3A_227 = vector.shape_cast %broadcast_in_dim3A_7 : vector<16xf32> to vector<1x16xf32>
        tpu.vector_store %arg12[%swap3A_223, %swap3A_224], %swap3A_227 {strides = array<i32>} : memref<80x128xf32, #tpu.memory_space<vmem>>, vector<1x16xf32>,
        %swap3A_228 = arith.index_cast %scan3A_202 : i32 to index
        %swap3A_229 = arith.constant 80 : index
        %swap3A_230 = tpu.vector_load %arg12[%swap3A_228, %swap3A_229] {strides = array<i32>} : memref<80x128xf32, #tpu.memory_space<vmem>>, vector<1x16xf32>,
        %swap3A_231 = vector.shape_cast %swap3A_230 : vector<1x16xf32> to vector<16xf32>
        %swap3A_232 = vector.shape_cast %broadcast_in_dim3A_7 : vector<16xf32> to vector<1x16xf32>
        tpu.vector_store %arg12[%swap3A_228, %swap3A_229], %swap3A_232 {strides = array<i32>} : memref<80x128xf32, #tpu.memory_space<vmem>>, vector<1x16xf32>,
        %swap3A_233 = arith.index_cast %scan3A_202 : i32 to index
        %swap3A_234 = arith.constant 96 : index
        %swap3A_235 = tpu.vector_load %arg12[%swap3A_233, %swap3A_234] {strides = array<i32>} : memref<80x128xf32, #tpu.memory_space<vmem>>, vector<1x16xf32>,
        %swap3A_236 = vector.shape_cast %swap3A_235 : vector<1x16xf32> to vector<16xf32>
        %swap3A_237 = vector.shape_cast %broadcast_in_dim3A_7 : vector<16xf32> to vector<1x16xf32>
        tpu.vector_store %arg12[%swap3A_233, %swap3A_234], %swap3A_237 {strides = array<i32>} : memref<80x128xf32, #tpu.memory_space<vmem>>, vector<1x16xf32>,
        %swap3A_238 = arith.index_cast %scan3A_202 : i32 to index
        %swap3A_239 = arith.constant 112 : index
        %swap3A_240 = tpu.vector_load %arg12[%swap3A_238, %swap3A_239] {strides = array<i32>} : memref<80x128xf32, #tpu.memory_space<vmem>>, vector<1x16xf32>,
        %swap3A_241 = vector.shape_cast %swap3A_240 : vector<1x16xf32> to vector<16xf32>
        %swap3A_242 = vector.shape_cast %broadcast_in_dim3A_7 : vector<16xf32> to vector<1x16xf32>
        tpu.vector_store %arg12[%swap3A_238, %swap3A_239], %swap3A_242 {strides = array<i32>} : memref<80x128xf32, #tpu.memory_space<vmem>>, vector<1x16xf32>,
      }
      %scan3A_11 = arith.constant 80 : i32
      %broadcast_in_dim3A_12 = arith.constant 0.000000e+00 : f32
      %broadcast_in_dim3A_13 = vector.broadcast %broadcast_in_dim3A_12 : f32 to vector<16xf32>
      %scan3A_14 = arith.constant 0 : i32
      %scan3A_15 = arith.constant 16 : i32
      %scan3A_16 = arith.addi %scan3A_14, %scan3A_15 : i32
      %scan3A_17 = arith.constant 1 : i32
      scf.for %scan3A_202 = %scan3A_14 to %scan3A_16 step %scan3A_17  : i32 {
        %swap3A_203 = arith.index_cast %scan3A_202 : i32 to index
        %swap3A_204 = arith.constant 0 : index
        %swap3A_205 = tpu.vector_load %arg15[%swap3A_203, %swap3A_204] {strides = array<i32>} : memref<16x128xf32, #tpu.memory_space<vmem>>, vector<1x16xf32>,
        %swap3A_206 = vector.shape_cast %swap3A_205 : vector<1x16xf32> to vector<16xf32>
        %swap3A_207 = vector.shape_cast %broadcast_in_dim3A_13 : vector<16xf32> to vector<1x16xf32>
        tpu.vector_store %arg15[%swap3A_203, %swap3A_204], %swap3A_207 {strides = array<i32>} : memref<16x128xf32, #tpu.memory_space<vmem>>, vector<1x16xf32>,
        %swap3A_208 = arith.index_cast %scan3A_202 : i32 to index
        %swap3A_209 = arith.constant 16 : index
        %swap3A_210 = tpu.vector_load %arg15[%swap3A_208, %swap3A_209] {strides = array<i32>} : memref<16x128xf32, #tpu.memory_space<vmem>>, vector<1x16xf32>,
        %swap3A_211 = vector.shape_cast %swap3A_210 : vector<1x16xf32> to vector<16xf32>
        %swap3A_212 = vector.shape_cast %broadcast_in_dim3A_13 : vector<16xf32> to vector<1x16xf32>
        tpu.vector_store %arg15[%swap3A_208, %swap3A_209], %swap3A_212 {strides = array<i32>} : memref<16x128xf32, #tpu.memory_space<vmem>>, vector<1x16xf32>,
        %swap3A_213 = arith.index_cast %scan3A_202 : i32 to index
        %swap3A_214 = arith.constant 32 : index
        %swap3A_215 = tpu.vector_load %arg15[%swap3A_213, %swap3A_214] {strides = array<i32>} : memref<16x128xf32, #tpu.memory_space<vmem>>, vector<1x16xf32>,
        %swap3A_216 = vector.shape_cast %swap3A_215 : vector<1x16xf32> to vector<16xf32>
        %swap3A_217 = vector.shape_cast %broadcast_in_dim3A_13 : vector<16xf32> to vector<1x16xf32>
        tpu.vector_store %arg15[%swap3A_213, %swap3A_214], %swap3A_217 {strides = array<i32>} : memref<16x128xf32, #tpu.memory_space<vmem>>, vector<1x16xf32>,
        %swap3A_218 = arith.index_cast %scan3A_202 : i32 to index
        %swap3A_219 = arith.constant 48 : index
        %swap3A_220 = tpu.vector_load %arg15[%swap3A_218, %swap3A_219] {strides = array<i32>} : memref<16x128xf32, #tpu.memory_space<vmem>>, vector<1x16xf32>,
        %swap3A_221 = vector.shape_cast %swap3A_220 : vector<1x16xf32> to vector<16xf32>
        %swap3A_222 = vector.shape_cast %broadcast_in_dim3A_13 : vector<16xf32> to vector<1x16xf32>
        tpu.vector_store %arg15[%swap3A_218, %swap3A_219], %swap3A_222 {strides = array<i32>} : memref<16x128xf32, #tpu.memory_space<vmem>>, vector<1x16xf32>,
        %swap3A_223 = arith.index_cast %scan3A_202 : i32 to index
        %swap3A_224 = arith.constant 64 : index
        %swap3A_225 = tpu.vector_load %arg15[%swap3A_223, %swap3A_224] {strides = array<i32>} : memref<16x128xf32, #tpu.memory_space<vmem>>, vector<1x16xf32>,
        %swap3A_226 = vector.shape_cast %swap3A_225 : vector<1x16xf32> to vector<16xf32>
        %swap3A_227 = vector.shape_cast %broadcast_in_dim3A_13 : vector<16xf32> to vector<1x16xf32>
        tpu.vector_store %arg15[%swap3A_223, %swap3A_224], %swap3A_227 {strides = array<i32>} : memref<16x128xf32, #tpu.memory_space<vmem>>, vector<1x16xf32>,
        %swap3A_228 = arith.index_cast %scan3A_202 : i32 to index
        %swap3A_229 = arith.constant 80 : index
        %swap3A_230 = tpu.vector_load %arg15[%swap3A_228, %swap3A_229] {strides = array<i32>} : memref<16x128xf32, #tpu.memory_space<vmem>>, vector<1x16xf32>,
        %swap3A_231 = vector.shape_cast %swap3A_230 : vector<1x16xf32> to vector<16xf32>
        %swap3A_232 = vector.shape_cast %broadcast_in_dim3A_13 : vector<16xf32> to vector<1x16xf32>
        tpu.vector_store %arg15[%swap3A_228, %swap3A_229], %swap3A_232 {strides = array<i32>} : memref<16x128xf32, #tpu.memory_space<vmem>>, vector<1x16xf32>,
        %swap3A_233 = arith.index_cast %scan3A_202 : i32 to index
        %swap3A_234 = arith.constant 96 : index
        %swap3A_235 = tpu.vector_load %arg15[%swap3A_233, %swap3A_234] {strides = array<i32>} : memref<16x128xf32, #tpu.memory_space<vmem>>, vector<1x16xf32>,
        %swap3A_236 = vector.shape_cast %swap3A_235 : vector<1x16xf32> to vector<16xf32>
        %swap3A_237 = vector.shape_cast %broadcast_in_dim3A_13 : vector<16xf32> to vector<1x16xf32>
        tpu.vector_store %arg15[%swap3A_233, %swap3A_234], %swap3A_237 {strides = array<i32>} : memref<16x128xf32, #tpu.memory_space<vmem>>, vector<1x16xf32>,
        %swap3A_238 = arith.index_cast %scan3A_202 : i32 to index
        %swap3A_239 = arith.constant 112 : index
        %swap3A_240 = tpu.vector_load %arg15[%swap3A_238, %swap3A_239] {strides = array<i32>} : memref<16x128xf32, #tpu.memory_space<vmem>>, vector<1x16xf32>,
        %swap3A_241 = vector.shape_cast %swap3A_240 : vector<1x16xf32> to vector<16xf32>
        %swap3A_242 = vector.shape_cast %broadcast_in_dim3A_13 : vector<16xf32> to vector<1x16xf32>
        tpu.vector_store %arg15[%swap3A_238, %swap3A_239], %swap3A_242 {strides = array<i32>} : memref<16x128xf32, #tpu.memory_space<vmem>>, vector<1x16xf32>,
      }
      %scan3A_18 = arith.constant 16 : i32
      %iota3A = tpu.iota {dimensions = array<i32: 0>} : vector<16xi32>
      %eq3A_19 = arith.constant 0 : i32
      %eq3A_20 = vector.broadcast %eq3A_19 : i32 to vector<16xi32>
      %eq3A_21 = arith.cmpi eq, %iota3A, %eq3A_20 : vector<16xi32>
      %jit3A = arith.constant 1.000000e+00 : f32
      %jit3A_22 = arith.constant 0.000000e+00 : f32
      %broadcast_in_dim3A_23 = vector.broadcast %jit3A : f32 to vector<16xf32>
      %broadcast_in_dim3A_24 = vector.broadcast %jit3A_22 : f32 to vector<16xf32>
      %select_n3A = arith.select %eq3A_21, %broadcast_in_dim3A_23, %broadcast_in_dim3A_24 : vector<16xi1>, vector<16xf32>
      %swap3A = arith.constant 0 : i32
      %swap3A_25 = arith.index_cast %swap3A : i32 to index
      %swap3A_26 = arith.constant 0 : index
      %swap3A_27 = tpu.vector_load %arg15[%swap3A_25, %swap3A_26] {strides = array<i32>} : memref<16x128xf32, #tpu.memory_space<vmem>>, vector<1x16xf32>,
      %swap3A_28 = vector.shape_cast %swap3A_27 : vector<1x16xf32> to vector<16xf32>
      %swap3A_29 = vector.shape_cast %select_n3A : vector<16xf32> to vector<1x16xf32>
      tpu.vector_store %arg15[%swap3A_25, %swap3A_26], %swap3A_29 {strides = array<i32>} : memref<16x128xf32, #tpu.memory_space<vmem>>, vector<1x16xf32>,
      %swap3A_30 = arith.constant 1 : i32
      %swap3A_31 = arith.index_cast %swap3A_30 : i32 to index
      %swap3A_32 = arith.constant 16 : index
      %swap3A_33 = tpu.vector_load %arg15[%swap3A_31, %swap3A_32] {strides = array<i32>} : memref<16x128xf32, #tpu.memory_space<vmem>>, vector<1x16xf32>,
      %swap3A_34 = vector.shape_cast %swap3A_33 : vector<1x16xf32> to vector<16xf32>
      %swap3A_35 = vector.shape_cast %select_n3A : vector<16xf32> to vector<1x16xf32>
      tpu.vector_store %arg15[%swap3A_31, %swap3A_32], %swap3A_35 {strides = array<i32>} : memref<16x128xf32, #tpu.memory_space<vmem>>, vector<1x16xf32>,
      %swap3A_36 = arith.constant 2 : i32
      %swap3A_37 = arith.index_cast %swap3A_36 : i32 to index
      %swap3A_38 = arith.constant 32 : index
      %swap3A_39 = tpu.vector_load %arg15[%swap3A_37, %swap3A_38] {strides = array<i32>} : memref<16x128xf32, #tpu.memory_space<vmem>>, vector<1x16xf32>,
      %swap3A_40 = vector.shape_cast %swap3A_39 : vector<1x16xf32> to vector<16xf32>
      %swap3A_41 = vector.shape_cast %select_n3A : vector<16xf32> to vector<1x16xf32>
      tpu.vector_store %arg15[%swap3A_37, %swap3A_38], %swap3A_41 {strides = array<i32>} : memref<16x128xf32, #tpu.memory_space<vmem>>, vector<1x16xf32>,
      %swap3A_42 = arith.constant 3 : i32
      %swap3A_43 = arith.index_cast %swap3A_42 : i32 to index
      %swap3A_44 = arith.constant 48 : index
      %swap3A_45 = tpu.vector_load %arg15[%swap3A_43, %swap3A_44] {strides = array<i32>} : memref<16x128xf32, #tpu.memory_space<vmem>>, vector<1x16xf32>,
      %swap3A_46 = vector.shape_cast %swap3A_45 : vector<1x16xf32> to vector<16xf32>
      %swap3A_47 = vector.shape_cast %select_n3A : vector<16xf32> to vector<1x16xf32>
      tpu.vector_store %arg15[%swap3A_43, %swap3A_44], %swap3A_47 {strides = array<i32>} : memref<16x128xf32, #tpu.memory_space<vmem>>, vector<1x16xf32>,
      %swap3A_48 = arith.constant 4 : i32
      %swap3A_49 = arith.index_cast %swap3A_48 : i32 to index
      %swap3A_50 = arith.constant 64 : index
      %swap3A_51 = tpu.vector_load %arg15[%swap3A_49, %swap3A_50] {strides = array<i32>} : memref<16x128xf32, #tpu.memory_space<vmem>>, vector<1x16xf32>,
      %swap3A_52 = vector.shape_cast %swap3A_51 : vector<1x16xf32> to vector<16xf32>
      %swap3A_53 = vector.shape_cast %select_n3A : vector<16xf32> to vector<1x16xf32>
      tpu.vector_store %arg15[%swap3A_49, %swap3A_50], %swap3A_53 {strides = array<i32>} : memref<16x128xf32, #tpu.memory_space<vmem>>, vector<1x16xf32>,
      %swap3A_54 = arith.constant 5 : i32
      %swap3A_55 = arith.index_cast %swap3A_54 : i32 to index
      %swap3A_56 = arith.constant 80 : index
      %swap3A_57 = tpu.vector_load %arg15[%swap3A_55, %swap3A_56] {strides = array<i32>} : memref<16x128xf32, #tpu.memory_space<vmem>>, vector<1x16xf32>,
      %swap3A_58 = vector.shape_cast %swap3A_57 : vector<1x16xf32> to vector<16xf32>
      %swap3A_59 = vector.shape_cast %select_n3A : vector<16xf32> to vector<1x16xf32>
      tpu.vector_store %arg15[%swap3A_55, %swap3A_56], %swap3A_59 {strides = array<i32>} : memref<16x128xf32, #tpu.memory_space<vmem>>, vector<1x16xf32>,
      %swap3A_60 = arith.constant 6 : i32
      %swap3A_61 = arith.index_cast %swap3A_60 : i32 to index
      %swap3A_62 = arith.constant 96 : index
      %swap3A_63 = tpu.vector_load %arg15[%swap3A_61, %swap3A_62] {strides = array<i32>} : memref<16x128xf32, #tpu.memory_space<vmem>>, vector<1x16xf32>,
      %swap3A_64 = vector.shape_cast %swap3A_63 : vector<1x16xf32> to vector<16xf32>
      %swap3A_65 = vector.shape_cast %select_n3A : vector<16xf32> to vector<1x16xf32>
      tpu.vector_store %arg15[%swap3A_61, %swap3A_62], %swap3A_65 {strides = array<i32>} : memref<16x128xf32, #tpu.memory_space<vmem>>, vector<1x16xf32>,
      %swap3A_66 = arith.constant 7 : i32
      %swap3A_67 = arith.index_cast %swap3A_66 : i32 to index
      %swap3A_68 = arith.constant 112 : index
      %swap3A_69 = tpu.vector_load %arg15[%swap3A_67, %swap3A_68] {strides = array<i32>} : memref<16x128xf32, #tpu.memory_space<vmem>>, vector<1x16xf32>,
      %swap3A_70 = vector.shape_cast %swap3A_69 : vector<1x16xf32> to vector<16xf32>
      %swap3A_71 = vector.shape_cast %select_n3A : vector<16xf32> to vector<1x16xf32>
      tpu.vector_store %arg15[%swap3A_67, %swap3A_68], %swap3A_71 {strides = array<i32>} : memref<16x128xf32, #tpu.memory_space<vmem>>, vector<1x16xf32>,
      %mul3A = arith.constant 640 : i32
      %mul3A_72 = arith.muli %arg1, %mul3A : i32
      %scan3A_73 = arith.constant 0 : i32
      %scan3A_74 = arith.constant 8 : i32
      %scan3A_75 = arith.addi %scan3A_73, %scan3A_74 : i32
      %scan3A_76 = arith.constant 1 : i32
      scf.for %scan3A_202 = %scan3A_73 to %scan3A_75 step %scan3A_76  : i32 {
        %mul3A_203 = arith.constant 80 : i32
        %mul3A_204 = arith.muli %scan3A_202, %mul3A_203 : i32
        %add3A_205 = arith.addi %mul3A_72, %mul3A_204 : i32
        %iota3A_206 = tpu.iota {dimensions = array<i32: 0>} : vector<16xi32>
        %add3A_207 = arith.constant 0 : i32
        %add3A_208 = arith.addi %add3A_205, %add3A_207 : i32
        %add3A_209 = vector.broadcast %add3A_208 : i32 to vector<16xi32>
        %add3A_210 = arith.addi %iota3A_206, %add3A_209 : vector<16xi32>
        %swap3A_211 = arith.constant 0 : index
        %swap3A_212 = tpu.vector_load %arg18[%swap3A_211] {strides = array<i32>} : memref<80xi32, #tpu.memory_space<vmem>>, vector<16xi32>,
        %swap3A_213 = vector.shape_cast %swap3A_212 : vector<16xi32> to vector<16xi32>
        %swap3A_214 = vector.shape_cast %add3A_210 : vector<16xi32> to vector<16xi32>
        tpu.vector_store %arg18[%swap3A_211], %swap3A_214 {strides = array<i32>} : memref<80xi32, #tpu.memory_space<vmem>>, vector<16xi32>,
        %iota3A_215 = tpu.iota {dimensions = array<i32: 0>} : vector<16xi32>
        %add3A_216 = arith.constant 16 : i32
        %add3A_217 = arith.addi %add3A_205, %add3A_216 : i32
        %add3A_218 = vector.broadcast %add3A_217 : i32 to vector<16xi32>
        %add3A_219 = arith.addi %iota3A_215, %add3A_218 : vector<16xi32>
        %swap3A_220 = arith.constant 16 : index
        %swap3A_221 = tpu.vector_load %arg18[%swap3A_220] {strides = array<i32>} : memref<80xi32, #tpu.memory_space<vmem>>, vector<16xi32>,
        %swap3A_222 = vector.shape_cast %swap3A_221 : vector<16xi32> to vector<16xi32>
        %swap3A_223 = vector.shape_cast %add3A_219 : vector<16xi32> to vector<16xi32>
        tpu.vector_store %arg18[%swap3A_220], %swap3A_223 {strides = array<i32>} : memref<80xi32, #tpu.memory_space<vmem>>, vector<16xi32>,
        %iota3A_224 = tpu.iota {dimensions = array<i32: 0>} : vector<16xi32>
        %add3A_225 = arith.constant 32 : i32
        %add3A_226 = arith.addi %add3A_205, %add3A_225 : i32
        %add3A_227 = vector.broadcast %add3A_226 : i32 to vector<16xi32>
        %add3A_228 = arith.addi %iota3A_224, %add3A_227 : vector<16xi32>
        %swap3A_229 = arith.constant 32 : index
        %swap3A_230 = tpu.vector_load %arg18[%swap3A_229] {strides = array<i32>} : memref<80xi32, #tpu.memory_space<vmem>>, vector<16xi32>,
        %swap3A_231 = vector.shape_cast %swap3A_230 : vector<16xi32> to vector<16xi32>
        %swap3A_232 = vector.shape_cast %add3A_228 : vector<16xi32> to vector<16xi32>
        tpu.vector_store %arg18[%swap3A_229], %swap3A_232 {strides = array<i32>} : memref<80xi32, #tpu.memory_space<vmem>>, vector<16xi32>,
        %iota3A_233 = tpu.iota {dimensions = array<i32: 0>} : vector<16xi32>
        %add3A_234 = arith.constant 48 : i32
        %add3A_235 = arith.addi %add3A_205, %add3A_234 : i32
        %add3A_236 = vector.broadcast %add3A_235 : i32 to vector<16xi32>
        %add3A_237 = arith.addi %iota3A_233, %add3A_236 : vector<16xi32>
        %swap3A_238 = arith.constant 48 : index
        %swap3A_239 = tpu.vector_load %arg18[%swap3A_238] {strides = array<i32>} : memref<80xi32, #tpu.memory_space<vmem>>, vector<16xi32>,
        %swap3A_240 = vector.shape_cast %swap3A_239 : vector<16xi32> to vector<16xi32>
        %swap3A_241 = vector.shape_cast %add3A_237 : vector<16xi32> to vector<16xi32>
        tpu.vector_store %arg18[%swap3A_238], %swap3A_241 {strides = array<i32>} : memref<80xi32, #tpu.memory_space<vmem>>, vector<16xi32>,
        %iota3A_242 = tpu.iota {dimensions = array<i32: 0>} : vector<16xi32>
        %add3A_243 = arith.constant 64 : i32
        %add3A_244 = arith.addi %add3A_205, %add3A_243 : i32
        %add3A_245 = vector.broadcast %add3A_244 : i32 to vector<16xi32>
        %add3A_246 = arith.addi %iota3A_242, %add3A_245 : vector<16xi32>
        %swap3A_247 = arith.constant 64 : index
        %swap3A_248 = tpu.vector_load %arg18[%swap3A_247] {strides = array<i32>} : memref<80xi32, #tpu.memory_space<vmem>>, vector<16xi32>,
        %swap3A_249 = vector.shape_cast %swap3A_248 : vector<16xi32> to vector<16xi32>
        %swap3A_250 = vector.shape_cast %add3A_246 : vector<16xi32> to vector<16xi32>
        tpu.vector_store %arg18[%swap3A_247], %swap3A_250 {strides = array<i32>} : memref<80xi32, #tpu.memory_space<vmem>>, vector<16xi32>,
        "tpu.region"() ({
          %run_scoped3A = tpu.sem_alloc : memref<!tpu.dma_semaphore, #tpu.memory_space<semaphore_mem>>
          %dma_start3A = arith.constant 0 : i32
          %dma_start3A_251 = arith.constant 0 : i32
          %dma_start3A_252 = tpu.memref_slice %arg24[%dma_start3A, %dma_start3A_251] : memref<10240x128xf32, #tpu.memory_space<vmem_shared>> -> memref<10240x128xf32, #tpu.memory_space<vmem_shared>>
          tpu.enqueue_indirect_dma source(%arg12 : memref<80x128xf32, #tpu.memory_space<vmem>>) target(%dma_start3A_252 : memref<10240x128xf32, #tpu.memory_space<vmem_shared>>) offsets(%arg18 : memref<80xi32, #tpu.memory_space<vmem>>) semaphore(%run_scoped3A : memref<!tpu.dma_semaphore, #tpu.memory_space<semaphore_mem>>)
          %dma_wait3A = arith.constant 0 : i32
          %dma_wait3A_253 = arith.constant 0 : i32
          %dma_wait3A_254 = tpu.memref_slice %arg24[%dma_wait3A, %dma_wait3A_253] : memref<10240x128xf32, #tpu.memory_space<vmem_shared>> -> memref<10240x128xf32, #tpu.memory_space<vmem_shared>>
          tpu.wait_indirect_dma semaphore(%run_scoped3A : memref<!tpu.dma_semaphore, #tpu.memory_space<semaphore_mem>>) src(%arg12 : memref<80x128xf32, #tpu.memory_space<vmem>>) dst(%dma_wait3A_254 : memref<10240x128xf32, #tpu.memory_space<vmem_shared>>)
          tpu.yield
        }) : () -> ()
      }
      %scan3A_77 = arith.constant 8 : i32
      %mul3A_78 = arith.constant 80 : i32
      %mul3A_79 = arith.muli %arg1, %mul3A_78 : i32
      %iota3A_80 = tpu.iota {dimensions = array<i32: 0>} : vector<16xi32>
      %add3A = arith.constant 0 : i32
      %add3A_81 = arith.addi %mul3A_79, %add3A : i32
      %add3A_82 = vector.broadcast %add3A_81 : i32 to vector<16xi32>
      %add3A_83 = arith.addi %iota3A_80, %add3A_82 : vector<16xi32>
      %swap3A_84 = arith.constant 0 : index
      %swap3A_85 = tpu.vector_load %arg18[%swap3A_84] {strides = array<i32>} : memref<80xi32, #tpu.memory_space<vmem>>, vector<16xi32>,
      %swap3A_86 = vector.shape_cast %swap3A_85 : vector<16xi32> to vector<16xi32>
      %swap3A_87 = vector.shape_cast %add3A_83 : vector<16xi32> to vector<16xi32>
      tpu.vector_store %arg18[%swap3A_84], %swap3A_87 {strides = array<i32>} : memref<80xi32, #tpu.memory_space<vmem>>, vector<16xi32>,
      %iota3A_88 = tpu.iota {dimensions = array<i32: 0>} : vector<16xi32>
      %add3A_89 = arith.constant 16 : i32
      %add3A_90 = arith.addi %mul3A_79, %add3A_89 : i32
      %add3A_91 = vector.broadcast %add3A_90 : i32 to vector<16xi32>
      %add3A_92 = arith.addi %iota3A_88, %add3A_91 : vector<16xi32>
      %swap3A_93 = arith.constant 16 : index
      %swap3A_94 = tpu.vector_load %arg18[%swap3A_93] {strides = array<i32>} : memref<80xi32, #tpu.memory_space<vmem>>, vector<16xi32>,
      %swap3A_95 = vector.shape_cast %swap3A_94 : vector<16xi32> to vector<16xi32>
      %swap3A_96 = vector.shape_cast %add3A_92 : vector<16xi32> to vector<16xi32>
      tpu.vector_store %arg18[%swap3A_93], %swap3A_96 {strides = array<i32>} : memref<80xi32, #tpu.memory_space<vmem>>, vector<16xi32>,
      %iota3A_97 = tpu.iota {dimensions = array<i32: 0>} : vector<16xi32>
      %add3A_98 = arith.constant 32 : i32
      %add3A_99 = arith.addi %mul3A_79, %add3A_98 : i32
      %add3A_100 = vector.broadcast %add3A_99 : i32 to vector<16xi32>
      %add3A_101 = arith.addi %iota3A_97, %add3A_100 : vector<16xi32>
      %swap3A_102 = arith.constant 32 : index
      %swap3A_103 = tpu.vector_load %arg18[%swap3A_102] {strides = array<i32>} : memref<80xi32, #tpu.memory_space<vmem>>, vector<16xi32>,
      %swap3A_104 = vector.shape_cast %swap3A_103 : vector<16xi32> to vector<16xi32>
      %swap3A_105 = vector.shape_cast %add3A_101 : vector<16xi32> to vector<16xi32>
      tpu.vector_store %arg18[%swap3A_102], %swap3A_105 {strides = array<i32>} : memref<80xi32, #tpu.memory_space<vmem>>, vector<16xi32>,
      %iota3A_106 = tpu.iota {dimensions = array<i32: 0>} : vector<16xi32>
      %add3A_107 = arith.constant 48 : i32
      %add3A_108 = arith.addi %mul3A_79, %add3A_107 : i32
      %add3A_109 = vector.broadcast %add3A_108 : i32 to vector<16xi32>
      %add3A_110 = arith.addi %iota3A_106, %add3A_109 : vector<16xi32>
      %swap3A_111 = arith.constant 48 : index
      %swap3A_112 = tpu.vector_load %arg18[%swap3A_111] {strides = array<i32>} : memref<80xi32, #tpu.memory_space<vmem>>, vector<16xi32>,
      %swap3A_113 = vector.shape_cast %swap3A_112 : vector<16xi32> to vector<16xi32>
      %swap3A_114 = vector.shape_cast %add3A_110 : vector<16xi32> to vector<16xi32>
      tpu.vector_store %arg18[%swap3A_111], %swap3A_114 {strides = array<i32>} : memref<80xi32, #tpu.memory_space<vmem>>, vector<16xi32>,
      %iota3A_115 = tpu.iota {dimensions = array<i32: 0>} : vector<16xi32>
      %add3A_116 = arith.constant 64 : i32
      %add3A_117 = arith.addi %mul3A_79, %add3A_116 : i32
      %add3A_118 = vector.broadcast %add3A_117 : i32 to vector<16xi32>
      %add3A_119 = arith.addi %iota3A_115, %add3A_118 : vector<16xi32>
      %swap3A_120 = arith.constant 64 : index
      %swap3A_121 = tpu.vector_load %arg18[%swap3A_120] {strides = array<i32>} : memref<80xi32, #tpu.memory_space<vmem>>, vector<16xi32>,
      %swap3A_122 = vector.shape_cast %swap3A_121 : vector<16xi32> to vector<16xi32>
      %swap3A_123 = vector.shape_cast %add3A_119 : vector<16xi32> to vector<16xi32>
      tpu.vector_store %arg18[%swap3A_120], %swap3A_123 {strides = array<i32>} : memref<80xi32, #tpu.memory_space<vmem>>, vector<16xi32>,
      "tpu.region"() ({
        %run_scoped3A = tpu.sem_alloc : memref<!tpu.dma_semaphore, #tpu.memory_space<semaphore_mem>>
        %dma_start3A = arith.constant 0 : i32
        %dma_start3A_202 = arith.constant 0 : i32
        %dma_start3A_203 = tpu.memref_slice %arg25[%dma_start3A, %dma_start3A_202] : memref<1280x128xf32, #tpu.memory_space<vmem_shared>> -> memref<1280x128xf32, #tpu.memory_space<vmem_shared>>
        tpu.enqueue_indirect_dma source(%arg12 : memref<80x128xf32, #tpu.memory_space<vmem>>) target(%dma_start3A_203 : memref<1280x128xf32, #tpu.memory_space<vmem_shared>>) offsets(%arg18 : memref<80xi32, #tpu.memory_space<vmem>>) semaphore(%run_scoped3A : memref<!tpu.dma_semaphore, #tpu.memory_space<semaphore_mem>>)
        %dma_wait3A = arith.constant 0 : i32
        %dma_wait3A_204 = arith.constant 0 : i32
        %dma_wait3A_205 = tpu.memref_slice %arg25[%dma_wait3A, %dma_wait3A_204] : memref<1280x128xf32, #tpu.memory_space<vmem_shared>> -> memref<1280x128xf32, #tpu.memory_space<vmem_shared>>
        tpu.wait_indirect_dma semaphore(%run_scoped3A : memref<!tpu.dma_semaphore, #tpu.memory_space<semaphore_mem>>) src(%arg12 : memref<80x128xf32, #tpu.memory_space<vmem>>) dst(%dma_wait3A_205 : memref<1280x128xf32, #tpu.memory_space<vmem_shared>>)
        tpu.yield
      }) : () -> ()
      %iota3A_124 = tpu.iota {dimensions = array<i32: 0>} : vector<16xi32>
      %swap3A_125 = arith.constant 0 : index
      %swap3A_126 = tpu.vector_load %arg22[%swap3A_125] {strides = array<i32>} : memref<16xi32, #tpu.memory_space<vmem>>, vector<16xi32>,
      %swap3A_127 = vector.shape_cast %swap3A_126 : vector<16xi32> to vector<16xi32>
      %swap3A_128 = vector.shape_cast %iota3A_124 : vector<16xi32> to vector<16xi32>
      tpu.vector_store %arg22[%swap3A_125], %swap3A_128 {strides = array<i32>} : memref<16xi32, #tpu.memory_space<vmem>>, vector<16xi32>,
      %eq3A_129 = arith.constant 0 : i32
      %eq3A_130 = arith.cmpi eq, %arg1, %eq3A_129 : i32
      %convert_element_type3A_131 = arith.extui %eq3A_130 : i1 to i32
      %cond3A_132 = arith.constant 0 : i32
      %cond3A_133 = arith.cmpi ne, %convert_element_type3A_131, %cond3A_132 : i32
      scf.if %cond3A_133 {
        "tpu.region"() ({
          %run_scoped3A = tpu.sem_alloc : memref<!tpu.dma_semaphore, #tpu.memory_space<semaphore_mem>>
          %dma_start3A = arith.constant 0 : i32
          %dma_start3A_202 = arith.constant 0 : i32
          %dma_start3A_203 = tpu.memref_slice %arg23[%dma_start3A, %dma_start3A_202] : memref<16x128xf32, #tpu.memory_space<vmem_shared>> -> memref<16x128xf32, #tpu.memory_space<vmem_shared>>
          tpu.enqueue_indirect_dma source(%arg15 : memref<16x128xf32, #tpu.memory_space<vmem>>) target(%dma_start3A_203 : memref<16x128xf32, #tpu.memory_space<vmem_shared>>) offsets(%arg22 : memref<16xi32, #tpu.memory_space<vmem>>) semaphore(%run_scoped3A : memref<!tpu.dma_semaphore, #tpu.memory_space<semaphore_mem>>)
          %dma_wait3A = arith.constant 0 : i32
          %dma_wait3A_204 = arith.constant 0 : i32
          %dma_wait3A_205 = tpu.memref_slice %arg23[%dma_wait3A, %dma_wait3A_204] : memref<16x128xf32, #tpu.memory_space<vmem_shared>> -> memref<16x128xf32, #tpu.memory_space<vmem_shared>>
          tpu.wait_indirect_dma semaphore(%run_scoped3A : memref<!tpu.dma_semaphore, #tpu.memory_space<semaphore_mem>>) src(%arg15 : memref<16x128xf32, #tpu.memory_space<vmem>>) dst(%dma_wait3A_205 : memref<16x128xf32, #tpu.memory_space<vmem_shared>>)
          tpu.yield
        }) : () -> ()
      } else {
      }
      %barrier3A = arith.constant 0 : index
      tpu.barrier barrier_id(%barrier3A)
      %mul3A_134 = arith.constant 20000 : i32
      %mul3A_135 = arith.muli %arg1, %mul3A_134 : i32
      %scan3A_136 = arith.constant 0 : i32
      %scan3A_137 = arith.constant 125 : i32
      %scan3A_138 = arith.addi %scan3A_136, %scan3A_137 : i32
      %scan3A_139 = arith.constant 1 : i32
      scf.for %scan3A_202 = %scan3A_136 to %scan3A_138 step %scan3A_139  : i32 {
        %mul3A_203 = arith.constant 2 : i32
        %mul3A_204 = arith.muli %mul3A_203, %scan3A_202 : i32
        %mul3A_205 = arith.constant 80 : i32
        %mul3A_206 = arith.muli %mul3A_204, %mul3A_205 : i32
        %add3A_207 = arith.addi %mul3A_135, %mul3A_206 : i32
        "tpu.region"() ({
          %run_scoped3A = tpu.sem_alloc : memref<!tpu.dma_semaphore, #tpu.memory_space<semaphore_mem>>
          %dma_start3A_389 = tpu.memref_slice %arg6[%add3A_207] : memref<320000xi32, #tpu.memory_space<hbm>> -> memref<80xi32, #tpu.memory_space<hbm>>
          %dma_start3A_390 = tpu.memref_slice %arg6[%add3A_207] : memref<320000xi32, #tpu.memory_space<hbm>> -> memref<80xi32, #tpu.memory_space<hbm>>
          tpu.enqueue_dma source(%dma_start3A_390 : memref<80xi32, #tpu.memory_space<hbm>>) target(%arg16 : memref<80xi32, #tpu.memory_space<vmem>>) target_semaphore(%run_scoped3A : memref<!tpu.dma_semaphore, #tpu.memory_space<semaphore_mem>>)
          %dma_wait3A_391 = tpu.memref_slice %arg6[%add3A_207] : memref<320000xi32, #tpu.memory_space<hbm>> -> memref<80xi32, #tpu.memory_space<hbm>>
          %dma_wait3A_392 = tpu.memref_slice %arg6[%add3A_207] : memref<320000xi32, #tpu.memory_space<hbm>> -> memref<80xi32, #tpu.memory_space<hbm>>
          tpu.wait_dma2 semaphore(%run_scoped3A : memref<!tpu.dma_semaphore, #tpu.memory_space<semaphore_mem>>) src(%dma_wait3A_392 : memref<80xi32, #tpu.memory_space<hbm>>) dst(%arg16 : memref<80xi32, #tpu.memory_space<vmem>>)
          tpu.yield
        }) : () -> ()
        "tpu.region"() ({
          %run_scoped3A = tpu.sem_alloc : memref<!tpu.dma_semaphore, #tpu.memory_space<semaphore_mem>>
          %dma_start3A_389 = tpu.memref_slice %arg7[%add3A_207] : memref<320000xi32, #tpu.memory_space<hbm>> -> memref<80xi32, #tpu.memory_space<hbm>>
          %dma_start3A_390 = tpu.memref_slice %arg7[%add3A_207] : memref<320000xi32, #tpu.memory_space<hbm>> -> memref<80xi32, #tpu.memory_space<hbm>>
          tpu.enqueue_dma source(%dma_start3A_390 : memref<80xi32, #tpu.memory_space<hbm>>) target(%arg18 : memref<80xi32, #tpu.memory_space<vmem>>) target_semaphore(%run_scoped3A : memref<!tpu.dma_semaphore, #tpu.memory_space<semaphore_mem>>)
          %dma_wait3A_391 = tpu.memref_slice %arg7[%add3A_207] : memref<320000xi32, #tpu.memory_space<hbm>> -> memref<80xi32, #tpu.memory_space<hbm>>
          %dma_wait3A_392 = tpu.memref_slice %arg7[%add3A_207] : memref<320000xi32, #tpu.memory_space<hbm>> -> memref<80xi32, #tpu.memory_space<hbm>>
          tpu.wait_dma2 semaphore(%run_scoped3A : memref<!tpu.dma_semaphore, #tpu.memory_space<semaphore_mem>>) src(%dma_wait3A_392 : memref<80xi32, #tpu.memory_space<hbm>>) dst(%arg18 : memref<80xi32, #tpu.memory_space<vmem>>)
          tpu.yield
        }) : () -> ()
        %dma_start3A = arith.constant 0 : i32
        %dma_start3A_208 = arith.constant 0 : i32
        %dma_start3A_209 = tpu.memref_slice %arg2[%dma_start3A, %dma_start3A_208] : memref<10000x128xf32, #tpu.memory_space<hbm>> -> memref<10000x128xf32, #tpu.memory_space<hbm>>
        tpu.enqueue_indirect_dma source(%dma_start3A_209 : memref<10000x128xf32, #tpu.memory_space<hbm>>) target(%arg12 : memref<80x128xf32, #tpu.memory_space<vmem>>) offsets(%arg16 : memref<80xi32, #tpu.memory_space<vmem>>) semaphore(%arg26 : memref<!tpu.dma_semaphore, #tpu.memory_space<semaphore_mem>>)
        %add3A_210 = arith.constant 80 : i32
        %add3A_211 = arith.addi %add3A_207, %add3A_210 : i32
        "tpu.region"() ({
          %run_scoped3A = tpu.sem_alloc : memref<!tpu.dma_semaphore, #tpu.memory_space<semaphore_mem>>
          %dma_start3A_389 = tpu.memref_slice %arg6[%add3A_211] : memref<320000xi32, #tpu.memory_space<hbm>> -> memref<80xi32, #tpu.memory_space<hbm>>
          %dma_start3A_390 = tpu.memref_slice %arg6[%add3A_211] : memref<320000xi32, #tpu.memory_space<hbm>> -> memref<80xi32, #tpu.memory_space<hbm>>
          tpu.enqueue_dma source(%dma_start3A_390 : memref<80xi32, #tpu.memory_space<hbm>>) target(%arg17 : memref<80xi32, #tpu.memory_space<vmem>>) target_semaphore(%run_scoped3A : memref<!tpu.dma_semaphore, #tpu.memory_space<semaphore_mem>>)
          %dma_wait3A_391 = tpu.memref_slice %arg6[%add3A_211] : memref<320000xi32, #tpu.memory_space<hbm>> -> memref<80xi32, #tpu.memory_space<hbm>>
          %dma_wait3A_392 = tpu.memref_slice %arg6[%add3A_211] : memref<320000xi32, #tpu.memory_space<hbm>> -> memref<80xi32, #tpu.memory_space<hbm>>
          tpu.wait_dma2 semaphore(%run_scoped3A : memref<!tpu.dma_semaphore, #tpu.memory_space<semaphore_mem>>) src(%dma_wait3A_392 : memref<80xi32, #tpu.memory_space<hbm>>) dst(%arg17 : memref<80xi32, #tpu.memory_space<vmem>>)
          tpu.yield
        }) : () -> ()
        %add3A_212 = arith.constant 80 : i32
        %add3A_213 = arith.addi %add3A_207, %add3A_212 : i32
        "tpu.region"() ({
          %run_scoped3A = tpu.sem_alloc : memref<!tpu.dma_semaphore, #tpu.memory_space<semaphore_mem>>
          %dma_start3A_389 = tpu.memref_slice %arg7[%add3A_213] : memref<320000xi32, #tpu.memory_space<hbm>> -> memref<80xi32, #tpu.memory_space<hbm>>
          %dma_start3A_390 = tpu.memref_slice %arg7[%add3A_213] : memref<320000xi32, #tpu.memory_space<hbm>> -> memref<80xi32, #tpu.memory_space<hbm>>
          tpu.enqueue_dma source(%dma_start3A_390 : memref<80xi32, #tpu.memory_space<hbm>>) target(%arg19 : memref<80xi32, #tpu.memory_space<vmem>>) target_semaphore(%run_scoped3A : memref<!tpu.dma_semaphore, #tpu.memory_space<semaphore_mem>>)
          %dma_wait3A_391 = tpu.memref_slice %arg7[%add3A_213] : memref<320000xi32, #tpu.memory_space<hbm>> -> memref<80xi32, #tpu.memory_space<hbm>>
          %dma_wait3A_392 = tpu.memref_slice %arg7[%add3A_213] : memref<320000xi32, #tpu.memory_space<hbm>> -> memref<80xi32, #tpu.memory_space<hbm>>
          tpu.wait_dma2 semaphore(%run_scoped3A : memref<!tpu.dma_semaphore, #tpu.memory_space<semaphore_mem>>) src(%dma_wait3A_392 : memref<80xi32, #tpu.memory_space<hbm>>) dst(%arg19 : memref<80xi32, #tpu.memory_space<vmem>>)
          tpu.yield
        }) : () -> ()
        %dma_start3A_214 = arith.constant 0 : i32
        %dma_start3A_215 = arith.constant 0 : i32
        %dma_start3A_216 = tpu.memref_slice %arg2[%dma_start3A_214, %dma_start3A_215] : memref<10000x128xf32, #tpu.memory_space<hbm>> -> memref<10000x128xf32, #tpu.memory_space<hbm>>
        tpu.enqueue_indirect_dma source(%dma_start3A_216 : memref<10000x128xf32, #tpu.memory_space<hbm>>) target(%arg13 : memref<80x128xf32, #tpu.memory_space<vmem>>) offsets(%arg17 : memref<80xi32, #tpu.memory_space<vmem>>) semaphore(%arg27 : memref<!tpu.dma_semaphore, #tpu.memory_space<semaphore_mem>>)
        %get3A = arith.constant 0 : index
        %get3A_217 = tpu.vector_load %arg18[%get3A] {strides = array<i32>} : memref<80xi32, #tpu.memory_space<vmem>>, vector<16xi32>,
        %get3A_218 = vector.shape_cast %get3A_217 : vector<16xi32> to vector<16xi32>
        %and3A = arith.constant 7 : i32
        %and3A_219 = vector.broadcast %and3A : i32 to vector<16xi32>
        %and3A_220 = arith.andi %get3A_218, %and3A_219 : vector<16xi32>
        %swap3A_221 = arith.constant 0 : index
        %swap3A_222 = tpu.vector_load %arg20[%swap3A_221] {strides = array<i32>} : memref<80xi32, #tpu.memory_space<vmem>>, vector<16xi32>,
        %swap3A_223 = vector.shape_cast %swap3A_222 : vector<16xi32> to vector<16xi32>
        %swap3A_224 = vector.shape_cast %and3A_220 : vector<16xi32> to vector<16xi32>
        tpu.vector_store %arg20[%swap3A_221], %swap3A_224 {strides = array<i32>} : memref<80xi32, #tpu.memory_space<vmem>>, vector<16xi32>,
        %shift_right_logical3A = arith.constant 3 : i32
        %shift_right_logical3A_225 = vector.broadcast %shift_right_logical3A : i32 to vector<16xi32>
        %shift_right_logical3A_226 = arith.shrui %get3A_218, %shift_right_logical3A_225 : vector<16xi32>
        %swap3A_227 = arith.constant 0 : index
        %swap3A_228 = tpu.vector_load %arg21[%swap3A_227] {strides = array<i32>} : memref<80xi32, #tpu.memory_space<vmem>>, vector<16xi32>,
        %swap3A_229 = vector.shape_cast %swap3A_228 : vector<16xi32> to vector<16xi32>
        %swap3A_230 = vector.shape_cast %shift_right_logical3A_226 : vector<16xi32> to vector<16xi32>
        tpu.vector_store %arg21[%swap3A_227], %swap3A_230 {strides = array<i32>} : memref<80xi32, #tpu.memory_space<vmem>>, vector<16xi32>,
        %get3A_231 = arith.constant 16 : index
        %get3A_232 = tpu.vector_load %arg18[%get3A_231] {strides = array<i32>} : memref<80xi32, #tpu.memory_space<vmem>>, vector<16xi32>,
        %get3A_233 = vector.shape_cast %get3A_232 : vector<16xi32> to vector<16xi32>
        %and3A_234 = arith.constant 7 : i32
        %and3A_235 = vector.broadcast %and3A_234 : i32 to vector<16xi32>
        %and3A_236 = arith.andi %get3A_233, %and3A_235 : vector<16xi32>
        %swap3A_237 = arith.constant 16 : index
        %swap3A_238 = tpu.vector_load %arg20[%swap3A_237] {strides = array<i32>} : memref<80xi32, #tpu.memory_space<vmem>>, vector<16xi32>,
        %swap3A_239 = vector.shape_cast %swap3A_238 : vector<16xi32> to vector<16xi32>
        %swap3A_240 = vector.shape_cast %and3A_236 : vector<16xi32> to vector<16xi32>
        tpu.vector_store %arg20[%swap3A_237], %swap3A_240 {strides = array<i32>} : memref<80xi32, #tpu.memory_space<vmem>>, vector<16xi32>,
        %shift_right_logical3A_241 = arith.constant 3 : i32
        %shift_right_logical3A_242 = vector.broadcast %shift_right_logical3A_241 : i32 to vector<16xi32>
        %shift_right_logical3A_243 = arith.shrui %get3A_233, %shift_right_logical3A_242 : vector<16xi32>
        %swap3A_244 = arith.constant 16 : index
        %swap3A_245 = tpu.vector_load %arg21[%swap3A_244] {strides = array<i32>} : memref<80xi32, #tpu.memory_space<vmem>>, vector<16xi32>,
        %swap3A_246 = vector.shape_cast %swap3A_245 : vector<16xi32> to vector<16xi32>
        %swap3A_247 = vector.shape_cast %shift_right_logical3A_243 : vector<16xi32> to vector<16xi32>
        tpu.vector_store %arg21[%swap3A_244], %swap3A_247 {strides = array<i32>} : memref<80xi32, #tpu.memory_space<vmem>>, vector<16xi32>,
        %get3A_248 = arith.constant 32 : index
        %get3A_249 = tpu.vector_load %arg18[%get3A_248] {strides = array<i32>} : memref<80xi32, #tpu.memory_space<vmem>>, vector<16xi32>,
        %get3A_250 = vector.shape_cast %get3A_249 : vector<16xi32> to vector<16xi32>
        %and3A_251 = arith.constant 7 : i32
        %and3A_252 = vector.broadcast %and3A_251 : i32 to vector<16xi32>
        %and3A_253 = arith.andi %get3A_250, %and3A_252 : vector<16xi32>
        %swap3A_254 = arith.constant 32 : index
        %swap3A_255 = tpu.vector_load %arg20[%swap3A_254] {strides = array<i32>} : memref<80xi32, #tpu.memory_space<vmem>>, vector<16xi32>,
        %swap3A_256 = vector.shape_cast %swap3A_255 : vector<16xi32> to vector<16xi32>
        %swap3A_257 = vector.shape_cast %and3A_253 : vector<16xi32> to vector<16xi32>
        tpu.vector_store %arg20[%swap3A_254], %swap3A_257 {strides = array<i32>} : memref<80xi32, #tpu.memory_space<vmem>>, vector<16xi32>,
        %shift_right_logical3A_258 = arith.constant 3 : i32
        %shift_right_logical3A_259 = vector.broadcast %shift_right_logical3A_258 : i32 to vector<16xi32>
        %shift_right_logical3A_260 = arith.shrui %get3A_250, %shift_right_logical3A_259 : vector<16xi32>
        %swap3A_261 = arith.constant 32 : index
        %swap3A_262 = tpu.vector_load %arg21[%swap3A_261] {strides = array<i32>} : memref<80xi32, #tpu.memory_space<vmem>>, vector<16xi32>,
        %swap3A_263 = vector.shape_cast %swap3A_262 : vector<16xi32> to vector<16xi32>
        %swap3A_264 = vector.shape_cast %shift_right_logical3A_260 : vector<16xi32> to vector<16xi32>
        tpu.vector_store %arg21[%swap3A_261], %swap3A_264 {strides = array<i32>} : memref<80xi32, #tpu.memory_space<vmem>>, vector<16xi32>,
        %get3A_265 = arith.constant 48 : index
        %get3A_266 = tpu.vector_load %arg18[%get3A_265] {strides = array<i32>} : memref<80xi32, #tpu.memory_space<vmem>>, vector<16xi32>,
        %get3A_267 = vector.shape_cast %get3A_266 : vector<16xi32> to vector<16xi32>
        %and3A_268 = arith.constant 7 : i32
        %and3A_269 = vector.broadcast %and3A_268 : i32 to vector<16xi32>
        %and3A_270 = arith.andi %get3A_267, %and3A_269 : vector<16xi32>
        %swap3A_271 = arith.constant 48 : index
        %swap3A_272 = tpu.vector_load %arg20[%swap3A_271] {strides = array<i32>} : memref<80xi32, #tpu.memory_space<vmem>>, vector<16xi32>,
        %swap3A_273 = vector.shape_cast %swap3A_272 : vector<16xi32> to vector<16xi32>
        %swap3A_274 = vector.shape_cast %and3A_270 : vector<16xi32> to vector<16xi32>
        tpu.vector_store %arg20[%swap3A_271], %swap3A_274 {strides = array<i32>} : memref<80xi32, #tpu.memory_space<vmem>>, vector<16xi32>,
        %shift_right_logical3A_275 = arith.constant 3 : i32
        %shift_right_logical3A_276 = vector.broadcast %shift_right_logical3A_275 : i32 to vector<16xi32>
        %shift_right_logical3A_277 = arith.shrui %get3A_267, %shift_right_logical3A_276 : vector<16xi32>
        %swap3A_278 = arith.constant 48 : index
        %swap3A_279 = tpu.vector_load %arg21[%swap3A_278] {strides = array<i32>} : memref<80xi32, #tpu.memory_space<vmem>>, vector<16xi32>,
        %swap3A_280 = vector.shape_cast %swap3A_279 : vector<16xi32> to vector<16xi32>
        %swap3A_281 = vector.shape_cast %shift_right_logical3A_277 : vector<16xi32> to vector<16xi32>
        tpu.vector_store %arg21[%swap3A_278], %swap3A_281 {strides = array<i32>} : memref<80xi32, #tpu.memory_space<vmem>>, vector<16xi32>,
        %get3A_282 = arith.constant 64 : index
        %get3A_283 = tpu.vector_load %arg18[%get3A_282] {strides = array<i32>} : memref<80xi32, #tpu.memory_space<vmem>>, vector<16xi32>,
        %get3A_284 = vector.shape_cast %get3A_283 : vector<16xi32> to vector<16xi32>
        %and3A_285 = arith.constant 7 : i32
        %and3A_286 = vector.broadcast %and3A_285 : i32 to vector<16xi32>
        %and3A_287 = arith.andi %get3A_284, %and3A_286 : vector<16xi32>
        %swap3A_288 = arith.constant 64 : index
        %swap3A_289 = tpu.vector_load %arg20[%swap3A_288] {strides = array<i32>} : memref<80xi32, #tpu.memory_space<vmem>>, vector<16xi32>,
        %swap3A_290 = vector.shape_cast %swap3A_289 : vector<16xi32> to vector<16xi32>
        %swap3A_291 = vector.shape_cast %and3A_287 : vector<16xi32> to vector<16xi32>
        tpu.vector_store %arg20[%swap3A_288], %swap3A_291 {strides = array<i32>} : memref<80xi32, #tpu.memory_space<vmem>>, vector<16xi32>,
        %shift_right_logical3A_292 = arith.constant 3 : i32
        %shift_right_logical3A_293 = vector.broadcast %shift_right_logical3A_292 : i32 to vector<16xi32>
        %shift_right_logical3A_294 = arith.shrui %get3A_284, %shift_right_logical3A_293 : vector<16xi32>
        %swap3A_295 = arith.constant 64 : index
        %swap3A_296 = tpu.vector_load %arg21[%swap3A_295] {strides = array<i32>} : memref<80xi32, #tpu.memory_space<vmem>>, vector<16xi32>,
        %swap3A_297 = vector.shape_cast %swap3A_296 : vector<16xi32> to vector<16xi32>
        %swap3A_298 = vector.shape_cast %shift_right_logical3A_294 : vector<16xi32> to vector<16xi32>
        tpu.vector_store %arg21[%swap3A_295], %swap3A_298 {strides = array<i32>} : memref<80xi32, #tpu.memory_space<vmem>>, vector<16xi32>,
        "tpu.region"() ({
          %run_scoped3A = tpu.sem_alloc : memref<!tpu.dma_semaphore, #tpu.memory_space<semaphore_mem>>
          %dma_start3A_389 = arith.constant 0 : i32
          %dma_start3A_390 = arith.constant 0 : i32
          %dma_start3A_391 = tpu.memref_slice %arg23[%dma_start3A_389, %dma_start3A_390] : memref<16x128xf32, #tpu.memory_space<vmem_shared>> -> memref<16x128xf32, #tpu.memory_space<vmem_shared>>
          tpu.enqueue_indirect_dma source(%dma_start3A_391 : memref<16x128xf32, #tpu.memory_space<vmem_shared>>) target(%arg14 : memref<80x128xf32, #tpu.memory_space<vmem>>) offsets(%arg20 : memref<80xi32, #tpu.memory_space<vmem>>) semaphore(%run_scoped3A : memref<!tpu.dma_semaphore, #tpu.memory_space<semaphore_mem>>)
          %dma_wait3A_392 = arith.constant 0 : i32
          %dma_wait3A_393 = arith.constant 0 : i32
          %dma_wait3A_394 = tpu.memref_slice %arg23[%dma_wait3A_392, %dma_wait3A_393] : memref<16x128xf32, #tpu.memory_space<vmem_shared>> -> memref<16x128xf32, #tpu.memory_space<vmem_shared>>
          tpu.wait_indirect_dma semaphore(%run_scoped3A : memref<!tpu.dma_semaphore, #tpu.memory_space<semaphore_mem>>) src(%dma_wait3A_394 : memref<16x128xf32, #tpu.memory_space<vmem_shared>>) dst(%arg14 : memref<80x128xf32, #tpu.memory_space<vmem>>)
          tpu.yield
        }) : () -> ()
        %dma_wait3A = arith.constant 0 : i32
        %dma_wait3A_299 = arith.constant 0 : i32
        %dma_wait3A_300 = tpu.memref_slice %arg2[%dma_wait3A, %dma_wait3A_299] : memref<10000x128xf32, #tpu.memory_space<hbm>> -> memref<10000x128xf32, #tpu.memory_space<hbm>>
        tpu.wait_indirect_dma semaphore(%arg26 : memref<!tpu.dma_semaphore, #tpu.memory_space<semaphore_mem>>) src(%dma_wait3A_300 : memref<10000x128xf32, #tpu.memory_space<hbm>>) dst(%arg12 : memref<80x128xf32, #tpu.memory_space<vmem>>)
        "tpu.region"() ({
          %run_scoped3A = tpu.sem_alloc : memref<!tpu.dma_semaphore, #tpu.memory_space<semaphore_mem>>
          %dma_start3A_389 = arith.constant 0 : i32
          %dma_start3A_390 = arith.constant 0 : i32
          %dma_start3A_391 = tpu.memref_slice %arg24[%dma_start3A_389, %dma_start3A_390] : memref<10240x128xf32, #tpu.memory_space<vmem_shared>> -> memref<10240x128xf32, #tpu.memory_space<vmem_shared>>
          tpu.enqueue_indirect_dma source(%arg12 : memref<80x128xf32, #tpu.memory_space<vmem>>) target(%dma_start3A_391 : memref<10240x128xf32, #tpu.memory_space<vmem_shared>>) offsets(%arg18 : memref<80xi32, #tpu.memory_space<vmem>>) semaphore(%run_scoped3A : memref<!tpu.dma_semaphore, #tpu.memory_space<semaphore_mem>>) {add = true}
          %dma_wait3A_392 = arith.constant 0 : i32
          %dma_wait3A_393 = arith.constant 0 : i32
          %dma_wait3A_394 = tpu.memref_slice %arg24[%dma_wait3A_392, %dma_wait3A_393] : memref<10240x128xf32, #tpu.memory_space<vmem_shared>> -> memref<10240x128xf32, #tpu.memory_space<vmem_shared>>
          tpu.wait_indirect_dma semaphore(%run_scoped3A : memref<!tpu.dma_semaphore, #tpu.memory_space<semaphore_mem>>) src(%arg12 : memref<80x128xf32, #tpu.memory_space<vmem>>) dst(%dma_wait3A_394 : memref<10240x128xf32, #tpu.memory_space<vmem_shared>>)
          tpu.yield
        }) : () -> ()
        "tpu.region"() ({
          %run_scoped3A = tpu.sem_alloc : memref<!tpu.dma_semaphore, #tpu.memory_space<semaphore_mem>>
          %dma_start3A_389 = arith.constant 0 : i32
          %dma_start3A_390 = arith.constant 0 : i32
          %dma_start3A_391 = tpu.memref_slice %arg25[%dma_start3A_389, %dma_start3A_390] : memref<1280x128xf32, #tpu.memory_space<vmem_shared>> -> memref<1280x128xf32, #tpu.memory_space<vmem_shared>>
          tpu.enqueue_indirect_dma source(%arg14 : memref<80x128xf32, #tpu.memory_space<vmem>>) target(%dma_start3A_391 : memref<1280x128xf32, #tpu.memory_space<vmem_shared>>) offsets(%arg21 : memref<80xi32, #tpu.memory_space<vmem>>) semaphore(%run_scoped3A : memref<!tpu.dma_semaphore, #tpu.memory_space<semaphore_mem>>) {add = true}
          %dma_wait3A_392 = arith.constant 0 : i32
          %dma_wait3A_393 = arith.constant 0 : i32
          %dma_wait3A_394 = tpu.memref_slice %arg25[%dma_wait3A_392, %dma_wait3A_393] : memref<1280x128xf32, #tpu.memory_space<vmem_shared>> -> memref<1280x128xf32, #tpu.memory_space<vmem_shared>>
          tpu.wait_indirect_dma semaphore(%run_scoped3A : memref<!tpu.dma_semaphore, #tpu.memory_space<semaphore_mem>>) src(%arg14 : memref<80x128xf32, #tpu.memory_space<vmem>>) dst(%dma_wait3A_394 : memref<1280x128xf32, #tpu.memory_space<vmem_shared>>)
          tpu.yield
        }) : () -> ()
        %get3A_301 = arith.constant 0 : index
        %get3A_302 = tpu.vector_load %arg19[%get3A_301] {strides = array<i32>} : memref<80xi32, #tpu.memory_space<vmem>>, vector<16xi32>,
        %get3A_303 = vector.shape_cast %get3A_302 : vector<16xi32> to vector<16xi32>
        %and3A_304 = arith.constant 7 : i32
        %and3A_305 = vector.broadcast %and3A_304 : i32 to vector<16xi32>
        %and3A_306 = arith.andi %get3A_303, %and3A_305 : vector<16xi32>
        %swap3A_307 = arith.constant 0 : index
        %swap3A_308 = tpu.vector_load %arg20[%swap3A_307] {strides = array<i32>} : memref<80xi32, #tpu.memory_space<vmem>>, vector<16xi32>,
        %swap3A_309 = vector.shape_cast %swap3A_308 : vector<16xi32> to vector<16xi32>
        %swap3A_310 = vector.shape_cast %and3A_306 : vector<16xi32> to vector<16xi32>
        tpu.vector_store %arg20[%swap3A_307], %swap3A_310 {strides = array<i32>} : memref<80xi32, #tpu.memory_space<vmem>>, vector<16xi32>,
        %shift_right_logical3A_311 = arith.constant 3 : i32
        %shift_right_logical3A_312 = vector.broadcast %shift_right_logical3A_311 : i32 to vector<16xi32>
        %shift_right_logical3A_313 = arith.shrui %get3A_303, %shift_right_logical3A_312 : vector<16xi32>
        %swap3A_314 = arith.constant 0 : index
        %swap3A_315 = tpu.vector_load %arg21[%swap3A_314] {strides = array<i32>} : memref<80xi32, #tpu.memory_space<vmem>>, vector<16xi32>,
        %swap3A_316 = vector.shape_cast %swap3A_315 : vector<16xi32> to vector<16xi32>
        %swap3A_317 = vector.shape_cast %shift_right_logical3A_313 : vector<16xi32> to vector<16xi32>
        tpu.vector_store %arg21[%swap3A_314], %swap3A_317 {strides = array<i32>} : memref<80xi32, #tpu.memory_space<vmem>>, vector<16xi32>,
        %get3A_318 = arith.constant 16 : index
        %get3A_319 = tpu.vector_load %arg19[%get3A_318] {strides = array<i32>} : memref<80xi32, #tpu.memory_space<vmem>>, vector<16xi32>,
        %get3A_320 = vector.shape_cast %get3A_319 : vector<16xi32> to vector<16xi32>
        %and3A_321 = arith.constant 7 : i32
        %and3A_322 = vector.broadcast %and3A_321 : i32 to vector<16xi32>
        %and3A_323 = arith.andi %get3A_320, %and3A_322 : vector<16xi32>
        %swap3A_324 = arith.constant 16 : index
        %swap3A_325 = tpu.vector_load %arg20[%swap3A_324] {strides = array<i32>} : memref<80xi32, #tpu.memory_space<vmem>>, vector<16xi32>,
        %swap3A_326 = vector.shape_cast %swap3A_325 : vector<16xi32> to vector<16xi32>
        %swap3A_327 = vector.shape_cast %and3A_323 : vector<16xi32> to vector<16xi32>
        tpu.vector_store %arg20[%swap3A_324], %swap3A_327 {strides = array<i32>} : memref<80xi32, #tpu.memory_space<vmem>>, vector<16xi32>,
        %shift_right_logical3A_328 = arith.constant 3 : i32
        %shift_right_logical3A_329 = vector.broadcast %shift_right_logical3A_328 : i32 to vector<16xi32>
        %shift_right_logical3A_330 = arith.shrui %get3A_320, %shift_right_logical3A_329 : vector<16xi32>
        %swap3A_331 = arith.constant 16 : index
        %swap3A_332 = tpu.vector_load %arg21[%swap3A_331] {strides = array<i32>} : memref<80xi32, #tpu.memory_space<vmem>>, vector<16xi32>,
        %swap3A_333 = vector.shape_cast %swap3A_332 : vector<16xi32> to vector<16xi32>
        %swap3A_334 = vector.shape_cast %shift_right_logical3A_330 : vector<16xi32> to vector<16xi32>
        tpu.vector_store %arg21[%swap3A_331], %swap3A_334 {strides = array<i32>} : memref<80xi32, #tpu.memory_space<vmem>>, vector<16xi32>,
        %get3A_335 = arith.constant 32 : index
        %get3A_336 = tpu.vector_load %arg19[%get3A_335] {strides = array<i32>} : memref<80xi32, #tpu.memory_space<vmem>>, vector<16xi32>,
        %get3A_337 = vector.shape_cast %get3A_336 : vector<16xi32> to vector<16xi32>
        %and3A_338 = arith.constant 7 : i32
        %and3A_339 = vector.broadcast %and3A_338 : i32 to vector<16xi32>
        %and3A_340 = arith.andi %get3A_337, %and3A_339 : vector<16xi32>
        %swap3A_341 = arith.constant 32 : index
        %swap3A_342 = tpu.vector_load %arg20[%swap3A_341] {strides = array<i32>} : memref<80xi32, #tpu.memory_space<vmem>>, vector<16xi32>,
        %swap3A_343 = vector.shape_cast %swap3A_342 : vector<16xi32> to vector<16xi32>
        %swap3A_344 = vector.shape_cast %and3A_340 : vector<16xi32> to vector<16xi32>
        tpu.vector_store %arg20[%swap3A_341], %swap3A_344 {strides = array<i32>} : memref<80xi32, #tpu.memory_space<vmem>>, vector<16xi32>,
        %shift_right_logical3A_345 = arith.constant 3 : i32
        %shift_right_logical3A_346 = vector.broadcast %shift_right_logical3A_345 : i32 to vector<16xi32>
        %shift_right_logical3A_347 = arith.shrui %get3A_337, %shift_right_logical3A_346 : vector<16xi32>
        %swap3A_348 = arith.constant 32 : index
        %swap3A_349 = tpu.vector_load %arg21[%swap3A_348] {strides = array<i32>} : memref<80xi32, #tpu.memory_space<vmem>>, vector<16xi32>,
        %swap3A_350 = vector.shape_cast %swap3A_349 : vector<16xi32> to vector<16xi32>
        %swap3A_351 = vector.shape_cast %shift_right_logical3A_347 : vector<16xi32> to vector<16xi32>
        tpu.vector_store %arg21[%swap3A_348], %swap3A_351 {strides = array<i32>} : memref<80xi32, #tpu.memory_space<vmem>>, vector<16xi32>,
        %get3A_352 = arith.constant 48 : index
        %get3A_353 = tpu.vector_load %arg19[%get3A_352] {strides = array<i32>} : memref<80xi32, #tpu.memory_space<vmem>>, vector<16xi32>,
        %get3A_354 = vector.shape_cast %get3A_353 : vector<16xi32> to vector<16xi32>
        %and3A_355 = arith.constant 7 : i32
        %and3A_356 = vector.broadcast %and3A_355 : i32 to vector<16xi32>
        %and3A_357 = arith.andi %get3A_354, %and3A_356 : vector<16xi32>
        %swap3A_358 = arith.constant 48 : index
        %swap3A_359 = tpu.vector_load %arg20[%swap3A_358] {strides = array<i32>} : memref<80xi32, #tpu.memory_space<vmem>>, vector<16xi32>,
        %swap3A_360 = vector.shape_cast %swap3A_359 : vector<16xi32> to vector<16xi32>
        %swap3A_361 = vector.shape_cast %and3A_357 : vector<16xi32> to vector<16xi32>
        tpu.vector_store %arg20[%swap3A_358], %swap3A_361 {strides = array<i32>} : memref<80xi32, #tpu.memory_space<vmem>>, vector<16xi32>,
        %shift_right_logical3A_362 = arith.constant 3 : i32
        %shift_right_logical3A_363 = vector.broadcast %shift_right_logical3A_362 : i32 to vector<16xi32>
        %shift_right_logical3A_364 = arith.shrui %get3A_354, %shift_right_logical3A_363 : vector<16xi32>
        %swap3A_365 = arith.constant 48 : index
        %swap3A_366 = tpu.vector_load %arg21[%swap3A_365] {strides = array<i32>} : memref<80xi32, #tpu.memory_space<vmem>>, vector<16xi32>,
        %swap3A_367 = vector.shape_cast %swap3A_366 : vector<16xi32> to vector<16xi32>
        %swap3A_368 = vector.shape_cast %shift_right_logical3A_364 : vector<16xi32> to vector<16xi32>
        tpu.vector_store %arg21[%swap3A_365], %swap3A_368 {strides = array<i32>} : memref<80xi32, #tpu.memory_space<vmem>>, vector<16xi32>,
        %get3A_369 = arith.constant 64 : index
        %get3A_370 = tpu.vector_load %arg19[%get3A_369] {strides = array<i32>} : memref<80xi32, #tpu.memory_space<vmem>>, vector<16xi32>,
        %get3A_371 = vector.shape_cast %get3A_370 : vector<16xi32> to vector<16xi32>
        %and3A_372 = arith.constant 7 : i32
        %and3A_373 = vector.broadcast %and3A_372 : i32 to vector<16xi32>
        %and3A_374 = arith.andi %get3A_371, %and3A_373 : vector<16xi32>
        %swap3A_375 = arith.constant 64 : index
        %swap3A_376 = tpu.vector_load %arg20[%swap3A_375] {strides = array<i32>} : memref<80xi32, #tpu.memory_space<vmem>>, vector<16xi32>,
        %swap3A_377 = vector.shape_cast %swap3A_376 : vector<16xi32> to vector<16xi32>
        %swap3A_378 = vector.shape_cast %and3A_374 : vector<16xi32> to vector<16xi32>
        tpu.vector_store %arg20[%swap3A_375], %swap3A_378 {strides = array<i32>} : memref<80xi32, #tpu.memory_space<vmem>>, vector<16xi32>,
        %shift_right_logical3A_379 = arith.constant 3 : i32
        %shift_right_logical3A_380 = vector.broadcast %shift_right_logical3A_379 : i32 to vector<16xi32>
        %shift_right_logical3A_381 = arith.shrui %get3A_371, %shift_right_logical3A_380 : vector<16xi32>
        %swap3A_382 = arith.constant 64 : index
        %swap3A_383 = tpu.vector_load %arg21[%swap3A_382] {strides = array<i32>} : memref<80xi32, #tpu.memory_space<vmem>>, vector<16xi32>,
        %swap3A_384 = vector.shape_cast %swap3A_383 : vector<16xi32> to vector<16xi32>
        %swap3A_385 = vector.shape_cast %shift_right_logical3A_381 : vector<16xi32> to vector<16xi32>
        tpu.vector_store %arg21[%swap3A_382], %swap3A_385 {strides = array<i32>} : memref<80xi32, #tpu.memory_space<vmem>>, vector<16xi32>,
        "tpu.region"() ({
          %run_scoped3A = tpu.sem_alloc : memref<!tpu.dma_semaphore, #tpu.memory_space<semaphore_mem>>
          %dma_start3A_389 = arith.constant 0 : i32
          %dma_start3A_390 = arith.constant 0 : i32
          %dma_start3A_391 = tpu.memref_slice %arg23[%dma_start3A_389, %dma_start3A_390] : memref<16x128xf32, #tpu.memory_space<vmem_shared>> -> memref<16x128xf32, #tpu.memory_space<vmem_shared>>
          tpu.enqueue_indirect_dma source(%dma_start3A_391 : memref<16x128xf32, #tpu.memory_space<vmem_shared>>) target(%arg14 : memref<80x128xf32, #tpu.memory_space<vmem>>) offsets(%arg20 : memref<80xi32, #tpu.memory_space<vmem>>) semaphore(%run_scoped3A : memref<!tpu.dma_semaphore, #tpu.memory_space<semaphore_mem>>)
          %dma_wait3A_392 = arith.constant 0 : i32
          %dma_wait3A_393 = arith.constant 0 : i32
          %dma_wait3A_394 = tpu.memref_slice %arg23[%dma_wait3A_392, %dma_wait3A_393] : memref<16x128xf32, #tpu.memory_space<vmem_shared>> -> memref<16x128xf32, #tpu.memory_space<vmem_shared>>
          tpu.wait_indirect_dma semaphore(%run_scoped3A : memref<!tpu.dma_semaphore, #tpu.memory_space<semaphore_mem>>) src(%dma_wait3A_394 : memref<16x128xf32, #tpu.memory_space<vmem_shared>>) dst(%arg14 : memref<80x128xf32, #tpu.memory_space<vmem>>)
          tpu.yield
        }) : () -> ()
        %dma_wait3A_386 = arith.constant 0 : i32
        %dma_wait3A_387 = arith.constant 0 : i32
        %dma_wait3A_388 = tpu.memref_slice %arg2[%dma_wait3A_386, %dma_wait3A_387] : memref<10000x128xf32, #tpu.memory_space<hbm>> -> memref<10000x128xf32, #tpu.memory_space<hbm>>
        tpu.wait_indirect_dma semaphore(%arg27 : memref<!tpu.dma_semaphore, #tpu.memory_space<semaphore_mem>>) src(%dma_wait3A_388 : memref<10000x128xf32, #tpu.memory_space<hbm>>) dst(%arg13 : memref<80x128xf32, #tpu.memory_space<vmem>>)
        "tpu.region"() ({
          %run_scoped3A = tpu.sem_alloc : memref<!tpu.dma_semaphore, #tpu.memory_space<semaphore_mem>>
          %dma_start3A_389 = arith.constant 0 : i32
          %dma_start3A_390 = arith.constant 0 : i32
          %dma_start3A_391 = tpu.memref_slice %arg24[%dma_start3A_389, %dma_start3A_390] : memref<10240x128xf32, #tpu.memory_space<vmem_shared>> -> memref<10240x128xf32, #tpu.memory_space<vmem_shared>>
          tpu.enqueue_indirect_dma source(%arg13 : memref<80x128xf32, #tpu.memory_space<vmem>>) target(%dma_start3A_391 : memref<10240x128xf32, #tpu.memory_space<vmem_shared>>) offsets(%arg19 : memref<80xi32, #tpu.memory_space<vmem>>) semaphore(%run_scoped3A : memref<!tpu.dma_semaphore, #tpu.memory_space<semaphore_mem>>) {add = true}
          %dma_wait3A_392 = arith.constant 0 : i32
          %dma_wait3A_393 = arith.constant 0 : i32
          %dma_wait3A_394 = tpu.memref_slice %arg24[%dma_wait3A_392, %dma_wait3A_393] : memref<10240x128xf32, #tpu.memory_space<vmem_shared>> -> memref<10240x128xf32, #tpu.memory_space<vmem_shared>>
          tpu.wait_indirect_dma semaphore(%run_scoped3A : memref<!tpu.dma_semaphore, #tpu.memory_space<semaphore_mem>>) src(%arg13 : memref<80x128xf32, #tpu.memory_space<vmem>>) dst(%dma_wait3A_394 : memref<10240x128xf32, #tpu.memory_space<vmem_shared>>)
          tpu.yield
        }) : () -> ()
        "tpu.region"() ({
          %run_scoped3A = tpu.sem_alloc : memref<!tpu.dma_semaphore, #tpu.memory_space<semaphore_mem>>
          %dma_start3A_389 = arith.constant 0 : i32
          %dma_start3A_390 = arith.constant 0 : i32
          %dma_start3A_391 = tpu.memref_slice %arg25[%dma_start3A_389, %dma_start3A_390] : memref<1280x128xf32, #tpu.memory_space<vmem_shared>> -> memref<1280x128xf32, #tpu.memory_space<vmem_shared>>
          tpu.enqueue_indirect_dma source(%arg14 : memref<80x128xf32, #tpu.memory_space<vmem>>) target(%dma_start3A_391 : memref<1280x128xf32, #tpu.memory_space<vmem_shared>>) offsets(%arg21 : memref<80xi32, #tpu.memory_space<vmem>>) semaphore(%run_scoped3A : memref<!tpu.dma_semaphore, #tpu.memory_space<semaphore_mem>>) {add = true}
          %dma_wait3A_392 = arith.constant 0 : i32
          %dma_wait3A_393 = arith.constant 0 : i32
          %dma_wait3A_394 = tpu.memref_slice %arg25[%dma_wait3A_392, %dma_wait3A_393] : memref<1280x128xf32, #tpu.memory_space<vmem_shared>> -> memref<1280x128xf32, #tpu.memory_space<vmem_shared>>
          tpu.wait_indirect_dma semaphore(%run_scoped3A : memref<!tpu.dma_semaphore, #tpu.memory_space<semaphore_mem>>) src(%arg14 : memref<80x128xf32, #tpu.memory_space<vmem>>) dst(%dma_wait3A_394 : memref<1280x128xf32, #tpu.memory_space<vmem_shared>>)
          tpu.yield
        }) : () -> ()
      }
      %scan3A_140 = arith.constant 125 : i32
      %barrier3A_141 = arith.constant 0 : index
      tpu.barrier barrier_id(%barrier3A_141)
      %mul3A_142 = arith.constant 632 : i32
      %mul3A_143 = arith.muli %arg1, %mul3A_142 : i32
      %lt3A = arith.constant 15 : i32
      %lt3A_144 = arith.cmpi slt, %arg1, %lt3A : i32
      %convert_element_type3A_145 = arith.extui %lt3A_144 : i1 to i32
      %cond3A_146 = arith.constant 0 : i32
      %cond3A_147 = arith.cmpi ne, %convert_element_type3A_145, %cond3A_146 : i32
      scf.if %cond3A_147 {
        %add3A_202 = arith.constant 0 : i32
        %add3A_203 = arith.addi %mul3A_143, %add3A_202 : i32
        %iota3A_204 = tpu.iota {dimensions = array<i32: 0>} : vector<16xi32>
        %add3A_205 = arith.constant 0 : i32
        %add3A_206 = arith.addi %add3A_203, %add3A_205 : i32
        %add3A_207 = vector.broadcast %add3A_206 : i32 to vector<16xi32>
        %add3A_208 = arith.addi %iota3A_204, %add3A_207 : vector<16xi32>
        %swap3A_209 = arith.constant 0 : index
        %swap3A_210 = tpu.vector_load %arg18[%swap3A_209] {strides = array<i32>} : memref<80xi32, #tpu.memory_space<vmem>>, vector<16xi32>,
        %swap3A_211 = vector.shape_cast %swap3A_210 : vector<16xi32> to vector<16xi32>
        %swap3A_212 = vector.shape_cast %add3A_208 : vector<16xi32> to vector<16xi32>
        tpu.vector_store %arg18[%swap3A_209], %swap3A_212 {strides = array<i32>} : memref<80xi32, #tpu.memory_space<vmem>>, vector<16xi32>,
        %iota3A_213 = tpu.iota {dimensions = array<i32: 0>} : vector<16xi32>
        %add3A_214 = arith.constant 16 : i32
        %add3A_215 = arith.addi %add3A_203, %add3A_214 : i32
        %add3A_216 = vector.broadcast %add3A_215 : i32 to vector<16xi32>
        %add3A_217 = arith.addi %iota3A_213, %add3A_216 : vector<16xi32>
        %swap3A_218 = arith.constant 16 : index
        %swap3A_219 = tpu.vector_load %arg18[%swap3A_218] {strides = array<i32>} : memref<80xi32, #tpu.memory_space<vmem>>, vector<16xi32>,
        %swap3A_220 = vector.shape_cast %swap3A_219 : vector<16xi32> to vector<16xi32>
        %swap3A_221 = vector.shape_cast %add3A_217 : vector<16xi32> to vector<16xi32>
        tpu.vector_store %arg18[%swap3A_218], %swap3A_221 {strides = array<i32>} : memref<80xi32, #tpu.memory_space<vmem>>, vector<16xi32>,
        %iota3A_222 = tpu.iota {dimensions = array<i32: 0>} : vector<16xi32>
        %add3A_223 = arith.constant 32 : i32
        %add3A_224 = arith.addi %add3A_203, %add3A_223 : i32
        %add3A_225 = vector.broadcast %add3A_224 : i32 to vector<16xi32>
        %add3A_226 = arith.addi %iota3A_222, %add3A_225 : vector<16xi32>
        %swap3A_227 = arith.constant 32 : index
        %swap3A_228 = tpu.vector_load %arg18[%swap3A_227] {strides = array<i32>} : memref<80xi32, #tpu.memory_space<vmem>>, vector<16xi32>,
        %swap3A_229 = vector.shape_cast %swap3A_228 : vector<16xi32> to vector<16xi32>
        %swap3A_230 = vector.shape_cast %add3A_226 : vector<16xi32> to vector<16xi32>
        tpu.vector_store %arg18[%swap3A_227], %swap3A_230 {strides = array<i32>} : memref<80xi32, #tpu.memory_space<vmem>>, vector<16xi32>,
        %iota3A_231 = tpu.iota {dimensions = array<i32: 0>} : vector<16xi32>
        %add3A_232 = arith.constant 48 : i32
        %add3A_233 = arith.addi %add3A_203, %add3A_232 : i32
        %add3A_234 = vector.broadcast %add3A_233 : i32 to vector<16xi32>
        %add3A_235 = arith.addi %iota3A_231, %add3A_234 : vector<16xi32>
        %swap3A_236 = arith.constant 48 : index
        %swap3A_237 = tpu.vector_load %arg18[%swap3A_236] {strides = array<i32>} : memref<80xi32, #tpu.memory_space<vmem>>, vector<16xi32>,
        %swap3A_238 = vector.shape_cast %swap3A_237 : vector<16xi32> to vector<16xi32>
        %swap3A_239 = vector.shape_cast %add3A_235 : vector<16xi32> to vector<16xi32>
        tpu.vector_store %arg18[%swap3A_236], %swap3A_239 {strides = array<i32>} : memref<80xi32, #tpu.memory_space<vmem>>, vector<16xi32>,
        %iota3A_240 = tpu.iota {dimensions = array<i32: 0>} : vector<16xi32>
        %add3A_241 = arith.constant 64 : i32
        %add3A_242 = arith.addi %add3A_203, %add3A_241 : i32
        %add3A_243 = vector.broadcast %add3A_242 : i32 to vector<16xi32>
        %add3A_244 = arith.addi %iota3A_240, %add3A_243 : vector<16xi32>
        %swap3A_245 = arith.constant 64 : index
        %swap3A_246 = tpu.vector_load %arg18[%swap3A_245] {strides = array<i32>} : memref<80xi32, #tpu.memory_space<vmem>>, vector<16xi32>,
        %swap3A_247 = vector.shape_cast %swap3A_246 : vector<16xi32> to vector<16xi32>
        %swap3A_248 = vector.shape_cast %add3A_244 : vector<16xi32> to vector<16xi32>
        tpu.vector_store %arg18[%swap3A_245], %swap3A_248 {strides = array<i32>} : memref<80xi32, #tpu.memory_space<vmem>>, vector<16xi32>,
        "tpu.region"() ({
          %run_scoped3A = tpu.sem_alloc : memref<!tpu.dma_semaphore, #tpu.memory_space<semaphore_mem>>
          %dma_start3A = arith.constant 0 : i32
          %dma_start3A_594 = arith.constant 0 : i32
          %dma_start3A_595 = tpu.memref_slice %arg24[%dma_start3A, %dma_start3A_594] : memref<10240x128xf32, #tpu.memory_space<vmem_shared>> -> memref<10240x128xf32, #tpu.memory_space<vmem_shared>>
          tpu.enqueue_indirect_dma source(%dma_start3A_595 : memref<10240x128xf32, #tpu.memory_space<vmem_shared>>) target(%arg12 : memref<80x128xf32, #tpu.memory_space<vmem>>) offsets(%arg18 : memref<80xi32, #tpu.memory_space<vmem>>) semaphore(%run_scoped3A : memref<!tpu.dma_semaphore, #tpu.memory_space<semaphore_mem>>)
          %dma_wait3A = arith.constant 0 : i32
          %dma_wait3A_596 = arith.constant 0 : i32
          %dma_wait3A_597 = tpu.memref_slice %arg24[%dma_wait3A, %dma_wait3A_596] : memref<10240x128xf32, #tpu.memory_space<vmem_shared>> -> memref<10240x128xf32, #tpu.memory_space<vmem_shared>>
          tpu.wait_indirect_dma semaphore(%run_scoped3A : memref<!tpu.dma_semaphore, #tpu.memory_space<semaphore_mem>>) src(%dma_wait3A_597 : memref<10240x128xf32, #tpu.memory_space<vmem_shared>>) dst(%arg12 : memref<80x128xf32, #tpu.memory_space<vmem>>)
          tpu.yield
        }) : () -> ()
        %add3A_249 = arith.constant 0 : i32
        %add3A_250 = arith.addi %mul3A_143, %add3A_249 : i32
        "tpu.region"() ({
          %run_scoped3A = tpu.sem_alloc : memref<!tpu.dma_semaphore, #tpu.memory_space<semaphore_mem>>
          %dma_start3A = arith.constant 0 : i32
          %dma_start3A_594 = arith.constant 0 : i32
          %dma_start3A_595 = tpu.memref_slice %arg12[%dma_start3A, %dma_start3A_594] : memref<80x128xf32, #tpu.memory_space<vmem>> -> memref<80x128xf32, #tpu.memory_space<vmem>>
          %dma_start3A_596 = arith.constant 0 : i32
          %dma_start3A_597 = tpu.memref_slice %arg10[%add3A_250, %dma_start3A_596] : memref<10000x128xf32, #tpu.memory_space<hbm>> -> memref<80x128xf32, #tpu.memory_space<hbm>>
          %dma_start3A_598 = arith.constant 0 : i32
          %dma_start3A_599 = tpu.memref_slice %arg10[%add3A_250, %dma_start3A_598] : memref<10000x128xf32, #tpu.memory_space<hbm>> -> memref<80x128xf32, #tpu.memory_space<hbm>>
          %dma_start3A_600 = arith.constant 0 : i32
          %dma_start3A_601 = arith.constant 0 : i32
          %dma_start3A_602 = tpu.memref_slice %arg12[%dma_start3A_600, %dma_start3A_601] : memref<80x128xf32, #tpu.memory_space<vmem>> -> memref<80x128xf32, #tpu.memory_space<vmem>>
          tpu.enqueue_dma source(%dma_start3A_602 : memref<80x128xf32, #tpu.memory_space<vmem>>) target(%dma_start3A_599 : memref<80x128xf32, #tpu.memory_space<hbm>>) target_semaphore(%run_scoped3A : memref<!tpu.dma_semaphore, #tpu.memory_space<semaphore_mem>>)
          %dma_wait3A = arith.constant 0 : i32
          %dma_wait3A_603 = arith.constant 0 : i32
          %dma_wait3A_604 = tpu.memref_slice %arg12[%dma_wait3A, %dma_wait3A_603] : memref<80x128xf32, #tpu.memory_space<vmem>> -> memref<80x128xf32, #tpu.memory_space<vmem>>
          %dma_wait3A_605 = arith.constant 0 : i32
          %dma_wait3A_606 = tpu.memref_slice %arg10[%add3A_250, %dma_wait3A_605] : memref<10000x128xf32, #tpu.memory_space<hbm>> -> memref<80x128xf32, #tpu.memory_space<hbm>>
          %dma_wait3A_607 = arith.constant 0 : i32
          %dma_wait3A_608 = tpu.memref_slice %arg10[%add3A_250, %dma_wait3A_607] : memref<10000x128xf32, #tpu.memory_space<hbm>> -> memref<80x128xf32, #tpu.memory_space<hbm>>
          %dma_wait3A_609 = arith.constant 0 : i32
          %dma_wait3A_610 = arith.constant 0 : i32
          %dma_wait3A_611 = tpu.memref_slice %arg12[%dma_wait3A_609, %dma_wait3A_610] : memref<80x128xf32, #tpu.memory_space<vmem>> -> memref<80x128xf32, #tpu.memory_space<vmem>>
          tpu.wait_dma2 semaphore(%run_scoped3A : memref<!tpu.dma_semaphore, #tpu.memory_space<semaphore_mem>>) src(%dma_wait3A_611 : memref<80x128xf32, #tpu.memory_space<vmem>>) dst(%dma_wait3A_608 : memref<80x128xf32, #tpu.memory_space<hbm>>)
          tpu.yield
        }) : () -> ()
        %add3A_251 = arith.constant 80 : i32
        %add3A_252 = arith.addi %mul3A_143, %add3A_251 : i32
        %iota3A_253 = tpu.iota {dimensions = array<i32: 0>} : vector<16xi32>
        %add3A_254 = arith.constant 0 : i32
        %add3A_255 = arith.addi %add3A_252, %add3A_254 : i32
        %add3A_256 = vector.broadcast %add3A_255 : i32 to vector<16xi32>
        %add3A_257 = arith.addi %iota3A_253, %add3A_256 : vector<16xi32>
        %swap3A_258 = arith.constant 0 : index
        %swap3A_259 = tpu.vector_load %arg18[%swap3A_258] {strides = array<i32>} : memref<80xi32, #tpu.memory_space<vmem>>, vector<16xi32>,
        %swap3A_260 = vector.shape_cast %swap3A_259 : vector<16xi32> to vector<16xi32>
        %swap3A_261 = vector.shape_cast %add3A_257 : vector<16xi32> to vector<16xi32>
        tpu.vector_store %arg18[%swap3A_258], %swap3A_261 {strides = array<i32>} : memref<80xi32, #tpu.memory_space<vmem>>, vector<16xi32>,
        %iota3A_262 = tpu.iota {dimensions = array<i32: 0>} : vector<16xi32>
        %add3A_263 = arith.constant 16 : i32
        %add3A_264 = arith.addi %add3A_252, %add3A_263 : i32
        %add3A_265 = vector.broadcast %add3A_264 : i32 to vector<16xi32>
        %add3A_266 = arith.addi %iota3A_262, %add3A_265 : vector<16xi32>
        %swap3A_267 = arith.constant 16 : index
        %swap3A_268 = tpu.vector_load %arg18[%swap3A_267] {strides = array<i32>} : memref<80xi32, #tpu.memory_space<vmem>>, vector<16xi32>,
        %swap3A_269 = vector.shape_cast %swap3A_268 : vector<16xi32> to vector<16xi32>
        %swap3A_270 = vector.shape_cast %add3A_266 : vector<16xi32> to vector<16xi32>
        tpu.vector_store %arg18[%swap3A_267], %swap3A_270 {strides = array<i32>} : memref<80xi32, #tpu.memory_space<vmem>>, vector<16xi32>,
        %iota3A_271 = tpu.iota {dimensions = array<i32: 0>} : vector<16xi32>
        %add3A_272 = arith.constant 32 : i32
        %add3A_273 = arith.addi %add3A_252, %add3A_272 : i32
        %add3A_274 = vector.broadcast %add3A_273 : i32 to vector<16xi32>
        %add3A_275 = arith.addi %iota3A_271, %add3A_274 : vector<16xi32>
        %swap3A_276 = arith.constant 32 : index
        %swap3A_277 = tpu.vector_load %arg18[%swap3A_276] {strides = array<i32>} : memref<80xi32, #tpu.memory_space<vmem>>, vector<16xi32>,
        %swap3A_278 = vector.shape_cast %swap3A_277 : vector<16xi32> to vector<16xi32>
        %swap3A_279 = vector.shape_cast %add3A_275 : vector<16xi32> to vector<16xi32>
        tpu.vector_store %arg18[%swap3A_276], %swap3A_279 {strides = array<i32>} : memref<80xi32, #tpu.memory_space<vmem>>, vector<16xi32>,
        %iota3A_280 = tpu.iota {dimensions = array<i32: 0>} : vector<16xi32>
        %add3A_281 = arith.constant 48 : i32
        %add3A_282 = arith.addi %add3A_252, %add3A_281 : i32
        %add3A_283 = vector.broadcast %add3A_282 : i32 to vector<16xi32>
        %add3A_284 = arith.addi %iota3A_280, %add3A_283 : vector<16xi32>
        %swap3A_285 = arith.constant 48 : index
        %swap3A_286 = tpu.vector_load %arg18[%swap3A_285] {strides = array<i32>} : memref<80xi32, #tpu.memory_space<vmem>>, vector<16xi32>,
        %swap3A_287 = vector.shape_cast %swap3A_286 : vector<16xi32> to vector<16xi32>
        %swap3A_288 = vector.shape_cast %add3A_284 : vector<16xi32> to vector<16xi32>
        tpu.vector_store %arg18[%swap3A_285], %swap3A_288 {strides = array<i32>} : memref<80xi32, #tpu.memory_space<vmem>>, vector<16xi32>,
        %iota3A_289 = tpu.iota {dimensions = array<i32: 0>} : vector<16xi32>
        %add3A_290 = arith.constant 64 : i32
        %add3A_291 = arith.addi %add3A_252, %add3A_290 : i32
        %add3A_292 = vector.broadcast %add3A_291 : i32 to vector<16xi32>
        %add3A_293 = arith.addi %iota3A_289, %add3A_292 : vector<16xi32>
        %swap3A_294 = arith.constant 64 : index
        %swap3A_295 = tpu.vector_load %arg18[%swap3A_294] {strides = array<i32>} : memref<80xi32, #tpu.memory_space<vmem>>, vector<16xi32>,
        %swap3A_296 = vector.shape_cast %swap3A_295 : vector<16xi32> to vector<16xi32>
        %swap3A_297 = vector.shape_cast %add3A_293 : vector<16xi32> to vector<16xi32>
        tpu.vector_store %arg18[%swap3A_294], %swap3A_297 {strides = array<i32>} : memref<80xi32, #tpu.memory_space<vmem>>, vector<16xi32>,
        "tpu.region"() ({
          %run_scoped3A = tpu.sem_alloc : memref<!tpu.dma_semaphore, #tpu.memory_space<semaphore_mem>>
          %dma_start3A = arith.constant 0 : i32
          %dma_start3A_594 = arith.constant 0 : i32
          %dma_start3A_595 = tpu.memref_slice %arg24[%dma_start3A, %dma_start3A_594] : memref<10240x128xf32, #tpu.memory_space<vmem_shared>> -> memref<10240x128xf32, #tpu.memory_space<vmem_shared>>
          tpu.enqueue_indirect_dma source(%dma_start3A_595 : memref<10240x128xf32, #tpu.memory_space<vmem_shared>>) target(%arg12 : memref<80x128xf32, #tpu.memory_space<vmem>>) offsets(%arg18 : memref<80xi32, #tpu.memory_space<vmem>>) semaphore(%run_scoped3A : memref<!tpu.dma_semaphore, #tpu.memory_space<semaphore_mem>>)
          %dma_wait3A = arith.constant 0 : i32
          %dma_wait3A_596 = arith.constant 0 : i32
          %dma_wait3A_597 = tpu.memref_slice %arg24[%dma_wait3A, %dma_wait3A_596] : memref<10240x128xf32, #tpu.memory_space<vmem_shared>> -> memref<10240x128xf32, #tpu.memory_space<vmem_shared>>
          tpu.wait_indirect_dma semaphore(%run_scoped3A : memref<!tpu.dma_semaphore, #tpu.memory_space<semaphore_mem>>) src(%dma_wait3A_597 : memref<10240x128xf32, #tpu.memory_space<vmem_shared>>) dst(%arg12 : memref<80x128xf32, #tpu.memory_space<vmem>>)
          tpu.yield
        }) : () -> ()
        %add3A_298 = arith.constant 80 : i32
        %add3A_299 = arith.addi %mul3A_143, %add3A_298 : i32
        "tpu.region"() ({
          %run_scoped3A = tpu.sem_alloc : memref<!tpu.dma_semaphore, #tpu.memory_space<semaphore_mem>>
          %dma_start3A = arith.constant 0 : i32
          %dma_start3A_594 = arith.constant 0 : i32
          %dma_start3A_595 = tpu.memref_slice %arg12[%dma_start3A, %dma_start3A_594] : memref<80x128xf32, #tpu.memory_space<vmem>> -> memref<80x128xf32, #tpu.memory_space<vmem>>
          %dma_start3A_596 = arith.constant 0 : i32
          %dma_start3A_597 = tpu.memref_slice %arg10[%add3A_299, %dma_start3A_596] : memref<10000x128xf32, #tpu.memory_space<hbm>> -> memref<80x128xf32, #tpu.memory_space<hbm>>
          %dma_start3A_598 = arith.constant 0 : i32
          %dma_start3A_599 = tpu.memref_slice %arg10[%add3A_299, %dma_start3A_598] : memref<10000x128xf32, #tpu.memory_space<hbm>> -> memref<80x128xf32, #tpu.memory_space<hbm>>
          %dma_start3A_600 = arith.constant 0 : i32
          %dma_start3A_601 = arith.constant 0 : i32
          %dma_start3A_602 = tpu.memref_slice %arg12[%dma_start3A_600, %dma_start3A_601] : memref<80x128xf32, #tpu.memory_space<vmem>> -> memref<80x128xf32, #tpu.memory_space<vmem>>
          tpu.enqueue_dma source(%dma_start3A_602 : memref<80x128xf32, #tpu.memory_space<vmem>>) target(%dma_start3A_599 : memref<80x128xf32, #tpu.memory_space<hbm>>) target_semaphore(%run_scoped3A : memref<!tpu.dma_semaphore, #tpu.memory_space<semaphore_mem>>)
          %dma_wait3A = arith.constant 0 : i32
          %dma_wait3A_603 = arith.constant 0 : i32
          %dma_wait3A_604 = tpu.memref_slice %arg12[%dma_wait3A, %dma_wait3A_603] : memref<80x128xf32, #tpu.memory_space<vmem>> -> memref<80x128xf32, #tpu.memory_space<vmem>>
          %dma_wait3A_605 = arith.constant 0 : i32
          %dma_wait3A_606 = tpu.memref_slice %arg10[%add3A_299, %dma_wait3A_605] : memref<10000x128xf32, #tpu.memory_space<hbm>> -> memref<80x128xf32, #tpu.memory_space<hbm>>
          %dma_wait3A_607 = arith.constant 0 : i32
          %dma_wait3A_608 = tpu.memref_slice %arg10[%add3A_299, %dma_wait3A_607] : memref<10000x128xf32, #tpu.memory_space<hbm>> -> memref<80x128xf32, #tpu.memory_space<hbm>>
          %dma_wait3A_609 = arith.constant 0 : i32
          %dma_wait3A_610 = arith.constant 0 : i32
          %dma_wait3A_611 = tpu.memref_slice %arg12[%dma_wait3A_609, %dma_wait3A_610] : memref<80x128xf32, #tpu.memory_space<vmem>> -> memref<80x128xf32, #tpu.memory_space<vmem>>
          tpu.wait_dma2 semaphore(%run_scoped3A : memref<!tpu.dma_semaphore, #tpu.memory_space<semaphore_mem>>) src(%dma_wait3A_611 : memref<80x128xf32, #tpu.memory_space<vmem>>) dst(%dma_wait3A_608 : memref<80x128xf32, #tpu.memory_space<hbm>>)
          tpu.yield
        }) : () -> ()
        %add3A_300 = arith.constant 160 : i32
        %add3A_301 = arith.addi %mul3A_143, %add3A_300 : i32
        %iota3A_302 = tpu.iota {dimensions = array<i32: 0>} : vector<16xi32>
        %add3A_303 = arith.constant 0 : i32
        %add3A_304 = arith.addi %add3A_301, %add3A_303 : i32
        %add3A_305 = vector.broadcast %add3A_304 : i32 to vector<16xi32>
        %add3A_306 = arith.addi %iota3A_302, %add3A_305 : vector<16xi32>
        %swap3A_307 = arith.constant 0 : index
        %swap3A_308 = tpu.vector_load %arg18[%swap3A_307] {strides = array<i32>} : memref<80xi32, #tpu.memory_space<vmem>>, vector<16xi32>,
        %swap3A_309 = vector.shape_cast %swap3A_308 : vector<16xi32> to vector<16xi32>
        %swap3A_310 = vector.shape_cast %add3A_306 : vector<16xi32> to vector<16xi32>
        tpu.vector_store %arg18[%swap3A_307], %swap3A_310 {strides = array<i32>} : memref<80xi32, #tpu.memory_space<vmem>>, vector<16xi32>,
        %iota3A_311 = tpu.iota {dimensions = array<i32: 0>} : vector<16xi32>
        %add3A_312 = arith.constant 16 : i32
        %add3A_313 = arith.addi %add3A_301, %add3A_312 : i32
        %add3A_314 = vector.broadcast %add3A_313 : i32 to vector<16xi32>
        %add3A_315 = arith.addi %iota3A_311, %add3A_314 : vector<16xi32>
        %swap3A_316 = arith.constant 16 : index
        %swap3A_317 = tpu.vector_load %arg18[%swap3A_316] {strides = array<i32>} : memref<80xi32, #tpu.memory_space<vmem>>, vector<16xi32>,
        %swap3A_318 = vector.shape_cast %swap3A_317 : vector<16xi32> to vector<16xi32>
        %swap3A_319 = vector.shape_cast %add3A_315 : vector<16xi32> to vector<16xi32>
        tpu.vector_store %arg18[%swap3A_316], %swap3A_319 {strides = array<i32>} : memref<80xi32, #tpu.memory_space<vmem>>, vector<16xi32>,
        %iota3A_320 = tpu.iota {dimensions = array<i32: 0>} : vector<16xi32>
        %add3A_321 = arith.constant 32 : i32
        %add3A_322 = arith.addi %add3A_301, %add3A_321 : i32
        %add3A_323 = vector.broadcast %add3A_322 : i32 to vector<16xi32>
        %add3A_324 = arith.addi %iota3A_320, %add3A_323 : vector<16xi32>
        %swap3A_325 = arith.constant 32 : index
        %swap3A_326 = tpu.vector_load %arg18[%swap3A_325] {strides = array<i32>} : memref<80xi32, #tpu.memory_space<vmem>>, vector<16xi32>,
        %swap3A_327 = vector.shape_cast %swap3A_326 : vector<16xi32> to vector<16xi32>
        %swap3A_328 = vector.shape_cast %add3A_324 : vector<16xi32> to vector<16xi32>
        tpu.vector_store %arg18[%swap3A_325], %swap3A_328 {strides = array<i32>} : memref<80xi32, #tpu.memory_space<vmem>>, vector<16xi32>,
        %iota3A_329 = tpu.iota {dimensions = array<i32: 0>} : vector<16xi32>
        %add3A_330 = arith.constant 48 : i32
        %add3A_331 = arith.addi %add3A_301, %add3A_330 : i32
        %add3A_332 = vector.broadcast %add3A_331 : i32 to vector<16xi32>
        %add3A_333 = arith.addi %iota3A_329, %add3A_332 : vector<16xi32>
        %swap3A_334 = arith.constant 48 : index
        %swap3A_335 = tpu.vector_load %arg18[%swap3A_334] {strides = array<i32>} : memref<80xi32, #tpu.memory_space<vmem>>, vector<16xi32>,
        %swap3A_336 = vector.shape_cast %swap3A_335 : vector<16xi32> to vector<16xi32>
        %swap3A_337 = vector.shape_cast %add3A_333 : vector<16xi32> to vector<16xi32>
        tpu.vector_store %arg18[%swap3A_334], %swap3A_337 {strides = array<i32>} : memref<80xi32, #tpu.memory_space<vmem>>, vector<16xi32>,
        %iota3A_338 = tpu.iota {dimensions = array<i32: 0>} : vector<16xi32>
        %add3A_339 = arith.constant 64 : i32
        %add3A_340 = arith.addi %add3A_301, %add3A_339 : i32
        %add3A_341 = vector.broadcast %add3A_340 : i32 to vector<16xi32>
        %add3A_342 = arith.addi %iota3A_338, %add3A_341 : vector<16xi32>
        %swap3A_343 = arith.constant 64 : index
        %swap3A_344 = tpu.vector_load %arg18[%swap3A_343] {strides = array<i32>} : memref<80xi32, #tpu.memory_space<vmem>>, vector<16xi32>,
        %swap3A_345 = vector.shape_cast %swap3A_344 : vector<16xi32> to vector<16xi32>
        %swap3A_346 = vector.shape_cast %add3A_342 : vector<16xi32> to vector<16xi32>
        tpu.vector_store %arg18[%swap3A_343], %swap3A_346 {strides = array<i32>} : memref<80xi32, #tpu.memory_space<vmem>>, vector<16xi32>,
        "tpu.region"() ({
          %run_scoped3A = tpu.sem_alloc : memref<!tpu.dma_semaphore, #tpu.memory_space<semaphore_mem>>
          %dma_start3A = arith.constant 0 : i32
          %dma_start3A_594 = arith.constant 0 : i32
          %dma_start3A_595 = tpu.memref_slice %arg24[%dma_start3A, %dma_start3A_594] : memref<10240x128xf32, #tpu.memory_space<vmem_shared>> -> memref<10240x128xf32, #tpu.memory_space<vmem_shared>>
          tpu.enqueue_indirect_dma source(%dma_start3A_595 : memref<10240x128xf32, #tpu.memory_space<vmem_shared>>) target(%arg12 : memref<80x128xf32, #tpu.memory_space<vmem>>) offsets(%arg18 : memref<80xi32, #tpu.memory_space<vmem>>) semaphore(%run_scoped3A : memref<!tpu.dma_semaphore, #tpu.memory_space<semaphore_mem>>)
          %dma_wait3A = arith.constant 0 : i32
          %dma_wait3A_596 = arith.constant 0 : i32
          %dma_wait3A_597 = tpu.memref_slice %arg24[%dma_wait3A, %dma_wait3A_596] : memref<10240x128xf32, #tpu.memory_space<vmem_shared>> -> memref<10240x128xf32, #tpu.memory_space<vmem_shared>>
          tpu.wait_indirect_dma semaphore(%run_scoped3A : memref<!tpu.dma_semaphore, #tpu.memory_space<semaphore_mem>>) src(%dma_wait3A_597 : memref<10240x128xf32, #tpu.memory_space<vmem_shared>>) dst(%arg12 : memref<80x128xf32, #tpu.memory_space<vmem>>)
          tpu.yield
        }) : () -> ()
        %add3A_347 = arith.constant 160 : i32
        %add3A_348 = arith.addi %mul3A_143, %add3A_347 : i32
        "tpu.region"() ({
          %run_scoped3A = tpu.sem_alloc : memref<!tpu.dma_semaphore, #tpu.memory_space<semaphore_mem>>
          %dma_start3A = arith.constant 0 : i32
          %dma_start3A_594 = arith.constant 0 : i32
          %dma_start3A_595 = tpu.memref_slice %arg12[%dma_start3A, %dma_start3A_594] : memref<80x128xf32, #tpu.memory_space<vmem>> -> memref<80x128xf32, #tpu.memory_space<vmem>>
          %dma_start3A_596 = arith.constant 0 : i32
          %dma_start3A_597 = tpu.memref_slice %arg10[%add3A_348, %dma_start3A_596] : memref<10000x128xf32, #tpu.memory_space<hbm>> -> memref<80x128xf32, #tpu.memory_space<hbm>>
          %dma_start3A_598 = arith.constant 0 : i32
          %dma_start3A_599 = tpu.memref_slice %arg10[%add3A_348, %dma_start3A_598] : memref<10000x128xf32, #tpu.memory_space<hbm>> -> memref<80x128xf32, #tpu.memory_space<hbm>>
          %dma_start3A_600 = arith.constant 0 : i32
          %dma_start3A_601 = arith.constant 0 : i32
          %dma_start3A_602 = tpu.memref_slice %arg12[%dma_start3A_600, %dma_start3A_601] : memref<80x128xf32, #tpu.memory_space<vmem>> -> memref<80x128xf32, #tpu.memory_space<vmem>>
          tpu.enqueue_dma source(%dma_start3A_602 : memref<80x128xf32, #tpu.memory_space<vmem>>) target(%dma_start3A_599 : memref<80x128xf32, #tpu.memory_space<hbm>>) target_semaphore(%run_scoped3A : memref<!tpu.dma_semaphore, #tpu.memory_space<semaphore_mem>>)
          %dma_wait3A = arith.constant 0 : i32
          %dma_wait3A_603 = arith.constant 0 : i32
          %dma_wait3A_604 = tpu.memref_slice %arg12[%dma_wait3A, %dma_wait3A_603] : memref<80x128xf32, #tpu.memory_space<vmem>> -> memref<80x128xf32, #tpu.memory_space<vmem>>
          %dma_wait3A_605 = arith.constant 0 : i32
          %dma_wait3A_606 = tpu.memref_slice %arg10[%add3A_348, %dma_wait3A_605] : memref<10000x128xf32, #tpu.memory_space<hbm>> -> memref<80x128xf32, #tpu.memory_space<hbm>>
          %dma_wait3A_607 = arith.constant 0 : i32
          %dma_wait3A_608 = tpu.memref_slice %arg10[%add3A_348, %dma_wait3A_607] : memref<10000x128xf32, #tpu.memory_space<hbm>> -> memref<80x128xf32, #tpu.memory_space<hbm>>
          %dma_wait3A_609 = arith.constant 0 : i32
          %dma_wait3A_610 = arith.constant 0 : i32
          %dma_wait3A_611 = tpu.memref_slice %arg12[%dma_wait3A_609, %dma_wait3A_610] : memref<80x128xf32, #tpu.memory_space<vmem>> -> memref<80x128xf32, #tpu.memory_space<vmem>>
          tpu.wait_dma2 semaphore(%run_scoped3A : memref<!tpu.dma_semaphore, #tpu.memory_space<semaphore_mem>>) src(%dma_wait3A_611 : memref<80x128xf32, #tpu.memory_space<vmem>>) dst(%dma_wait3A_608 : memref<80x128xf32, #tpu.memory_space<hbm>>)
          tpu.yield
        }) : () -> ()
        %add3A_349 = arith.constant 240 : i32
        %add3A_350 = arith.addi %mul3A_143, %add3A_349 : i32
        %iota3A_351 = tpu.iota {dimensions = array<i32: 0>} : vector<16xi32>
        %add3A_352 = arith.constant 0 : i32
        %add3A_353 = arith.addi %add3A_350, %add3A_352 : i32
        %add3A_354 = vector.broadcast %add3A_353 : i32 to vector<16xi32>
        %add3A_355 = arith.addi %iota3A_351, %add3A_354 : vector<16xi32>
        %swap3A_356 = arith.constant 0 : index
        %swap3A_357 = tpu.vector_load %arg18[%swap3A_356] {strides = array<i32>} : memref<80xi32, #tpu.memory_space<vmem>>, vector<16xi32>,
        %swap3A_358 = vector.shape_cast %swap3A_357 : vector<16xi32> to vector<16xi32>
        %swap3A_359 = vector.shape_cast %add3A_355 : vector<16xi32> to vector<16xi32>
        tpu.vector_store %arg18[%swap3A_356], %swap3A_359 {strides = array<i32>} : memref<80xi32, #tpu.memory_space<vmem>>, vector<16xi32>,
        %iota3A_360 = tpu.iota {dimensions = array<i32: 0>} : vector<16xi32>
        %add3A_361 = arith.constant 16 : i32
        %add3A_362 = arith.addi %add3A_350, %add3A_361 : i32
        %add3A_363 = vector.broadcast %add3A_362 : i32 to vector<16xi32>
        %add3A_364 = arith.addi %iota3A_360, %add3A_363 : vector<16xi32>
        %swap3A_365 = arith.constant 16 : index
        %swap3A_366 = tpu.vector_load %arg18[%swap3A_365] {strides = array<i32>} : memref<80xi32, #tpu.memory_space<vmem>>, vector<16xi32>,
        %swap3A_367 = vector.shape_cast %swap3A_366 : vector<16xi32> to vector<16xi32>
        %swap3A_368 = vector.shape_cast %add3A_364 : vector<16xi32> to vector<16xi32>
        tpu.vector_store %arg18[%swap3A_365], %swap3A_368 {strides = array<i32>} : memref<80xi32, #tpu.memory_space<vmem>>, vector<16xi32>,
        %iota3A_369 = tpu.iota {dimensions = array<i32: 0>} : vector<16xi32>
        %add3A_370 = arith.constant 32 : i32
        %add3A_371 = arith.addi %add3A_350, %add3A_370 : i32
        %add3A_372 = vector.broadcast %add3A_371 : i32 to vector<16xi32>
        %add3A_373 = arith.addi %iota3A_369, %add3A_372 : vector<16xi32>
        %swap3A_374 = arith.constant 32 : index
        %swap3A_375 = tpu.vector_load %arg18[%swap3A_374] {strides = array<i32>} : memref<80xi32, #tpu.memory_space<vmem>>, vector<16xi32>,
        %swap3A_376 = vector.shape_cast %swap3A_375 : vector<16xi32> to vector<16xi32>
        %swap3A_377 = vector.shape_cast %add3A_373 : vector<16xi32> to vector<16xi32>
        tpu.vector_store %arg18[%swap3A_374], %swap3A_377 {strides = array<i32>} : memref<80xi32, #tpu.memory_space<vmem>>, vector<16xi32>,
        %iota3A_378 = tpu.iota {dimensions = array<i32: 0>} : vector<16xi32>
        %add3A_379 = arith.constant 48 : i32
        %add3A_380 = arith.addi %add3A_350, %add3A_379 : i32
        %add3A_381 = vector.broadcast %add3A_380 : i32 to vector<16xi32>
        %add3A_382 = arith.addi %iota3A_378, %add3A_381 : vector<16xi32>
        %swap3A_383 = arith.constant 48 : index
        %swap3A_384 = tpu.vector_load %arg18[%swap3A_383] {strides = array<i32>} : memref<80xi32, #tpu.memory_space<vmem>>, vector<16xi32>,
        %swap3A_385 = vector.shape_cast %swap3A_384 : vector<16xi32> to vector<16xi32>
        %swap3A_386 = vector.shape_cast %add3A_382 : vector<16xi32> to vector<16xi32>
        tpu.vector_store %arg18[%swap3A_383], %swap3A_386 {strides = array<i32>} : memref<80xi32, #tpu.memory_space<vmem>>, vector<16xi32>,
        %iota3A_387 = tpu.iota {dimensions = array<i32: 0>} : vector<16xi32>
        %add3A_388 = arith.constant 64 : i32
        %add3A_389 = arith.addi %add3A_350, %add3A_388 : i32
        %add3A_390 = vector.broadcast %add3A_389 : i32 to vector<16xi32>
        %add3A_391 = arith.addi %iota3A_387, %add3A_390 : vector<16xi32>
        %swap3A_392 = arith.constant 64 : index
        %swap3A_393 = tpu.vector_load %arg18[%swap3A_392] {strides = array<i32>} : memref<80xi32, #tpu.memory_space<vmem>>, vector<16xi32>,
        %swap3A_394 = vector.shape_cast %swap3A_393 : vector<16xi32> to vector<16xi32>
        %swap3A_395 = vector.shape_cast %add3A_391 : vector<16xi32> to vector<16xi32>
        tpu.vector_store %arg18[%swap3A_392], %swap3A_395 {strides = array<i32>} : memref<80xi32, #tpu.memory_space<vmem>>, vector<16xi32>,
        "tpu.region"() ({
          %run_scoped3A = tpu.sem_alloc : memref<!tpu.dma_semaphore, #tpu.memory_space<semaphore_mem>>
          %dma_start3A = arith.constant 0 : i32
          %dma_start3A_594 = arith.constant 0 : i32
          %dma_start3A_595 = tpu.memref_slice %arg24[%dma_start3A, %dma_start3A_594] : memref<10240x128xf32, #tpu.memory_space<vmem_shared>> -> memref<10240x128xf32, #tpu.memory_space<vmem_shared>>
          tpu.enqueue_indirect_dma source(%dma_start3A_595 : memref<10240x128xf32, #tpu.memory_space<vmem_shared>>) target(%arg12 : memref<80x128xf32, #tpu.memory_space<vmem>>) offsets(%arg18 : memref<80xi32, #tpu.memory_space<vmem>>) semaphore(%run_scoped3A : memref<!tpu.dma_semaphore, #tpu.memory_space<semaphore_mem>>)
          %dma_wait3A = arith.constant 0 : i32
          %dma_wait3A_596 = arith.constant 0 : i32
          %dma_wait3A_597 = tpu.memref_slice %arg24[%dma_wait3A, %dma_wait3A_596] : memref<10240x128xf32, #tpu.memory_space<vmem_shared>> -> memref<10240x128xf32, #tpu.memory_space<vmem_shared>>
          tpu.wait_indirect_dma semaphore(%run_scoped3A : memref<!tpu.dma_semaphore, #tpu.memory_space<semaphore_mem>>) src(%dma_wait3A_597 : memref<10240x128xf32, #tpu.memory_space<vmem_shared>>) dst(%arg12 : memref<80x128xf32, #tpu.memory_space<vmem>>)
          tpu.yield
        }) : () -> ()
        %add3A_396 = arith.constant 240 : i32
        %add3A_397 = arith.addi %mul3A_143, %add3A_396 : i32
        "tpu.region"() ({
          %run_scoped3A = tpu.sem_alloc : memref<!tpu.dma_semaphore, #tpu.memory_space<semaphore_mem>>
          %dma_start3A = arith.constant 0 : i32
          %dma_start3A_594 = arith.constant 0 : i32
          %dma_start3A_595 = tpu.memref_slice %arg12[%dma_start3A, %dma_start3A_594] : memref<80x128xf32, #tpu.memory_space<vmem>> -> memref<80x128xf32, #tpu.memory_space<vmem>>
          %dma_start3A_596 = arith.constant 0 : i32
          %dma_start3A_597 = tpu.memref_slice %arg10[%add3A_397, %dma_start3A_596] : memref<10000x128xf32, #tpu.memory_space<hbm>> -> memref<80x128xf32, #tpu.memory_space<hbm>>
          %dma_start3A_598 = arith.constant 0 : i32
          %dma_start3A_599 = tpu.memref_slice %arg10[%add3A_397, %dma_start3A_598] : memref<10000x128xf32, #tpu.memory_space<hbm>> -> memref<80x128xf32, #tpu.memory_space<hbm>>
          %dma_start3A_600 = arith.constant 0 : i32
          %dma_start3A_601 = arith.constant 0 : i32
          %dma_start3A_602 = tpu.memref_slice %arg12[%dma_start3A_600, %dma_start3A_601] : memref<80x128xf32, #tpu.memory_space<vmem>> -> memref<80x128xf32, #tpu.memory_space<vmem>>
          tpu.enqueue_dma source(%dma_start3A_602 : memref<80x128xf32, #tpu.memory_space<vmem>>) target(%dma_start3A_599 : memref<80x128xf32, #tpu.memory_space<hbm>>) target_semaphore(%run_scoped3A : memref<!tpu.dma_semaphore, #tpu.memory_space<semaphore_mem>>)
          %dma_wait3A = arith.constant 0 : i32
          %dma_wait3A_603 = arith.constant 0 : i32
          %dma_wait3A_604 = tpu.memref_slice %arg12[%dma_wait3A, %dma_wait3A_603] : memref<80x128xf32, #tpu.memory_space<vmem>> -> memref<80x128xf32, #tpu.memory_space<vmem>>
          %dma_wait3A_605 = arith.constant 0 : i32
          %dma_wait3A_606 = tpu.memref_slice %arg10[%add3A_397, %dma_wait3A_605] : memref<10000x128xf32, #tpu.memory_space<hbm>> -> memref<80x128xf32, #tpu.memory_space<hbm>>
          %dma_wait3A_607 = arith.constant 0 : i32
          %dma_wait3A_608 = tpu.memref_slice %arg10[%add3A_397, %dma_wait3A_607] : memref<10000x128xf32, #tpu.memory_space<hbm>> -> memref<80x128xf32, #tpu.memory_space<hbm>>
          %dma_wait3A_609 = arith.constant 0 : i32
          %dma_wait3A_610 = arith.constant 0 : i32
          %dma_wait3A_611 = tpu.memref_slice %arg12[%dma_wait3A_609, %dma_wait3A_610] : memref<80x128xf32, #tpu.memory_space<vmem>> -> memref<80x128xf32, #tpu.memory_space<vmem>>
          tpu.wait_dma2 semaphore(%run_scoped3A : memref<!tpu.dma_semaphore, #tpu.memory_space<semaphore_mem>>) src(%dma_wait3A_611 : memref<80x128xf32, #tpu.memory_space<vmem>>) dst(%dma_wait3A_608 : memref<80x128xf32, #tpu.memory_space<hbm>>)
          tpu.yield
        }) : () -> ()
        %add3A_398 = arith.constant 320 : i32
        %add3A_399 = arith.addi %mul3A_143, %add3A_398 : i32
        %iota3A_400 = tpu.iota {dimensions = array<i32: 0>} : vector<16xi32>
        %add3A_401 = arith.constant 0 : i32
        %add3A_402 = arith.addi %add3A_399, %add3A_401 : i32
        %add3A_403 = vector.broadcast %add3A_402 : i32 to vector<16xi32>
        %add3A_404 = arith.addi %iota3A_400, %add3A_403 : vector<16xi32>
        %swap3A_405 = arith.constant 0 : index
        %swap3A_406 = tpu.vector_load %arg18[%swap3A_405] {strides = array<i32>} : memref<80xi32, #tpu.memory_space<vmem>>, vector<16xi32>,
        %swap3A_407 = vector.shape_cast %swap3A_406 : vector<16xi32> to vector<16xi32>
        %swap3A_408 = vector.shape_cast %add3A_404 : vector<16xi32> to vector<16xi32>
        tpu.vector_store %arg18[%swap3A_405], %swap3A_408 {strides = array<i32>} : memref<80xi32, #tpu.memory_space<vmem>>, vector<16xi32>,
        %iota3A_409 = tpu.iota {dimensions = array<i32: 0>} : vector<16xi32>
        %add3A_410 = arith.constant 16 : i32
        %add3A_411 = arith.addi %add3A_399, %add3A_410 : i32
        %add3A_412 = vector.broadcast %add3A_411 : i32 to vector<16xi32>
        %add3A_413 = arith.addi %iota3A_409, %add3A_412 : vector<16xi32>
        %swap3A_414 = arith.constant 16 : index
        %swap3A_415 = tpu.vector_load %arg18[%swap3A_414] {strides = array<i32>} : memref<80xi32, #tpu.memory_space<vmem>>, vector<16xi32>,
        %swap3A_416 = vector.shape_cast %swap3A_415 : vector<16xi32> to vector<16xi32>
        %swap3A_417 = vector.shape_cast %add3A_413 : vector<16xi32> to vector<16xi32>
        tpu.vector_store %arg18[%swap3A_414], %swap3A_417 {strides = array<i32>} : memref<80xi32, #tpu.memory_space<vmem>>, vector<16xi32>,
        %iota3A_418 = tpu.iota {dimensions = array<i32: 0>} : vector<16xi32>
        %add3A_419 = arith.constant 32 : i32
        %add3A_420 = arith.addi %add3A_399, %add3A_419 : i32
        %add3A_421 = vector.broadcast %add3A_420 : i32 to vector<16xi32>
        %add3A_422 = arith.addi %iota3A_418, %add3A_421 : vector<16xi32>
        %swap3A_423 = arith.constant 32 : index
        %swap3A_424 = tpu.vector_load %arg18[%swap3A_423] {strides = array<i32>} : memref<80xi32, #tpu.memory_space<vmem>>, vector<16xi32>,
        %swap3A_425 = vector.shape_cast %swap3A_424 : vector<16xi32> to vector<16xi32>
        %swap3A_426 = vector.shape_cast %add3A_422 : vector<16xi32> to vector<16xi32>
        tpu.vector_store %arg18[%swap3A_423], %swap3A_426 {strides = array<i32>} : memref<80xi32, #tpu.memory_space<vmem>>, vector<16xi32>,
        %iota3A_427 = tpu.iota {dimensions = array<i32: 0>} : vector<16xi32>
        %add3A_428 = arith.constant 48 : i32
        %add3A_429 = arith.addi %add3A_399, %add3A_428 : i32
        %add3A_430 = vector.broadcast %add3A_429 : i32 to vector<16xi32>
        %add3A_431 = arith.addi %iota3A_427, %add3A_430 : vector<16xi32>
        %swap3A_432 = arith.constant 48 : index
        %swap3A_433 = tpu.vector_load %arg18[%swap3A_432] {strides = array<i32>} : memref<80xi32, #tpu.memory_space<vmem>>, vector<16xi32>,
        %swap3A_434 = vector.shape_cast %swap3A_433 : vector<16xi32> to vector<16xi32>
        %swap3A_435 = vector.shape_cast %add3A_431 : vector<16xi32> to vector<16xi32>
        tpu.vector_store %arg18[%swap3A_432], %swap3A_435 {strides = array<i32>} : memref<80xi32, #tpu.memory_space<vmem>>, vector<16xi32>,
        %iota3A_436 = tpu.iota {dimensions = array<i32: 0>} : vector<16xi32>
        %add3A_437 = arith.constant 64 : i32
        %add3A_438 = arith.addi %add3A_399, %add3A_437 : i32
        %add3A_439 = vector.broadcast %add3A_438 : i32 to vector<16xi32>
        %add3A_440 = arith.addi %iota3A_436, %add3A_439 : vector<16xi32>
        %swap3A_441 = arith.constant 64 : index
        %swap3A_442 = tpu.vector_load %arg18[%swap3A_441] {strides = array<i32>} : memref<80xi32, #tpu.memory_space<vmem>>, vector<16xi32>,
        %swap3A_443 = vector.shape_cast %swap3A_442 : vector<16xi32> to vector<16xi32>
        %swap3A_444 = vector.shape_cast %add3A_440 : vector<16xi32> to vector<16xi32>
        tpu.vector_store %arg18[%swap3A_441], %swap3A_444 {strides = array<i32>} : memref<80xi32, #tpu.memory_space<vmem>>, vector<16xi32>,
        "tpu.region"() ({
          %run_scoped3A = tpu.sem_alloc : memref<!tpu.dma_semaphore, #tpu.memory_space<semaphore_mem>>
          %dma_start3A = arith.constant 0 : i32
          %dma_start3A_594 = arith.constant 0 : i32
          %dma_start3A_595 = tpu.memref_slice %arg24[%dma_start3A, %dma_start3A_594] : memref<10240x128xf32, #tpu.memory_space<vmem_shared>> -> memref<10240x128xf32, #tpu.memory_space<vmem_shared>>
          tpu.enqueue_indirect_dma source(%dma_start3A_595 : memref<10240x128xf32, #tpu.memory_space<vmem_shared>>) target(%arg12 : memref<80x128xf32, #tpu.memory_space<vmem>>) offsets(%arg18 : memref<80xi32, #tpu.memory_space<vmem>>) semaphore(%run_scoped3A : memref<!tpu.dma_semaphore, #tpu.memory_space<semaphore_mem>>)
          %dma_wait3A = arith.constant 0 : i32
          %dma_wait3A_596 = arith.constant 0 : i32
          %dma_wait3A_597 = tpu.memref_slice %arg24[%dma_wait3A, %dma_wait3A_596] : memref<10240x128xf32, #tpu.memory_space<vmem_shared>> -> memref<10240x128xf32, #tpu.memory_space<vmem_shared>>
          tpu.wait_indirect_dma semaphore(%run_scoped3A : memref<!tpu.dma_semaphore, #tpu.memory_space<semaphore_mem>>) src(%dma_wait3A_597 : memref<10240x128xf32, #tpu.memory_space<vmem_shared>>) dst(%arg12 : memref<80x128xf32, #tpu.memory_space<vmem>>)
          tpu.yield
        }) : () -> ()
        %add3A_445 = arith.constant 320 : i32
        %add3A_446 = arith.addi %mul3A_143, %add3A_445 : i32
        "tpu.region"() ({
          %run_scoped3A = tpu.sem_alloc : memref<!tpu.dma_semaphore, #tpu.memory_space<semaphore_mem>>
          %dma_start3A = arith.constant 0 : i32
          %dma_start3A_594 = arith.constant 0 : i32
          %dma_start3A_595 = tpu.memref_slice %arg12[%dma_start3A, %dma_start3A_594] : memref<80x128xf32, #tpu.memory_space<vmem>> -> memref<80x128xf32, #tpu.memory_space<vmem>>
          %dma_start3A_596 = arith.constant 0 : i32
          %dma_start3A_597 = tpu.memref_slice %arg10[%add3A_446, %dma_start3A_596] : memref<10000x128xf32, #tpu.memory_space<hbm>> -> memref<80x128xf32, #tpu.memory_space<hbm>>
          %dma_start3A_598 = arith.constant 0 : i32
          %dma_start3A_599 = tpu.memref_slice %arg10[%add3A_446, %dma_start3A_598] : memref<10000x128xf32, #tpu.memory_space<hbm>> -> memref<80x128xf32, #tpu.memory_space<hbm>>
          %dma_start3A_600 = arith.constant 0 : i32
          %dma_start3A_601 = arith.constant 0 : i32
          %dma_start3A_602 = tpu.memref_slice %arg12[%dma_start3A_600, %dma_start3A_601] : memref<80x128xf32, #tpu.memory_space<vmem>> -> memref<80x128xf32, #tpu.memory_space<vmem>>
          tpu.enqueue_dma source(%dma_start3A_602 : memref<80x128xf32, #tpu.memory_space<vmem>>) target(%dma_start3A_599 : memref<80x128xf32, #tpu.memory_space<hbm>>) target_semaphore(%run_scoped3A : memref<!tpu.dma_semaphore, #tpu.memory_space<semaphore_mem>>)
          %dma_wait3A = arith.constant 0 : i32
          %dma_wait3A_603 = arith.constant 0 : i32
          %dma_wait3A_604 = tpu.memref_slice %arg12[%dma_wait3A, %dma_wait3A_603] : memref<80x128xf32, #tpu.memory_space<vmem>> -> memref<80x128xf32, #tpu.memory_space<vmem>>
          %dma_wait3A_605 = arith.constant 0 : i32
          %dma_wait3A_606 = tpu.memref_slice %arg10[%add3A_446, %dma_wait3A_605] : memref<10000x128xf32, #tpu.memory_space<hbm>> -> memref<80x128xf32, #tpu.memory_space<hbm>>
          %dma_wait3A_607 = arith.constant 0 : i32
          %dma_wait3A_608 = tpu.memref_slice %arg10[%add3A_446, %dma_wait3A_607] : memref<10000x128xf32, #tpu.memory_space<hbm>> -> memref<80x128xf32, #tpu.memory_space<hbm>>
          %dma_wait3A_609 = arith.constant 0 : i32
          %dma_wait3A_610 = arith.constant 0 : i32
          %dma_wait3A_611 = tpu.memref_slice %arg12[%dma_wait3A_609, %dma_wait3A_610] : memref<80x128xf32, #tpu.memory_space<vmem>> -> memref<80x128xf32, #tpu.memory_space<vmem>>
          tpu.wait_dma2 semaphore(%run_scoped3A : memref<!tpu.dma_semaphore, #tpu.memory_space<semaphore_mem>>) src(%dma_wait3A_611 : memref<80x128xf32, #tpu.memory_space<vmem>>) dst(%dma_wait3A_608 : memref<80x128xf32, #tpu.memory_space<hbm>>)
          tpu.yield
        }) : () -> ()
        %add3A_447 = arith.constant 400 : i32
        %add3A_448 = arith.addi %mul3A_143, %add3A_447 : i32
        %iota3A_449 = tpu.iota {dimensions = array<i32: 0>} : vector<16xi32>
        %add3A_450 = arith.constant 0 : i32
        %add3A_451 = arith.addi %add3A_448, %add3A_450 : i32
        %add3A_452 = vector.broadcast %add3A_451 : i32 to vector<16xi32>
        %add3A_453 = arith.addi %iota3A_449, %add3A_452 : vector<16xi32>
        %swap3A_454 = arith.constant 0 : index
        %swap3A_455 = tpu.vector_load %arg18[%swap3A_454] {strides = array<i32>} : memref<80xi32, #tpu.memory_space<vmem>>, vector<16xi32>,
        %swap3A_456 = vector.shape_cast %swap3A_455 : vector<16xi32> to vector<16xi32>
        %swap3A_457 = vector.shape_cast %add3A_453 : vector<16xi32> to vector<16xi32>
        tpu.vector_store %arg18[%swap3A_454], %swap3A_457 {strides = array<i32>} : memref<80xi32, #tpu.memory_space<vmem>>, vector<16xi32>,
        %iota3A_458 = tpu.iota {dimensions = array<i32: 0>} : vector<16xi32>
        %add3A_459 = arith.constant 16 : i32
        %add3A_460 = arith.addi %add3A_448, %add3A_459 : i32
        %add3A_461 = vector.broadcast %add3A_460 : i32 to vector<16xi32>
        %add3A_462 = arith.addi %iota3A_458, %add3A_461 : vector<16xi32>
        %swap3A_463 = arith.constant 16 : index
        %swap3A_464 = tpu.vector_load %arg18[%swap3A_463] {strides = array<i32>} : memref<80xi32, #tpu.memory_space<vmem>>, vector<16xi32>,
        %swap3A_465 = vector.shape_cast %swap3A_464 : vector<16xi32> to vector<16xi32>
        %swap3A_466 = vector.shape_cast %add3A_462 : vector<16xi32> to vector<16xi32>
        tpu.vector_store %arg18[%swap3A_463], %swap3A_466 {strides = array<i32>} : memref<80xi32, #tpu.memory_space<vmem>>, vector<16xi32>,
        %iota3A_467 = tpu.iota {dimensions = array<i32: 0>} : vector<16xi32>
        %add3A_468 = arith.constant 32 : i32
        %add3A_469 = arith.addi %add3A_448, %add3A_468 : i32
        %add3A_470 = vector.broadcast %add3A_469 : i32 to vector<16xi32>
        %add3A_471 = arith.addi %iota3A_467, %add3A_470 : vector<16xi32>
        %swap3A_472 = arith.constant 32 : index
        %swap3A_473 = tpu.vector_load %arg18[%swap3A_472] {strides = array<i32>} : memref<80xi32, #tpu.memory_space<vmem>>, vector<16xi32>,
        %swap3A_474 = vector.shape_cast %swap3A_473 : vector<16xi32> to vector<16xi32>
        %swap3A_475 = vector.shape_cast %add3A_471 : vector<16xi32> to vector<16xi32>
        tpu.vector_store %arg18[%swap3A_472], %swap3A_475 {strides = array<i32>} : memref<80xi32, #tpu.memory_space<vmem>>, vector<16xi32>,
        %iota3A_476 = tpu.iota {dimensions = array<i32: 0>} : vector<16xi32>
        %add3A_477 = arith.constant 48 : i32
        %add3A_478 = arith.addi %add3A_448, %add3A_477 : i32
        %add3A_479 = vector.broadcast %add3A_478 : i32 to vector<16xi32>
        %add3A_480 = arith.addi %iota3A_476, %add3A_479 : vector<16xi32>
        %swap3A_481 = arith.constant 48 : index
        %swap3A_482 = tpu.vector_load %arg18[%swap3A_481] {strides = array<i32>} : memref<80xi32, #tpu.memory_space<vmem>>, vector<16xi32>,
        %swap3A_483 = vector.shape_cast %swap3A_482 : vector<16xi32> to vector<16xi32>
        %swap3A_484 = vector.shape_cast %add3A_480 : vector<16xi32> to vector<16xi32>
        tpu.vector_store %arg18[%swap3A_481], %swap3A_484 {strides = array<i32>} : memref<80xi32, #tpu.memory_space<vmem>>, vector<16xi32>,
        %iota3A_485 = tpu.iota {dimensions = array<i32: 0>} : vector<16xi32>
        %add3A_486 = arith.constant 64 : i32
        %add3A_487 = arith.addi %add3A_448, %add3A_486 : i32
        %add3A_488 = vector.broadcast %add3A_487 : i32 to vector<16xi32>
        %add3A_489 = arith.addi %iota3A_485, %add3A_488 : vector<16xi32>
        %swap3A_490 = arith.constant 64 : index
        %swap3A_491 = tpu.vector_load %arg18[%swap3A_490] {strides = array<i32>} : memref<80xi32, #tpu.memory_space<vmem>>, vector<16xi32>,
        %swap3A_492 = vector.shape_cast %swap3A_491 : vector<16xi32> to vector<16xi32>
        %swap3A_493 = vector.shape_cast %add3A_489 : vector<16xi32> to vector<16xi32>
        tpu.vector_store %arg18[%swap3A_490], %swap3A_493 {strides = array<i32>} : memref<80xi32, #tpu.memory_space<vmem>>, vector<16xi32>,
        "tpu.region"() ({
          %run_scoped3A = tpu.sem_alloc : memref<!tpu.dma_semaphore, #tpu.memory_space<semaphore_mem>>
          %dma_start3A = arith.constant 0 : i32
          %dma_start3A_594 = arith.constant 0 : i32
          %dma_start3A_595 = tpu.memref_slice %arg24[%dma_start3A, %dma_start3A_594] : memref<10240x128xf32, #tpu.memory_space<vmem_shared>> -> memref<10240x128xf32, #tpu.memory_space<vmem_shared>>
          tpu.enqueue_indirect_dma source(%dma_start3A_595 : memref<10240x128xf32, #tpu.memory_space<vmem_shared>>) target(%arg12 : memref<80x128xf32, #tpu.memory_space<vmem>>) offsets(%arg18 : memref<80xi32, #tpu.memory_space<vmem>>) semaphore(%run_scoped3A : memref<!tpu.dma_semaphore, #tpu.memory_space<semaphore_mem>>)
          %dma_wait3A = arith.constant 0 : i32
          %dma_wait3A_596 = arith.constant 0 : i32
          %dma_wait3A_597 = tpu.memref_slice %arg24[%dma_wait3A, %dma_wait3A_596] : memref<10240x128xf32, #tpu.memory_space<vmem_shared>> -> memref<10240x128xf32, #tpu.memory_space<vmem_shared>>
          tpu.wait_indirect_dma semaphore(%run_scoped3A : memref<!tpu.dma_semaphore, #tpu.memory_space<semaphore_mem>>) src(%dma_wait3A_597 : memref<10240x128xf32, #tpu.memory_space<vmem_shared>>) dst(%arg12 : memref<80x128xf32, #tpu.memory_space<vmem>>)
          tpu.yield
        }) : () -> ()
        %add3A_494 = arith.constant 400 : i32
        %add3A_495 = arith.addi %mul3A_143, %add3A_494 : i32
        "tpu.region"() ({
          %run_scoped3A = tpu.sem_alloc : memref<!tpu.dma_semaphore, #tpu.memory_space<semaphore_mem>>
          %dma_start3A = arith.constant 0 : i32
          %dma_start3A_594 = arith.constant 0 : i32
          %dma_start3A_595 = tpu.memref_slice %arg12[%dma_start3A, %dma_start3A_594] : memref<80x128xf32, #tpu.memory_space<vmem>> -> memref<80x128xf32, #tpu.memory_space<vmem>>
          %dma_start3A_596 = arith.constant 0 : i32
          %dma_start3A_597 = tpu.memref_slice %arg10[%add3A_495, %dma_start3A_596] : memref<10000x128xf32, #tpu.memory_space<hbm>> -> memref<80x128xf32, #tpu.memory_space<hbm>>
          %dma_start3A_598 = arith.constant 0 : i32
          %dma_start3A_599 = tpu.memref_slice %arg10[%add3A_495, %dma_start3A_598] : memref<10000x128xf32, #tpu.memory_space<hbm>> -> memref<80x128xf32, #tpu.memory_space<hbm>>
          %dma_start3A_600 = arith.constant 0 : i32
          %dma_start3A_601 = arith.constant 0 : i32
          %dma_start3A_602 = tpu.memref_slice %arg12[%dma_start3A_600, %dma_start3A_601] : memref<80x128xf32, #tpu.memory_space<vmem>> -> memref<80x128xf32, #tpu.memory_space<vmem>>
          tpu.enqueue_dma source(%dma_start3A_602 : memref<80x128xf32, #tpu.memory_space<vmem>>) target(%dma_start3A_599 : memref<80x128xf32, #tpu.memory_space<hbm>>) target_semaphore(%run_scoped3A : memref<!tpu.dma_semaphore, #tpu.memory_space<semaphore_mem>>)
          %dma_wait3A = arith.constant 0 : i32
          %dma_wait3A_603 = arith.constant 0 : i32
          %dma_wait3A_604 = tpu.memref_slice %arg12[%dma_wait3A, %dma_wait3A_603] : memref<80x128xf32, #tpu.memory_space<vmem>> -> memref<80x128xf32, #tpu.memory_space<vmem>>
          %dma_wait3A_605 = arith.constant 0 : i32
          %dma_wait3A_606 = tpu.memref_slice %arg10[%add3A_495, %dma_wait3A_605] : memref<10000x128xf32, #tpu.memory_space<hbm>> -> memref<80x128xf32, #tpu.memory_space<hbm>>
          %dma_wait3A_607 = arith.constant 0 : i32
          %dma_wait3A_608 = tpu.memref_slice %arg10[%add3A_495, %dma_wait3A_607] : memref<10000x128xf32, #tpu.memory_space<hbm>> -> memref<80x128xf32, #tpu.memory_space<hbm>>
          %dma_wait3A_609 = arith.constant 0 : i32
          %dma_wait3A_610 = arith.constant 0 : i32
          %dma_wait3A_611 = tpu.memref_slice %arg12[%dma_wait3A_609, %dma_wait3A_610] : memref<80x128xf32, #tpu.memory_space<vmem>> -> memref<80x128xf32, #tpu.memory_space<vmem>>
          tpu.wait_dma2 semaphore(%run_scoped3A : memref<!tpu.dma_semaphore, #tpu.memory_space<semaphore_mem>>) src(%dma_wait3A_611 : memref<80x128xf32, #tpu.memory_space<vmem>>) dst(%dma_wait3A_608 : memref<80x128xf32, #tpu.memory_space<hbm>>)
          tpu.yield
        }) : () -> ()
        %add3A_496 = arith.constant 480 : i32
        %add3A_497 = arith.addi %mul3A_143, %add3A_496 : i32
        %iota3A_498 = tpu.iota {dimensions = array<i32: 0>} : vector<16xi32>
        %add3A_499 = arith.constant 0 : i32
        %add3A_500 = arith.addi %add3A_497, %add3A_499 : i32
        %add3A_501 = vector.broadcast %add3A_500 : i32 to vector<16xi32>
        %add3A_502 = arith.addi %iota3A_498, %add3A_501 : vector<16xi32>
        %swap3A_503 = arith.constant 0 : index
        %swap3A_504 = tpu.vector_load %arg18[%swap3A_503] {strides = array<i32>} : memref<80xi32, #tpu.memory_space<vmem>>, vector<16xi32>,
        %swap3A_505 = vector.shape_cast %swap3A_504 : vector<16xi32> to vector<16xi32>
        %swap3A_506 = vector.shape_cast %add3A_502 : vector<16xi32> to vector<16xi32>
        tpu.vector_store %arg18[%swap3A_503], %swap3A_506 {strides = array<i32>} : memref<80xi32, #tpu.memory_space<vmem>>, vector<16xi32>,
        %iota3A_507 = tpu.iota {dimensions = array<i32: 0>} : vector<16xi32>
        %add3A_508 = arith.constant 16 : i32
        %add3A_509 = arith.addi %add3A_497, %add3A_508 : i32
        %add3A_510 = vector.broadcast %add3A_509 : i32 to vector<16xi32>
        %add3A_511 = arith.addi %iota3A_507, %add3A_510 : vector<16xi32>
        %swap3A_512 = arith.constant 16 : index
        %swap3A_513 = tpu.vector_load %arg18[%swap3A_512] {strides = array<i32>} : memref<80xi32, #tpu.memory_space<vmem>>, vector<16xi32>,
        %swap3A_514 = vector.shape_cast %swap3A_513 : vector<16xi32> to vector<16xi32>
        %swap3A_515 = vector.shape_cast %add3A_511 : vector<16xi32> to vector<16xi32>
        tpu.vector_store %arg18[%swap3A_512], %swap3A_515 {strides = array<i32>} : memref<80xi32, #tpu.memory_space<vmem>>, vector<16xi32>,
        %iota3A_516 = tpu.iota {dimensions = array<i32: 0>} : vector<16xi32>
        %add3A_517 = arith.constant 32 : i32
        %add3A_518 = arith.addi %add3A_497, %add3A_517 : i32
        %add3A_519 = vector.broadcast %add3A_518 : i32 to vector<16xi32>
        %add3A_520 = arith.addi %iota3A_516, %add3A_519 : vector<16xi32>
        %swap3A_521 = arith.constant 32 : index
        %swap3A_522 = tpu.vector_load %arg18[%swap3A_521] {strides = array<i32>} : memref<80xi32, #tpu.memory_space<vmem>>, vector<16xi32>,
        %swap3A_523 = vector.shape_cast %swap3A_522 : vector<16xi32> to vector<16xi32>
        %swap3A_524 = vector.shape_cast %add3A_520 : vector<16xi32> to vector<16xi32>
        tpu.vector_store %arg18[%swap3A_521], %swap3A_524 {strides = array<i32>} : memref<80xi32, #tpu.memory_space<vmem>>, vector<16xi32>,
        %iota3A_525 = tpu.iota {dimensions = array<i32: 0>} : vector<16xi32>
        %add3A_526 = arith.constant 48 : i32
        %add3A_527 = arith.addi %add3A_497, %add3A_526 : i32
        %add3A_528 = vector.broadcast %add3A_527 : i32 to vector<16xi32>
        %add3A_529 = arith.addi %iota3A_525, %add3A_528 : vector<16xi32>
        %swap3A_530 = arith.constant 48 : index
        %swap3A_531 = tpu.vector_load %arg18[%swap3A_530] {strides = array<i32>} : memref<80xi32, #tpu.memory_space<vmem>>, vector<16xi32>,
        %swap3A_532 = vector.shape_cast %swap3A_531 : vector<16xi32> to vector<16xi32>
        %swap3A_533 = vector.shape_cast %add3A_529 : vector<16xi32> to vector<16xi32>
        tpu.vector_store %arg18[%swap3A_530], %swap3A_533 {strides = array<i32>} : memref<80xi32, #tpu.memory_space<vmem>>, vector<16xi32>,
        %iota3A_534 = tpu.iota {dimensions = array<i32: 0>} : vector<16xi32>
        %add3A_535 = arith.constant 64 : i32
        %add3A_536 = arith.addi %add3A_497, %add3A_535 : i32
        %add3A_537 = vector.broadcast %add3A_536 : i32 to vector<16xi32>
        %add3A_538 = arith.addi %iota3A_534, %add3A_537 : vector<16xi32>
        %swap3A_539 = arith.constant 64 : index
        %swap3A_540 = tpu.vector_load %arg18[%swap3A_539] {strides = array<i32>} : memref<80xi32, #tpu.memory_space<vmem>>, vector<16xi32>,
        %swap3A_541 = vector.shape_cast %swap3A_540 : vector<16xi32> to vector<16xi32>
        %swap3A_542 = vector.shape_cast %add3A_538 : vector<16xi32> to vector<16xi32>
        tpu.vector_store %arg18[%swap3A_539], %swap3A_542 {strides = array<i32>} : memref<80xi32, #tpu.memory_space<vmem>>, vector<16xi32>,
        "tpu.region"() ({
          %run_scoped3A = tpu.sem_alloc : memref<!tpu.dma_semaphore, #tpu.memory_space<semaphore_mem>>
          %dma_start3A = arith.constant 0 : i32
          %dma_start3A_594 = arith.constant 0 : i32
          %dma_start3A_595 = tpu.memref_slice %arg24[%dma_start3A, %dma_start3A_594] : memref<10240x128xf32, #tpu.memory_space<vmem_shared>> -> memref<10240x128xf32, #tpu.memory_space<vmem_shared>>
          tpu.enqueue_indirect_dma source(%dma_start3A_595 : memref<10240x128xf32, #tpu.memory_space<vmem_shared>>) target(%arg12 : memref<80x128xf32, #tpu.memory_space<vmem>>) offsets(%arg18 : memref<80xi32, #tpu.memory_space<vmem>>) semaphore(%run_scoped3A : memref<!tpu.dma_semaphore, #tpu.memory_space<semaphore_mem>>)
          %dma_wait3A = arith.constant 0 : i32
          %dma_wait3A_596 = arith.constant 0 : i32
          %dma_wait3A_597 = tpu.memref_slice %arg24[%dma_wait3A, %dma_wait3A_596] : memref<10240x128xf32, #tpu.memory_space<vmem_shared>> -> memref<10240x128xf32, #tpu.memory_space<vmem_shared>>
          tpu.wait_indirect_dma semaphore(%run_scoped3A : memref<!tpu.dma_semaphore, #tpu.memory_space<semaphore_mem>>) src(%dma_wait3A_597 : memref<10240x128xf32, #tpu.memory_space<vmem_shared>>) dst(%arg12 : memref<80x128xf32, #tpu.memory_space<vmem>>)
          tpu.yield
        }) : () -> ()
        %add3A_543 = arith.constant 480 : i32
        %add3A_544 = arith.addi %mul3A_143, %add3A_543 : i32
        "tpu.region"() ({
          %run_scoped3A = tpu.sem_alloc : memref<!tpu.dma_semaphore, #tpu.memory_space<semaphore_mem>>
          %dma_start3A = arith.constant 0 : i32
          %dma_start3A_594 = arith.constant 0 : i32
          %dma_start3A_595 = tpu.memref_slice %arg12[%dma_start3A, %dma_start3A_594] : memref<80x128xf32, #tpu.memory_space<vmem>> -> memref<80x128xf32, #tpu.memory_space<vmem>>
          %dma_start3A_596 = arith.constant 0 : i32
          %dma_start3A_597 = tpu.memref_slice %arg10[%add3A_544, %dma_start3A_596] : memref<10000x128xf32, #tpu.memory_space<hbm>> -> memref<80x128xf32, #tpu.memory_space<hbm>>
          %dma_start3A_598 = arith.constant 0 : i32
          %dma_start3A_599 = tpu.memref_slice %arg10[%add3A_544, %dma_start3A_598] : memref<10000x128xf32, #tpu.memory_space<hbm>> -> memref<80x128xf32, #tpu.memory_space<hbm>>
          %dma_start3A_600 = arith.constant 0 : i32
          %dma_start3A_601 = arith.constant 0 : i32
          %dma_start3A_602 = tpu.memref_slice %arg12[%dma_start3A_600, %dma_start3A_601] : memref<80x128xf32, #tpu.memory_space<vmem>> -> memref<80x128xf32, #tpu.memory_space<vmem>>
          tpu.enqueue_dma source(%dma_start3A_602 : memref<80x128xf32, #tpu.memory_space<vmem>>) target(%dma_start3A_599 : memref<80x128xf32, #tpu.memory_space<hbm>>) target_semaphore(%run_scoped3A : memref<!tpu.dma_semaphore, #tpu.memory_space<semaphore_mem>>)
          %dma_wait3A = arith.constant 0 : i32
          %dma_wait3A_603 = arith.constant 0 : i32
          %dma_wait3A_604 = tpu.memref_slice %arg12[%dma_wait3A, %dma_wait3A_603] : memref<80x128xf32, #tpu.memory_space<vmem>> -> memref<80x128xf32, #tpu.memory_space<vmem>>
          %dma_wait3A_605 = arith.constant 0 : i32
          %dma_wait3A_606 = tpu.memref_slice %arg10[%add3A_544, %dma_wait3A_605] : memref<10000x128xf32, #tpu.memory_space<hbm>> -> memref<80x128xf32, #tpu.memory_space<hbm>>
          %dma_wait3A_607 = arith.constant 0 : i32
          %dma_wait3A_608 = tpu.memref_slice %arg10[%add3A_544, %dma_wait3A_607] : memref<10000x128xf32, #tpu.memory_space<hbm>> -> memref<80x128xf32, #tpu.memory_space<hbm>>
          %dma_wait3A_609 = arith.constant 0 : i32
          %dma_wait3A_610 = arith.constant 0 : i32
          %dma_wait3A_611 = tpu.memref_slice %arg12[%dma_wait3A_609, %dma_wait3A_610] : memref<80x128xf32, #tpu.memory_space<vmem>> -> memref<80x128xf32, #tpu.memory_space<vmem>>
          tpu.wait_dma2 semaphore(%run_scoped3A : memref<!tpu.dma_semaphore, #tpu.memory_space<semaphore_mem>>) src(%dma_wait3A_611 : memref<80x128xf32, #tpu.memory_space<vmem>>) dst(%dma_wait3A_608 : memref<80x128xf32, #tpu.memory_space<hbm>>)
          tpu.yield
        }) : () -> ()
        %add3A_545 = arith.constant 560 : i32
        %add3A_546 = arith.addi %mul3A_143, %add3A_545 : i32
        %iota3A_547 = tpu.iota {dimensions = array<i32: 0>} : vector<16xi32>
        %add3A_548 = arith.constant 0 : i32
        %add3A_549 = arith.addi %add3A_546, %add3A_548 : i32
        %add3A_550 = vector.broadcast %add3A_549 : i32 to vector<16xi32>
        %add3A_551 = arith.addi %iota3A_547, %add3A_550 : vector<16xi32>
        %swap3A_552 = arith.constant 0 : index
        %swap3A_553 = tpu.vector_load %arg18[%swap3A_552] {strides = array<i32>} : memref<80xi32, #tpu.memory_space<vmem>>, vector<16xi32>,
        %swap3A_554 = vector.shape_cast %swap3A_553 : vector<16xi32> to vector<16xi32>
        %swap3A_555 = vector.shape_cast %add3A_551 : vector<16xi32> to vector<16xi32>
        tpu.vector_store %arg18[%swap3A_552], %swap3A_555 {strides = array<i32>} : memref<80xi32, #tpu.memory_space<vmem>>, vector<16xi32>,
        %iota3A_556 = tpu.iota {dimensions = array<i32: 0>} : vector<16xi32>
        %add3A_557 = arith.constant 16 : i32
        %add3A_558 = arith.addi %add3A_546, %add3A_557 : i32
        %add3A_559 = vector.broadcast %add3A_558 : i32 to vector<16xi32>
        %add3A_560 = arith.addi %iota3A_556, %add3A_559 : vector<16xi32>
        %swap3A_561 = arith.constant 16 : index
        %swap3A_562 = tpu.vector_load %arg18[%swap3A_561] {strides = array<i32>} : memref<80xi32, #tpu.memory_space<vmem>>, vector<16xi32>,
        %swap3A_563 = vector.shape_cast %swap3A_562 : vector<16xi32> to vector<16xi32>
        %swap3A_564 = vector.shape_cast %add3A_560 : vector<16xi32> to vector<16xi32>
        tpu.vector_store %arg18[%swap3A_561], %swap3A_564 {strides = array<i32>} : memref<80xi32, #tpu.memory_space<vmem>>, vector<16xi32>,
        %iota3A_565 = tpu.iota {dimensions = array<i32: 0>} : vector<16xi32>
        %add3A_566 = arith.constant 32 : i32
        %add3A_567 = arith.addi %add3A_546, %add3A_566 : i32
        %add3A_568 = vector.broadcast %add3A_567 : i32 to vector<16xi32>
        %add3A_569 = arith.addi %iota3A_565, %add3A_568 : vector<16xi32>
        %swap3A_570 = arith.constant 32 : index
        %swap3A_571 = tpu.vector_load %arg18[%swap3A_570] {strides = array<i32>} : memref<80xi32, #tpu.memory_space<vmem>>, vector<16xi32>,
        %swap3A_572 = vector.shape_cast %swap3A_571 : vector<16xi32> to vector<16xi32>
        %swap3A_573 = vector.shape_cast %add3A_569 : vector<16xi32> to vector<16xi32>
        tpu.vector_store %arg18[%swap3A_570], %swap3A_573 {strides = array<i32>} : memref<80xi32, #tpu.memory_space<vmem>>, vector<16xi32>,
        %iota3A_574 = tpu.iota {dimensions = array<i32: 0>} : vector<16xi32>
        %add3A_575 = arith.constant 48 : i32
        %add3A_576 = arith.addi %add3A_546, %add3A_575 : i32
        %add3A_577 = vector.broadcast %add3A_576 : i32 to vector<16xi32>
        %add3A_578 = arith.addi %iota3A_574, %add3A_577 : vector<16xi32>
        %swap3A_579 = arith.constant 48 : index
        %swap3A_580 = tpu.vector_load %arg18[%swap3A_579] {strides = array<i32>} : memref<80xi32, #tpu.memory_space<vmem>>, vector<16xi32>,
        %swap3A_581 = vector.shape_cast %swap3A_580 : vector<16xi32> to vector<16xi32>
        %swap3A_582 = vector.shape_cast %add3A_578 : vector<16xi32> to vector<16xi32>
        tpu.vector_store %arg18[%swap3A_579], %swap3A_582 {strides = array<i32>} : memref<80xi32, #tpu.memory_space<vmem>>, vector<16xi32>,
        %iota3A_583 = tpu.iota {dimensions = array<i32: 0>} : vector<16xi32>
        %add3A_584 = arith.constant 64 : i32
        %add3A_585 = arith.addi %add3A_546, %add3A_584 : i32
        %add3A_586 = vector.broadcast %add3A_585 : i32 to vector<16xi32>
        %add3A_587 = arith.addi %iota3A_583, %add3A_586 : vector<16xi32>
        %swap3A_588 = arith.constant 64 : index
        %swap3A_589 = tpu.vector_load %arg18[%swap3A_588] {strides = array<i32>} : memref<80xi32, #tpu.memory_space<vmem>>, vector<16xi32>,
        %swap3A_590 = vector.shape_cast %swap3A_589 : vector<16xi32> to vector<16xi32>
        %swap3A_591 = vector.shape_cast %add3A_587 : vector<16xi32> to vector<16xi32>
        tpu.vector_store %arg18[%swap3A_588], %swap3A_591 {strides = array<i32>} : memref<80xi32, #tpu.memory_space<vmem>>, vector<16xi32>,
        "tpu.region"() ({
          %run_scoped3A = tpu.sem_alloc : memref<!tpu.dma_semaphore, #tpu.memory_space<semaphore_mem>>
          %dma_start3A = arith.constant 0 : i32
          %dma_start3A_594 = arith.constant 0 : i32
          %dma_start3A_595 = tpu.memref_slice %arg24[%dma_start3A, %dma_start3A_594] : memref<10240x128xf32, #tpu.memory_space<vmem_shared>> -> memref<10240x128xf32, #tpu.memory_space<vmem_shared>>
          tpu.enqueue_indirect_dma source(%dma_start3A_595 : memref<10240x128xf32, #tpu.memory_space<vmem_shared>>) target(%arg12 : memref<80x128xf32, #tpu.memory_space<vmem>>) offsets(%arg18 : memref<80xi32, #tpu.memory_space<vmem>>) semaphore(%run_scoped3A : memref<!tpu.dma_semaphore, #tpu.memory_space<semaphore_mem>>)
          %dma_wait3A = arith.constant 0 : i32
          %dma_wait3A_596 = arith.constant 0 : i32
          %dma_wait3A_597 = tpu.memref_slice %arg24[%dma_wait3A, %dma_wait3A_596] : memref<10240x128xf32, #tpu.memory_space<vmem_shared>> -> memref<10240x128xf32, #tpu.memory_space<vmem_shared>>
          tpu.wait_indirect_dma semaphore(%run_scoped3A : memref<!tpu.dma_semaphore, #tpu.memory_space<semaphore_mem>>) src(%dma_wait3A_597 : memref<10240x128xf32, #tpu.memory_space<vmem_shared>>) dst(%arg12 : memref<80x128xf32, #tpu.memory_space<vmem>>)
          tpu.yield
        }) : () -> ()
        %add3A_592 = arith.constant 560 : i32
        %add3A_593 = arith.addi %mul3A_143, %add3A_592 : i32
        "tpu.region"() ({
          %run_scoped3A = tpu.sem_alloc : memref<!tpu.dma_semaphore, #tpu.memory_space<semaphore_mem>>
          %dma_start3A = arith.constant 0 : i32
          %dma_start3A_594 = arith.constant 0 : i32
          %dma_start3A_595 = tpu.memref_slice %arg12[%dma_start3A, %dma_start3A_594] : memref<80x128xf32, #tpu.memory_space<vmem>> -> memref<72x128xf32, #tpu.memory_space<vmem>>
          %dma_start3A_596 = arith.constant 0 : i32
          %dma_start3A_597 = tpu.memref_slice %arg10[%add3A_593, %dma_start3A_596] : memref<10000x128xf32, #tpu.memory_space<hbm>> -> memref<72x128xf32, #tpu.memory_space<hbm>>
          %dma_start3A_598 = arith.constant 0 : i32
          %dma_start3A_599 = tpu.memref_slice %arg10[%add3A_593, %dma_start3A_598] : memref<10000x128xf32, #tpu.memory_space<hbm>> -> memref<72x128xf32, #tpu.memory_space<hbm>>
          %dma_start3A_600 = arith.constant 0 : i32
          %dma_start3A_601 = arith.constant 0 : i32
          %dma_start3A_602 = tpu.memref_slice %arg12[%dma_start3A_600, %dma_start3A_601] : memref<80x128xf32, #tpu.memory_space<vmem>> -> memref<72x128xf32, #tpu.memory_space<vmem>>
          tpu.enqueue_dma source(%dma_start3A_602 : memref<72x128xf32, #tpu.memory_space<vmem>>) target(%dma_start3A_599 : memref<72x128xf32, #tpu.memory_space<hbm>>) target_semaphore(%run_scoped3A : memref<!tpu.dma_semaphore, #tpu.memory_space<semaphore_mem>>)
          %dma_wait3A = arith.constant 0 : i32
          %dma_wait3A_603 = arith.constant 0 : i32
          %dma_wait3A_604 = tpu.memref_slice %arg12[%dma_wait3A, %dma_wait3A_603] : memref<80x128xf32, #tpu.memory_space<vmem>> -> memref<72x128xf32, #tpu.memory_space<vmem>>
          %dma_wait3A_605 = arith.constant 0 : i32
          %dma_wait3A_606 = tpu.memref_slice %arg10[%add3A_593, %dma_wait3A_605] : memref<10000x128xf32, #tpu.memory_space<hbm>> -> memref<72x128xf32, #tpu.memory_space<hbm>>
          %dma_wait3A_607 = arith.constant 0 : i32
          %dma_wait3A_608 = tpu.memref_slice %arg10[%add3A_593, %dma_wait3A_607] : memref<10000x128xf32, #tpu.memory_space<hbm>> -> memref<72x128xf32, #tpu.memory_space<hbm>>
          %dma_wait3A_609 = arith.constant 0 : i32
          %dma_wait3A_610 = arith.constant 0 : i32
          %dma_wait3A_611 = tpu.memref_slice %arg12[%dma_wait3A_609, %dma_wait3A_610] : memref<80x128xf32, #tpu.memory_space<vmem>> -> memref<72x128xf32, #tpu.memory_space<vmem>>
          tpu.wait_dma2 semaphore(%run_scoped3A : memref<!tpu.dma_semaphore, #tpu.memory_space<semaphore_mem>>) src(%dma_wait3A_611 : memref<72x128xf32, #tpu.memory_space<vmem>>) dst(%dma_wait3A_608 : memref<72x128xf32, #tpu.memory_space<hbm>>)
          tpu.yield
        }) : () -> ()
      } else {
      }
      %eq3A_148 = arith.constant 15 : i32
      %eq3A_149 = arith.cmpi eq, %arg1, %eq3A_148 : i32
      %convert_element_type3A_150 = arith.extui %eq3A_149 : i1 to i32
      %cond3A_151 = arith.constant 0 : i32
      %cond3A_152 = arith.cmpi ne, %convert_element_type3A_150, %cond3A_151 : i32
      scf.if %cond3A_152 {
        %add3A_202 = arith.constant 0 : i32
        %add3A_203 = arith.addi %mul3A_143, %add3A_202 : i32
        %iota3A_204 = tpu.iota {dimensions = array<i32: 0>} : vector<16xi32>
        %add3A_205 = arith.constant 0 : i32
        %add3A_206 = arith.addi %add3A_203, %add3A_205 : i32
        %add3A_207 = vector.broadcast %add3A_206 : i32 to vector<16xi32>
        %add3A_208 = arith.addi %iota3A_204, %add3A_207 : vector<16xi32>
        %swap3A_209 = arith.constant 0 : index
        %swap3A_210 = tpu.vector_load %arg18[%swap3A_209] {strides = array<i32>} : memref<80xi32, #tpu.memory_space<vmem>>, vector<16xi32>,
        %swap3A_211 = vector.shape_cast %swap3A_210 : vector<16xi32> to vector<16xi32>
        %swap3A_212 = vector.shape_cast %add3A_208 : vector<16xi32> to vector<16xi32>
        tpu.vector_store %arg18[%swap3A_209], %swap3A_212 {strides = array<i32>} : memref<80xi32, #tpu.memory_space<vmem>>, vector<16xi32>,
        %iota3A_213 = tpu.iota {dimensions = array<i32: 0>} : vector<16xi32>
        %add3A_214 = arith.constant 16 : i32
        %add3A_215 = arith.addi %add3A_203, %add3A_214 : i32
        %add3A_216 = vector.broadcast %add3A_215 : i32 to vector<16xi32>
        %add3A_217 = arith.addi %iota3A_213, %add3A_216 : vector<16xi32>
        %swap3A_218 = arith.constant 16 : index
        %swap3A_219 = tpu.vector_load %arg18[%swap3A_218] {strides = array<i32>} : memref<80xi32, #tpu.memory_space<vmem>>, vector<16xi32>,
        %swap3A_220 = vector.shape_cast %swap3A_219 : vector<16xi32> to vector<16xi32>
        %swap3A_221 = vector.shape_cast %add3A_217 : vector<16xi32> to vector<16xi32>
        tpu.vector_store %arg18[%swap3A_218], %swap3A_221 {strides = array<i32>} : memref<80xi32, #tpu.memory_space<vmem>>, vector<16xi32>,
        %iota3A_222 = tpu.iota {dimensions = array<i32: 0>} : vector<16xi32>
        %add3A_223 = arith.constant 32 : i32
        %add3A_224 = arith.addi %add3A_203, %add3A_223 : i32
        %add3A_225 = vector.broadcast %add3A_224 : i32 to vector<16xi32>
        %add3A_226 = arith.addi %iota3A_222, %add3A_225 : vector<16xi32>
        %swap3A_227 = arith.constant 32 : index
        %swap3A_228 = tpu.vector_load %arg18[%swap3A_227] {strides = array<i32>} : memref<80xi32, #tpu.memory_space<vmem>>, vector<16xi32>,
        %swap3A_229 = vector.shape_cast %swap3A_228 : vector<16xi32> to vector<16xi32>
        %swap3A_230 = vector.shape_cast %add3A_226 : vector<16xi32> to vector<16xi32>
        tpu.vector_store %arg18[%swap3A_227], %swap3A_230 {strides = array<i32>} : memref<80xi32, #tpu.memory_space<vmem>>, vector<16xi32>,
        %iota3A_231 = tpu.iota {dimensions = array<i32: 0>} : vector<16xi32>
        %add3A_232 = arith.constant 48 : i32
        %add3A_233 = arith.addi %add3A_203, %add3A_232 : i32
        %add3A_234 = vector.broadcast %add3A_233 : i32 to vector<16xi32>
        %add3A_235 = arith.addi %iota3A_231, %add3A_234 : vector<16xi32>
        %swap3A_236 = arith.constant 48 : index
        %swap3A_237 = tpu.vector_load %arg18[%swap3A_236] {strides = array<i32>} : memref<80xi32, #tpu.memory_space<vmem>>, vector<16xi32>,
        %swap3A_238 = vector.shape_cast %swap3A_237 : vector<16xi32> to vector<16xi32>
        %swap3A_239 = vector.shape_cast %add3A_235 : vector<16xi32> to vector<16xi32>
        tpu.vector_store %arg18[%swap3A_236], %swap3A_239 {strides = array<i32>} : memref<80xi32, #tpu.memory_space<vmem>>, vector<16xi32>,
        %iota3A_240 = tpu.iota {dimensions = array<i32: 0>} : vector<16xi32>
        %add3A_241 = arith.constant 64 : i32
        %add3A_242 = arith.addi %add3A_203, %add3A_241 : i32
        %add3A_243 = vector.broadcast %add3A_242 : i32 to vector<16xi32>
        %add3A_244 = arith.addi %iota3A_240, %add3A_243 : vector<16xi32>
        %swap3A_245 = arith.constant 64 : index
        %swap3A_246 = tpu.vector_load %arg18[%swap3A_245] {strides = array<i32>} : memref<80xi32, #tpu.memory_space<vmem>>, vector<16xi32>,
        %swap3A_247 = vector.shape_cast %swap3A_246 : vector<16xi32> to vector<16xi32>
        %swap3A_248 = vector.shape_cast %add3A_244 : vector<16xi32> to vector<16xi32>
        tpu.vector_store %arg18[%swap3A_245], %swap3A_248 {strides = array<i32>} : memref<80xi32, #tpu.memory_space<vmem>>, vector<16xi32>,
        "tpu.region"() ({
          %run_scoped3A = tpu.sem_alloc : memref<!tpu.dma_semaphore, #tpu.memory_space<semaphore_mem>>
          %dma_start3A = arith.constant 0 : i32
          %dma_start3A_545 = arith.constant 0 : i32
          %dma_start3A_546 = tpu.memref_slice %arg24[%dma_start3A, %dma_start3A_545] : memref<10240x128xf32, #tpu.memory_space<vmem_shared>> -> memref<10240x128xf32, #tpu.memory_space<vmem_shared>>
          tpu.enqueue_indirect_dma source(%dma_start3A_546 : memref<10240x128xf32, #tpu.memory_space<vmem_shared>>) target(%arg12 : memref<80x128xf32, #tpu.memory_space<vmem>>) offsets(%arg18 : memref<80xi32, #tpu.memory_space<vmem>>) semaphore(%run_scoped3A : memref<!tpu.dma_semaphore, #tpu.memory_space<semaphore_mem>>)
          %dma_wait3A = arith.constant 0 : i32
          %dma_wait3A_547 = arith.constant 0 : i32
          %dma_wait3A_548 = tpu.memref_slice %arg24[%dma_wait3A, %dma_wait3A_547] : memref<10240x128xf32, #tpu.memory_space<vmem_shared>> -> memref<10240x128xf32, #tpu.memory_space<vmem_shared>>
          tpu.wait_indirect_dma semaphore(%run_scoped3A : memref<!tpu.dma_semaphore, #tpu.memory_space<semaphore_mem>>) src(%dma_wait3A_548 : memref<10240x128xf32, #tpu.memory_space<vmem_shared>>) dst(%arg12 : memref<80x128xf32, #tpu.memory_space<vmem>>)
          tpu.yield
        }) : () -> ()
        %add3A_249 = arith.constant 0 : i32
        %add3A_250 = arith.addi %mul3A_143, %add3A_249 : i32
        "tpu.region"() ({
          %run_scoped3A = tpu.sem_alloc : memref<!tpu.dma_semaphore, #tpu.memory_space<semaphore_mem>>
          %dma_start3A = arith.constant 0 : i32
          %dma_start3A_545 = arith.constant 0 : i32
          %dma_start3A_546 = tpu.memref_slice %arg12[%dma_start3A, %dma_start3A_545] : memref<80x128xf32, #tpu.memory_space<vmem>> -> memref<80x128xf32, #tpu.memory_space<vmem>>
          %dma_start3A_547 = arith.constant 0 : i32
          %dma_start3A_548 = tpu.memref_slice %arg10[%add3A_250, %dma_start3A_547] : memref<10000x128xf32, #tpu.memory_space<hbm>> -> memref<80x128xf32, #tpu.memory_space<hbm>>
          %dma_start3A_549 = arith.constant 0 : i32
          %dma_start3A_550 = tpu.memref_slice %arg10[%add3A_250, %dma_start3A_549] : memref<10000x128xf32, #tpu.memory_space<hbm>> -> memref<80x128xf32, #tpu.memory_space<hbm>>
          %dma_start3A_551 = arith.constant 0 : i32
          %dma_start3A_552 = arith.constant 0 : i32
          %dma_start3A_553 = tpu.memref_slice %arg12[%dma_start3A_551, %dma_start3A_552] : memref<80x128xf32, #tpu.memory_space<vmem>> -> memref<80x128xf32, #tpu.memory_space<vmem>>
          tpu.enqueue_dma source(%dma_start3A_553 : memref<80x128xf32, #tpu.memory_space<vmem>>) target(%dma_start3A_550 : memref<80x128xf32, #tpu.memory_space<hbm>>) target_semaphore(%run_scoped3A : memref<!tpu.dma_semaphore, #tpu.memory_space<semaphore_mem>>)
          %dma_wait3A = arith.constant 0 : i32
          %dma_wait3A_554 = arith.constant 0 : i32
          %dma_wait3A_555 = tpu.memref_slice %arg12[%dma_wait3A, %dma_wait3A_554] : memref<80x128xf32, #tpu.memory_space<vmem>> -> memref<80x128xf32, #tpu.memory_space<vmem>>
          %dma_wait3A_556 = arith.constant 0 : i32
          %dma_wait3A_557 = tpu.memref_slice %arg10[%add3A_250, %dma_wait3A_556] : memref<10000x128xf32, #tpu.memory_space<hbm>> -> memref<80x128xf32, #tpu.memory_space<hbm>>
          %dma_wait3A_558 = arith.constant 0 : i32
          %dma_wait3A_559 = tpu.memref_slice %arg10[%add3A_250, %dma_wait3A_558] : memref<10000x128xf32, #tpu.memory_space<hbm>> -> memref<80x128xf32, #tpu.memory_space<hbm>>
          %dma_wait3A_560 = arith.constant 0 : i32
          %dma_wait3A_561 = arith.constant 0 : i32
          %dma_wait3A_562 = tpu.memref_slice %arg12[%dma_wait3A_560, %dma_wait3A_561] : memref<80x128xf32, #tpu.memory_space<vmem>> -> memref<80x128xf32, #tpu.memory_space<vmem>>
          tpu.wait_dma2 semaphore(%run_scoped3A : memref<!tpu.dma_semaphore, #tpu.memory_space<semaphore_mem>>) src(%dma_wait3A_562 : memref<80x128xf32, #tpu.memory_space<vmem>>) dst(%dma_wait3A_559 : memref<80x128xf32, #tpu.memory_space<hbm>>)
          tpu.yield
        }) : () -> ()
        %add3A_251 = arith.constant 80 : i32
        %add3A_252 = arith.addi %mul3A_143, %add3A_251 : i32
        %iota3A_253 = tpu.iota {dimensions = array<i32: 0>} : vector<16xi32>
        %add3A_254 = arith.constant 0 : i32
        %add3A_255 = arith.addi %add3A_252, %add3A_254 : i32
        %add3A_256 = vector.broadcast %add3A_255 : i32 to vector<16xi32>
        %add3A_257 = arith.addi %iota3A_253, %add3A_256 : vector<16xi32>
        %swap3A_258 = arith.constant 0 : index
        %swap3A_259 = tpu.vector_load %arg18[%swap3A_258] {strides = array<i32>} : memref<80xi32, #tpu.memory_space<vmem>>, vector<16xi32>,
        %swap3A_260 = vector.shape_cast %swap3A_259 : vector<16xi32> to vector<16xi32>
        %swap3A_261 = vector.shape_cast %add3A_257 : vector<16xi32> to vector<16xi32>
        tpu.vector_store %arg18[%swap3A_258], %swap3A_261 {strides = array<i32>} : memref<80xi32, #tpu.memory_space<vmem>>, vector<16xi32>,
        %iota3A_262 = tpu.iota {dimensions = array<i32: 0>} : vector<16xi32>
        %add3A_263 = arith.constant 16 : i32
        %add3A_264 = arith.addi %add3A_252, %add3A_263 : i32
        %add3A_265 = vector.broadcast %add3A_264 : i32 to vector<16xi32>
        %add3A_266 = arith.addi %iota3A_262, %add3A_265 : vector<16xi32>
        %swap3A_267 = arith.constant 16 : index
        %swap3A_268 = tpu.vector_load %arg18[%swap3A_267] {strides = array<i32>} : memref<80xi32, #tpu.memory_space<vmem>>, vector<16xi32>,
        %swap3A_269 = vector.shape_cast %swap3A_268 : vector<16xi32> to vector<16xi32>
        %swap3A_270 = vector.shape_cast %add3A_266 : vector<16xi32> to vector<16xi32>
        tpu.vector_store %arg18[%swap3A_267], %swap3A_270 {strides = array<i32>} : memref<80xi32, #tpu.memory_space<vmem>>, vector<16xi32>,
        %iota3A_271 = tpu.iota {dimensions = array<i32: 0>} : vector<16xi32>
        %add3A_272 = arith.constant 32 : i32
        %add3A_273 = arith.addi %add3A_252, %add3A_272 : i32
        %add3A_274 = vector.broadcast %add3A_273 : i32 to vector<16xi32>
        %add3A_275 = arith.addi %iota3A_271, %add3A_274 : vector<16xi32>
        %swap3A_276 = arith.constant 32 : index
        %swap3A_277 = tpu.vector_load %arg18[%swap3A_276] {strides = array<i32>} : memref<80xi32, #tpu.memory_space<vmem>>, vector<16xi32>,
        %swap3A_278 = vector.shape_cast %swap3A_277 : vector<16xi32> to vector<16xi32>
        %swap3A_279 = vector.shape_cast %add3A_275 : vector<16xi32> to vector<16xi32>
        tpu.vector_store %arg18[%swap3A_276], %swap3A_279 {strides = array<i32>} : memref<80xi32, #tpu.memory_space<vmem>>, vector<16xi32>,
        %iota3A_280 = tpu.iota {dimensions = array<i32: 0>} : vector<16xi32>
        %add3A_281 = arith.constant 48 : i32
        %add3A_282 = arith.addi %add3A_252, %add3A_281 : i32
        %add3A_283 = vector.broadcast %add3A_282 : i32 to vector<16xi32>
        %add3A_284 = arith.addi %iota3A_280, %add3A_283 : vector<16xi32>
        %swap3A_285 = arith.constant 48 : index
        %swap3A_286 = tpu.vector_load %arg18[%swap3A_285] {strides = array<i32>} : memref<80xi32, #tpu.memory_space<vmem>>, vector<16xi32>,
        %swap3A_287 = vector.shape_cast %swap3A_286 : vector<16xi32> to vector<16xi32>
        %swap3A_288 = vector.shape_cast %add3A_284 : vector<16xi32> to vector<16xi32>
        tpu.vector_store %arg18[%swap3A_285], %swap3A_288 {strides = array<i32>} : memref<80xi32, #tpu.memory_space<vmem>>, vector<16xi32>,
        %iota3A_289 = tpu.iota {dimensions = array<i32: 0>} : vector<16xi32>
        %add3A_290 = arith.constant 64 : i32
        %add3A_291 = arith.addi %add3A_252, %add3A_290 : i32
        %add3A_292 = vector.broadcast %add3A_291 : i32 to vector<16xi32>
        %add3A_293 = arith.addi %iota3A_289, %add3A_292 : vector<16xi32>
        %swap3A_294 = arith.constant 64 : index
        %swap3A_295 = tpu.vector_load %arg18[%swap3A_294] {strides = array<i32>} : memref<80xi32, #tpu.memory_space<vmem>>, vector<16xi32>,
        %swap3A_296 = vector.shape_cast %swap3A_295 : vector<16xi32> to vector<16xi32>
        %swap3A_297 = vector.shape_cast %add3A_293 : vector<16xi32> to vector<16xi32>
        tpu.vector_store %arg18[%swap3A_294], %swap3A_297 {strides = array<i32>} : memref<80xi32, #tpu.memory_space<vmem>>, vector<16xi32>,
        "tpu.region"() ({
          %run_scoped3A = tpu.sem_alloc : memref<!tpu.dma_semaphore, #tpu.memory_space<semaphore_mem>>
          %dma_start3A = arith.constant 0 : i32
          %dma_start3A_545 = arith.constant 0 : i32
          %dma_start3A_546 = tpu.memref_slice %arg24[%dma_start3A, %dma_start3A_545] : memref<10240x128xf32, #tpu.memory_space<vmem_shared>> -> memref<10240x128xf32, #tpu.memory_space<vmem_shared>>
          tpu.enqueue_indirect_dma source(%dma_start3A_546 : memref<10240x128xf32, #tpu.memory_space<vmem_shared>>) target(%arg12 : memref<80x128xf32, #tpu.memory_space<vmem>>) offsets(%arg18 : memref<80xi32, #tpu.memory_space<vmem>>) semaphore(%run_scoped3A : memref<!tpu.dma_semaphore, #tpu.memory_space<semaphore_mem>>)
          %dma_wait3A = arith.constant 0 : i32
          %dma_wait3A_547 = arith.constant 0 : i32
          %dma_wait3A_548 = tpu.memref_slice %arg24[%dma_wait3A, %dma_wait3A_547] : memref<10240x128xf32, #tpu.memory_space<vmem_shared>> -> memref<10240x128xf32, #tpu.memory_space<vmem_shared>>
          tpu.wait_indirect_dma semaphore(%run_scoped3A : memref<!tpu.dma_semaphore, #tpu.memory_space<semaphore_mem>>) src(%dma_wait3A_548 : memref<10240x128xf32, #tpu.memory_space<vmem_shared>>) dst(%arg12 : memref<80x128xf32, #tpu.memory_space<vmem>>)
          tpu.yield
        }) : () -> ()
        %add3A_298 = arith.constant 80 : i32
        %add3A_299 = arith.addi %mul3A_143, %add3A_298 : i32
        "tpu.region"() ({
          %run_scoped3A = tpu.sem_alloc : memref<!tpu.dma_semaphore, #tpu.memory_space<semaphore_mem>>
          %dma_start3A = arith.constant 0 : i32
          %dma_start3A_545 = arith.constant 0 : i32
          %dma_start3A_546 = tpu.memref_slice %arg12[%dma_start3A, %dma_start3A_545] : memref<80x128xf32, #tpu.memory_space<vmem>> -> memref<80x128xf32, #tpu.memory_space<vmem>>
          %dma_start3A_547 = arith.constant 0 : i32
          %dma_start3A_548 = tpu.memref_slice %arg10[%add3A_299, %dma_start3A_547] : memref<10000x128xf32, #tpu.memory_space<hbm>> -> memref<80x128xf32, #tpu.memory_space<hbm>>
          %dma_start3A_549 = arith.constant 0 : i32
          %dma_start3A_550 = tpu.memref_slice %arg10[%add3A_299, %dma_start3A_549] : memref<10000x128xf32, #tpu.memory_space<hbm>> -> memref<80x128xf32, #tpu.memory_space<hbm>>
          %dma_start3A_551 = arith.constant 0 : i32
          %dma_start3A_552 = arith.constant 0 : i32
          %dma_start3A_553 = tpu.memref_slice %arg12[%dma_start3A_551, %dma_start3A_552] : memref<80x128xf32, #tpu.memory_space<vmem>> -> memref<80x128xf32, #tpu.memory_space<vmem>>
          tpu.enqueue_dma source(%dma_start3A_553 : memref<80x128xf32, #tpu.memory_space<vmem>>) target(%dma_start3A_550 : memref<80x128xf32, #tpu.memory_space<hbm>>) target_semaphore(%run_scoped3A : memref<!tpu.dma_semaphore, #tpu.memory_space<semaphore_mem>>)
          %dma_wait3A = arith.constant 0 : i32
          %dma_wait3A_554 = arith.constant 0 : i32
          %dma_wait3A_555 = tpu.memref_slice %arg12[%dma_wait3A, %dma_wait3A_554] : memref<80x128xf32, #tpu.memory_space<vmem>> -> memref<80x128xf32, #tpu.memory_space<vmem>>
          %dma_wait3A_556 = arith.constant 0 : i32
          %dma_wait3A_557 = tpu.memref_slice %arg10[%add3A_299, %dma_wait3A_556] : memref<10000x128xf32, #tpu.memory_space<hbm>> -> memref<80x128xf32, #tpu.memory_space<hbm>>
          %dma_wait3A_558 = arith.constant 0 : i32
          %dma_wait3A_559 = tpu.memref_slice %arg10[%add3A_299, %dma_wait3A_558] : memref<10000x128xf32, #tpu.memory_space<hbm>> -> memref<80x128xf32, #tpu.memory_space<hbm>>
          %dma_wait3A_560 = arith.constant 0 : i32
          %dma_wait3A_561 = arith.constant 0 : i32
          %dma_wait3A_562 = tpu.memref_slice %arg12[%dma_wait3A_560, %dma_wait3A_561] : memref<80x128xf32, #tpu.memory_space<vmem>> -> memref<80x128xf32, #tpu.memory_space<vmem>>
          tpu.wait_dma2 semaphore(%run_scoped3A : memref<!tpu.dma_semaphore, #tpu.memory_space<semaphore_mem>>) src(%dma_wait3A_562 : memref<80x128xf32, #tpu.memory_space<vmem>>) dst(%dma_wait3A_559 : memref<80x128xf32, #tpu.memory_space<hbm>>)
          tpu.yield
        }) : () -> ()
        %add3A_300 = arith.constant 160 : i32
        %add3A_301 = arith.addi %mul3A_143, %add3A_300 : i32
        %iota3A_302 = tpu.iota {dimensions = array<i32: 0>} : vector<16xi32>
        %add3A_303 = arith.constant 0 : i32
        %add3A_304 = arith.addi %add3A_301, %add3A_303 : i32
        %add3A_305 = vector.broadcast %add3A_304 : i32 to vector<16xi32>
        %add3A_306 = arith.addi %iota3A_302, %add3A_305 : vector<16xi32>
        %swap3A_307 = arith.constant 0 : index
        %swap3A_308 = tpu.vector_load %arg18[%swap3A_307] {strides = array<i32>} : memref<80xi32, #tpu.memory_space<vmem>>, vector<16xi32>,
        %swap3A_309 = vector.shape_cast %swap3A_308 : vector<16xi32> to vector<16xi32>
        %swap3A_310 = vector.shape_cast %add3A_306 : vector<16xi32> to vector<16xi32>
        tpu.vector_store %arg18[%swap3A_307], %swap3A_310 {strides = array<i32>} : memref<80xi32, #tpu.memory_space<vmem>>, vector<16xi32>,
        %iota3A_311 = tpu.iota {dimensions = array<i32: 0>} : vector<16xi32>
        %add3A_312 = arith.constant 16 : i32
        %add3A_313 = arith.addi %add3A_301, %add3A_312 : i32
        %add3A_314 = vector.broadcast %add3A_313 : i32 to vector<16xi32>
        %add3A_315 = arith.addi %iota3A_311, %add3A_314 : vector<16xi32>
        %swap3A_316 = arith.constant 16 : index
        %swap3A_317 = tpu.vector_load %arg18[%swap3A_316] {strides = array<i32>} : memref<80xi32, #tpu.memory_space<vmem>>, vector<16xi32>,
        %swap3A_318 = vector.shape_cast %swap3A_317 : vector<16xi32> to vector<16xi32>
        %swap3A_319 = vector.shape_cast %add3A_315 : vector<16xi32> to vector<16xi32>
        tpu.vector_store %arg18[%swap3A_316], %swap3A_319 {strides = array<i32>} : memref<80xi32, #tpu.memory_space<vmem>>, vector<16xi32>,
        %iota3A_320 = tpu.iota {dimensions = array<i32: 0>} : vector<16xi32>
        %add3A_321 = arith.constant 32 : i32
        %add3A_322 = arith.addi %add3A_301, %add3A_321 : i32
        %add3A_323 = vector.broadcast %add3A_322 : i32 to vector<16xi32>
        %add3A_324 = arith.addi %iota3A_320, %add3A_323 : vector<16xi32>
        %swap3A_325 = arith.constant 32 : index
        %swap3A_326 = tpu.vector_load %arg18[%swap3A_325] {strides = array<i32>} : memref<80xi32, #tpu.memory_space<vmem>>, vector<16xi32>,
        %swap3A_327 = vector.shape_cast %swap3A_326 : vector<16xi32> to vector<16xi32>
        %swap3A_328 = vector.shape_cast %add3A_324 : vector<16xi32> to vector<16xi32>
        tpu.vector_store %arg18[%swap3A_325], %swap3A_328 {strides = array<i32>} : memref<80xi32, #tpu.memory_space<vmem>>, vector<16xi32>,
        %iota3A_329 = tpu.iota {dimensions = array<i32: 0>} : vector<16xi32>
        %add3A_330 = arith.constant 48 : i32
        %add3A_331 = arith.addi %add3A_301, %add3A_330 : i32
        %add3A_332 = vector.broadcast %add3A_331 : i32 to vector<16xi32>
        %add3A_333 = arith.addi %iota3A_329, %add3A_332 : vector<16xi32>
        %swap3A_334 = arith.constant 48 : index
        %swap3A_335 = tpu.vector_load %arg18[%swap3A_334] {strides = array<i32>} : memref<80xi32, #tpu.memory_space<vmem>>, vector<16xi32>,
        %swap3A_336 = vector.shape_cast %swap3A_335 : vector<16xi32> to vector<16xi32>
        %swap3A_337 = vector.shape_cast %add3A_333 : vector<16xi32> to vector<16xi32>
        tpu.vector_store %arg18[%swap3A_334], %swap3A_337 {strides = array<i32>} : memref<80xi32, #tpu.memory_space<vmem>>, vector<16xi32>,
        %iota3A_338 = tpu.iota {dimensions = array<i32: 0>} : vector<16xi32>
        %add3A_339 = arith.constant 64 : i32
        %add3A_340 = arith.addi %add3A_301, %add3A_339 : i32
        %add3A_341 = vector.broadcast %add3A_340 : i32 to vector<16xi32>
        %add3A_342 = arith.addi %iota3A_338, %add3A_341 : vector<16xi32>
        %swap3A_343 = arith.constant 64 : index
        %swap3A_344 = tpu.vector_load %arg18[%swap3A_343] {strides = array<i32>} : memref<80xi32, #tpu.memory_space<vmem>>, vector<16xi32>,
        %swap3A_345 = vector.shape_cast %swap3A_344 : vector<16xi32> to vector<16xi32>
        %swap3A_346 = vector.shape_cast %add3A_342 : vector<16xi32> to vector<16xi32>
        tpu.vector_store %arg18[%swap3A_343], %swap3A_346 {strides = array<i32>} : memref<80xi32, #tpu.memory_space<vmem>>, vector<16xi32>,
        "tpu.region"() ({
          %run_scoped3A = tpu.sem_alloc : memref<!tpu.dma_semaphore, #tpu.memory_space<semaphore_mem>>
          %dma_start3A = arith.constant 0 : i32
          %dma_start3A_545 = arith.constant 0 : i32
          %dma_start3A_546 = tpu.memref_slice %arg24[%dma_start3A, %dma_start3A_545] : memref<10240x128xf32, #tpu.memory_space<vmem_shared>> -> memref<10240x128xf32, #tpu.memory_space<vmem_shared>>
          tpu.enqueue_indirect_dma source(%dma_start3A_546 : memref<10240x128xf32, #tpu.memory_space<vmem_shared>>) target(%arg12 : memref<80x128xf32, #tpu.memory_space<vmem>>) offsets(%arg18 : memref<80xi32, #tpu.memory_space<vmem>>) semaphore(%run_scoped3A : memref<!tpu.dma_semaphore, #tpu.memory_space<semaphore_mem>>)
          %dma_wait3A = arith.constant 0 : i32
          %dma_wait3A_547 = arith.constant 0 : i32
          %dma_wait3A_548 = tpu.memref_slice %arg24[%dma_wait3A, %dma_wait3A_547] : memref<10240x128xf32, #tpu.memory_space<vmem_shared>> -> memref<10240x128xf32, #tpu.memory_space<vmem_shared>>
          tpu.wait_indirect_dma semaphore(%run_scoped3A : memref<!tpu.dma_semaphore, #tpu.memory_space<semaphore_mem>>) src(%dma_wait3A_548 : memref<10240x128xf32, #tpu.memory_space<vmem_shared>>) dst(%arg12 : memref<80x128xf32, #tpu.memory_space<vmem>>)
          tpu.yield
        }) : () -> ()
        %add3A_347 = arith.constant 160 : i32
        %add3A_348 = arith.addi %mul3A_143, %add3A_347 : i32
        "tpu.region"() ({
          %run_scoped3A = tpu.sem_alloc : memref<!tpu.dma_semaphore, #tpu.memory_space<semaphore_mem>>
          %dma_start3A = arith.constant 0 : i32
          %dma_start3A_545 = arith.constant 0 : i32
          %dma_start3A_546 = tpu.memref_slice %arg12[%dma_start3A, %dma_start3A_545] : memref<80x128xf32, #tpu.memory_space<vmem>> -> memref<80x128xf32, #tpu.memory_space<vmem>>
          %dma_start3A_547 = arith.constant 0 : i32
          %dma_start3A_548 = tpu.memref_slice %arg10[%add3A_348, %dma_start3A_547] : memref<10000x128xf32, #tpu.memory_space<hbm>> -> memref<80x128xf32, #tpu.memory_space<hbm>>
          %dma_start3A_549 = arith.constant 0 : i32
          %dma_start3A_550 = tpu.memref_slice %arg10[%add3A_348, %dma_start3A_549] : memref<10000x128xf32, #tpu.memory_space<hbm>> -> memref<80x128xf32, #tpu.memory_space<hbm>>
          %dma_start3A_551 = arith.constant 0 : i32
          %dma_start3A_552 = arith.constant 0 : i32
          %dma_start3A_553 = tpu.memref_slice %arg12[%dma_start3A_551, %dma_start3A_552] : memref<80x128xf32, #tpu.memory_space<vmem>> -> memref<80x128xf32, #tpu.memory_space<vmem>>
          tpu.enqueue_dma source(%dma_start3A_553 : memref<80x128xf32, #tpu.memory_space<vmem>>) target(%dma_start3A_550 : memref<80x128xf32, #tpu.memory_space<hbm>>) target_semaphore(%run_scoped3A : memref<!tpu.dma_semaphore, #tpu.memory_space<semaphore_mem>>)
          %dma_wait3A = arith.constant 0 : i32
          %dma_wait3A_554 = arith.constant 0 : i32
          %dma_wait3A_555 = tpu.memref_slice %arg12[%dma_wait3A, %dma_wait3A_554] : memref<80x128xf32, #tpu.memory_space<vmem>> -> memref<80x128xf32, #tpu.memory_space<vmem>>
          %dma_wait3A_556 = arith.constant 0 : i32
          %dma_wait3A_557 = tpu.memref_slice %arg10[%add3A_348, %dma_wait3A_556] : memref<10000x128xf32, #tpu.memory_space<hbm>> -> memref<80x128xf32, #tpu.memory_space<hbm>>
          %dma_wait3A_558 = arith.constant 0 : i32
          %dma_wait3A_559 = tpu.memref_slice %arg10[%add3A_348, %dma_wait3A_558] : memref<10000x128xf32, #tpu.memory_space<hbm>> -> memref<80x128xf32, #tpu.memory_space<hbm>>
          %dma_wait3A_560 = arith.constant 0 : i32
          %dma_wait3A_561 = arith.constant 0 : i32
          %dma_wait3A_562 = tpu.memref_slice %arg12[%dma_wait3A_560, %dma_wait3A_561] : memref<80x128xf32, #tpu.memory_space<vmem>> -> memref<80x128xf32, #tpu.memory_space<vmem>>
          tpu.wait_dma2 semaphore(%run_scoped3A : memref<!tpu.dma_semaphore, #tpu.memory_space<semaphore_mem>>) src(%dma_wait3A_562 : memref<80x128xf32, #tpu.memory_space<vmem>>) dst(%dma_wait3A_559 : memref<80x128xf32, #tpu.memory_space<hbm>>)
          tpu.yield
        }) : () -> ()
        %add3A_349 = arith.constant 240 : i32
        %add3A_350 = arith.addi %mul3A_143, %add3A_349 : i32
        %iota3A_351 = tpu.iota {dimensions = array<i32: 0>} : vector<16xi32>
        %add3A_352 = arith.constant 0 : i32
        %add3A_353 = arith.addi %add3A_350, %add3A_352 : i32
        %add3A_354 = vector.broadcast %add3A_353 : i32 to vector<16xi32>
        %add3A_355 = arith.addi %iota3A_351, %add3A_354 : vector<16xi32>
        %swap3A_356 = arith.constant 0 : index
        %swap3A_357 = tpu.vector_load %arg18[%swap3A_356] {strides = array<i32>} : memref<80xi32, #tpu.memory_space<vmem>>, vector<16xi32>,
        %swap3A_358 = vector.shape_cast %swap3A_357 : vector<16xi32> to vector<16xi32>
        %swap3A_359 = vector.shape_cast %add3A_355 : vector<16xi32> to vector<16xi32>
        tpu.vector_store %arg18[%swap3A_356], %swap3A_359 {strides = array<i32>} : memref<80xi32, #tpu.memory_space<vmem>>, vector<16xi32>,
        %iota3A_360 = tpu.iota {dimensions = array<i32: 0>} : vector<16xi32>
        %add3A_361 = arith.constant 16 : i32
        %add3A_362 = arith.addi %add3A_350, %add3A_361 : i32
        %add3A_363 = vector.broadcast %add3A_362 : i32 to vector<16xi32>
        %add3A_364 = arith.addi %iota3A_360, %add3A_363 : vector<16xi32>
        %swap3A_365 = arith.constant 16 : index
        %swap3A_366 = tpu.vector_load %arg18[%swap3A_365] {strides = array<i32>} : memref<80xi32, #tpu.memory_space<vmem>>, vector<16xi32>,
        %swap3A_367 = vector.shape_cast %swap3A_366 : vector<16xi32> to vector<16xi32>
        %swap3A_368 = vector.shape_cast %add3A_364 : vector<16xi32> to vector<16xi32>
        tpu.vector_store %arg18[%swap3A_365], %swap3A_368 {strides = array<i32>} : memref<80xi32, #tpu.memory_space<vmem>>, vector<16xi32>,
        %iota3A_369 = tpu.iota {dimensions = array<i32: 0>} : vector<16xi32>
        %add3A_370 = arith.constant 32 : i32
        %add3A_371 = arith.addi %add3A_350, %add3A_370 : i32
        %add3A_372 = vector.broadcast %add3A_371 : i32 to vector<16xi32>
        %add3A_373 = arith.addi %iota3A_369, %add3A_372 : vector<16xi32>
        %swap3A_374 = arith.constant 32 : index
        %swap3A_375 = tpu.vector_load %arg18[%swap3A_374] {strides = array<i32>} : memref<80xi32, #tpu.memory_space<vmem>>, vector<16xi32>,
        %swap3A_376 = vector.shape_cast %swap3A_375 : vector<16xi32> to vector<16xi32>
        %swap3A_377 = vector.shape_cast %add3A_373 : vector<16xi32> to vector<16xi32>
        tpu.vector_store %arg18[%swap3A_374], %swap3A_377 {strides = array<i32>} : memref<80xi32, #tpu.memory_space<vmem>>, vector<16xi32>,
        %iota3A_378 = tpu.iota {dimensions = array<i32: 0>} : vector<16xi32>
        %add3A_379 = arith.constant 48 : i32
        %add3A_380 = arith.addi %add3A_350, %add3A_379 : i32
        %add3A_381 = vector.broadcast %add3A_380 : i32 to vector<16xi32>
        %add3A_382 = arith.addi %iota3A_378, %add3A_381 : vector<16xi32>
        %swap3A_383 = arith.constant 48 : index
        %swap3A_384 = tpu.vector_load %arg18[%swap3A_383] {strides = array<i32>} : memref<80xi32, #tpu.memory_space<vmem>>, vector<16xi32>,
        %swap3A_385 = vector.shape_cast %swap3A_384 : vector<16xi32> to vector<16xi32>
        %swap3A_386 = vector.shape_cast %add3A_382 : vector<16xi32> to vector<16xi32>
        tpu.vector_store %arg18[%swap3A_383], %swap3A_386 {strides = array<i32>} : memref<80xi32, #tpu.memory_space<vmem>>, vector<16xi32>,
        %iota3A_387 = tpu.iota {dimensions = array<i32: 0>} : vector<16xi32>
        %add3A_388 = arith.constant 64 : i32
        %add3A_389 = arith.addi %add3A_350, %add3A_388 : i32
        %add3A_390 = vector.broadcast %add3A_389 : i32 to vector<16xi32>
        %add3A_391 = arith.addi %iota3A_387, %add3A_390 : vector<16xi32>
        %swap3A_392 = arith.constant 64 : index
        %swap3A_393 = tpu.vector_load %arg18[%swap3A_392] {strides = array<i32>} : memref<80xi32, #tpu.memory_space<vmem>>, vector<16xi32>,
        %swap3A_394 = vector.shape_cast %swap3A_393 : vector<16xi32> to vector<16xi32>
        %swap3A_395 = vector.shape_cast %add3A_391 : vector<16xi32> to vector<16xi32>
        tpu.vector_store %arg18[%swap3A_392], %swap3A_395 {strides = array<i32>} : memref<80xi32, #tpu.memory_space<vmem>>, vector<16xi32>,
        "tpu.region"() ({
          %run_scoped3A = tpu.sem_alloc : memref<!tpu.dma_semaphore, #tpu.memory_space<semaphore_mem>>
          %dma_start3A = arith.constant 0 : i32
          %dma_start3A_545 = arith.constant 0 : i32
          %dma_start3A_546 = tpu.memref_slice %arg24[%dma_start3A, %dma_start3A_545] : memref<10240x128xf32, #tpu.memory_space<vmem_shared>> -> memref<10240x128xf32, #tpu.memory_space<vmem_shared>>
          tpu.enqueue_indirect_dma source(%dma_start3A_546 : memref<10240x128xf32, #tpu.memory_space<vmem_shared>>) target(%arg12 : memref<80x128xf32, #tpu.memory_space<vmem>>) offsets(%arg18 : memref<80xi32, #tpu.memory_space<vmem>>) semaphore(%run_scoped3A : memref<!tpu.dma_semaphore, #tpu.memory_space<semaphore_mem>>)
          %dma_wait3A = arith.constant 0 : i32
          %dma_wait3A_547 = arith.constant 0 : i32
          %dma_wait3A_548 = tpu.memref_slice %arg24[%dma_wait3A, %dma_wait3A_547] : memref<10240x128xf32, #tpu.memory_space<vmem_shared>> -> memref<10240x128xf32, #tpu.memory_space<vmem_shared>>
          tpu.wait_indirect_dma semaphore(%run_scoped3A : memref<!tpu.dma_semaphore, #tpu.memory_space<semaphore_mem>>) src(%dma_wait3A_548 : memref<10240x128xf32, #tpu.memory_space<vmem_shared>>) dst(%arg12 : memref<80x128xf32, #tpu.memory_space<vmem>>)
          tpu.yield
        }) : () -> ()
        %add3A_396 = arith.constant 240 : i32
        %add3A_397 = arith.addi %mul3A_143, %add3A_396 : i32
        "tpu.region"() ({
          %run_scoped3A = tpu.sem_alloc : memref<!tpu.dma_semaphore, #tpu.memory_space<semaphore_mem>>
          %dma_start3A = arith.constant 0 : i32
          %dma_start3A_545 = arith.constant 0 : i32
          %dma_start3A_546 = tpu.memref_slice %arg12[%dma_start3A, %dma_start3A_545] : memref<80x128xf32, #tpu.memory_space<vmem>> -> memref<80x128xf32, #tpu.memory_space<vmem>>
          %dma_start3A_547 = arith.constant 0 : i32
          %dma_start3A_548 = tpu.memref_slice %arg10[%add3A_397, %dma_start3A_547] : memref<10000x128xf32, #tpu.memory_space<hbm>> -> memref<80x128xf32, #tpu.memory_space<hbm>>
          %dma_start3A_549 = arith.constant 0 : i32
          %dma_start3A_550 = tpu.memref_slice %arg10[%add3A_397, %dma_start3A_549] : memref<10000x128xf32, #tpu.memory_space<hbm>> -> memref<80x128xf32, #tpu.memory_space<hbm>>
          %dma_start3A_551 = arith.constant 0 : i32
          %dma_start3A_552 = arith.constant 0 : i32
          %dma_start3A_553 = tpu.memref_slice %arg12[%dma_start3A_551, %dma_start3A_552] : memref<80x128xf32, #tpu.memory_space<vmem>> -> memref<80x128xf32, #tpu.memory_space<vmem>>
          tpu.enqueue_dma source(%dma_start3A_553 : memref<80x128xf32, #tpu.memory_space<vmem>>) target(%dma_start3A_550 : memref<80x128xf32, #tpu.memory_space<hbm>>) target_semaphore(%run_scoped3A : memref<!tpu.dma_semaphore, #tpu.memory_space<semaphore_mem>>)
          %dma_wait3A = arith.constant 0 : i32
          %dma_wait3A_554 = arith.constant 0 : i32
          %dma_wait3A_555 = tpu.memref_slice %arg12[%dma_wait3A, %dma_wait3A_554] : memref<80x128xf32, #tpu.memory_space<vmem>> -> memref<80x128xf32, #tpu.memory_space<vmem>>
          %dma_wait3A_556 = arith.constant 0 : i32
          %dma_wait3A_557 = tpu.memref_slice %arg10[%add3A_397, %dma_wait3A_556] : memref<10000x128xf32, #tpu.memory_space<hbm>> -> memref<80x128xf32, #tpu.memory_space<hbm>>
          %dma_wait3A_558 = arith.constant 0 : i32
          %dma_wait3A_559 = tpu.memref_slice %arg10[%add3A_397, %dma_wait3A_558] : memref<10000x128xf32, #tpu.memory_space<hbm>> -> memref<80x128xf32, #tpu.memory_space<hbm>>
          %dma_wait3A_560 = arith.constant 0 : i32
          %dma_wait3A_561 = arith.constant 0 : i32
          %dma_wait3A_562 = tpu.memref_slice %arg12[%dma_wait3A_560, %dma_wait3A_561] : memref<80x128xf32, #tpu.memory_space<vmem>> -> memref<80x128xf32, #tpu.memory_space<vmem>>
          tpu.wait_dma2 semaphore(%run_scoped3A : memref<!tpu.dma_semaphore, #tpu.memory_space<semaphore_mem>>) src(%dma_wait3A_562 : memref<80x128xf32, #tpu.memory_space<vmem>>) dst(%dma_wait3A_559 : memref<80x128xf32, #tpu.memory_space<hbm>>)
          tpu.yield
        }) : () -> ()
        %add3A_398 = arith.constant 320 : i32
        %add3A_399 = arith.addi %mul3A_143, %add3A_398 : i32
        %iota3A_400 = tpu.iota {dimensions = array<i32: 0>} : vector<16xi32>
        %add3A_401 = arith.constant 0 : i32
        %add3A_402 = arith.addi %add3A_399, %add3A_401 : i32
        %add3A_403 = vector.broadcast %add3A_402 : i32 to vector<16xi32>
        %add3A_404 = arith.addi %iota3A_400, %add3A_403 : vector<16xi32>
        %swap3A_405 = arith.constant 0 : index
        %swap3A_406 = tpu.vector_load %arg18[%swap3A_405] {strides = array<i32>} : memref<80xi32, #tpu.memory_space<vmem>>, vector<16xi32>,
        %swap3A_407 = vector.shape_cast %swap3A_406 : vector<16xi32> to vector<16xi32>
        %swap3A_408 = vector.shape_cast %add3A_404 : vector<16xi32> to vector<16xi32>
        tpu.vector_store %arg18[%swap3A_405], %swap3A_408 {strides = array<i32>} : memref<80xi32, #tpu.memory_space<vmem>>, vector<16xi32>,
        %iota3A_409 = tpu.iota {dimensions = array<i32: 0>} : vector<16xi32>
        %add3A_410 = arith.constant 16 : i32
        %add3A_411 = arith.addi %add3A_399, %add3A_410 : i32
        %add3A_412 = vector.broadcast %add3A_411 : i32 to vector<16xi32>
        %add3A_413 = arith.addi %iota3A_409, %add3A_412 : vector<16xi32>
        %swap3A_414 = arith.constant 16 : index
        %swap3A_415 = tpu.vector_load %arg18[%swap3A_414] {strides = array<i32>} : memref<80xi32, #tpu.memory_space<vmem>>, vector<16xi32>,
        %swap3A_416 = vector.shape_cast %swap3A_415 : vector<16xi32> to vector<16xi32>
        %swap3A_417 = vector.shape_cast %add3A_413 : vector<16xi32> to vector<16xi32>
        tpu.vector_store %arg18[%swap3A_414], %swap3A_417 {strides = array<i32>} : memref<80xi32, #tpu.memory_space<vmem>>, vector<16xi32>,
        %iota3A_418 = tpu.iota {dimensions = array<i32: 0>} : vector<16xi32>
        %add3A_419 = arith.constant 32 : i32
        %add3A_420 = arith.addi %add3A_399, %add3A_419 : i32
        %add3A_421 = vector.broadcast %add3A_420 : i32 to vector<16xi32>
        %add3A_422 = arith.addi %iota3A_418, %add3A_421 : vector<16xi32>
        %swap3A_423 = arith.constant 32 : index
        %swap3A_424 = tpu.vector_load %arg18[%swap3A_423] {strides = array<i32>} : memref<80xi32, #tpu.memory_space<vmem>>, vector<16xi32>,
        %swap3A_425 = vector.shape_cast %swap3A_424 : vector<16xi32> to vector<16xi32>
        %swap3A_426 = vector.shape_cast %add3A_422 : vector<16xi32> to vector<16xi32>
        tpu.vector_store %arg18[%swap3A_423], %swap3A_426 {strides = array<i32>} : memref<80xi32, #tpu.memory_space<vmem>>, vector<16xi32>,
        %iota3A_427 = tpu.iota {dimensions = array<i32: 0>} : vector<16xi32>
        %add3A_428 = arith.constant 48 : i32
        %add3A_429 = arith.addi %add3A_399, %add3A_428 : i32
        %add3A_430 = vector.broadcast %add3A_429 : i32 to vector<16xi32>
        %add3A_431 = arith.addi %iota3A_427, %add3A_430 : vector<16xi32>
        %swap3A_432 = arith.constant 48 : index
        %swap3A_433 = tpu.vector_load %arg18[%swap3A_432] {strides = array<i32>} : memref<80xi32, #tpu.memory_space<vmem>>, vector<16xi32>,
        %swap3A_434 = vector.shape_cast %swap3A_433 : vector<16xi32> to vector<16xi32>
        %swap3A_435 = vector.shape_cast %add3A_431 : vector<16xi32> to vector<16xi32>
        tpu.vector_store %arg18[%swap3A_432], %swap3A_435 {strides = array<i32>} : memref<80xi32, #tpu.memory_space<vmem>>, vector<16xi32>,
        %iota3A_436 = tpu.iota {dimensions = array<i32: 0>} : vector<16xi32>
        %add3A_437 = arith.constant 64 : i32
        %add3A_438 = arith.addi %add3A_399, %add3A_437 : i32
        %add3A_439 = vector.broadcast %add3A_438 : i32 to vector<16xi32>
        %add3A_440 = arith.addi %iota3A_436, %add3A_439 : vector<16xi32>
        %swap3A_441 = arith.constant 64 : index
        %swap3A_442 = tpu.vector_load %arg18[%swap3A_441] {strides = array<i32>} : memref<80xi32, #tpu.memory_space<vmem>>, vector<16xi32>,
        %swap3A_443 = vector.shape_cast %swap3A_442 : vector<16xi32> to vector<16xi32>
        %swap3A_444 = vector.shape_cast %add3A_440 : vector<16xi32> to vector<16xi32>
        tpu.vector_store %arg18[%swap3A_441], %swap3A_444 {strides = array<i32>} : memref<80xi32, #tpu.memory_space<vmem>>, vector<16xi32>,
        "tpu.region"() ({
          %run_scoped3A = tpu.sem_alloc : memref<!tpu.dma_semaphore, #tpu.memory_space<semaphore_mem>>
          %dma_start3A = arith.constant 0 : i32
          %dma_start3A_545 = arith.constant 0 : i32
          %dma_start3A_546 = tpu.memref_slice %arg24[%dma_start3A, %dma_start3A_545] : memref<10240x128xf32, #tpu.memory_space<vmem_shared>> -> memref<10240x128xf32, #tpu.memory_space<vmem_shared>>
          tpu.enqueue_indirect_dma source(%dma_start3A_546 : memref<10240x128xf32, #tpu.memory_space<vmem_shared>>) target(%arg12 : memref<80x128xf32, #tpu.memory_space<vmem>>) offsets(%arg18 : memref<80xi32, #tpu.memory_space<vmem>>) semaphore(%run_scoped3A : memref<!tpu.dma_semaphore, #tpu.memory_space<semaphore_mem>>)
          %dma_wait3A = arith.constant 0 : i32
          %dma_wait3A_547 = arith.constant 0 : i32
          %dma_wait3A_548 = tpu.memref_slice %arg24[%dma_wait3A, %dma_wait3A_547] : memref<10240x128xf32, #tpu.memory_space<vmem_shared>> -> memref<10240x128xf32, #tpu.memory_space<vmem_shared>>
          tpu.wait_indirect_dma semaphore(%run_scoped3A : memref<!tpu.dma_semaphore, #tpu.memory_space<semaphore_mem>>) src(%dma_wait3A_548 : memref<10240x128xf32, #tpu.memory_space<vmem_shared>>) dst(%arg12 : memref<80x128xf32, #tpu.memory_space<vmem>>)
          tpu.yield
        }) : () -> ()
        %add3A_445 = arith.constant 320 : i32
        %add3A_446 = arith.addi %mul3A_143, %add3A_445 : i32
        "tpu.region"() ({
          %run_scoped3A = tpu.sem_alloc : memref<!tpu.dma_semaphore, #tpu.memory_space<semaphore_mem>>
          %dma_start3A = arith.constant 0 : i32
          %dma_start3A_545 = arith.constant 0 : i32
          %dma_start3A_546 = tpu.memref_slice %arg12[%dma_start3A, %dma_start3A_545] : memref<80x128xf32, #tpu.memory_space<vmem>> -> memref<80x128xf32, #tpu.memory_space<vmem>>
          %dma_start3A_547 = arith.constant 0 : i32
          %dma_start3A_548 = tpu.memref_slice %arg10[%add3A_446, %dma_start3A_547] : memref<10000x128xf32, #tpu.memory_space<hbm>> -> memref<80x128xf32, #tpu.memory_space<hbm>>
          %dma_start3A_549 = arith.constant 0 : i32
          %dma_start3A_550 = tpu.memref_slice %arg10[%add3A_446, %dma_start3A_549] : memref<10000x128xf32, #tpu.memory_space<hbm>> -> memref<80x128xf32, #tpu.memory_space<hbm>>
          %dma_start3A_551 = arith.constant 0 : i32
          %dma_start3A_552 = arith.constant 0 : i32
          %dma_start3A_553 = tpu.memref_slice %arg12[%dma_start3A_551, %dma_start3A_552] : memref<80x128xf32, #tpu.memory_space<vmem>> -> memref<80x128xf32, #tpu.memory_space<vmem>>
          tpu.enqueue_dma source(%dma_start3A_553 : memref<80x128xf32, #tpu.memory_space<vmem>>) target(%dma_start3A_550 : memref<80x128xf32, #tpu.memory_space<hbm>>) target_semaphore(%run_scoped3A : memref<!tpu.dma_semaphore, #tpu.memory_space<semaphore_mem>>)
          %dma_wait3A = arith.constant 0 : i32
          %dma_wait3A_554 = arith.constant 0 : i32
          %dma_wait3A_555 = tpu.memref_slice %arg12[%dma_wait3A, %dma_wait3A_554] : memref<80x128xf32, #tpu.memory_space<vmem>> -> memref<80x128xf32, #tpu.memory_space<vmem>>
          %dma_wait3A_556 = arith.constant 0 : i32
          %dma_wait3A_557 = tpu.memref_slice %arg10[%add3A_446, %dma_wait3A_556] : memref<10000x128xf32, #tpu.memory_space<hbm>> -> memref<80x128xf32, #tpu.memory_space<hbm>>
          %dma_wait3A_558 = arith.constant 0 : i32
          %dma_wait3A_559 = tpu.memref_slice %arg10[%add3A_446, %dma_wait3A_558] : memref<10000x128xf32, #tpu.memory_space<hbm>> -> memref<80x128xf32, #tpu.memory_space<hbm>>
          %dma_wait3A_560 = arith.constant 0 : i32
          %dma_wait3A_561 = arith.constant 0 : i32
          %dma_wait3A_562 = tpu.memref_slice %arg12[%dma_wait3A_560, %dma_wait3A_561] : memref<80x128xf32, #tpu.memory_space<vmem>> -> memref<80x128xf32, #tpu.memory_space<vmem>>
          tpu.wait_dma2 semaphore(%run_scoped3A : memref<!tpu.dma_semaphore, #tpu.memory_space<semaphore_mem>>) src(%dma_wait3A_562 : memref<80x128xf32, #tpu.memory_space<vmem>>) dst(%dma_wait3A_559 : memref<80x128xf32, #tpu.memory_space<hbm>>)
          tpu.yield
        }) : () -> ()
        %add3A_447 = arith.constant 400 : i32
        %add3A_448 = arith.addi %mul3A_143, %add3A_447 : i32
        %iota3A_449 = tpu.iota {dimensions = array<i32: 0>} : vector<16xi32>
        %add3A_450 = arith.constant 0 : i32
        %add3A_451 = arith.addi %add3A_448, %add3A_450 : i32
        %add3A_452 = vector.broadcast %add3A_451 : i32 to vector<16xi32>
        %add3A_453 = arith.addi %iota3A_449, %add3A_452 : vector<16xi32>
        %swap3A_454 = arith.constant 0 : index
        %swap3A_455 = tpu.vector_load %arg18[%swap3A_454] {strides = array<i32>} : memref<80xi32, #tpu.memory_space<vmem>>, vector<16xi32>,
        %swap3A_456 = vector.shape_cast %swap3A_455 : vector<16xi32> to vector<16xi32>
        %swap3A_457 = vector.shape_cast %add3A_453 : vector<16xi32> to vector<16xi32>
        tpu.vector_store %arg18[%swap3A_454], %swap3A_457 {strides = array<i32>} : memref<80xi32, #tpu.memory_space<vmem>>, vector<16xi32>,
        %iota3A_458 = tpu.iota {dimensions = array<i32: 0>} : vector<16xi32>
        %add3A_459 = arith.constant 16 : i32
        %add3A_460 = arith.addi %add3A_448, %add3A_459 : i32
        %add3A_461 = vector.broadcast %add3A_460 : i32 to vector<16xi32>
        %add3A_462 = arith.addi %iota3A_458, %add3A_461 : vector<16xi32>
        %swap3A_463 = arith.constant 16 : index
        %swap3A_464 = tpu.vector_load %arg18[%swap3A_463] {strides = array<i32>} : memref<80xi32, #tpu.memory_space<vmem>>, vector<16xi32>,
        %swap3A_465 = vector.shape_cast %swap3A_464 : vector<16xi32> to vector<16xi32>
        %swap3A_466 = vector.shape_cast %add3A_462 : vector<16xi32> to vector<16xi32>
        tpu.vector_store %arg18[%swap3A_463], %swap3A_466 {strides = array<i32>} : memref<80xi32, #tpu.memory_space<vmem>>, vector<16xi32>,
        %iota3A_467 = tpu.iota {dimensions = array<i32: 0>} : vector<16xi32>
        %add3A_468 = arith.constant 32 : i32
        %add3A_469 = arith.addi %add3A_448, %add3A_468 : i32
        %add3A_470 = vector.broadcast %add3A_469 : i32 to vector<16xi32>
        %add3A_471 = arith.addi %iota3A_467, %add3A_470 : vector<16xi32>
        %swap3A_472 = arith.constant 32 : index
        %swap3A_473 = tpu.vector_load %arg18[%swap3A_472] {strides = array<i32>} : memref<80xi32, #tpu.memory_space<vmem>>, vector<16xi32>,
        %swap3A_474 = vector.shape_cast %swap3A_473 : vector<16xi32> to vector<16xi32>
        %swap3A_475 = vector.shape_cast %add3A_471 : vector<16xi32> to vector<16xi32>
        tpu.vector_store %arg18[%swap3A_472], %swap3A_475 {strides = array<i32>} : memref<80xi32, #tpu.memory_space<vmem>>, vector<16xi32>,
        %iota3A_476 = tpu.iota {dimensions = array<i32: 0>} : vector<16xi32>
        %add3A_477 = arith.constant 48 : i32
        %add3A_478 = arith.addi %add3A_448, %add3A_477 : i32
        %add3A_479 = vector.broadcast %add3A_478 : i32 to vector<16xi32>
        %add3A_480 = arith.addi %iota3A_476, %add3A_479 : vector<16xi32>
        %swap3A_481 = arith.constant 48 : index
        %swap3A_482 = tpu.vector_load %arg18[%swap3A_481] {strides = array<i32>} : memref<80xi32, #tpu.memory_space<vmem>>, vector<16xi32>,
        %swap3A_483 = vector.shape_cast %swap3A_482 : vector<16xi32> to vector<16xi32>
        %swap3A_484 = vector.shape_cast %add3A_480 : vector<16xi32> to vector<16xi32>
        tpu.vector_store %arg18[%swap3A_481], %swap3A_484 {strides = array<i32>} : memref<80xi32, #tpu.memory_space<vmem>>, vector<16xi32>,
        %iota3A_485 = tpu.iota {dimensions = array<i32: 0>} : vector<16xi32>
        %add3A_486 = arith.constant 64 : i32
        %add3A_487 = arith.addi %add3A_448, %add3A_486 : i32
        %add3A_488 = vector.broadcast %add3A_487 : i32 to vector<16xi32>
        %add3A_489 = arith.addi %iota3A_485, %add3A_488 : vector<16xi32>
        %swap3A_490 = arith.constant 64 : index
        %swap3A_491 = tpu.vector_load %arg18[%swap3A_490] {strides = array<i32>} : memref<80xi32, #tpu.memory_space<vmem>>, vector<16xi32>,
        %swap3A_492 = vector.shape_cast %swap3A_491 : vector<16xi32> to vector<16xi32>
        %swap3A_493 = vector.shape_cast %add3A_489 : vector<16xi32> to vector<16xi32>
        tpu.vector_store %arg18[%swap3A_490], %swap3A_493 {strides = array<i32>} : memref<80xi32, #tpu.memory_space<vmem>>, vector<16xi32>,
        "tpu.region"() ({
          %run_scoped3A = tpu.sem_alloc : memref<!tpu.dma_semaphore, #tpu.memory_space<semaphore_mem>>
          %dma_start3A = arith.constant 0 : i32
          %dma_start3A_545 = arith.constant 0 : i32
          %dma_start3A_546 = tpu.memref_slice %arg24[%dma_start3A, %dma_start3A_545] : memref<10240x128xf32, #tpu.memory_space<vmem_shared>> -> memref<10240x128xf32, #tpu.memory_space<vmem_shared>>
          tpu.enqueue_indirect_dma source(%dma_start3A_546 : memref<10240x128xf32, #tpu.memory_space<vmem_shared>>) target(%arg12 : memref<80x128xf32, #tpu.memory_space<vmem>>) offsets(%arg18 : memref<80xi32, #tpu.memory_space<vmem>>) semaphore(%run_scoped3A : memref<!tpu.dma_semaphore, #tpu.memory_space<semaphore_mem>>)
          %dma_wait3A = arith.constant 0 : i32
          %dma_wait3A_547 = arith.constant 0 : i32
          %dma_wait3A_548 = tpu.memref_slice %arg24[%dma_wait3A, %dma_wait3A_547] : memref<10240x128xf32, #tpu.memory_space<vmem_shared>> -> memref<10240x128xf32, #tpu.memory_space<vmem_shared>>
          tpu.wait_indirect_dma semaphore(%run_scoped3A : memref<!tpu.dma_semaphore, #tpu.memory_space<semaphore_mem>>) src(%dma_wait3A_548 : memref<10240x128xf32, #tpu.memory_space<vmem_shared>>) dst(%arg12 : memref<80x128xf32, #tpu.memory_space<vmem>>)
          tpu.yield
        }) : () -> ()
        %add3A_494 = arith.constant 400 : i32
        %add3A_495 = arith.addi %mul3A_143, %add3A_494 : i32
        "tpu.region"() ({
          %run_scoped3A = tpu.sem_alloc : memref<!tpu.dma_semaphore, #tpu.memory_space<semaphore_mem>>
          %dma_start3A = arith.constant 0 : i32
          %dma_start3A_545 = arith.constant 0 : i32
          %dma_start3A_546 = tpu.memref_slice %arg12[%dma_start3A, %dma_start3A_545] : memref<80x128xf32, #tpu.memory_space<vmem>> -> memref<80x128xf32, #tpu.memory_space<vmem>>
          %dma_start3A_547 = arith.constant 0 : i32
          %dma_start3A_548 = tpu.memref_slice %arg10[%add3A_495, %dma_start3A_547] : memref<10000x128xf32, #tpu.memory_space<hbm>> -> memref<80x128xf32, #tpu.memory_space<hbm>>
          %dma_start3A_549 = arith.constant 0 : i32
          %dma_start3A_550 = tpu.memref_slice %arg10[%add3A_495, %dma_start3A_549] : memref<10000x128xf32, #tpu.memory_space<hbm>> -> memref<80x128xf32, #tpu.memory_space<hbm>>
          %dma_start3A_551 = arith.constant 0 : i32
          %dma_start3A_552 = arith.constant 0 : i32
          %dma_start3A_553 = tpu.memref_slice %arg12[%dma_start3A_551, %dma_start3A_552] : memref<80x128xf32, #tpu.memory_space<vmem>> -> memref<80x128xf32, #tpu.memory_space<vmem>>
          tpu.enqueue_dma source(%dma_start3A_553 : memref<80x128xf32, #tpu.memory_space<vmem>>) target(%dma_start3A_550 : memref<80x128xf32, #tpu.memory_space<hbm>>) target_semaphore(%run_scoped3A : memref<!tpu.dma_semaphore, #tpu.memory_space<semaphore_mem>>)
          %dma_wait3A = arith.constant 0 : i32
          %dma_wait3A_554 = arith.constant 0 : i32
          %dma_wait3A_555 = tpu.memref_slice %arg12[%dma_wait3A, %dma_wait3A_554] : memref<80x128xf32, #tpu.memory_space<vmem>> -> memref<80x128xf32, #tpu.memory_space<vmem>>
          %dma_wait3A_556 = arith.constant 0 : i32
          %dma_wait3A_557 = tpu.memref_slice %arg10[%add3A_495, %dma_wait3A_556] : memref<10000x128xf32, #tpu.memory_space<hbm>> -> memref<80x128xf32, #tpu.memory_space<hbm>>
          %dma_wait3A_558 = arith.constant 0 : i32
          %dma_wait3A_559 = tpu.memref_slice %arg10[%add3A_495, %dma_wait3A_558] : memref<10000x128xf32, #tpu.memory_space<hbm>> -> memref<80x128xf32, #tpu.memory_space<hbm>>
          %dma_wait3A_560 = arith.constant 0 : i32
          %dma_wait3A_561 = arith.constant 0 : i32
          %dma_wait3A_562 = tpu.memref_slice %arg12[%dma_wait3A_560, %dma_wait3A_561] : memref<80x128xf32, #tpu.memory_space<vmem>> -> memref<80x128xf32, #tpu.memory_space<vmem>>
          tpu.wait_dma2 semaphore(%run_scoped3A : memref<!tpu.dma_semaphore, #tpu.memory_space<semaphore_mem>>) src(%dma_wait3A_562 : memref<80x128xf32, #tpu.memory_space<vmem>>) dst(%dma_wait3A_559 : memref<80x128xf32, #tpu.memory_space<hbm>>)
          tpu.yield
        }) : () -> ()
        %add3A_496 = arith.constant 480 : i32
        %add3A_497 = arith.addi %mul3A_143, %add3A_496 : i32
        %iota3A_498 = tpu.iota {dimensions = array<i32: 0>} : vector<16xi32>
        %add3A_499 = arith.constant 0 : i32
        %add3A_500 = arith.addi %add3A_497, %add3A_499 : i32
        %add3A_501 = vector.broadcast %add3A_500 : i32 to vector<16xi32>
        %add3A_502 = arith.addi %iota3A_498, %add3A_501 : vector<16xi32>
        %swap3A_503 = arith.constant 0 : index
        %swap3A_504 = tpu.vector_load %arg18[%swap3A_503] {strides = array<i32>} : memref<80xi32, #tpu.memory_space<vmem>>, vector<16xi32>,
        %swap3A_505 = vector.shape_cast %swap3A_504 : vector<16xi32> to vector<16xi32>
        %swap3A_506 = vector.shape_cast %add3A_502 : vector<16xi32> to vector<16xi32>
        tpu.vector_store %arg18[%swap3A_503], %swap3A_506 {strides = array<i32>} : memref<80xi32, #tpu.memory_space<vmem>>, vector<16xi32>,
        %iota3A_507 = tpu.iota {dimensions = array<i32: 0>} : vector<16xi32>
        %add3A_508 = arith.constant 16 : i32
        %add3A_509 = arith.addi %add3A_497, %add3A_508 : i32
        %add3A_510 = vector.broadcast %add3A_509 : i32 to vector<16xi32>
        %add3A_511 = arith.addi %iota3A_507, %add3A_510 : vector<16xi32>
        %swap3A_512 = arith.constant 16 : index
        %swap3A_513 = tpu.vector_load %arg18[%swap3A_512] {strides = array<i32>} : memref<80xi32, #tpu.memory_space<vmem>>, vector<16xi32>,
        %swap3A_514 = vector.shape_cast %swap3A_513 : vector<16xi32> to vector<16xi32>
        %swap3A_515 = vector.shape_cast %add3A_511 : vector<16xi32> to vector<16xi32>
        tpu.vector_store %arg18[%swap3A_512], %swap3A_515 {strides = array<i32>} : memref<80xi32, #tpu.memory_space<vmem>>, vector<16xi32>,
        %iota3A_516 = tpu.iota {dimensions = array<i32: 0>} : vector<16xi32>
        %add3A_517 = arith.constant 32 : i32
        %add3A_518 = arith.addi %add3A_497, %add3A_517 : i32
        %add3A_519 = vector.broadcast %add3A_518 : i32 to vector<16xi32>
        %add3A_520 = arith.addi %iota3A_516, %add3A_519 : vector<16xi32>
        %swap3A_521 = arith.constant 32 : index
        %swap3A_522 = tpu.vector_load %arg18[%swap3A_521] {strides = array<i32>} : memref<80xi32, #tpu.memory_space<vmem>>, vector<16xi32>,
        %swap3A_523 = vector.shape_cast %swap3A_522 : vector<16xi32> to vector<16xi32>
        %swap3A_524 = vector.shape_cast %add3A_520 : vector<16xi32> to vector<16xi32>
        tpu.vector_store %arg18[%swap3A_521], %swap3A_524 {strides = array<i32>} : memref<80xi32, #tpu.memory_space<vmem>>, vector<16xi32>,
        %iota3A_525 = tpu.iota {dimensions = array<i32: 0>} : vector<16xi32>
        %add3A_526 = arith.constant 48 : i32
        %add3A_527 = arith.addi %add3A_497, %add3A_526 : i32
        %add3A_528 = vector.broadcast %add3A_527 : i32 to vector<16xi32>
        %add3A_529 = arith.addi %iota3A_525, %add3A_528 : vector<16xi32>
        %swap3A_530 = arith.constant 48 : index
        %swap3A_531 = tpu.vector_load %arg18[%swap3A_530] {strides = array<i32>} : memref<80xi32, #tpu.memory_space<vmem>>, vector<16xi32>,
        %swap3A_532 = vector.shape_cast %swap3A_531 : vector<16xi32> to vector<16xi32>
        %swap3A_533 = vector.shape_cast %add3A_529 : vector<16xi32> to vector<16xi32>
        tpu.vector_store %arg18[%swap3A_530], %swap3A_533 {strides = array<i32>} : memref<80xi32, #tpu.memory_space<vmem>>, vector<16xi32>,
        %iota3A_534 = tpu.iota {dimensions = array<i32: 0>} : vector<16xi32>
        %add3A_535 = arith.constant 64 : i32
        %add3A_536 = arith.addi %add3A_497, %add3A_535 : i32
        %add3A_537 = vector.broadcast %add3A_536 : i32 to vector<16xi32>
        %add3A_538 = arith.addi %iota3A_534, %add3A_537 : vector<16xi32>
        %swap3A_539 = arith.constant 64 : index
        %swap3A_540 = tpu.vector_load %arg18[%swap3A_539] {strides = array<i32>} : memref<80xi32, #tpu.memory_space<vmem>>, vector<16xi32>,
        %swap3A_541 = vector.shape_cast %swap3A_540 : vector<16xi32> to vector<16xi32>
        %swap3A_542 = vector.shape_cast %add3A_538 : vector<16xi32> to vector<16xi32>
        tpu.vector_store %arg18[%swap3A_539], %swap3A_542 {strides = array<i32>} : memref<80xi32, #tpu.memory_space<vmem>>, vector<16xi32>,
        "tpu.region"() ({
          %run_scoped3A = tpu.sem_alloc : memref<!tpu.dma_semaphore, #tpu.memory_space<semaphore_mem>>
          %dma_start3A = arith.constant 0 : i32
          %dma_start3A_545 = arith.constant 0 : i32
          %dma_start3A_546 = tpu.memref_slice %arg24[%dma_start3A, %dma_start3A_545] : memref<10240x128xf32, #tpu.memory_space<vmem_shared>> -> memref<10240x128xf32, #tpu.memory_space<vmem_shared>>
          tpu.enqueue_indirect_dma source(%dma_start3A_546 : memref<10240x128xf32, #tpu.memory_space<vmem_shared>>) target(%arg12 : memref<80x128xf32, #tpu.memory_space<vmem>>) offsets(%arg18 : memref<80xi32, #tpu.memory_space<vmem>>) semaphore(%run_scoped3A : memref<!tpu.dma_semaphore, #tpu.memory_space<semaphore_mem>>)
          %dma_wait3A = arith.constant 0 : i32
          %dma_wait3A_547 = arith.constant 0 : i32
          %dma_wait3A_548 = tpu.memref_slice %arg24[%dma_wait3A, %dma_wait3A_547] : memref<10240x128xf32, #tpu.memory_space<vmem_shared>> -> memref<10240x128xf32, #tpu.memory_space<vmem_shared>>
          tpu.wait_indirect_dma semaphore(%run_scoped3A : memref<!tpu.dma_semaphore, #tpu.memory_space<semaphore_mem>>) src(%dma_wait3A_548 : memref<10240x128xf32, #tpu.memory_space<vmem_shared>>) dst(%arg12 : memref<80x128xf32, #tpu.memory_space<vmem>>)
          tpu.yield
        }) : () -> ()
        %add3A_543 = arith.constant 480 : i32
        %add3A_544 = arith.addi %mul3A_143, %add3A_543 : i32
        "tpu.region"() ({
          %run_scoped3A = tpu.sem_alloc : memref<!tpu.dma_semaphore, #tpu.memory_space<semaphore_mem>>
          %dma_start3A = arith.constant 0 : i32
          %dma_start3A_545 = arith.constant 0 : i32
          %dma_start3A_546 = tpu.memref_slice %arg12[%dma_start3A, %dma_start3A_545] : memref<80x128xf32, #tpu.memory_space<vmem>> -> memref<40x128xf32, #tpu.memory_space<vmem>>
          %dma_start3A_547 = arith.constant 0 : i32
          %dma_start3A_548 = tpu.memref_slice %arg10[%add3A_544, %dma_start3A_547] : memref<10000x128xf32, #tpu.memory_space<hbm>> -> memref<40x128xf32, #tpu.memory_space<hbm>>
          %dma_start3A_549 = arith.constant 0 : i32
          %dma_start3A_550 = tpu.memref_slice %arg10[%add3A_544, %dma_start3A_549] : memref<10000x128xf32, #tpu.memory_space<hbm>> -> memref<40x128xf32, #tpu.memory_space<hbm>>
          %dma_start3A_551 = arith.constant 0 : i32
          %dma_start3A_552 = arith.constant 0 : i32
          %dma_start3A_553 = tpu.memref_slice %arg12[%dma_start3A_551, %dma_start3A_552] : memref<80x128xf32, #tpu.memory_space<vmem>> -> memref<40x128xf32, #tpu.memory_space<vmem>>
          tpu.enqueue_dma source(%dma_start3A_553 : memref<40x128xf32, #tpu.memory_space<vmem>>) target(%dma_start3A_550 : memref<40x128xf32, #tpu.memory_space<hbm>>) target_semaphore(%run_scoped3A : memref<!tpu.dma_semaphore, #tpu.memory_space<semaphore_mem>>)
          %dma_wait3A = arith.constant 0 : i32
          %dma_wait3A_554 = arith.constant 0 : i32
          %dma_wait3A_555 = tpu.memref_slice %arg12[%dma_wait3A, %dma_wait3A_554] : memref<80x128xf32, #tpu.memory_space<vmem>> -> memref<40x128xf32, #tpu.memory_space<vmem>>
          %dma_wait3A_556 = arith.constant 0 : i32
          %dma_wait3A_557 = tpu.memref_slice %arg10[%add3A_544, %dma_wait3A_556] : memref<10000x128xf32, #tpu.memory_space<hbm>> -> memref<40x128xf32, #tpu.memory_space<hbm>>
          %dma_wait3A_558 = arith.constant 0 : i32
          %dma_wait3A_559 = tpu.memref_slice %arg10[%add3A_544, %dma_wait3A_558] : memref<10000x128xf32, #tpu.memory_space<hbm>> -> memref<40x128xf32, #tpu.memory_space<hbm>>
          %dma_wait3A_560 = arith.constant 0 : i32
          %dma_wait3A_561 = arith.constant 0 : i32
          %dma_wait3A_562 = tpu.memref_slice %arg12[%dma_wait3A_560, %dma_wait3A_561] : memref<80x128xf32, #tpu.memory_space<vmem>> -> memref<40x128xf32, #tpu.memory_space<vmem>>
          tpu.wait_dma2 semaphore(%run_scoped3A : memref<!tpu.dma_semaphore, #tpu.memory_space<semaphore_mem>>) src(%dma_wait3A_562 : memref<40x128xf32, #tpu.memory_space<vmem>>) dst(%dma_wait3A_559 : memref<40x128xf32, #tpu.memory_space<hbm>>)
          tpu.yield
        }) : () -> ()
      } else {
      }
      %mul3A_153 = arith.constant 80 : i32
      %mul3A_154 = arith.muli %arg1, %mul3A_153 : i32
      %iota3A_155 = tpu.iota {dimensions = array<i32: 0>} : vector<16xi32>
      %add3A_156 = arith.constant 0 : i32
      %add3A_157 = arith.addi %mul3A_154, %add3A_156 : i32
      %add3A_158 = vector.broadcast %add3A_157 : i32 to vector<16xi32>
      %add3A_159 = arith.addi %iota3A_155, %add3A_158 : vector<16xi32>
      %swap3A_160 = arith.constant 0 : index
      %swap3A_161 = tpu.vector_load %arg18[%swap3A_160] {strides = array<i32>} : memref<80xi32, #tpu.memory_space<vmem>>, vector<16xi32>,
      %swap3A_162 = vector.shape_cast %swap3A_161 : vector<16xi32> to vector<16xi32>
      %swap3A_163 = vector.shape_cast %add3A_159 : vector<16xi32> to vector<16xi32>
      tpu.vector_store %arg18[%swap3A_160], %swap3A_163 {strides = array<i32>} : memref<80xi32, #tpu.memory_space<vmem>>, vector<16xi32>,
      %iota3A_164 = tpu.iota {dimensions = array<i32: 0>} : vector<16xi32>
      %add3A_165 = arith.constant 16 : i32
      %add3A_166 = arith.addi %mul3A_154, %add3A_165 : i32
      %add3A_167 = vector.broadcast %add3A_166 : i32 to vector<16xi32>
      %add3A_168 = arith.addi %iota3A_164, %add3A_167 : vector<16xi32>
      %swap3A_169 = arith.constant 16 : index
      %swap3A_170 = tpu.vector_load %arg18[%swap3A_169] {strides = array<i32>} : memref<80xi32, #tpu.memory_space<vmem>>, vector<16xi32>,
      %swap3A_171 = vector.shape_cast %swap3A_170 : vector<16xi32> to vector<16xi32>
      %swap3A_172 = vector.shape_cast %add3A_168 : vector<16xi32> to vector<16xi32>
      tpu.vector_store %arg18[%swap3A_169], %swap3A_172 {strides = array<i32>} : memref<80xi32, #tpu.memory_space<vmem>>, vector<16xi32>,
      %iota3A_173 = tpu.iota {dimensions = array<i32: 0>} : vector<16xi32>
      %add3A_174 = arith.constant 32 : i32
      %add3A_175 = arith.addi %mul3A_154, %add3A_174 : i32
      %add3A_176 = vector.broadcast %add3A_175 : i32 to vector<16xi32>
      %add3A_177 = arith.addi %iota3A_173, %add3A_176 : vector<16xi32>
      %swap3A_178 = arith.constant 32 : index
      %swap3A_179 = tpu.vector_load %arg18[%swap3A_178] {strides = array<i32>} : memref<80xi32, #tpu.memory_space<vmem>>, vector<16xi32>,
      %swap3A_180 = vector.shape_cast %swap3A_179 : vector<16xi32> to vector<16xi32>
      %swap3A_181 = vector.shape_cast %add3A_177 : vector<16xi32> to vector<16xi32>
      tpu.vector_store %arg18[%swap3A_178], %swap3A_181 {strides = array<i32>} : memref<80xi32, #tpu.memory_space<vmem>>, vector<16xi32>,
      %iota3A_182 = tpu.iota {dimensions = array<i32: 0>} : vector<16xi32>
      %add3A_183 = arith.constant 48 : i32
      %add3A_184 = arith.addi %mul3A_154, %add3A_183 : i32
      %add3A_185 = vector.broadcast %add3A_184 : i32 to vector<16xi32>
      %add3A_186 = arith.addi %iota3A_182, %add3A_185 : vector<16xi32>
      %swap3A_187 = arith.constant 48 : index
      %swap3A_188 = tpu.vector_load %arg18[%swap3A_187] {strides = array<i32>} : memref<80xi32, #tpu.memory_space<vmem>>, vector<16xi32>,
      %swap3A_189 = vector.shape_cast %swap3A_188 : vector<16xi32> to vector<16xi32>
      %swap3A_190 = vector.shape_cast %add3A_186 : vector<16xi32> to vector<16xi32>
      tpu.vector_store %arg18[%swap3A_187], %swap3A_190 {strides = array<i32>} : memref<80xi32, #tpu.memory_space<vmem>>, vector<16xi32>,
      %iota3A_191 = tpu.iota {dimensions = array<i32: 0>} : vector<16xi32>
      %add3A_192 = arith.constant 64 : i32
      %add3A_193 = arith.addi %mul3A_154, %add3A_192 : i32
      %add3A_194 = vector.broadcast %add3A_193 : i32 to vector<16xi32>
      %add3A_195 = arith.addi %iota3A_191, %add3A_194 : vector<16xi32>
      %swap3A_196 = arith.constant 64 : index
      %swap3A_197 = tpu.vector_load %arg18[%swap3A_196] {strides = array<i32>} : memref<80xi32, #tpu.memory_space<vmem>>, vector<16xi32>,
      %swap3A_198 = vector.shape_cast %swap3A_197 : vector<16xi32> to vector<16xi32>
      %swap3A_199 = vector.shape_cast %add3A_195 : vector<16xi32> to vector<16xi32>
      tpu.vector_store %arg18[%swap3A_196], %swap3A_199 {strides = array<i32>} : memref<80xi32, #tpu.memory_space<vmem>>, vector<16xi32>,
      "tpu.region"() ({
        %run_scoped3A = tpu.sem_alloc : memref<!tpu.dma_semaphore, #tpu.memory_space<semaphore_mem>>
        %dma_start3A = arith.constant 0 : i32
        %dma_start3A_202 = arith.constant 0 : i32
        %dma_start3A_203 = tpu.memref_slice %arg25[%dma_start3A, %dma_start3A_202] : memref<1280x128xf32, #tpu.memory_space<vmem_shared>> -> memref<1280x128xf32, #tpu.memory_space<vmem_shared>>
        tpu.enqueue_indirect_dma source(%dma_start3A_203 : memref<1280x128xf32, #tpu.memory_space<vmem_shared>>) target(%arg12 : memref<80x128xf32, #tpu.memory_space<vmem>>) offsets(%arg18 : memref<80xi32, #tpu.memory_space<vmem>>) semaphore(%run_scoped3A : memref<!tpu.dma_semaphore, #tpu.memory_space<semaphore_mem>>)
        %dma_wait3A = arith.constant 0 : i32
        %dma_wait3A_204 = arith.constant 0 : i32
        %dma_wait3A_205 = tpu.memref_slice %arg25[%dma_wait3A, %dma_wait3A_204] : memref<1280x128xf32, #tpu.memory_space<vmem_shared>> -> memref<1280x128xf32, #tpu.memory_space<vmem_shared>>
        tpu.wait_indirect_dma semaphore(%run_scoped3A : memref<!tpu.dma_semaphore, #tpu.memory_space<semaphore_mem>>) src(%dma_wait3A_205 : memref<1280x128xf32, #tpu.memory_space<vmem_shared>>) dst(%arg12 : memref<80x128xf32, #tpu.memory_space<vmem>>)
        tpu.yield
      }) : () -> ()
      %mul3A_200 = arith.constant 80 : i32
      %mul3A_201 = arith.muli %arg1, %mul3A_200 : i32
      "tpu.region"() ({
        %run_scoped3A = tpu.sem_alloc : memref<!tpu.dma_semaphore, #tpu.memory_space<semaphore_mem>>
        %dma_start3A = arith.constant 0 : i32
        %dma_start3A_202 = tpu.memref_slice %arg11[%mul3A_201, %dma_start3A] : memref<1280x128xf32, #tpu.memory_space<hbm>> -> memref<80x128xf32, #tpu.memory_space<hbm>>
        %dma_start3A_203 = arith.constant 0 : i32
        %dma_start3A_204 = tpu.memref_slice %arg11[%mul3A_201, %dma_start3A_203] : memref<1280x128xf32, #tpu.memory_space<hbm>> -> memref<80x128xf32, #tpu.memory_space<hbm>>
        tpu.enqueue_dma source(%arg12 : memref<80x128xf32, #tpu.memory_space<vmem>>) target(%dma_start3A_204 : memref<80x128xf32, #tpu.memory_space<hbm>>) target_semaphore(%run_scoped3A : memref<!tpu.dma_semaphore, #tpu.memory_space<semaphore_mem>>)
        %dma_wait3A = arith.constant 0 : i32
        %dma_wait3A_205 = tpu.memref_slice %arg11[%mul3A_201, %dma_wait3A] : memref<1280x128xf32, #tpu.memory_space<hbm>> -> memref<80x128xf32, #tpu.memory_space<hbm>>
        %dma_wait3A_206 = arith.constant 0 : i32
        %dma_wait3A_207 = tpu.memref_slice %arg11[%mul3A_201, %dma_wait3A_206] : memref<1280x128xf32, #tpu.memory_space<hbm>> -> memref<80x128xf32, #tpu.memory_space<hbm>>
        tpu.wait_dma2 semaphore(%run_scoped3A : memref<!tpu.dma_semaphore, #tpu.memory_space<semaphore_mem>>) src(%arg12 : memref<80x128xf32, #tpu.memory_space<vmem>>) dst(%dma_wait3A_207 : memref<80x128xf32, #tpu.memory_space<hbm>>)
        tpu.yield
      }) : () -> ()
    } else {
    }
    return
  }
}

module attributes {stable_mosaic.version = 14 : i64} {
  func.func @_mlp_body(%arg0: i32, %arg1: memref<1000x128xf32, #tpu.memory_space<vmem>>, %arg2: memref<1000x128xf32, #tpu.memory_space<vmem>>, %arg3: memref<1000x16xf32, #tpu.memory_space<vmem>>, %arg4: memref<128x128xf32, #tpu.memory_space<vmem>>, %arg5: memref<128x128xf32, #tpu.memory_space<vmem>>, %arg6: memref<1x128xf32, #tpu.memory_space<vmem>>, %arg7: memref<128x128xf32, #tpu.memory_space<vmem>>, %arg8: memref<1x128xf32, #tpu.memory_space<vmem>>, %arg9: memref<1000x128xf32, #tpu.memory_space<vmem>>) attributes {dimension_semantics = [#tpu.dimension_semantics<arbitrary>], iteration_bounds = array<i64: 10>, scalar_prefetch = 0 : i64, scratch_operands = 0 : i64, tpu.core_type = #tpu.core_type<tc>, window_params = [{transform_indices = @transform_0, window_bounds = array<i64: 1000, 128>}, {transform_indices = @transform_1, window_bounds = array<i64: 1000, 128>}, {transform_indices = @transform_2, window_bounds = array<i64: 1000, 16>}, {pipeline_mode = #tpu.pipeline_mode<synchronous>, transform_indices = @transform_3, window_bounds = array<i64: 128, 128>}, {pipeline_mode = #tpu.pipeline_mode<synchronous>, transform_indices = @transform_4, window_bounds = array<i64: 128, 128>}, {pipeline_mode = #tpu.pipeline_mode<synchronous>, transform_indices = @transform_5, window_bounds = array<i64: 1, 128>}, {pipeline_mode = #tpu.pipeline_mode<synchronous>, transform_indices = @transform_6, window_bounds = array<i64: 128, 128>}, {pipeline_mode = #tpu.pipeline_mode<synchronous>, transform_indices = @transform_7, window_bounds = array<i64: 1, 128>}, {transform_indices = @transform_8, window_bounds = array<i64: 1000, 128>}]} {
    %get3A = arith.constant 0 : index
    %get3A_0 = arith.constant 0 : index
    %get3A_1 = vector.load %arg3[%get3A, %get3A_0] : memref<1000x16xf32, #tpu.memory_space<vmem>>, vector<1000x16xf32>
    %reduce_sum3A = arith.constant dense<0.000000e+00> : vector<1000xf32>
    %reduce_sum3A_2 = vector.multi_reduction <add>, %get3A_1, %reduce_sum3A [1] : vector<1000x16xf32> to vector<1000xf32>
    %broadcast_in_dim3A = vector.shape_cast %reduce_sum3A_2 : vector<1000xf32> to vector<1000x1xf32>
    %max3A = arith.constant 1.000000e+00 : f32
    %max3A_3 = vector.broadcast %max3A : f32 to vector<1000x1xf32>
    %max3A_4 = arith.maximumf %broadcast_in_dim3A, %max3A_3 : vector<1000x1xf32>
    %get3A_5 = arith.constant 0 : index
    %get3A_6 = arith.constant 0 : index
    %get3A_7 = vector.load %arg2[%get3A_5, %get3A_6] : memref<1000x128xf32, #tpu.memory_space<vmem>>, vector<1000x128xf32>
    %div3A = vector.broadcast %max3A_4 : vector<1000x1xf32> to vector<1000x128xf32>
    %div3A_8 = arith.divf %get3A_7, %div3A : vector<1000x128xf32>
    %get3A_9 = arith.constant 0 : index
    %get3A_10 = arith.constant 0 : index
    %get3A_11 = vector.load %arg1[%get3A_9, %get3A_10] : memref<1000x128xf32, #tpu.memory_space<vmem>>, vector<1000x128xf32>
    %get3A_12 = arith.constant 0 : index
    %get3A_13 = arith.constant 0 : index
    %get3A_14 = vector.load %arg4[%get3A_12, %get3A_13] : memref<128x128xf32, #tpu.memory_space<vmem>>, vector<128x128xf32>
    %dot_general3A = arith.constant dense<0.000000e+00> : vector<1000x128xf32>
    %dot_general3A_15 = tpu.matmul %get3A_11, %get3A_14, %dot_general3A {dimension_numbers = #tpu.dot_dimension_numbers<[1], [0], [0], [1], [0, 0, 1, 1], [], []>, transpose_lhs_hint = false} : vector<1000x128xf32>, vector<128x128xf32>, vector<1000x128xf32> -> vector<1000x128xf32>
    %get3A_16 = arith.constant 0 : index
    %get3A_17 = arith.constant 0 : index
    %get3A_18 = vector.load %arg5[%get3A_16, %get3A_17] : memref<128x128xf32, #tpu.memory_space<vmem>>, vector<128x128xf32>
    %dot_general3A_19 = arith.constant dense<0.000000e+00> : vector<1000x128xf32>
    %dot_general3A_20 = tpu.matmul %div3A_8, %get3A_18, %dot_general3A_19 {dimension_numbers = #tpu.dot_dimension_numbers<[1], [0], [0], [1], [0, 0, 1, 1], [], []>, transpose_lhs_hint = false} : vector<1000x128xf32>, vector<128x128xf32>, vector<1000x128xf32> -> vector<1000x128xf32>
    %add3A = arith.addf %dot_general3A_15, %dot_general3A_20 : vector<1000x128xf32>
    %get3A_21 = arith.constant 0 : index
    %get3A_22 = arith.constant 0 : index
    %get3A_23 = vector.load %arg6[%get3A_21, %get3A_22] : memref<1x128xf32, #tpu.memory_space<vmem>>, vector<1x128xf32>
    %add3A_24 = vector.broadcast %get3A_23 : vector<1x128xf32> to vector<1000x128xf32>
    %add3A_25 = arith.addf %add3A, %add3A_24 : vector<1000x128xf32>
    %ge3A = arith.constant 0.000000e+00 : f32
    %ge3A_26 = vector.broadcast %ge3A : f32 to vector<1000x128xf32>
    %ge3A_27 = arith.cmpf oge, %add3A_25, %ge3A_26 : vector<1000x128xf32>
    %mul3A = arith.constant 2.000000e-01 : f32
    %mul3A_28 = vector.broadcast %mul3A : f32 to vector<1000x128xf32>
    %mul3A_29 = arith.mulf %mul3A_28, %add3A_25 : vector<1000x128xf32>
    %select_n3A = arith.select %ge3A_27, %add3A_25, %mul3A_29 : vector<1000x128xi1>, vector<1000x128xf32>
    %get3A_30 = arith.constant 0 : index
    %get3A_31 = arith.constant 0 : index
    %get3A_32 = vector.load %arg7[%get3A_30, %get3A_31] : memref<128x128xf32, #tpu.memory_space<vmem>>, vector<128x128xf32>
    %dot_general3A_33 = arith.constant dense<0.000000e+00> : vector<1000x128xf32>
    %dot_general3A_34 = tpu.matmul %select_n3A, %get3A_32, %dot_general3A_33 {dimension_numbers = #tpu.dot_dimension_numbers<[1], [0], [0], [1], [0, 0, 1, 1], [], []>, transpose_lhs_hint = false} : vector<1000x128xf32>, vector<128x128xf32>, vector<1000x128xf32> -> vector<1000x128xf32>
    %get3A_35 = arith.constant 0 : index
    %get3A_36 = arith.constant 0 : index
    %get3A_37 = vector.load %arg8[%get3A_35, %get3A_36] : memref<1x128xf32, #tpu.memory_space<vmem>>, vector<1x128xf32>
    %add3A_38 = vector.broadcast %get3A_37 : vector<1x128xf32> to vector<1000x128xf32>
    %add3A_39 = arith.addf %dot_general3A_34, %add3A_38 : vector<1000x128xf32>
    %ge3A_40 = arith.constant 0.000000e+00 : f32
    %ge3A_41 = vector.broadcast %ge3A_40 : f32 to vector<1000x128xf32>
    %ge3A_42 = arith.cmpf oge, %add3A_39, %ge3A_41 : vector<1000x128xf32>
    %mul3A_43 = arith.constant 2.000000e-01 : f32
    %mul3A_44 = vector.broadcast %mul3A_43 : f32 to vector<1000x128xf32>
    %mul3A_45 = arith.mulf %mul3A_44, %add3A_39 : vector<1000x128xf32>
    %select_n3A_46 = arith.select %ge3A_42, %add3A_39, %mul3A_45 : vector<1000x128xi1>, vector<1000x128xf32>
    %swap3A = arith.constant 0 : index
    %swap3A_47 = arith.constant 0 : index
    %swap3A_48 = vector.load %arg9[%swap3A, %swap3A_47] : memref<1000x128xf32, #tpu.memory_space<vmem>>, vector<1000x128xf32>
    tpu.vector_store %arg9[%swap3A, %swap3A_47], %select_n3A_46 {strides = array<i32>} : memref<1000x128xf32, #tpu.memory_space<vmem>>, vector<1000x128xf32>,
    return
  }
  func.func @transform_0(%arg0: i32) -> (i32, i32) {
    %c0_i32 = arith.constant 0 : i32
    %c0_i32_0 = arith.constant 0 : i32
    return %arg0, %c0_i32 : i32, i32
  }
  func.func @transform_1(%arg0: i32) -> (i32, i32) {
    %c0_i32 = arith.constant 0 : i32
    %c0_i32_0 = arith.constant 0 : i32
    return %arg0, %c0_i32 : i32, i32
  }
  func.func @transform_2(%arg0: i32) -> (i32, i32) {
    %c0_i32 = arith.constant 0 : i32
    %c0_i32_0 = arith.constant 0 : i32
    return %arg0, %c0_i32 : i32, i32
  }
  func.func @transform_3(%arg0: i32) -> (i32, i32) {
    %c0_i32 = arith.constant 0 : i32
    %c0_i32_0 = arith.constant 0 : i32
    %c0_i32_1 = arith.constant 0 : i32
    return %c0_i32, %c0_i32_0 : i32, i32
  }
  func.func @transform_4(%arg0: i32) -> (i32, i32) {
    %c0_i32 = arith.constant 0 : i32
    %c0_i32_0 = arith.constant 0 : i32
    %c0_i32_1 = arith.constant 0 : i32
    return %c0_i32, %c0_i32_0 : i32, i32
  }
  func.func @transform_5(%arg0: i32) -> (i32, i32) {
    %c0_i32 = arith.constant 0 : i32
    %c0_i32_0 = arith.constant 0 : i32
    %c0_i32_1 = arith.constant 0 : i32
    return %c0_i32, %c0_i32_0 : i32, i32
  }
  func.func @transform_6(%arg0: i32) -> (i32, i32) {
    %c0_i32 = arith.constant 0 : i32
    %c0_i32_0 = arith.constant 0 : i32
    %c0_i32_1 = arith.constant 0 : i32
    return %c0_i32, %c0_i32_0 : i32, i32
  }
  func.func @transform_7(%arg0: i32) -> (i32, i32) {
    %c0_i32 = arith.constant 0 : i32
    %c0_i32_0 = arith.constant 0 : i32
    %c0_i32_1 = arith.constant 0 : i32
    return %c0_i32, %c0_i32_0 : i32, i32
  }
  func.func @transform_8(%arg0: i32) -> (i32, i32) {
    %c0_i32 = arith.constant 0 : i32
    %c0_i32_0 = arith.constant 0 : i32
    return %arg0, %c0_i32 : i32, i32
  }
}

</mosaic_0001>

<sc_bundles>
// kernel: kernel.5.cloned.1.call-start
scs
__scs_entry_jumppad:
0x0: {  	(pc) =	sbr.rel $0x88, $3  }
0x1: {  	(tag) =	ssettag $0x0;
	lr =	simm.s32 $0x1  }
0x2: {  	[smem:$0x3F95] =	sst lr;
	_ =	strace $0xD0000000  }
0x3: {  	_ = 	snop  }
0x4: {  	_ = 	snop  }
0x5: {  	_ = 	snop  }
0x6: {  	_ = 	snop  }
0x7: {  	_ = 	snop  }
__scs_overlays_trampoline_lowered:
0x8: {  	[smem:$0x3FA4] =	sst s0  }
0x9: {  	[smem:$0x3FA5] =	sst s1  }
0xa: {  	[smem:$0x3FA6] =	sst s2  }
0xb: {  	[smem:$0x3FA7] =	sst s3  }
0xc: {  	[smem:$0x3FA8] =	sst s4  }
0xd: {  	[smem:$0x3FA9] =	sst s5  }
0xe: {  	[smem:$0x3FAA] =	sst s6  }
0xf: {  	[smem:$0x3FAB] =	sst s7  }
0x10: {  	[smem:$0x3FAC] =	sst s8  }
0x11: {  	[smem:$0x3FAD] =	sst s9;
	s0 =	simm.s32 @!p0 $0x0  }
0x12: {  	s1 =	sld [smem:$0x3F93];
	s0 =	simm.s32 @p0 $0x1  }
0x13: {  	[smem:$0x3FAE] =	sst s0;
	s0 =	simm.s32 @!p1 $0x0  }
0x14: {  	s2 =	sld [smem:$0x3F92];
	s0 =	simm.s32 @p1 $0x1  }
0x15: {  	[smem:$0x3FAF] =	sst s0;
	s0 =	simm.s32 @!p2 $0x0  }
0x16: {  	s3 =	sld [smem:$0x3FDB];
	s0 =	simm.s32 @p2 $0x1  }
0x17: {  	s4 =	simm.s32 $0x1BF5;
	[smem:$0x3FB1] =	sst s0  }
0x18: {  	s0 =	sld [smem:$0x3F94];
	_ =	swait.ge [sflag:s4], $0x0  }
0x19: {  	s7 =	sld [smem:$0x3F95]  }
0x1a: {  	s8 =	sadd.s32 $0xFFFFE003, lr  }
0x1b: {  	s9 =	sadd.s32 $0xFFFFFEF7, lr;
	s5 =	simm.s32 $0xFFFFFFFF;
	p2 =	slt.u32 s8, $0xFFFFF086  }
0x1c: {  	p1 =	slt.u32 s9, $0xF7A;
	s5 =	simm.s32 @!p2 $0x0  }
0x1d: {  	s5 =	simm.s32 @p1 $0x1;
	p0 =	seq.s32 s7, s2  }
0x1e: {  	s7 =	smul.u32 @!p0 $0xF7A, s2;
	p2 =	seq.s32 @!p0 s5, $0x0  }
0x1f: {  	s9 =	smul.u32 $0xF7A, s1;
	s8 =	simm.s32 @!p0 $0x1BF5;
	p2 =	por !p2, p0  }
0x20: {  	[sflag:s8] =	ssyncset.s32 @!p0 $0xFFFFF086;
	s6 =	sadd.s32 @!p0 s3, s7;
	s7 =	simm.s32 @!p0 $0x108  }
0x21: {  	s3 =	sadd.s32 s3, s9;
	s6 =	sadd.s32 @!p0 $0x88, s6;
	s7 =	simm.s32 @p2 $0x1082  }
0x22: {  	[simem:s7], [sflag:s8] =	dma.local @!p0 [hbm:s6], $0xF7A  }
0x23: {  	s9 =	sor.u32 $0xD0000000, s2;
	s6 =	simm.s32 $0x108;
	_ =	swait.ge @!p0 [sflag:s8], $0x0  }
0x24: {  	s3 =	sadd.s32 $0x88, s3;
	s6 =	simm.s32 @!p1 $0x1082;
	[sflag:s4] =	ssyncset.s32 $0xFFFFF086  }
0x25: {  	[simem:s6], [sflag:s4] =	dma.local [hbm:s3], $0xF7A  }
0x26: {  	[smem:$0x3F95] =	sst s1;
	(tag) =	ssettag s2;
	_ =	strace s9  }
0x27: {  	s1 =	sld [smem:$0x3FA5]  }
0x28: {  	s2 =	sld [smem:$0x3FA6]  }
0x29: {  	s4 =	sld [smem:$0x3FA8]  }
0x2a: {  	p0 =	seq.s32 s5, $0x0;
	s5 =	sld [smem:$0x3FA9]  }
0x2b: {  	s6 =	sld [smem:$0x3FAA]  }
0x2c: {  	s7 =	sld [smem:$0x3FAB]  }
0x2d: {  	s3 =	simm.s32 $0x108;
	s8 =	sld [smem:$0x3FAC]  }
0x2e: {  	s3 =	simm.s32 @!p0 $0x1082;
	s9 =	sld [smem:$0x3FAD]  }
0x2f: {  	lr =	sadd.s32 s0, s3;
	s0 =	sld [smem:$0x3FA4]  }
0x30: {  	s3 =	sld [smem:$0x3FA7]  }
0x31: {  	[smem:$0x3FB0] =	sst s10  }
0x32: {  	s10 =	sld [smem:$0x3FAE];
	_ =	sdelay $0x3  }
0x33: {  	p0 =	seq.s32 s10, $0x1;
	s10 =	sld [smem:$0x3FB0];
	_ =	sdelay $0x3  }
0x34: {  	[smem:$0x3FB0] =	sst s10  }
0x35: {  	s10 =	sld [smem:$0x3FAF];
	_ =	sdelay $0x3  }
0x36: {  	p1 =	seq.s32 s10, $0x1;
	s10 =	sld [smem:$0x3FB0];
	_ =	sdelay $0x3  }
0x37: {  	[smem:$0x3FB0] =	sst s10  }
0x38: {  	s10 =	sld [smem:$0x3FB1]  }
0x39: {  	_ = 	snop;
	(pc) =	sbr.ind lr, $3  }
0x3a: {  	_ = 	snop  }
0x3b: {  	_ = 	snop  }
0x3c: {  	p2 =	seq.s32 s10, $0x1;
	s10 =	sld [smem:$0x3FB0]  }
0x3d: {  	_ =	shalt  }
0x3e: {  	_ =	shalt  }
0x3f: {  	_ =	shalt  }
0x40: {  	_ =	shalt  }
0x41: {  	_ =	shalt  }
0x42: {  	_ =	shalt  }
0x43: {  	_ =	shalt  }
0x44: {  	_ =	shalt  }
0x45: {  	_ =	shalt  }
0x46: {  	_ =	shalt  }
0x47: {  	_ =	shalt  }
0x48: {  	_ =	shalt  }
0x49: {  	_ =	shalt  }
0x4a: {  	_ =	shalt  }
0x4b: {  	_ =	shalt  }
0x4c: {  	_ =	shalt  }
0x4d: {  	_ =	shalt  }
0x4e: {  	_ =	shalt  }
0x4f: {  	_ =	shalt  }
0x50: {  	_ =	shalt  }
0x51: {  	_ =	shalt  }
0x52: {  	_ =	shalt  }
0x53: {  	_ =	shalt  }
0x54: {  	_ =	shalt  }
0x55: {  	_ =	shalt  }
0x56: {  	_ =	shalt  }
0x57: {  	_ =	shalt  }
0x58: {  	_ =	shalt  }
0x59: {  	_ =	shalt  }
0x5a: {  	_ =	shalt  }
0x5b: {  	_ =	shalt  }
0x5c: {  	_ =	shalt  }
0x5d: {  	_ =	shalt  }
0x5e: {  	_ =	shalt  }
0x5f: {  	_ =	shalt  }
0x60: {  	_ =	shalt  }
0x61: {  	_ =	shalt  }
0x62: {  	_ =	shalt  }
0x63: {  	_ =	shalt  }
0x64: {  	_ =	shalt  }
0x65: {  	_ =	shalt  }
0x66: {  	_ =	shalt  }
0x67: {  	_ =	shalt  }
0x68: {  	_ =	shalt  }
0x69: {  	_ =	shalt  }
0x6a: {  	_ =	shalt  }
0x6b: {  	_ =	shalt  }
0x6c: {  	_ =	shalt  }
0x6d: {  	_ =	shalt  }
0x6e: {  	_ =	shalt  }
0x6f: {  	_ =	shalt  }
0x70: {  	_ =	shalt  }
0x71: {  	_ =	shalt  }
0x72: {  	_ =	shalt  }
0x73: {  	_ =	shalt  }
0x74: {  	_ =	shalt  }
0x75: {  	_ =	shalt  }
0x76: {  	_ =	shalt  }
0x77: {  	_ =	shalt  }
0x78: {  	_ =	shalt  }
0x79: {  	_ =	shalt  }
0x7a: {  	_ =	shalt  }
0x7b: {  	_ =	shalt  }
0x7c: {  	_ =	shalt  }
0x7d: {  	_ =	shalt  }
0x7e: {  	_ =	shalt  }
0x7f: {  	_ =	shalt  }
0x80: {  	_ =	shalt  }
0x81: {  	_ =	shalt  }
0x82: {  	_ =	shalt  }
0x83: {  	_ =	shalt  }
0x84: {  	_ =	shalt  }
0x85: {  	_ =	shalt  }
0x86: {  	_ =	shalt  }
0x87: {  	_ =	shalt  }
.Lfunc_end0:
.L_simem_size_0:
called_computation_lowered:
.L_overlay_start_0:
0x88: {  	s2 =	sld [smem:$0x3FD9]  }
0x89: {  	s3 =	sld [smem:$0x3FFE];
	_ =	sdelay $0x1  }
0x8a: {  	s1 =	srdreg.scid  }
0x8b: {  	s0 =	sand.u32 $0x1, s1  }
0x8c: {  	s14 =	sshll.u32 s0, $0xA;
	s2 =	sadd.s32 s3, s2  }
0x8d: {  	s2 =	sadd.s32 s2, s14  }
0x8e: {  	[smem:$0x3FBC] =	sst s2  }
0x8f: {  	_ = 	snop  }
0x90: {  	s2 =	sld [smem:$0x3FD0];
	_ =	sdelay $0x1  }
0x91: {  	s15 =	sld [smem:$0x3FC9]  }
0x92: {  	s5 =	simm.s32 $0xA;
	s6 =	simm.s32 $0x10;
	s4 =	sld [smem:$0x3FC8]  }
0x93: {  	[smem:s6], [sflag:s5] =	dma.local [hbm:s2], $0x1  }
0x94: {  	_ =	swait.eq [sflag:s5], $0x1  }
0x95: {  	[sflag:s5] =	ssyncset.done $0x0  }
0x96: {  	s16 =	sld [smem:$0x10];
	[sflag:s5] =	ssyncadd.s32 $0xFFFFFFFF  }
0x97: {  	s17 =	sld [smem:$0x11];
	(tm) =	ssettm $0x1  }
0x98: {  	s18 =	sld [smem:$0x3FFB];
	_ =	sdelay $0x3  }
0x99: {  	_ =	strace s18  }
0x9a: {  	s6 =	sld [smem:$0x3FFC];
	_ =	sdelay $0x3  }
0x9b: {  	_ =	strace s6  }
0x9c: {  	s6 =	sld [smem:$0x3FFD];
	_ =	sdelay $0x3  }
0x9d: {  	_ =	strace s6  }
0x9e: {  	_ =	strace $0x8FFFFFFF  }
0x9f: {  	s19 =	sld [smem:$0x3FDB];
	_ =	sdelay $0x1  }
0xa0: {  	s7 =	simm.s32 $_scs_section_size  }
0xa1: {  	s8 =	simm.s32 $_size__tile_overlayer_lowered;
	s9 =	simm.s32 $_tile_overlayer_lowered  }
0xa2: {  	s22 =	simm.s32 $0x1BFF;
	s21 =	sshll.u32 s9, $0x1;
	s6 =	sadd.s32 s7, s19  }
0xa3: {  	s10 =	simm.s32 $0x0;
	s20 =	sshll.u32 s8, $0x1;
	s8 =	sadd.s32 s21, s6  }
0xa4: {  	[timem:s10], [sflag:s22] =	dma.local [hbm:s8], s20  }
0xa5: {  	_ =	swait.ge [sflag:s22], s20  }
0xa6: {  	s7 =	ssub.s32 $0x0, s20;
	[sflag:s22] =	ssyncset.done $0x0  }
0xa7: {  	[sflag:s22] =	ssyncadd.s32 s7;
	_ =	sdelay $0x1  }
0xa8: {  	s23 =	simm.s32 $0x1B8B  }
0xa9: {  	_ =	swait.ge [sflag:s23], $0x1  }
0xaa: {  	[sflag:s23] =	ssyncset.done $0x0  }
0xab: {  	s25 =	simm.s32 $0x1B8E;
	s24 =	sld [smem:$0x3FFE];
	[sflag:s23] =	ssyncadd.s32 $0xFFFFFFFF  }
0xac: {  	s26 =	simm.s32 $execute0_lowered;
	[smem:$0x3FD2] =	sst s25  }
0xad: {  	s8 =	sshll.u32 s26, $0x1;
	_ =	strace $0x80000046;
	[dreg:$0x1] =	wrdreg $0xFFFFFFFF  }
0xae: {  	s28 =	simm.s32 $_size_execute0_lowered;
	s6 =	sadd.s32 s6, s8;
	[dreg:$0x0] =	wrdreg $0x0  }
0xaf: {  	s8 =	sshll.u32 s28, $0x1;
	[dreg:$0x2] =	wrdreg s6  }
0xb0: {  	[dreg:$0x3] =	wrdreg s8  }
0xb1: {  	[dreg:$0x4] =	wrdreg $0xC0  }
0xb2: {  	_ =	task [dreg:s10], $0x5FFFF  }
0xb3: {  	[dreg:$0x1] =	wrdreg $0xFFFFFFFF  }
0xb4: {  	[dreg:$0x0] =	wrdreg $0x60  }
0xb5: {  	[dreg:$0x2] =	wrdreg s15  }
0xb6: {  	[dreg:$0x3] =	wrdreg s4  }
0xb7: {  	[dreg:$0x4] =	wrdreg s24  }
0xb8: {  	[dreg:$0x5] =	wrdreg s16  }
0xb9: {  	[dreg:$0x6] =	wrdreg s17  }
0xba: {  	[dreg:$0x7] =	wrdreg $0x83800  }
0xbb: {  	[dreg:$0x8] =	wrdreg $0x84000  }
0xbc: {  	[dreg:$0x9] =	wrdreg $0x1C4000  }
0xbd: {  	[dreg:$0xa] =	wrdreg $0x9  }
0xbe: {  	_ =	task.clear_ibuf [dreg:s10], $0xBFFFF;
	_ =	strace $0x90000046  }
0xbf: {  	s29 =	simm.s32 $0x9;
	_ =	strace $0x80000048  }
0xc0: {  	_ =	swait.ge [sflag:s29], $0x1  }
0xc1: {  	[sflag:s29] =	ssyncadd.s32 $0xFFFFFFFF  }
0xc2: {  	_ =	strace $0x90000048  }
0xc3: {  	_ =	sfence  }
0xc4: {  	s30 =	sld [smem:$0x0];
	_ =	sdelay $0x2  }
0xc5: {  	s31 =	sshll.u32 s1, $0xD;
	s1 =	sshrl.u32 s1, $0x2  }
0xc6: {  	s3 =	sand.u32 $0x4000, s31;
	s1 =	sadd.s32 s1, s30  }
0xc7: {  	s0 =	sor.u32 s3, s0;
	s1 =	sshll.u32 s1, $0x11  }
0xc8: {  	s0 =	sor.u32 s1, s0  }
0xc9: {  	s0 =	sadd.s32 $0x8F2B, s0  }
0xca: {  	[sflag:s0] =	ssyncadd.remote.s32 $0x1  }
0xcb: {  	_ =	sfence.sel $0xFFFF  }
0xcc: {  	[dreg:$0x0] =	wrdreg $0xFFFFFFFF;
	(pc) =	sbr.abs _section_cstart, $3  }
0xcd: {  	[dreg:$0x1] =	wrdreg $0xFFFFFFFF  }
0xce: {  	_ =	task.clear_ibuf [dreg:s10], $0x2FFFF;
	_ =	strace $0x9FFFFFFF  }
0xcf: {  	(tm) =	ssettm $0x7FFFFFFF  }
tec
execute0_lowered:
.L_overlay_start_1:
0x0: {  	(tag) =	ssettag $0x1  }
0x1: {  	s0 =	rddreg [dreg:$0x0]  }
0x2: {  	s1 =	rddreg [dreg:$0x1]  }
0x3: {  	s2 =	rddreg [dreg:$0x2]  }
0x4: {  	s12 =	rddreg [dreg:$0x3]  }
0x5: {  	s10 =	rddreg [dreg:$0x4]  }
0x6: {  	s3 =	rddreg [dreg:$0x5]  }
0x7: {  	s4 =	rddreg [dreg:$0x6]  }
0x8: {  	s5 =	rddreg [dreg:$0x7]  }
0x9: {  	s6 =	simm.s32 $0x0;
	s11 =	stileid.u32;
	s8 =	srdreg.scid  }
0xa: {  	[smem:$0x7FF] =	sst s6;
	s9 =	smul.u32 $0x9C4, s11  }
0xb: {  	s8 =	sand.u32 $0x1, s8;
	s14 =	sadd.s32 $0x2F400, s2;
	s21 =	smul.u32 $0x2780, s11  }
0xc: {  	_ =	strace $0x80000047;
	s13 =	ssub.s32 $0x2, s8;
	[dreg:$0x9] =	wrdreg s14  }
0xd: {  	s15 =	sadd.s32 s9, s2;
	s26 =	sshrl.u32 s13, $0x1;
	s2 =	sadd.s32 $0x2A400, s2  }
0xe: {  	s22 =	sadd.s32 s12, s21;
	[dreg:$0xa] =	wrdreg s2;
	s2 =	smul.u32 $0x278, s11  }
0xf: {  	s14 =	ssub.s32 s13, s26;
	[dreg:$0xb] =	wrdreg s22  }
0x10: {  	[smem:$0x7F9] =	sst s14;
	s16 =	sadd.s32 $0x20, s2  }
0x11: {  	s17 =	sadd.s32 $0x40, s2;
	[smem:$0x7D8] =	sst s16  }
0x12: {  	s24 =	sadd.s32 $0x60, s2;
	[smem:$0x7D9] =	sst s17  }
0x13: {  	s25 =	sadd.s32 $0x70, s2;
	[smem:$0x7DA] =	sst s24  }
0x14: {  	s7 =	smul.u32 $0x50, s11;
	s26 =	sadd.s32 $0x80, s2;
	[smem:$0x7DB] =	sst s25  }
0x15: {  	s13 =	sadd.s32 $0x90, s2;
	[smem:$0x7DC] =	sst s26  }
0x16: {  	v0 =	vlaneseq.u32;
	s19 =	sadd.s32 $0x10, s7;
	s22 =	sadd.s32 $0xC0, s2;
	[smem:$0x7DD] =	sst s13  }
0x17: {  	s18 =	sadd.s32 $0x20, s7;
	v2 =	vor.u32 s19, v0;
	s19 =	sadd.s32 $0x260, s2;
	[smem:$0x7DF] =	sst s22  }
0x18: {  	v3 =	vor.u32 s18, v0;
	s18 =	sadd.s32 $0x270, s2;
	[smem:$0x7FC] =	sst s19  }
0x19: {  	s17 =	sadd.s32 $0xB0, s2;
	[smem:$0x7FD] =	sst s18  }
0x1a: {  	s25 =	sadd.s32 $0xD0, s2;
	[smem:$0x7DE] =	sst s17  }
0x1b: {  	s26 =	sadd.s32 $0xE0, s2;
	[smem:$0x7E0] =	sst s25  }
0x1c: {  	p0 =	seq.s32 s8, $0x1;
	s22 =	sadd.s32 $0x110, s2;
	[smem:$0x7E1] =	sst s26  }
0x1d: {  	s20 =	sadd.s32 $0x40, s7;
	s8 =	sadd.s32 $0x50, s2;
	[smem:$0x7E3] =	sst s22  }
0x1e: {  	v5 =	vor.u32 s20, v0;
	s16 =	sshll.u32 s8, $0x4;
	v11 =	vadd.s32 s8, v0;
	s8 =	sadd.s32 $0x26480, s10;
	s20 =	sld [smem:$0x7D8]  }
0x1f: {  	s14 =	sadd.s32 s12, s16;
	[smem:$0x7F5] =	sst s8  }
0x20: {  	s25 =	sadd.s32 $0x120, s2;
	[dreg:$0xc] =	wrdreg s14  }
0x21: {  	s26 =	sadd.s32 $0x130, s2;
	[smem:$0x7E4] =	sst s25  }
0x22: {  	s24 =	sadd.s32 $0xA0, s2;
	s22 =	sadd.s32 $0x150, s2;
	[smem:$0x7E5] =	sst s26  }
0x23: {  	s17 =	sshll.u32 s24, $0x4;
	v16 =	vadd.s32 s24, v0;
	s24 =	sadd.s32 $0x26E80, s12;
	[smem:$0x7E6] =	sst s22  }
0x24: {  	s9 =	sadd.s32 $0xF0, s2;
	[dreg:$0x19] =	wrdreg s24  }
0x25: {  	s31 =	sshll.u32 s9, $0x4;
	v21 =	vadd.s32 s9, v0;
	s16 =	sadd.s32 s10, s16;
	s9 =	sld [smem:$0x7E3]  }
0x26: {  	s13 =	sadd.s32 s12, s17;
	[dreg:$0x1c] =	wrdreg s16  }
0x27: {  	s14 =	sadd.s32 $0x100, s2;
	[dreg:$0xd] =	wrdreg s13  }
0x28: {  	s26 =	sadd.s32 $0x160, s2;
	[smem:$0x7E2] =	sst s14  }
0x29: {  	s22 =	sadd.s32 $0x180, s2;
	[smem:$0x7E8] =	sst s26  }
0x2a: {  	s14 =	sadd.s32 s12, s31;
	[smem:$0x7EA] =	sst s22  }
0x2b: {  	s22 =	sadd.s32 $0x1A0, s2;
	[dreg:$0xe] =	wrdreg s14  }
0x2c: {  	s26 =	sadd.s32 $0x1B0, s2;
	[smem:$0x7EE] =	sst s22  }
0x2d: {  	[smem:$0x7EF] =	sst s26  }
0x2e: {  	s25 =	sadd.s32 $0x140, s2;
	s14 =	sadd.s32 $0x170, s2;
	v8 =	vadd.s32 s20, v0;
	s20 =	sld [smem:$0x7D9]  }
0x2f: {  	s13 =	sshll.u32 s25, $0x4;
	s26 =	sadd.s32 $0x1C0, s2;
	[smem:$0x7E9] =	sst s14  }
0x30: {  	s19 =	sadd.s32 s12, s13;
	[smem:$0x7F3] =	sst s26  }
0x31: {  	s30 =	sadd.s32 $0x1E0, s2;
	v26 =	vadd.s32 s25, v0;
	s25 =	sadd.s32 s10, s13;
	[dreg:$0xf] =	wrdreg s19  }
0x32: {  	s23 =	sadd.s32 $0x30, s7;
	v1 =	vor.u32 s7, v0;
	s7 =	sshll.u32 s30, $0x4;
	[dreg:$0x1f] =	wrdreg s25  }
0x33: {  	s13 =	sadd.s32 s10, s7;
	v23 =	vadd.s32 s9, v0;
	s9 =	sld [smem:$0x7E8]  }
0x34: {  	s26 =	sadd.s32 $0x1D0, s2;
	[smem:$0x7EB] =	sst s13  }
0x35: {  	s22 =	sadd.s32 $0x230, s2;
	s19 =	sadd.s32 s12, s7;
	[smem:$0x7F4] =	sst s26  }
0x36: {  	s18 =	sshll.u32 s22, $0x4;
	[dreg:$0x11] =	wrdreg s19  }
0x37: {  	s19 =	sadd.s32 s12, s18;
	s16 =	sadd.s32 s10, s18;
	s18 =	sld [smem:$0x7EE]  }
0x38: {  	s26 =	sadd.s32 $0x1F0, s2;
	s25 =	sld [smem:$0x7F3]  }
0x39: {  	[smem:$0x7F6] =	sst s26  }
0x3a: {  	[dreg:$0x12] =	wrdreg s19  }
0x3b: {  	s19 =	sld [smem:$0x7DB]  }
0x3c: {  	[smem:$0x7EC] =	sst s16  }
0x3d: {  	s26 =	sadd.s32 $0x200, s2;
	s7 =	sld [smem:$0x7F4]  }
0x3e: {  	v10 =	vadd.s32 s20, v0;
	s20 =	sadd.s32 $0x25080, s12;
	[smem:$0x7F7] =	sst s26  }
0x3f: {  	[dreg:$0x13] =	wrdreg s20  }
0x40: {  	s20 =	sld [smem:$0x7DC]  }
0x41: {  	s26 =	sadd.s32 $0x210, s2;
	v28 =	vadd.s32 s9, v0;
	s9 =	sld [smem:$0x7F6]  }
0x42: {  	[smem:$0x7F8] =	sst s26  }
0x43: {  	s26 =	sadd.s32 $0x220, s2;
	v34 =	vadd.s32 s25, v0;
	s25 =	sld [smem:$0x7FD]  }
0x44: {  	[smem:$0x7FA] =	sst s26;
	s26 =	sadd.s32 $0x240, s2  }
0x45: {  	v13 =	vadd.s32 s19, v0;
	s19 =	sadd.s32 $0x25A80, s12;
	[smem:$0x7FB] =	sst s26  }
0x46: {  	[dreg:$0x15] =	wrdreg s19  }
0x47: {  	s19 =	sld [smem:$0x7DE]  }
0x48: {  	s29 =	sadd.s32 $0x10, s2;
	v14 =	vadd.s32 s20, v0;
	s20 =	sadd.s32 $0x25F80, s12;
	s13 =	sld [smem:$0x7FA]  }
0x49: {  	s28 =	sadd.s32 $0x30, s2;
	s14 =	sadd.s32 $0x190, s2;
	[dreg:$0x16] =	wrdreg s20  }
0x4a: {  	v6 =	vadd.s32 s2, v0;
	s26 =	sadd.s32 $0x250, s2;
	s2 =	sshll.u32 s14, $0x4;
	s20 =	sld [smem:$0x7DF]  }
0x4b: {  	v4 =	vor.u32 s23, v0;
	v31 =	vadd.s32 s14, v0;
	s23 =	sadd.s32 s12, s2;
	s14 =	sld [smem:$0x7FB]  }
0x4c: {  	[dreg:$0x10] =	wrdreg s23  }
0x4d: {  	s2 =	sadd.s32 s10, s2;
	s23 =	sld [smem:$0x7DA]  }
0x4e: {  	p1 =	sne.s32 s11, $0x0;
	[smem:$0x7E7] =	sst s2  }
0x4f: {  	p2 =	seq.s32 s11, $0xF;
	s24 =	smul.u32 $0x280, s11;
	v17 =	vadd.s32 s19, v0;
	s19 =	sld [smem:$0x7E1]  }
0x50: {  	v18 =	vadd.s32 s20, v0;
	s20 =	smul.u32 $0x500, s11;
	s11 =	sld [smem:$0x7E4];
	v12 =	vadd.s32 s23, v0;
	s23 =	sadd.s32 $0x25580, s12  }
0x51: {  	[dreg:$0x14] =	wrdreg s23  }
0x52: {  	s23 =	sld [smem:$0x7DD]  }
0x53: {  	[dreg:$0x1a] =	wrdreg s20  }
0x54: {  	v20 =	vadd.s32 s19, v0;
	s19 =	sadd.s32 s10, s17;
	s20 =	sld [smem:$0x7E5]  }
0x55: {  	[dreg:$0x1d] =	wrdreg s19  }
0x56: {  	s17 =	sadd.s32 $0x25080, s10;
	v24 =	vadd.s32 s11, v0;
	s11 =	sld [smem:$0x7E9]  }
0x57: {  	[smem:$0x7ED] =	sst s17  }
0x58: {  	s19 =	sld [smem:$0x7EF];
	v15 =	vadd.s32 s23, v0;
	s23 =	sadd.s32 $0x26480, s12  }
0x59: {  	[dreg:$0x17] =	wrdreg s23  }
0x5a: {  	v25 =	vadd.s32 s20, v0;
	s20 =	sadd.s32 $0x25580, s10;
	s23 =	sadd.s32 $0x26980, s12;
	s12 =	sld [smem:$0x7E0]  }
0x5b: {  	[smem:$0x7F0] =	sst s20  }
0x5c: {  	v29 =	vadd.s32 s11, v0;
	s11 =	sld [smem:$0x7F8]  }
0x5d: {  	[dreg:$0x18] =	wrdreg s23  }
0x5e: {  	v9 =	vadd.s32 s28, v0;
	s28 =	simm.s32 $0x3;
	s23 =	sld [smem:$0x7E2]  }
0x5f: {  	v7 =	vadd.s32 s29, v0;
	s29 =	simm.s32 $0x8000;
	v19 =	vadd.s32 s12, v0;
	s12 =	sadd.s32 s10, s21;
	s21 =	sld [smem:$0x7E6]  }
0x60: {  	v36 =	vadd.s32 s30, v0;
	s30 =	simm.s32 $0x8080;
	v41 =	vadd.s32 s22, v0;
	s22 =	sadd.s32 $0x16800, s15;
	[dreg:$0x1b] =	wrdreg s12  }
0x61: {  	s16 =	sadd.s32 $0x26980, s10;
	v22 =	vadd.s32 s23, v0;
	s23 =	sadd.s32 s10, s31;
	s12 =	sld [smem:$0x7EA]  }
0x62: {  	v37 =	vadd.s32 s9, v0;
	s9 =	simm.s32 $0x8200;
	s17 =	sadd.s32 $0x26E80, s10;
	[dreg:$0x1e] =	wrdreg s23  }
0x63: {  	v44 =	vimm.f32 $0.0e+00;
	vm0 =	vcmask $0x300;
	s23 =	sadd.s32 $0x25F80, s10;
	v27 =	vadd.s32 s21, v0;
	s21 =	sadd.s32 $0x25A80, s10;
	s10 =	sld [smem:$0x7F7]  }
0x64: {  	v47 =	vsel vm0, $0x3F800000, v44;
	v48 =	vadd.s32 $0x2518, v0;
	v43 =	vadd.s32 s26, v0;
	s26 =	simm.s32 $0x8100;
	s2 =	simm.s32 $0x2800;
	[smem:$0x7F1] =	sst s21  }
.Ltmp0:
0x65: {  	v49 =	vadd.s32 $0x2528, v0;
	v33 =	vadd.s32 s19, v0;
	s19 =	sadd.s32 $0xCA00, s15;
	v30 =	vadd.s32 s12, v0;
	s12 =	sld [smem:$0x7F9];
	(pc) =	sbr.rel .LBB2_1-.Ltmp0, $4  }
0x66: {  	v50 =	vadd.s32 $0x2538, v0;
	v51 =	vadd.s32 $0x2548, v0;
	v52 =	vadd.s32 $0x2558, v0;
	s20 =	sadd.s32 $0x20600, s15;
	s21 =	sadd.s32 $0x2C00, s15;
	s15 =	sld [smem:$0x7FC]  }
0x67: {  	v40 =	vadd.s32 s13, v0;
	s13 =	simm.s32 $0x2;
	v42 =	vadd.s32 s14, v0;
	s14 =	simm.s32 $0x0;
	v39 =	vadd.s32 s11, v0;
	s11 =	simm.s32 $0x1  }
0x68: {  	v53 =	vadd.s32 $0x2568, v0;
	v32 =	vadd.s32 s18, v0;
	v35 =	vadd.s32 s7, v0;
	s31 =	simm.s32 $0x8180;
	[smem:$0x7F2] =	sst s23;
	s23 =	simm.s32 $0x50  }
0x69: {  	v46 =	vadd.s32 s25, v0;
	v38 =	vadd.s32 s10, v0;
	s10 =	simm.s32 $0x5000;
	s18 =	smax.u32 s12, $0x1;
	v45 =	vadd.s32 s15, v0;
	s12 =	simm.s32 $0x8280  }
.LBB2_21:
0x6a: {  	[tilespmem:$0x8110] =	vst v48  }
0x6b: {  	[tilespmem:$0x8120] =	vst v49  }
0x6c: {  	[tilespmem:$0x8130] =	vst v50  }
0x6d: {  	[tilespmem:$0x8140] =	vst v51  }
0x6e: {  	[tilespmem:s6], [sflag:$0x3] =	stream.indirect.gather [spmem:s4], $0x80, s26, s23, $0xb8;
	[tilespmem:$0x1EC00] =	vst v63  }
0x6f: {  	_ =	swait.ge [sflag:s28], $0x2800  }
0x70: {  	s7 =	sld [smem:$0x7ED]  }
0x71: {  	[sflag:s28] =	ssyncset.done $0x0  }
0x72: {  	[sflag:s28] =	ssyncadd.s32 $0xFFFFD800  }
0x73: {  	[hbm4b:s7+s6] =	stream.linear.scatter [tilespmem:s6], [sflag:$0x3], $0x2800, $0x38;
	[tilespmem:$0x1EC00] =	vst v63  }
0x74: {  	_ =	swait.ge [sflag:s28], $0x2800  }
0x75: {  	[sflag:s28] =	ssyncset.done $0x0  }
0x76: {  	[sflag:s28] =	ssyncadd.s32 $0xFFFFD800  }
0x77: {  	[tilespmem:$0x8100] =	vst v52  }
0x78: {  	v54 =	vadd.s32 $0x2578, v0;
	[tilespmem:$0x8110] =	vst v53  }
0x79: {  	v60 =	vadd.s32 $0x2588, v0;
	[tilespmem:$0x8120] =	vst v54  }
0x7a: {  	v61 =	vadd.s32 $0x2598, v0;
	[tilespmem:$0x8130] =	vst v60  }
0x7b: {  	[tilespmem:$0x8140] =	vst v61  }
0x7c: {  	[tilespmem:s6], [sflag:$0x3] =	stream.indirect.gather [spmem:s4], $0x80, s26, s23, $0xb8;
	[tilespmem:$0x1EC00] =	vst v63  }
0x7d: {  	_ =	swait.ge [sflag:s28], $0x2800  }
0x7e: {  	s25 =	sld [smem:$0x7F0]  }
0x7f: {  	[sflag:s28] =	ssyncset.done $0x0  }
0x80: {  	[sflag:s28] =	ssyncadd.s32 $0xFFFFD800  }
0x81: {  	[hbm4b:s25+s6] =	stream.linear.scatter [tilespmem:s6], [sflag:$0x3], $0x2800, $0x38;
	[tilespmem:$0x1EC00] =	vst v63  }
0x82: {  	_ =	swait.ge [sflag:s28], $0x2800  }
0x83: {  	[sflag:s28] =	ssyncset.done $0x0  }
0x84: {  	v62 =	vadd.s32 $0x25A8, v0;
	[sflag:s28] =	ssyncadd.s32 $0xFFFFD800  }
0x85: {  	v63 =	vadd.s32 $0x25B8, v0;
	[tilespmem:$0x8100] =	vst v62  }
0x86: {  	v57 =	vadd.s32 $0x25C8, v0;
	[tilespmem:$0x8110] =	vst v63  }
0x87: {  	v58 =	vadd.s32 $0x25D8, v0;
	[tilespmem:$0x8120] =	vst v57  }
0x88: {  	v59 =	vadd.s32 $0x25E8, v0;
	[tilespmem:$0x8130] =	vst v58  }
0x89: {  	[tilespmem:$0x8140] =	vst v59  }
0x8a: {  	[tilespmem:s6], [sflag:$0x3] =	stream.indirect.gather [spmem:s4], $0x80, s26, s23, $0xb8;
	[tilespmem:$0x1EC00] =	vst v63  }
0x8b: {  	_ =	swait.ge [sflag:s28], $0x2800  }
0x8c: {  	s8 =	sld [smem:$0x7F1]  }
0x8d: {  	[sflag:s28] =	ssyncset.done $0x0  }
0x8e: {  	[sflag:s28] =	ssyncadd.s32 $0xFFFFD800  }
0x8f: {  	[hbm4b:s8+s6] =	stream.linear.scatter [tilespmem:s6], [sflag:$0x3], $0x2800, $0x38;
	[tilespmem:$0x1EC00] =	vst v63  }
0x90: {  	_ =	swait.ge [sflag:s28], $0x2800  }
0x91: {  	[sflag:s28] =	ssyncset.done $0x0  }
0x92: {  	v60 =	vadd.s32 $0x25F8, v0;
	[sflag:s28] =	ssyncadd.s32 $0xFFFFD800  }
0x93: {  	[tilespmem:$0x8100] =	vst v60  }
0x94: {  	[tilespmem:$0x8110] =	vst v22  }
0x95: {  	[tilespmem:$0x8120] =	vst v23  }
0x96: {  	[tilespmem:$0x8130] =	vst v24  }
0x97: {  	[tilespmem:$0x8140] =	vst v25  }
0x98: {  	[tilespmem:s6], [sflag:$0x3] =	stream.indirect.gather [spmem:s4], $0x80, s26, s23, $0xb8;
	[tilespmem:$0x1EC00] =	vst v63  }
0x99: {  	_ =	swait.ge [sflag:s28], $0x2800  }
0x9a: {  	s15 =	sld [smem:$0x7F2]  }
0x9b: {  	[sflag:s28] =	ssyncset.done $0x0  }
0x9c: {  	[sflag:s28] =	ssyncadd.s32 $0xFFFFD800  }
0x9d: {  	[hbm4b:s15+s6] =	stream.linear.scatter [tilespmem:s6], [sflag:$0x3], $0x2800, $0x38;
	[tilespmem:$0x1EC00] =	vst v63  }
0x9e: {  	_ =	swait.ge [sflag:s28], $0x2800  }
0x9f: {  	[sflag:s28] =	ssyncset.done $0x0  }
0xa0: {  	[sflag:s28] =	ssyncadd.s32 $0xFFFFD800  }
0xa1: {  	[tilespmem:$0x8100] =	vst v26  }
0xa2: {  	[tilespmem:$0x8110] =	vst v27  }
0xa3: {  	[tilespmem:$0x8120] =	vst v28  }
0xa4: {  	[tilespmem:$0x8130] =	vst v29  }
0xa5: {  	[tilespmem:$0x8140] =	vst v30  }
0xa6: {  	[tilespmem:s6], [sflag:$0x3] =	stream.indirect.gather [spmem:s4], $0x80, s26, s23, $0xb8;
	[tilespmem:$0x1EC00] =	vst v63  }
0xa7: {  	_ =	swait.ge [sflag:s28], $0x2800  }
0xa8: {  	s25 =	sld [smem:$0x7F5]  }
0xa9: {  	[sflag:s28] =	ssyncset.done $0x0  }
0xaa: {  	[sflag:s28] =	ssyncadd.s32 $0xFFFFD800  }
0xab: {  	[hbm4b:s25+s6] =	stream.linear.scatter [tilespmem:s6], [sflag:$0x3], $0x2800, $0x38;
	[tilespmem:$0x1EC00] =	vst v63  }
0xac: {  	_ =	swait.ge [sflag:s28], $0x2800  }
0xad: {  	[sflag:s28] =	ssyncset.done $0x0  }
0xae: {  	[sflag:s28] =	ssyncadd.s32 $0xFFFFD800  }
0xaf: {  	[tilespmem:$0x8100] =	vst v31  }
0xb0: {  	[tilespmem:$0x8110] =	vst v32  }
0xb1: {  	[tilespmem:$0x8120] =	vst v33  }
0xb2: {  	[tilespmem:$0x8130] =	vst v34  }
0xb3: {  	[tilespmem:$0x8140] =	vst v35  }
0xb4: {  	[tilespmem:s6], [sflag:$0x3] =	stream.indirect.gather [spmem:s4], $0x80, s26, s23, $0xb8;
	[tilespmem:$0x1EC00] =	vst v63  }
0xb5: {  	_ =	swait.ge [sflag:s28], $0x2800  }
0xb6: {  	[sflag:s28] =	ssyncset.done $0x0  }
0xb7: {  	[sflag:s28] =	ssyncadd.s32 $0xFFFFD800  }
0xb8: {  	[hbm4b:s16+s6] =	stream.linear.scatter [tilespmem:s6], [sflag:$0x3], $0x2800, $0x38;
	[tilespmem:$0x1EC00] =	vst v63  }
0xb9: {  	_ =	swait.ge [sflag:s28], $0x2800  }
0xba: {  	[sflag:s28] =	ssyncset.done $0x0  }
0xbb: {  	[sflag:s28] =	ssyncadd.s32 $0xFFFFD800  }
0xbc: {  	[tilespmem:$0x8100] =	vst v36  }
0xbd: {  	v61 =	vadd.s32 $0x2708, v0;
	[tilespmem:$0x8110] =	vst v37  }
0xbe: {  	v62 =	vadd.s32 $0x2718, v0;
	[tilespmem:$0x8120] =	vst v61  }
0xbf: {  	v63 =	vadd.s32 $0x2728, v0;
	[tilespmem:$0x8130] =	vst v62  }
0xc0: {  	[tilespmem:$0x8140] =	vst v63  }
0xc1: {  	[tilespmem:s6], [sflag:$0x3] =	stream.indirect.gather [spmem:s4], $0x80, s26, s23, $0xb8;
	[tilespmem:$0x1EC00] =	vst v63  }
0xc2: {  	_ =	swait.ge [sflag:s28], $0x2800  }
0xc3: {  	[sflag:s28] =	ssyncset.done $0x0  }
0xc4: {  	[sflag:s28] =	ssyncadd.s32 $0xFFFFD800  }
0xc5: {  	[hbm4b:s17+s6] =	stream.linear.scatter [tilespmem:s6], [sflag:$0x3], $0x1400, $0x38;
	[tilespmem:$0x1EC00] =	vst v63  }
0xc6: {  	_ =	swait.ge [sflag:s28], $0x1400  }
0xc7: {  	[sflag:s28] =	ssyncset.done $0x0  }
0xc8: {  	s7 =	rddreg [dreg:$0xa];
	[sflag:s28] =	ssyncadd.s32 $0xFFFFEC00  }
.LBB2_22:
0xc9: {  	[tilespmem:$0x8100] =	vst v1  }
0xca: {  	[tilespmem:$0x8110] =	vst v2  }
0xcb: {  	[tilespmem:$0x8120] =	vst v3  }
0xcc: {  	[tilespmem:$0x8130] =	vst v4  }
0xcd: {  	[tilespmem:$0x8140] =	vst v5  }
0xce: {  	[tilespmem:s6], [sflag:$0x3] =	stream.indirect.gather [spmem:s5], $0x80, s26, s23, $0xb8;
	[tilespmem:$0x1EC00] =	vst v63  }
0xcf: {  	s14 =	sadd.s32 $0x1, s14;
	_ =	swait.ge [sflag:s28], $0x2800  }
0xd0: {  	p3 =	sne.s32 s14, s18;
	[sflag:s28] =	ssyncset.done $0x0;
	s8 =	rddreg [dreg:$0x1a]  }
.Ltmp1:
0xd1: {  	s7 =	sadd.s32 s7, s8;
	[sflag:s28] =	ssyncadd.s32 $0xFFFFD800;
	(pc) =	sbr.rel @!p3 .LBB2_23-.Ltmp1, $4  }
0xd2: {  	[hbm4b:s7+s6] =	stream.linear.scatter [tilespmem:s6], [sflag:$0x3], $0x2800, $0x38;
	[tilespmem:$0x1EC00] =	vst v63  }
0xd3: {  	_ =	swait.ge [sflag:s28], $0x2800  }
0xd4: {  	[sflag:s28] =	ssyncset.done $0x0  }
0xd5: {  	[sflag:s28] =	ssyncadd.s32 $0xFFFFD800  }
.LBB2_1:
.Ltmp2:
0xd6: {  	(pc) =	sbr.rel @!p0 .LBB2_2-.Ltmp2, $2  }
0xd7: {  	_ =	sdelay $0x2  }
0xd8: {  	s7 =	sshra.s32 s6, $0x2;
	s8 =	sadd.s32 $0x200, s6  }
.LBB2_12:
0xd9: {  	p3 =	sne.s32 s8, $0x9E00;
	[tilespmem:s7+$0x70] =	vst v44  }
0xda: {  	[tilespmem:s7+$0x0] =	vst v44  }
0xdb: {  	[tilespmem:s7+$0x10] =	vst v44  }
.Ltmp3:
0xdc: {  	[tilespmem:s7+$0x20] =	vst v44;
	(pc) =	sbr.rel @p3 .LBB2_12-.Ltmp3, $4  }
0xdd: {  	[tilespmem:s7+$0x30] =	vst v44  }
0xde: {  	[tilespmem:s7+$0x40] =	vst v44  }
0xdf: {  	[tilespmem:s7+$0x50] =	vst v44  }
0xe0: {  	[tilespmem:s7+$0x60] =	vst v44;
	s7 =	sshra.s32 s8, $0x2;
	s8 =	sadd.s32 $0x200, s8  }
0xe1: {  	[tilespmem:s7+$0x70] =	vst v44  }
0xe2: {  	[tilespmem:s7+$0x0] =	vst v44  }
0xe3: {  	[tilespmem:s7+$0x10] =	vst v44  }
0xe4: {  	[tilespmem:s7+$0x20] =	vst v44  }
0xe5: {  	[tilespmem:s7+$0x30] =	vst v44  }
0xe6: {  	[tilespmem:s7+$0x40] =	vst v44  }
0xe7: {  	[tilespmem:s7+$0x50] =	vst v44  }
0xe8: {  	[tilespmem:s7+$0x60] =	vst v44;
	s7 =	simm.s32 $0x0;
	s8 =	simm.s32 $0x200  }
.LBB2_14:
0xe9: {  	p3 =	sne.s32 s8, $0x1E00;
	[tilespmem:s7+$0x7870] =	vst v44  }
0xea: {  	[tilespmem:s7+$0x7800] =	vst v44  }
0xeb: {  	[tilespmem:s7+$0x7810] =	vst v44  }
.Ltmp4:
0xec: {  	[tilespmem:s7+$0x7820] =	vst v44;
	(pc) =	sbr.rel @p3 .LBB2_14-.Ltmp4, $4  }
0xed: {  	[tilespmem:s7+$0x7830] =	vst v44  }
0xee: {  	[tilespmem:s7+$0x7840] =	vst v44  }
0xef: {  	[tilespmem:s7+$0x7850] =	vst v44  }
0xf0: {  	[tilespmem:s7+$0x7860] =	vst v44;
	s7 =	sshra.s32 s8, $0x2;
	s8 =	sadd.s32 $0x200, s8  }
0xf1: {  	[tilespmem:s7+$0x7870] =	vst v44  }
0xf2: {  	[tilespmem:s7+$0x7800] =	vst v44  }
0xf3: {  	[tilespmem:s7+$0x7810] =	vst v44  }
0xf4: {  	[tilespmem:s7+$0x7820] =	vst v44  }
0xf5: {  	[tilespmem:s7+$0x7830] =	vst v44  }
0xf6: {  	[tilespmem:s7+$0x7840] =	vst v44  }
0xf7: {  	[tilespmem:s7+$0x7850] =	vst v44  }
0xf8: {  	[tilespmem:s7+$0x7860] =	vst v44  }
0xf9: {  	[tilespmem:$0x7800] =	vst v47  }
0xfa: {  	[tilespmem:$0x7890] =	vst v47  }
0xfb: {  	[tilespmem:$0x7920] =	vst v47  }
0xfc: {  	[tilespmem:$0x79B0] =	vst v47  }
0xfd: {  	[tilespmem:$0x7A40] =	vst v47  }
0xfe: {  	[tilespmem:$0x7AD0] =	vst v47  }
0xff: {  	s7 =	sadd.s32 $0x0, s24;
	[tilespmem:$0x7B60] =	vst v47  }
0x100: {  	[tilespmem:$0x7BF0] =	vst v47;
	v54 =	vor.u32 s7, v0;
	s8 =	sadd.s32 $0x40, s7  }
0x101: {  	s15 =	sadd.s32 $0x30, s7;
	[tilespmem:$0x8100] =	vst v54;
	v63 =	vor.u32 s8, v0  }
0x102: {  	s25 =	sadd.s32 $0x20, s7;
	v55 =	vor.u32 s15, v0;
	[tilespmem:$0x8140] =	vst v63  }
0x103: {  	s8 =	sadd.s32 $0x10, s7;
	v54 =	vor.u32 s25, v0;
	s7 =	simm.s32 $0x50;
	[tilespmem:$0x8130] =	vst v55  }
.LBB2_16:
0x104: {  	p3 =	sne.s32 s7, $0x230;
	v55 =	vor.u32 s8, v0;
	[tilespmem:$0x8120] =	vst v54  }
0x105: {  	[tilespmem:$0x8110] =	vst v55;
	[spmem:s4] =	stream.indirect.scatter [tilespmem:s6], [sflag:$0x3], $0x80, s26, s23, $0xb8  }
0x106: {  	_ =	swait.ge [sflag:s28], $0x2800  }
.Ltmp5:
0x107: {  	s8 =	sadd.s32 s7, s24;
	[sflag:s28] =	ssyncset.done $0x0;
	(pc) =	sbr.rel @p3 .LBB2_16-.Ltmp5, $4  }
0x108: {  	v54 =	vor.u32 s8, v0;
	s15 =	sadd.s32 $0x40, s8;
	[sflag:s28] =	ssyncadd.s32 $0xFFFFD800  }
0x109: {  	s25 =	sadd.s32 $0x30, s8;
	[tilespmem:$0x8100] =	vst v54;
	v54 =	vor.u32 s15, v0  }
0x10a: {  	v55 =	vor.u32 s25, v0;
	s15 =	sadd.s32 $0x20, s8;
	[tilespmem:$0x8140] =	vst v54  }
0x10b: {  	s7 =	sadd.s32 $0x50, s7;
	s8 =	sadd.s32 $0x10, s8;
	v54 =	vor.u32 s15, v0;
	[tilespmem:$0x8130] =	vst v55  }
0x10c: {  	v55 =	vor.u32 s8, v0;
	[tilespmem:$0x8120] =	vst v54  }
0x10d: {  	[tilespmem:$0x8110] =	vst v55  }
0x10e: {  	[spmem:s4] =	stream.indirect.scatter [tilespmem:s6], [sflag:$0x3], $0x80, s26, s23, $0xb8;
	[tilespmem:$0x1EC00] =	vst v63  }
0x10f: {  	_ =	swait.ge [sflag:s28], $0x2800  }
0x110: {  	[sflag:s28] =	ssyncset.done $0x0  }
0x111: {  	[sflag:s28] =	ssyncadd.s32 $0xFFFFD800  }
0x112: {  	[tilespmem:$0x8100] =	vst v1  }
0x113: {  	[tilespmem:$0x8110] =	vst v2  }
0x114: {  	[tilespmem:$0x8120] =	vst v3  }
0x115: {  	[tilespmem:$0x8130] =	vst v4  }
0x116: {  	[tilespmem:$0x8140] =	vst v5  }
0x117: {  	[spmem:s5] =	stream.indirect.scatter [tilespmem:s6], [sflag:$0x3], $0x80, s26, s23, $0xb8;
	[tilespmem:$0x1EC00] =	vst v63  }
0x118: {  	_ =	swait.ge [sflag:s28], $0x2800  }
0x119: {  	[sflag:s28] =	ssyncset.done $0x0  }
0x11a: {  	[sflag:s28] =	ssyncadd.s32 $0xFFFFD800  }
0x11b: {  	s7 =	simm.s32 @!p1 $0x10;
	s8 =	simm.s32 @!p1 $0x8300;
	s15 =	simm.s32 @!p1 $0x7800;
	[tilespmem:$0x8300] =	vst v0  }
0x11c: {  	[spmem:s3] =	stream.indirect.scatter @!p1 [tilespmem:s15], [sflag:$0x3], $0x80, s8, s7, $0xb8;
	[tilespmem:$0x1EC00] =	vst v63  }
0x11d: {  	s7 =	simm.s32 @!p1 $0x3  }
0x11e: {  	_ =	swait.ge @!p1 [sflag:s7], $0x800  }
0x11f: {  	[sflag:s7] =	ssyncset.done @!p1 $0x0  }
0x120: {  	[sflag:s7] =	ssyncadd.s32 @!p1 $0xFFFFF800  }
0x121: {  	s8 =	sadd.s32 $0x0, s22;
	[bflag:$0x0] =	sbarrier.arrive $0xFFFF  }
0x122: {  	[tilespmem:s29], [sflag:$0x3] =	stream.linear.gather [hbm4b:s8+s6], $0x50, $0x38;
	[tilespmem:$0x1EC00] =	vst v63  }
0x123: {  	_ =	swait.ge [sflag:s28], $0x50  }
0x124: {  	[sflag:s28] =	ssyncset.done $0x0  }
0x125: {  	s15 =	sadd.s32 $0x0, s21;
	[sflag:s28] =	ssyncadd.s32 $0xFFFFFFB0  }
0x126: {  	[tilespmem:s26], [sflag:$0x3] =	stream.linear.gather [hbm4b:s15+s6], $0x50, $0x38;
	[tilespmem:$0x1EC00] =	vst v63  }
0x127: {  	_ =	swait.ge [sflag:s28], $0x50  }
0x128: {  	[sflag:s28] =	ssyncset.done $0x0  }
0x129: {  	[sflag:s28] =	ssyncadd.s32 $0xFFFFFFB0  }
0x12a: {  	[tilespmem:s6], [sflag:$0x1] =	stream.indirect.gather [hbm4b:s0+s23], $0x80, s29, s23, $0xb8;
	[tilespmem:$0x1EC00] =	vst v63  }
0x12b: {  	s7 =	sadd.s32 $0xA, s8  }
0x12c: {  	[tilespmem:s30], [sflag:$0x3] =	stream.linear.gather [hbm4b:s7+s6], $0x50, $0x38;
	[tilespmem:$0x1EC00] =	vst v63  }
0x12d: {  	_ =	swait.ge [sflag:s28], $0x50  }
0x12e: {  	[sflag:s28] =	ssyncset.done $0x0  }
0x12f: {  	s25 =	sadd.s32 $0xA, s15;
	[sflag:s28] =	ssyncadd.s32 $0xFFFFFFB0  }
0x130: {  	[tilespmem:s31], [sflag:$0x3] =	stream.linear.gather [hbm4b:s25+s6], $0x50, $0x38;
	[tilespmem:$0x1EC00] =	vst v63  }
0x131: {  	_ =	swait.ge [sflag:s28], $0x50  }
0x132: {  	[sflag:s28] =	ssyncset.done $0x0  }
0x133: {  	[sflag:s28] =	ssyncadd.s32 $0xFFFFFFB0  }
0x134: {  	[tilespmem:s2], [sflag:$0x2] =	stream.indirect.gather [hbm4b:s0+s23], $0x80, s30, s23, $0xb8;
	[tilespmem:$0x1EC00] =	vst v63  }
0x135: {  	v63 =	vld [tilespmem:$0x8140];
	_ =	sdelay $0x1  }
0x136: {  	v60 =	vld [tilespmem:$0x8130]  }
0x137: {  	v56 =	vld [tilespmem:$0x8100]  }
0x138: {  	v57 =	vld [tilespmem:$0x8110]  }
0x139: {  	v58 =	vand.u32 $0x7, v63  }
0x13a: {  	v54 =	vshrl.u32 v63, $0x3;
	[tilespmem:$0x8240] =	vst v58  }
0x13b: {  	v61 =	vand.u32 $0x7, v60;
	[tilespmem:$0x82C0] =	vst v54  }
0x13c: {  	v62 =	vld [tilespmem:$0x8120];
	v59 =	vand.u32 $0x7, v56;
	[tilespmem:$0x8230] =	vst v61  }
0x13d: {  	v63 =	vand.u32 $0x7, v57;
	[tilespmem:$0x8200] =	vst v59  }
0x13e: {  	v56 =	vshrl.u32 v56, $0x3;
	[tilespmem:$0x8210] =	vst v63  }
0x13f: {  	v55 =	vshrl.u32 v60, $0x3;
	[tilespmem:$0x8280] =	vst v56  }
0x140: {  	v60 =	vshrl.u32 v57, $0x3;
	[tilespmem:$0x82B0] =	vst v55  }
0x141: {  	v61 =	vand.u32 $0x7, v62;
	[tilespmem:$0x8290] =	vst v60  }
0x142: {  	v54 =	vshrl.u32 v62, $0x3;
	[tilespmem:$0x8220] =	vst v61  }
0x143: {  	[tilespmem:$0x82A0] =	vst v54  }
0x144: {  	[tilespmem:s10], [sflag:$0x3] =	stream.indirect.gather [spmem:s3], $0x80, s9, s23, $0xb8;
	[tilespmem:$0x1EC00] =	vst v63  }
0x145: {  	_ =	swait.ge [sflag:s28], $0x2800  }
0x146: {  	[sflag:s28] =	ssyncset.done $0x0  }
0x147: {  	[sflag:s28] =	ssyncadd.s32 $0xFFFFD800  }
0x148: {  	_ =	swait.ge [sflag:s11], $0x2800  }
0x149: {  	[sflag:s11] =	ssyncset.done $0x0  }
0x14a: {  	[sflag:s11] =	ssyncadd.s32 $0xFFFFD800  }
0x14b: {  	[spmem:s4] =	stream.indirect.scatter.add.f32 [tilespmem:s6], [sflag:$0x3], $0x80, s26, s23, $0xb8;
	[tilespmem:$0x1EC00] =	vst v63  }
0x14c: {  	_ =	swait.ge [sflag:s28], $0x2800  }
0x14d: {  	[sflag:s28] =	ssyncset.done $0x0  }
0x14e: {  	[sflag:s28] =	ssyncadd.s32 $0xFFFFD800  }
0x14f: {  	[spmem:s5] =	stream.indirect.scatter.add.f32 [tilespmem:s10], [sflag:$0x3], $0x80, s12, s23, $0xb8;
	[tilespmem:$0x1EC00] =	vst v63  }
0x150: {  	_ =	swait.ge [sflag:s28], $0x2800  }
0x151: {  	[sflag:s28] =	ssyncset.done $0x0  }
0x152: {  	[sflag:s28] =	ssyncadd.s32 $0xFFFFD800  }
0x153: {  	v62 =	vld [tilespmem:$0x8190];
	_ =	sdelay $0x1  }
0x154: {  	v55 =	vld [tilespmem:$0x81A0]  }
0x155: {  	v56 =	vld [tilespmem:$0x81B0]  }
0x156: {  	v57 =	vld [tilespmem:$0x8180]  }
0x157: {  	v63 =	vshrl.u32 v62, $0x3  }
0x158: {  	v59 =	vld [tilespmem:$0x81C0];
	v54 =	vand.u32 $0x7, v62;
	[tilespmem:$0x8290] =	vst v63  }
0x159: {  	v60 =	vand.u32 $0x7, v55;
	[tilespmem:$0x8210] =	vst v54  }
0x15a: {  	v61 =	vshrl.u32 v56, $0x3;
	[tilespmem:$0x8220] =	vst v60  }
0x15b: {  	v62 =	vshrl.u32 v57, $0x3;
	[tilespmem:$0x82B0] =	vst v61  }
0x15c: {  	v55 =	vshrl.u32 v55, $0x3;
	v63 =	vand.u32 $0x7, v56;
	[tilespmem:$0x8280] =	vst v62  }
0x15d: {  	s15 =	simm.s32 $0x14;
	v54 =	vand.u32 $0x7, v57;
	v57 =	vand.u32 $0x7, v59;
	v56 =	vshrl.u32 v59, $0x3;
	[tilespmem:$0x8230] =	vst v63  }
.LBB2_18:
0x15e: {  	p3 =	sne.s32 s15, $0x9B0;
	[tilespmem:$0x82A0] =	vst v55;
	s7 =	smov.u32 s15;
	s15 =	sadd.s32 $0x14, s15  }
0x15f: {  	[tilespmem:$0x8240] =	vst v57  }
0x160: {  	[tilespmem:$0x82C0] =	vst v56  }
0x161: {  	[tilespmem:$0x8200] =	vst v54  }
0x162: {  	[tilespmem:s10], [sflag:$0x3] =	stream.indirect.gather [spmem:s3], $0x80, s9, s23, $0xb8;
	[tilespmem:$0x1EC00] =	vst v63  }
0x163: {  	_ =	swait.ge [sflag:s28], $0x2800  }
0x164: {  	[sflag:s28] =	ssyncset.done $0x0  }
0x165: {  	[sflag:s28] =	ssyncadd.s32 $0xFFFFD800  }
0x166: {  	_ =	swait.ge [sflag:s13], $0x2800  }
0x167: {  	[sflag:s13] =	ssyncset.done $0x0  }
0x168: {  	[sflag:s13] =	ssyncadd.s32 $0xFFFFD800  }
0x169: {  	[spmem:s4] =	stream.indirect.scatter.add.f32 [tilespmem:s2], [sflag:$0x3], $0x80, s31, s23, $0xb8;
	[tilespmem:$0x1EC00] =	vst v63  }
0x16a: {  	_ =	swait.ge [sflag:s28], $0x2800  }
0x16b: {  	[sflag:s28] =	ssyncset.done $0x0  }
0x16c: {  	[sflag:s28] =	ssyncadd.s32 $0xFFFFD800  }
0x16d: {  	[spmem:s5] =	stream.indirect.scatter.add.f32 [tilespmem:s10], [sflag:$0x3], $0x80, s12, s23, $0xb8;
	[tilespmem:$0x1EC00] =	vst v63  }
0x16e: {  	_ =	swait.ge [sflag:s28], $0x2800  }
0x16f: {  	[sflag:s28] =	ssyncset.done $0x0  }
0x170: {  	s8 =	sadd.s32 s7, s22;
	[sflag:s28] =	ssyncadd.s32 $0xFFFFD800  }
0x171: {  	[tilespmem:s29], [sflag:$0x3] =	stream.linear.gather [hbm4b:s8+s6], $0x50, $0x38;
	[tilespmem:$0x1EC00] =	vst v63  }
0x172: {  	_ =	swait.ge [sflag:s28], $0x50  }
0x173: {  	[sflag:s28] =	ssyncset.done $0x0  }
0x174: {  	s7 =	sadd.s32 s7, s21;
	[sflag:s28] =	ssyncadd.s32 $0xFFFFFFB0  }
0x175: {  	[tilespmem:s26], [sflag:$0x3] =	stream.linear.gather [hbm4b:s7+s6], $0x50, $0x38;
	[tilespmem:$0x1EC00] =	vst v63  }
0x176: {  	_ =	swait.ge [sflag:s28], $0x50  }
0x177: {  	[sflag:s28] =	ssyncset.done $0x0  }
0x178: {  	[sflag:s28] =	ssyncadd.s32 $0xFFFFFFB0  }
0x179: {  	[tilespmem:s6], [sflag:$0x1] =	stream.indirect.gather [hbm4b:s0+s23], $0x80, s29, s23, $0xb8;
	[tilespmem:$0x1EC00] =	vst v63  }
0x17a: {  	s8 =	sadd.s32 $0xA, s8  }
0x17b: {  	[tilespmem:s30], [sflag:$0x3] =	stream.linear.gather [hbm4b:s8+s6], $0x50, $0x38;
	[tilespmem:$0x1EC00] =	vst v63  }
0x17c: {  	_ =	swait.ge [sflag:s28], $0x50  }
0x17d: {  	[sflag:s28] =	ssyncset.done $0x0  }
0x17e: {  	s7 =	sadd.s32 $0xA, s7;
	[sflag:s28] =	ssyncadd.s32 $0xFFFFFFB0  }
0x17f: {  	[tilespmem:s31], [sflag:$0x3] =	stream.linear.gather [hbm4b:s7+s6], $0x50, $0x38;
	[tilespmem:$0x1EC00] =	vst v63  }
0x180: {  	_ =	swait.ge [sflag:s28], $0x50  }
0x181: {  	[sflag:s28] =	ssyncset.done $0x0  }
0x182: {  	[sflag:s28] =	ssyncadd.s32 $0xFFFFFFB0  }
0x183: {  	[tilespmem:s2], [sflag:$0x2] =	stream.indirect.gather [hbm4b:s0+s23], $0x80, s30, s23, $0xb8;
	[tilespmem:$0x1EC00] =	vst v63  }
0x184: {  	v54 =	vld [tilespmem:$0x8140]  }
0x185: {  	v55 =	vld [tilespmem:$0x8130]  }
0x186: {  	v56 =	vld [tilespmem:$0x8100]  }
0x187: {  	v57 =	vld [tilespmem:$0x8110]  }
0x188: {  	v58 =	vld [tilespmem:$0x8120]  }
0x189: {  	v59 =	vand.u32 $0x7, v54;
	v54 =	vshrl.u32 v54, $0x3  }
0x18a: {  	v60 =	vand.u32 $0x7, v55;
	v55 =	vshrl.u32 v55, $0x3;
	[tilespmem:$0x8240] =	vst v59  }
0x18b: {  	v59 =	vand.u32 $0x7, v56;
	v56 =	vshrl.u32 v56, $0x3;
	[tilespmem:$0x82C0] =	vst v54  }
0x18c: {  	v54 =	vand.u32 $0x7, v57;
	v57 =	vshrl.u32 v57, $0x3;
	[tilespmem:$0x8230] =	vst v60  }
0x18d: {  	[tilespmem:$0x8200] =	vst v59;
	v59 =	vand.u32 $0x7, v58;
	v58 =	vshrl.u32 v58, $0x3  }
0x18e: {  	[tilespmem:$0x8210] =	vst v54  }
0x18f: {  	[tilespmem:$0x8280] =	vst v56  }
0x190: {  	[tilespmem:$0x82B0] =	vst v55  }
0x191: {  	[tilespmem:$0x8290] =	vst v57  }
0x192: {  	[tilespmem:$0x8220] =	vst v59  }
0x193: {  	[tilespmem:$0x82A0] =	vst v58  }
0x194: {  	[tilespmem:s10], [sflag:$0x3] =	stream.indirect.gather [spmem:s3], $0x80, s9, s23, $0xb8;
	[tilespmem:$0x1EC00] =	vst v63  }
0x195: {  	_ =	swait.ge [sflag:s28], $0x2800  }
0x196: {  	[sflag:s28] =	ssyncset.done $0x0  }
0x197: {  	[sflag:s28] =	ssyncadd.s32 $0xFFFFD800  }
0x198: {  	_ =	swait.ge [sflag:s11], $0x2800  }
0x199: {  	[sflag:s11] =	ssyncset.done $0x0  }
0x19a: {  	[sflag:s11] =	ssyncadd.s32 $0xFFFFD800  }
0x19b: {  	[spmem:s4] =	stream.indirect.scatter.add.f32 [tilespmem:s6], [sflag:$0x3], $0x80, s26, s23, $0xb8;
	[tilespmem:$0x1EC00] =	vst v63  }
0x19c: {  	_ =	swait.ge [sflag:s28], $0x2800  }
0x19d: {  	[sflag:s28] =	ssyncset.done $0x0  }
0x19e: {  	[sflag:s28] =	ssyncadd.s32 $0xFFFFD800  }
0x19f: {  	[spmem:s5] =	stream.indirect.scatter.add.f32 [tilespmem:s10], [sflag:$0x3], $0x80, s12, s23, $0xb8;
	[tilespmem:$0x1EC00] =	vst v63  }
0x1a0: {  	_ =	swait.ge [sflag:s28], $0x2800  }
0x1a1: {  	[sflag:s28] =	ssyncset.done $0x0  }
0x1a2: {  	[sflag:s28] =	ssyncadd.s32 $0xFFFFD800  }
0x1a3: {  	v54 =	vld [tilespmem:$0x8190]  }
0x1a4: {  	v55 =	vld [tilespmem:$0x81B0]  }
0x1a5: {  	v56 =	vld [tilespmem:$0x81A0]  }
0x1a6: {  	v57 =	vld [tilespmem:$0x8180]  }
0x1a7: {  	v58 =	vld [tilespmem:$0x81C0]  }
0x1a8: {  	v59 =	vshrl.u32 v54, $0x3  }
0x1a9: {  	v54 =	vand.u32 $0x7, v54;
	[tilespmem:$0x8290] =	vst v59;
	v59 =	vand.u32 $0x7, v55;
	v60 =	vshrl.u32 v55, $0x3  }
.Ltmp6:
0x1aa: {  	[tilespmem:$0x8210] =	vst v54;
	v61 =	vand.u32 $0x7, v56;
	v55 =	vshrl.u32 v56, $0x3;
	(pc) =	sbr.rel @p3 .LBB2_18-.Ltmp6, $4  }
0x1ab: {  	v54 =	vand.u32 $0x7, v57;
	v62 =	vshrl.u32 v57, $0x3;
	[tilespmem:$0x8220] =	vst v61  }
0x1ac: {  	[tilespmem:$0x82B0] =	vst v60;
	v57 =	vand.u32 $0x7, v58;
	v56 =	vshrl.u32 v58, $0x3  }
0x1ad: {  	[tilespmem:$0x8280] =	vst v62  }
0x1ae: {  	[tilespmem:$0x8230] =	vst v59  }
0x1af: {  	[tilespmem:$0x82A0] =	vst v55  }
0x1b0: {  	[tilespmem:$0x8240] =	vst v57  }
0x1b1: {  	[tilespmem:$0x82C0] =	vst v56  }
0x1b2: {  	[tilespmem:$0x8200] =	vst v54  }
0x1b3: {  	[tilespmem:s10], [sflag:$0x3] =	stream.indirect.gather [spmem:s3], $0x80, s9, s23, $0xb8;
	[tilespmem:$0x1EC00] =	vst v63  }
0x1b4: {  	_ =	swait.ge [sflag:s28], $0x2800  }
0x1b5: {  	[sflag:s28] =	ssyncset.done $0x0  }
0x1b6: {  	[sflag:s28] =	ssyncadd.s32 $0xFFFFD800  }
0x1b7: {  	_ =	swait.ge [sflag:s13], $0x2800  }
0x1b8: {  	[sflag:s13] =	ssyncset.done $0x0  }
0x1b9: {  	[sflag:s13] =	ssyncadd.s32 $0xFFFFD800  }
0x1ba: {  	[spmem:s4] =	stream.indirect.scatter.add.f32 [tilespmem:s2], [sflag:$0x3], $0x80, s31, s23, $0xb8;
	[tilespmem:$0x1EC00] =	vst v63  }
0x1bb: {  	_ =	swait.ge [sflag:s28], $0x2800  }
0x1bc: {  	[sflag:s28] =	ssyncset.done $0x0  }
0x1bd: {  	[sflag:s28] =	ssyncadd.s32 $0xFFFFD800  }
0x1be: {  	[spmem:s5] =	stream.indirect.scatter.add.f32 [tilespmem:s10], [sflag:$0x3], $0x80, s12, s23, $0xb8;
	[tilespmem:$0x1EC00] =	vst v63  }
.Ltmp7:
0x1bf: {  	_ =	swait.ge [sflag:s28], $0x2800;
	(pc) =	sbr.rel @p2 .LBB2_21-.Ltmp7, $4  }
0x1c0: {  	[sflag:s28] =	ssyncset.done $0x0  }
0x1c1: {  	[sflag:s28] =	ssyncadd.s32 $0xFFFFD800  }
0x1c2: {  	[bflag:$0x0] =	sbarrier.arrive $0xFFFF  }
0x1c3: {  	[tilespmem:$0x8100] =	vst v6  }
0x1c4: {  	[tilespmem:$0x8110] =	vst v7  }
0x1c5: {  	[tilespmem:$0x8120] =	vst v8  }
0x1c6: {  	[tilespmem:$0x8130] =	vst v9  }
0x1c7: {  	[tilespmem:$0x8140] =	vst v10  }
0x1c8: {  	[tilespmem:s6], [sflag:$0x3] =	stream.indirect.gather [spmem:s4], $0x80, s26, s23, $0xb8;
	[tilespmem:$0x1EC00] =	vst v63  }
0x1c9: {  	_ =	swait.ge [sflag:s28], $0x2800  }
0x1ca: {  	[sflag:s28] =	ssyncset.done $0x0  }
0x1cb: {  	s7 =	rddreg [dreg:$0x1b];
	[sflag:s28] =	ssyncadd.s32 $0xFFFFD800  }
0x1cc: {  	[hbm4b:s7+s6] =	stream.linear.scatter [tilespmem:s6], [sflag:$0x3], $0x2800, $0x38;
	[tilespmem:$0x1EC00] =	vst v63  }
0x1cd: {  	_ =	swait.ge [sflag:s28], $0x2800  }
0x1ce: {  	[sflag:s28] =	ssyncset.done $0x0  }
0x1cf: {  	[sflag:s28] =	ssyncadd.s32 $0xFFFFD800  }
0x1d0: {  	[tilespmem:$0x8100] =	vst v11  }
0x1d1: {  	[tilespmem:$0x8110] =	vst v12  }
0x1d2: {  	[tilespmem:$0x8120] =	vst v13  }
0x1d3: {  	[tilespmem:$0x8130] =	vst v14  }
0x1d4: {  	[tilespmem:$0x8140] =	vst v15  }
0x1d5: {  	[tilespmem:s6], [sflag:$0x3] =	stream.indirect.gather [spmem:s4], $0x80, s26, s23, $0xb8;
	[tilespmem:$0x1EC00] =	vst v63  }
0x1d6: {  	_ =	swait.ge [sflag:s28], $0x2800  }
0x1d7: {  	[sflag:s28] =	ssyncset.done $0x0  }
0x1d8: {  	s25 =	rddreg [dreg:$0x1c];
	[sflag:s28] =	ssyncadd.s32 $0xFFFFD800  }
0x1d9: {  	[hbm4b:s25+s6] =	stream.linear.scatter [tilespmem:s6], [sflag:$0x3], $0x2800, $0x38;
	[tilespmem:$0x1EC00] =	vst v63  }
0x1da: {  	_ =	swait.ge [sflag:s28], $0x2800  }
0x1db: {  	[sflag:s28] =	ssyncset.done $0x0  }
0x1dc: {  	[sflag:s28] =	ssyncadd.s32 $0xFFFFD800  }
0x1dd: {  	[tilespmem:$0x8100] =	vst v16  }
0x1de: {  	[tilespmem:$0x8110] =	vst v17  }
0x1df: {  	[tilespmem:$0x8120] =	vst v18  }
0x1e0: {  	[tilespmem:$0x8130] =	vst v19  }
0x1e1: {  	[tilespmem:$0x8140] =	vst v20  }
0x1e2: {  	[tilespmem:s6], [sflag:$0x3] =	stream.indirect.gather [spmem:s4], $0x80, s26, s23, $0xb8;
	[tilespmem:$0x1EC00] =	vst v63  }
0x1e3: {  	_ =	swait.ge [sflag:s28], $0x2800  }
0x1e4: {  	[sflag:s28] =	ssyncset.done $0x0  }
0x1e5: {  	s8 =	rddreg [dreg:$0x1d];
	[sflag:s28] =	ssyncadd.s32 $0xFFFFD800  }
0x1e6: {  	[hbm4b:s8+s6] =	stream.linear.scatter [tilespmem:s6], [sflag:$0x3], $0x2800, $0x38;
	[tilespmem:$0x1EC00] =	vst v63  }
0x1e7: {  	_ =	swait.ge [sflag:s28], $0x2800  }
0x1e8: {  	[sflag:s28] =	ssyncset.done $0x0  }
0x1e9: {  	[sflag:s28] =	ssyncadd.s32 $0xFFFFD800  }
0x1ea: {  	[tilespmem:$0x8100] =	vst v21  }
0x1eb: {  	[tilespmem:$0x8110] =	vst v22  }
0x1ec: {  	[tilespmem:$0x8120] =	vst v23  }
0x1ed: {  	[tilespmem:$0x8130] =	vst v24  }
0x1ee: {  	[tilespmem:$0x8140] =	vst v25  }
0x1ef: {  	[tilespmem:s6], [sflag:$0x3] =	stream.indirect.gather [spmem:s4], $0x80, s26, s23, $0xb8;
	[tilespmem:$0x1EC00] =	vst v63  }
0x1f0: {  	_ =	swait.ge [sflag:s28], $0x2800  }
0x1f1: {  	[sflag:s28] =	ssyncset.done $0x0  }
0x1f2: {  	s15 =	rddreg [dreg:$0x1e];
	[sflag:s28] =	ssyncadd.s32 $0xFFFFD800  }
0x1f3: {  	[hbm4b:s15+s6] =	stream.linear.scatter [tilespmem:s6], [sflag:$0x3], $0x2800, $0x38;
	[tilespmem:$0x1EC00] =	vst v63  }
0x1f4: {  	_ =	swait.ge [sflag:s28], $0x2800  }
0x1f5: {  	[sflag:s28] =	ssyncset.done $0x0  }
0x1f6: {  	[sflag:s28] =	ssyncadd.s32 $0xFFFFD800  }
0x1f7: {  	[tilespmem:$0x8100] =	vst v26  }
0x1f8: {  	[tilespmem:$0x8110] =	vst v27  }
0x1f9: {  	[tilespmem:$0x8120] =	vst v28  }
0x1fa: {  	[tilespmem:$0x8130] =	vst v29  }
0x1fb: {  	[tilespmem:$0x8140] =	vst v30  }
0x1fc: {  	[tilespmem:s6], [sflag:$0x3] =	stream.indirect.gather [spmem:s4], $0x80, s26, s23, $0xb8;
	[tilespmem:$0x1EC00] =	vst v63  }
0x1fd: {  	_ =	swait.ge [sflag:s28], $0x2800  }
0x1fe: {  	[sflag:s28] =	ssyncset.done $0x0  }
0x1ff: {  	s25 =	rddreg [dreg:$0x1f];
	[sflag:s28] =	ssyncadd.s32 $0xFFFFD800  }
0x200: {  	[hbm4b:s25+s6] =	stream.linear.scatter [tilespmem:s6], [sflag:$0x3], $0x2800, $0x38;
	[tilespmem:$0x1EC00] =	vst v63  }
0x201: {  	_ =	swait.ge [sflag:s28], $0x2800  }
0x202: {  	[sflag:s28] =	ssyncset.done $0x0  }
0x203: {  	[sflag:s28] =	ssyncadd.s32 $0xFFFFD800  }
0x204: {  	[tilespmem:$0x8100] =	vst v31  }
0x205: {  	[tilespmem:$0x8110] =	vst v32  }
0x206: {  	[tilespmem:$0x8120] =	vst v33  }
0x207: {  	[tilespmem:$0x8130] =	vst v34  }
0x208: {  	[tilespmem:$0x8140] =	vst v35  }
0x209: {  	[tilespmem:s6], [sflag:$0x3] =	stream.indirect.gather [spmem:s4], $0x80, s26, s23, $0xb8;
	[tilespmem:$0x1EC00] =	vst v63  }
0x20a: {  	_ =	swait.ge [sflag:s28], $0x2800  }
0x20b: {  	s8 =	sld [smem:$0x7E7]  }
0x20c: {  	[sflag:s28] =	ssyncset.done $0x0  }
0x20d: {  	[sflag:s28] =	ssyncadd.s32 $0xFFFFD800  }
0x20e: {  	[hbm4b:s8+s6] =	stream.linear.scatter [tilespmem:s6], [sflag:$0x3], $0x2800, $0x38;
	[tilespmem:$0x1EC00] =	vst v63  }
0x20f: {  	_ =	swait.ge [sflag:s28], $0x2800  }
0x210: {  	[sflag:s28] =	ssyncset.done $0x0  }
0x211: {  	[sflag:s28] =	ssyncadd.s32 $0xFFFFD800  }
0x212: {  	[tilespmem:$0x8100] =	vst v36  }
0x213: {  	[tilespmem:$0x8110] =	vst v37  }
0x214: {  	[tilespmem:$0x8120] =	vst v38  }
0x215: {  	[tilespmem:$0x8130] =	vst v39  }
0x216: {  	[tilespmem:$0x8140] =	vst v40  }
0x217: {  	[tilespmem:s6], [sflag:$0x3] =	stream.indirect.gather [spmem:s4], $0x80, s26, s23, $0xb8;
	[tilespmem:$0x1EC00] =	vst v63  }
0x218: {  	_ =	swait.ge [sflag:s28], $0x2800  }
0x219: {  	s15 =	sld [smem:$0x7EB]  }
0x21a: {  	[sflag:s28] =	ssyncset.done $0x0  }
0x21b: {  	[sflag:s28] =	ssyncadd.s32 $0xFFFFD800  }
0x21c: {  	[hbm4b:s15+s6] =	stream.linear.scatter [tilespmem:s6], [sflag:$0x3], $0x2800, $0x38;
	[tilespmem:$0x1EC00] =	vst v63  }
0x21d: {  	_ =	swait.ge [sflag:s28], $0x2800  }
0x21e: {  	[sflag:s28] =	ssyncset.done $0x0  }
0x21f: {  	[sflag:s28] =	ssyncadd.s32 $0xFFFFD800  }
0x220: {  	[tilespmem:$0x8100] =	vst v41  }
0x221: {  	[tilespmem:$0x8110] =	vst v42  }
0x222: {  	[tilespmem:$0x8120] =	vst v43  }
0x223: {  	[tilespmem:$0x8130] =	vst v45  }
0x224: {  	[tilespmem:$0x8140] =	vst v46  }
0x225: {  	[tilespmem:s6], [sflag:$0x3] =	stream.indirect.gather [spmem:s4], $0x80, s26, s23, $0xb8;
	[tilespmem:$0x1EC00] =	vst v63  }
0x226: {  	_ =	swait.ge [sflag:s28], $0x2800  }
0x227: {  	s25 =	sld [smem:$0x7EC]  }
0x228: {  	[sflag:s28] =	ssyncset.done $0x0  }
.Ltmp8:
0x229: {  	[sflag:s28] =	ssyncadd.s32 $0xFFFFD800;
	(pc) =	sbr.rel .LBB2_22-.Ltmp8, $4  }
0x22a: {  	[hbm4b:s25+s6] =	stream.linear.scatter [tilespmem:s6], [sflag:$0x3], $0x2400, $0x38;
	[tilespmem:$0x1EC00] =	vst v63  }
0x22b: {  	_ =	swait.ge [sflag:s28], $0x2400  }
0x22c: {  	[sflag:s28] =	ssyncset.done $0x0  }
0x22d: {  	s7 =	rddreg [dreg:$0xa];
	[sflag:s28] =	ssyncadd.s32 $0xFFFFDC00  }
.LBB2_2:
0x22e: {  	p3 =	sne.s32 s8, $0x9E00;
	[tilespmem:s7+$0x70] =	vst v44  }
0x22f: {  	[tilespmem:s7+$0x0] =	vst v44  }
0x230: {  	[tilespmem:s7+$0x10] =	vst v44  }
.Ltmp9:
0x231: {  	[tilespmem:s7+$0x20] =	vst v44;
	(pc) =	sbr.rel @p3 .LBB2_2-.Ltmp9, $4  }
0x232: {  	[tilespmem:s7+$0x30] =	vst v44  }
0x233: {  	[tilespmem:s7+$0x40] =	vst v44  }
0x234: {  	[tilespmem:s7+$0x50] =	vst v44  }
0x235: {  	[tilespmem:s7+$0x60] =	vst v44;
	s7 =	sshra.s32 s8, $0x2;
	s8 =	sadd.s32 $0x200, s8  }
0x236: {  	[tilespmem:s7+$0x70] =	vst v44  }
0x237: {  	[tilespmem:s7+$0x0] =	vst v44  }
0x238: {  	[tilespmem:s7+$0x10] =	vst v44  }
0x239: {  	[tilespmem:s7+$0x20] =	vst v44  }
0x23a: {  	[tilespmem:s7+$0x30] =	vst v44  }
0x23b: {  	[tilespmem:s7+$0x40] =	vst v44  }
0x23c: {  	[tilespmem:s7+$0x50] =	vst v44  }
0x23d: {  	[tilespmem:s7+$0x60] =	vst v44;
	s7 =	simm.s32 $0x0;
	s8 =	simm.s32 $0x200  }
.LBB2_4:
0x23e: {  	p3 =	sne.s32 s8, $0x1E00;
	[tilespmem:s7+$0x7870] =	vst v44  }
0x23f: {  	[tilespmem:s7+$0x7800] =	vst v44  }
0x240: {  	[tilespmem:s7+$0x7810] =	vst v44  }
.Ltmp10:
0x241: {  	[tilespmem:s7+$0x7820] =	vst v44;
	(pc) =	sbr.rel @p3 .LBB2_4-.Ltmp10, $4  }
0x242: {  	[tilespmem:s7+$0x7830] =	vst v44  }
0x243: {  	[tilespmem:s7+$0x7840] =	vst v44  }
0x244: {  	[tilespmem:s7+$0x7850] =	vst v44  }
0x245: {  	[tilespmem:s7+$0x7860] =	vst v44;
	s7 =	sshra.s32 s8, $0x2;
	s8 =	sadd.s32 $0x200, s8  }
0x246: {  	[tilespmem:s7+$0x7870] =	vst v44  }
0x247: {  	[tilespmem:s7+$0x7800] =	vst v44  }
0x248: {  	[tilespmem:s7+$0x7810] =	vst v44  }
0x249: {  	[tilespmem:s7+$0x7820] =	vst v44  }
0x24a: {  	[tilespmem:s7+$0x7830] =	vst v44  }
0x24b: {  	[tilespmem:s7+$0x7840] =	vst v44  }
0x24c: {  	[tilespmem:s7+$0x7850] =	vst v44  }
0x24d: {  	[tilespmem:s7+$0x7860] =	vst v44  }
0x24e: {  	[tilespmem:$0x7800] =	vst v47  }
0x24f: {  	[tilespmem:$0x7890] =	vst v47  }
0x250: {  	[tilespmem:$0x7920] =	vst v47  }
0x251: {  	[tilespmem:$0x79B0] =	vst v47  }
0x252: {  	[tilespmem:$0x7A40] =	vst v47  }
0x253: {  	[tilespmem:$0x7AD0] =	vst v47  }
0x254: {  	s7 =	sadd.s32 $0x0, s24;
	[tilespmem:$0x7B60] =	vst v47  }
0x255: {  	[tilespmem:$0x7BF0] =	vst v47;
	v54 =	vor.u32 s7, v0;
	s8 =	sadd.s32 $0x40, s7  }
0x256: {  	s15 =	sadd.s32 $0x30, s7;
	[tilespmem:$0x8100] =	vst v54;
	v63 =	vor.u32 s8, v0  }
0x257: {  	s25 =	sadd.s32 $0x20, s7;
	v55 =	vor.u32 s15, v0;
	[tilespmem:$0x8140] =	vst v63  }
0x258: {  	s8 =	sadd.s32 $0x10, s7;
	v54 =	vor.u32 s25, v0;
	s7 =	simm.s32 $0x50;
	[tilespmem:$0x8130] =	vst v55  }
.LBB2_6:
0x259: {  	p3 =	sne.s32 s7, $0x230;
	v55 =	vor.u32 s8, v0;
	[tilespmem:$0x8120] =	vst v54  }
0x25a: {  	[tilespmem:$0x8110] =	vst v55;
	[spmem:s4] =	stream.indirect.scatter [tilespmem:s6], [sflag:$0x3], $0x80, s26, s23, $0xb8  }
0x25b: {  	_ =	swait.ge [sflag:s28], $0x2800  }
.Ltmp11:
0x25c: {  	s8 =	sadd.s32 s7, s24;
	[sflag:s28] =	ssyncset.done $0x0;
	(pc) =	sbr.rel @p3 .LBB2_6-.Ltmp11, $4  }
0x25d: {  	v54 =	vor.u32 s8, v0;
	s15 =	sadd.s32 $0x40, s8;
	[sflag:s28] =	ssyncadd.s32 $0xFFFFD800  }
0x25e: {  	s25 =	sadd.s32 $0x30, s8;
	[tilespmem:$0x8100] =	vst v54;
	v54 =	vor.u32 s15, v0  }
0x25f: {  	v55 =	vor.u32 s25, v0;
	s15 =	sadd.s32 $0x20, s8;
	[tilespmem:$0x8140] =	vst v54  }
0x260: {  	s7 =	sadd.s32 $0x50, s7;
	s8 =	sadd.s32 $0x10, s8;
	v54 =	vor.u32 s15, v0;
	[tilespmem:$0x8130] =	vst v55  }
0x261: {  	v55 =	vor.u32 s8, v0;
	[tilespmem:$0x8120] =	vst v54  }
0x262: {  	[tilespmem:$0x8110] =	vst v55  }
0x263: {  	[spmem:s4] =	stream.indirect.scatter [tilespmem:s6], [sflag:$0x3], $0x80, s26, s23, $0xb8;
	[tilespmem:$0x1EC00] =	vst v63  }
0x264: {  	_ =	swait.ge [sflag:s28], $0x2800  }
0x265: {  	[sflag:s28] =	ssyncset.done $0x0  }
0x266: {  	[sflag:s28] =	ssyncadd.s32 $0xFFFFD800  }
0x267: {  	[tilespmem:$0x8100] =	vst v1  }
0x268: {  	[tilespmem:$0x8110] =	vst v2  }
0x269: {  	[tilespmem:$0x8120] =	vst v3  }
0x26a: {  	[tilespmem:$0x8130] =	vst v4  }
0x26b: {  	[tilespmem:$0x8140] =	vst v5  }
0x26c: {  	[spmem:s5] =	stream.indirect.scatter [tilespmem:s6], [sflag:$0x3], $0x80, s26, s23, $0xb8;
	[tilespmem:$0x1EC00] =	vst v63  }
0x26d: {  	_ =	swait.ge [sflag:s28], $0x2800  }
0x26e: {  	[sflag:s28] =	ssyncset.done $0x0  }
0x26f: {  	[sflag:s28] =	ssyncadd.s32 $0xFFFFD800  }
0x270: {  	s7 =	simm.s32 @!p1 $0x10;
	s8 =	simm.s32 @!p1 $0x8300;
	s15 =	simm.s32 @!p1 $0x7800;
	[tilespmem:$0x8300] =	vst v0  }
0x271: {  	[spmem:s3] =	stream.indirect.scatter @!p1 [tilespmem:s15], [sflag:$0x3], $0x80, s8, s7, $0xb8;
	[tilespmem:$0x1EC00] =	vst v63  }
0x272: {  	s7 =	simm.s32 @!p1 $0x3  }
0x273: {  	_ =	swait.ge @!p1 [sflag:s7], $0x800  }
0x274: {  	[sflag:s7] =	ssyncset.done @!p1 $0x0  }
0x275: {  	[sflag:s7] =	ssyncadd.s32 @!p1 $0xFFFFF800  }
0x276: {  	s8 =	sadd.s32 $0x0, s20;
	[bflag:$0x0] =	sbarrier.arrive $0xFFFF  }
0x277: {  	[tilespmem:s29], [sflag:$0x3] =	stream.linear.gather [hbm4b:s8+s6], $0x50, $0x38;
	[tilespmem:$0x1EC00] =	vst v63  }
0x278: {  	_ =	swait.ge [sflag:s28], $0x50  }
0x279: {  	[sflag:s28] =	ssyncset.done $0x0  }
0x27a: {  	s15 =	sadd.s32 $0x0, s19;
	[sflag:s28] =	ssyncadd.s32 $0xFFFFFFB0  }
0x27b: {  	[tilespmem:s26], [sflag:$0x3] =	stream.linear.gather [hbm4b:s15+s6], $0x50, $0x38;
	[tilespmem:$0x1EC00] =	vst v63  }
0x27c: {  	_ =	swait.ge [sflag:s28], $0x50  }
0x27d: {  	[sflag:s28] =	ssyncset.done $0x0  }
0x27e: {  	[sflag:s28] =	ssyncadd.s32 $0xFFFFFFB0  }
0x27f: {  	[tilespmem:s6], [sflag:$0x1] =	stream.indirect.gather [hbm4b:s1+s23], $0x80, s29, s23, $0xb8;
	[tilespmem:$0x1EC00] =	vst v63  }
0x280: {  	s7 =	sadd.s32 $0xA, s8  }
0x281: {  	[tilespmem:s30], [sflag:$0x3] =	stream.linear.gather [hbm4b:s7+s6], $0x50, $0x38;
	[tilespmem:$0x1EC00] =	vst v63  }
0x282: {  	_ =	swait.ge [sflag:s28], $0x50  }
0x283: {  	[sflag:s28] =	ssyncset.done $0x0  }
0x284: {  	s25 =	sadd.s32 $0xA, s15;
	[sflag:s28] =	ssyncadd.s32 $0xFFFFFFB0  }
0x285: {  	[tilespmem:s31], [sflag:$0x3] =	stream.linear.gather [hbm4b:s25+s6], $0x50, $0x38;
	[tilespmem:$0x1EC00] =	vst v63  }
0x286: {  	_ =	swait.ge [sflag:s28], $0x50  }
0x287: {  	[sflag:s28] =	ssyncset.done $0x0  }
0x288: {  	[sflag:s28] =	ssyncadd.s32 $0xFFFFFFB0  }
0x289: {  	[tilespmem:s2], [sflag:$0x2] =	stream.indirect.gather [hbm4b:s1+s23], $0x80, s30, s23, $0xb8;
	[tilespmem:$0x1EC00] =	vst v63  }
0x28a: {  	v63 =	vld [tilespmem:$0x8140];
	_ =	sdelay $0x1  }
0x28b: {  	v60 =	vld [tilespmem:$0x8130]  }
0x28c: {  	v56 =	vld [tilespmem:$0x8100]  }
0x28d: {  	v57 =	vld [tilespmem:$0x8110]  }
0x28e: {  	v58 =	vand.u32 $0x7, v63  }
0x28f: {  	v54 =	vshrl.u32 v63, $0x3;
	[tilespmem:$0x8240] =	vst v58  }
0x290: {  	v61 =	vand.u32 $0x7, v60;
	[tilespmem:$0x82C0] =	vst v54  }
0x291: {  	v62 =	vld [tilespmem:$0x8120];
	v59 =	vand.u32 $0x7, v56;
	[tilespmem:$0x8230] =	vst v61  }
0x292: {  	v63 =	vand.u32 $0x7, v57;
	[tilespmem:$0x8200] =	vst v59  }
0x293: {  	v56 =	vshrl.u32 v56, $0x3;
	[tilespmem:$0x8210] =	vst v63  }
0x294: {  	v55 =	vshrl.u32 v60, $0x3;
	[tilespmem:$0x8280] =	vst v56  }
0x295: {  	v60 =	vshrl.u32 v57, $0x3;
	[tilespmem:$0x82B0] =	vst v55  }
0x296: {  	v61 =	vand.u32 $0x7, v62;
	[tilespmem:$0x8290] =	vst v60  }
0x297: {  	v54 =	vshrl.u32 v62, $0x3;
	[tilespmem:$0x8220] =	vst v61  }
0x298: {  	[tilespmem:$0x82A0] =	vst v54  }
0x299: {  	[tilespmem:s10], [sflag:$0x3] =	stream.indirect.gather [spmem:s3], $0x80, s9, s23, $0xb8;
	[tilespmem:$0x1EC00] =	vst v63  }
0x29a: {  	_ =	swait.ge [sflag:s28], $0x2800  }
0x29b: {  	[sflag:s28] =	ssyncset.done $0x0  }
0x29c: {  	[sflag:s28] =	ssyncadd.s32 $0xFFFFD800  }
0x29d: {  	_ =	swait.ge [sflag:s11], $0x2800  }
0x29e: {  	[sflag:s11] =	ssyncset.done $0x0  }
0x29f: {  	[sflag:s11] =	ssyncadd.s32 $0xFFFFD800  }
0x2a0: {  	[spmem:s4] =	stream.indirect.scatter.add.f32 [tilespmem:s6], [sflag:$0x3], $0x80, s26, s23, $0xb8;
	[tilespmem:$0x1EC00] =	vst v63  }
0x2a1: {  	_ =	swait.ge [sflag:s28], $0x2800  }
0x2a2: {  	[sflag:s28] =	ssyncset.done $0x0  }
0x2a3: {  	[sflag:s28] =	ssyncadd.s32 $0xFFFFD800  }
0x2a4: {  	[spmem:s5] =	stream.indirect.scatter.add.f32 [tilespmem:s10], [sflag:$0x3], $0x80, s12, s23, $0xb8;
	[tilespmem:$0x1EC00] =	vst v63  }
0x2a5: {  	_ =	swait.ge [sflag:s28], $0x2800  }
0x2a6: {  	[sflag:s28] =	ssyncset.done $0x0  }
0x2a7: {  	[sflag:s28] =	ssyncadd.s32 $0xFFFFD800  }
0x2a8: {  	v62 =	vld [tilespmem:$0x8190];
	_ =	sdelay $0x1  }
0x2a9: {  	v55 =	vld [tilespmem:$0x81A0]  }
0x2aa: {  	v56 =	vld [tilespmem:$0x81B0]  }
0x2ab: {  	v57 =	vld [tilespmem:$0x8180]  }
0x2ac: {  	v63 =	vshrl.u32 v62, $0x3  }
0x2ad: {  	v59 =	vld [tilespmem:$0x81C0];
	v54 =	vand.u32 $0x7, v62;
	[tilespmem:$0x8290] =	vst v63  }
0x2ae: {  	v60 =	vand.u32 $0x7, v55;
	[tilespmem:$0x8210] =	vst v54  }
0x2af: {  	v61 =	vshrl.u32 v56, $0x3;
	[tilespmem:$0x8220] =	vst v60  }
0x2b0: {  	v62 =	vshrl.u32 v57, $0x3;
	[tilespmem:$0x82B0] =	vst v61  }
0x2b1: {  	v55 =	vshrl.u32 v55, $0x3;
	v63 =	vand.u32 $0x7, v56;
	[tilespmem:$0x8280] =	vst v62  }
0x2b2: {  	s15 =	simm.s32 $0x14;
	v54 =	vand.u32 $0x7, v57;
	v57 =	vand.u32 $0x7, v59;
	v56 =	vshrl.u32 v59, $0x3;
	[tilespmem:$0x8230] =	vst v63  }
.LBB2_8:
0x2b3: {  	p3 =	sne.s32 s15, $0x9B0;
	[tilespmem:$0x82A0] =	vst v55;
	s7 =	smov.u32 s15;
	s15 =	sadd.s32 $0x14, s15  }
0x2b4: {  	[tilespmem:$0x8240] =	vst v57  }
0x2b5: {  	[tilespmem:$0x82C0] =	vst v56  }
0x2b6: {  	[tilespmem:$0x8200] =	vst v54  }
0x2b7: {  	[tilespmem:s10], [sflag:$0x3] =	stream.indirect.gather [spmem:s3], $0x80, s9, s23, $0xb8;
	[tilespmem:$0x1EC00] =	vst v63  }
0x2b8: {  	_ =	swait.ge [sflag:s28], $0x2800  }
0x2b9: {  	[sflag:s28] =	ssyncset.done $0x0  }
0x2ba: {  	[sflag:s28] =	ssyncadd.s32 $0xFFFFD800  }
0x2bb: {  	_ =	swait.ge [sflag:s13], $0x2800  }
0x2bc: {  	[sflag:s13] =	ssyncset.done $0x0  }
0x2bd: {  	[sflag:s13] =	ssyncadd.s32 $0xFFFFD800  }
0x2be: {  	[spmem:s4] =	stream.indirect.scatter.add.f32 [tilespmem:s2], [sflag:$0x3], $0x80, s31, s23, $0xb8;
	[tilespmem:$0x1EC00] =	vst v63  }
0x2bf: {  	_ =	swait.ge [sflag:s28], $0x2800  }
0x2c0: {  	[sflag:s28] =	ssyncset.done $0x0  }
0x2c1: {  	[sflag:s28] =	ssyncadd.s32 $0xFFFFD800  }
0x2c2: {  	[spmem:s5] =	stream.indirect.scatter.add.f32 [tilespmem:s10], [sflag:$0x3], $0x80, s12, s23, $0xb8;
	[tilespmem:$0x1EC00] =	vst v63  }
0x2c3: {  	_ =	swait.ge [sflag:s28], $0x2800  }
0x2c4: {  	[sflag:s28] =	ssyncset.done $0x0  }
0x2c5: {  	s8 =	sadd.s32 s7, s20;
	[sflag:s28] =	ssyncadd.s32 $0xFFFFD800  }
0x2c6: {  	[tilespmem:s29], [sflag:$0x3] =	stream.linear.gather [hbm4b:s8+s6], $0x50, $0x38;
	[tilespmem:$0x1EC00] =	vst v63  }
0x2c7: {  	_ =	swait.ge [sflag:s28], $0x50  }
0x2c8: {  	[sflag:s28] =	ssyncset.done $0x0  }
0x2c9: {  	s7 =	sadd.s32 s7, s19;
	[sflag:s28] =	ssyncadd.s32 $0xFFFFFFB0  }
0x2ca: {  	[tilespmem:s26], [sflag:$0x3] =	stream.linear.gather [hbm4b:s7+s6], $0x50, $0x38;
	[tilespmem:$0x1EC00] =	vst v63  }
0x2cb: {  	_ =	swait.ge [sflag:s28], $0x50  }
0x2cc: {  	[sflag:s28] =	ssyncset.done $0x0  }
0x2cd: {  	[sflag:s28] =	ssyncadd.s32 $0xFFFFFFB0  }
0x2ce: {  	[tilespmem:s6], [sflag:$0x1] =	stream.indirect.gather [hbm4b:s1+s23], $0x80, s29, s23, $0xb8;
	[tilespmem:$0x1EC00] =	vst v63  }
0x2cf: {  	s8 =	sadd.s32 $0xA, s8  }
0x2d0: {  	[tilespmem:s30], [sflag:$0x3] =	stream.linear.gather [hbm4b:s8+s6], $0x50, $0x38;
	[tilespmem:$0x1EC00] =	vst v63  }
0x2d1: {  	_ =	swait.ge [sflag:s28], $0x50  }
0x2d2: {  	[sflag:s28] =	ssyncset.done $0x0  }
0x2d3: {  	s7 =	sadd.s32 $0xA, s7;
	[sflag:s28] =	ssyncadd.s32 $0xFFFFFFB0  }
0x2d4: {  	[tilespmem:s31], [sflag:$0x3] =	stream.linear.gather [hbm4b:s7+s6], $0x50, $0x38;
	[tilespmem:$0x1EC00] =	vst v63  }
0x2d5: {  	_ =	swait.ge [sflag:s28], $0x50  }
0x2d6: {  	[sflag:s28] =	ssyncset.done $0x0  }
0x2d7: {  	[sflag:s28] =	ssyncadd.s32 $0xFFFFFFB0  }
0x2d8: {  	[tilespmem:s2], [sflag:$0x2] =	stream.indirect.gather [hbm4b:s1+s23], $0x80, s30, s23, $0xb8;
	[tilespmem:$0x1EC00] =	vst v63  }
0x2d9: {  	v54 =	vld [tilespmem:$0x8140]  }
0x2da: {  	v55 =	vld [tilespmem:$0x8130]  }
0x2db: {  	v56 =	vld [tilespmem:$0x8100]  }
0x2dc: {  	v57 =	vld [tilespmem:$0x8110]  }
0x2dd: {  	v58 =	vld [tilespmem:$0x8120]  }
0x2de: {  	v59 =	vand.u32 $0x7, v54;
	v54 =	vshrl.u32 v54, $0x3  }
0x2df: {  	v60 =	vand.u32 $0x7, v55;
	v55 =	vshrl.u32 v55, $0x3;
	[tilespmem:$0x8240] =	vst v59  }
0x2e0: {  	v59 =	vand.u32 $0x7, v56;
	v56 =	vshrl.u32 v56, $0x3;
	[tilespmem:$0x82C0] =	vst v54  }
0x2e1: {  	v54 =	vand.u32 $0x7, v57;
	v57 =	vshrl.u32 v57, $0x3;
	[tilespmem:$0x8230] =	vst v60  }
0x2e2: {  	[tilespmem:$0x8200] =	vst v59;
	v59 =	vand.u32 $0x7, v58;
	v58 =	vshrl.u32 v58, $0x3  }
0x2e3: {  	[tilespmem:$0x8210] =	vst v54  }
0x2e4: {  	[tilespmem:$0x8280] =	vst v56  }
0x2e5: {  	[tilespmem:$0x82B0] =	vst v55  }
0x2e6: {  	[tilespmem:$0x8290] =	vst v57  }
0x2e7: {  	[tilespmem:$0x8220] =	vst v59  }
0x2e8: {  	[tilespmem:$0x82A0] =	vst v58  }
0x2e9: {  	[tilespmem:s10], [sflag:$0x3] =	stream.indirect.gather [spmem:s3], $0x80, s9, s23, $0xb8;
	[tilespmem:$0x1EC00] =	vst v63  }
0x2ea: {  	_ =	swait.ge [sflag:s28], $0x2800  }
0x2eb: {  	[sflag:s28] =	ssyncset.done $0x0  }
0x2ec: {  	[sflag:s28] =	ssyncadd.s32 $0xFFFFD800  }
0x2ed: {  	_ =	swait.ge [sflag:s11], $0x2800  }
0x2ee: {  	[sflag:s11] =	ssyncset.done $0x0  }
0x2ef: {  	[sflag:s11] =	ssyncadd.s32 $0xFFFFD800  }
0x2f0: {  	[spmem:s4] =	stream.indirect.scatter.add.f32 [tilespmem:s6], [sflag:$0x3], $0x80, s26, s23, $0xb8;
	[tilespmem:$0x1EC00] =	vst v63  }
0x2f1: {  	_ =	swait.ge [sflag:s28], $0x2800  }
0x2f2: {  	[sflag:s28] =	ssyncset.done $0x0  }
0x2f3: {  	[sflag:s28] =	ssyncadd.s32 $0xFFFFD800  }
0x2f4: {  	[spmem:s5] =	stream.indirect.scatter.add.f32 [tilespmem:s10], [sflag:$0x3], $0x80, s12, s23, $0xb8;
	[tilespmem:$0x1EC00] =	vst v63  }
0x2f5: {  	_ =	swait.ge [sflag:s28], $0x2800  }
0x2f6: {  	[sflag:s28] =	ssyncset.done $0x0  }
0x2f7: {  	[sflag:s28] =	ssyncadd.s32 $0xFFFFD800  }
0x2f8: {  	v54 =	vld [tilespmem:$0x8190]  }
0x2f9: {  	v55 =	vld [tilespmem:$0x81B0]  }
0x2fa: {  	v56 =	vld [tilespmem:$0x81A0]  }
0x2fb: {  	v57 =	vld [tilespmem:$0x8180]  }
0x2fc: {  	v58 =	vld [tilespmem:$0x81C0]  }
0x2fd: {  	v59 =	vshrl.u32 v54, $0x3  }
0x2fe: {  	v54 =	vand.u32 $0x7, v54;
	[tilespmem:$0x8290] =	vst v59;
	v59 =	vand.u32 $0x7, v55;
	v60 =	vshrl.u32 v55, $0x3  }
.Ltmp12:
0x2ff: {  	[tilespmem:$0x8210] =	vst v54;
	v61 =	vand.u32 $0x7, v56;
	v55 =	vshrl.u32 v56, $0x3;
	(pc) =	sbr.rel @p3 .LBB2_8-.Ltmp12, $4  }
0x300: {  	v54 =	vand.u32 $0x7, v57;
	v62 =	vshrl.u32 v57, $0x3;
	[tilespmem:$0x8220] =	vst v61  }
0x301: {  	[tilespmem:$0x82B0] =	vst v60;
	v57 =	vand.u32 $0x7, v58;
	v56 =	vshrl.u32 v58, $0x3  }
0x302: {  	[tilespmem:$0x8280] =	vst v62  }
0x303: {  	[tilespmem:$0x8230] =	vst v59  }
0x304: {  	[tilespmem:$0x82A0] =	vst v55  }
0x305: {  	[tilespmem:$0x8240] =	vst v57  }
0x306: {  	[tilespmem:$0x82C0] =	vst v56  }
0x307: {  	[tilespmem:$0x8200] =	vst v54  }
0x308: {  	[tilespmem:s10], [sflag:$0x3] =	stream.indirect.gather [spmem:s3], $0x80, s9, s23, $0xb8;
	[tilespmem:$0x1EC00] =	vst v63  }
0x309: {  	_ =	swait.ge [sflag:s28], $0x2800  }
0x30a: {  	[sflag:s28] =	ssyncset.done $0x0  }
0x30b: {  	[sflag:s28] =	ssyncadd.s32 $0xFFFFD800  }
0x30c: {  	_ =	swait.ge [sflag:s13], $0x2800  }
0x30d: {  	[sflag:s13] =	ssyncset.done $0x0  }
0x30e: {  	[sflag:s13] =	ssyncadd.s32 $0xFFFFD800  }
0x30f: {  	[spmem:s4] =	stream.indirect.scatter.add.f32 [tilespmem:s2], [sflag:$0x3], $0x80, s31, s23, $0xb8;
	[tilespmem:$0x1EC00] =	vst v63  }
0x310: {  	_ =	swait.ge [sflag:s28], $0x2800  }
0x311: {  	[sflag:s28] =	ssyncset.done $0x0  }
0x312: {  	[sflag:s28] =	ssyncadd.s32 $0xFFFFD800  }
0x313: {  	[spmem:s5] =	stream.indirect.scatter.add.f32 [tilespmem:s10], [sflag:$0x3], $0x80, s12, s23, $0xb8;
	[tilespmem:$0x1EC00] =	vst v63  }
.Ltmp13:
0x314: {  	_ =	swait.ge [sflag:s28], $0x2800;
	(pc) =	sbr.rel @!p2 .LBB2_10-.Ltmp13, $4  }
0x315: {  	[sflag:s28] =	ssyncset.done $0x0  }
0x316: {  	[sflag:s28] =	ssyncadd.s32 $0xFFFFD800  }
0x317: {  	[bflag:$0x0] =	sbarrier.arrive $0xFFFF  }
0x318: {  	[tilespmem:$0x8100] =	vst v6  }
0x319: {  	[tilespmem:$0x8110] =	vst v48  }
0x31a: {  	[tilespmem:$0x8120] =	vst v49  }
0x31b: {  	[tilespmem:$0x8130] =	vst v50  }
0x31c: {  	[tilespmem:$0x8140] =	vst v51  }
0x31d: {  	[tilespmem:s6], [sflag:$0x3] =	stream.indirect.gather [spmem:s4], $0x80, s26, s23, $0xb8;
	[tilespmem:$0x1EC00] =	vst v63  }
0x31e: {  	_ =	swait.ge [sflag:s28], $0x2800  }
0x31f: {  	[sflag:s28] =	ssyncset.done $0x0  }
0x320: {  	s7 =	rddreg [dreg:$0x13];
	[sflag:s28] =	ssyncadd.s32 $0xFFFFD800  }
0x321: {  	[hbm4b:s7+s6] =	stream.linear.scatter [tilespmem:s6], [sflag:$0x3], $0x2800, $0x38;
	[tilespmem:$0x1EC00] =	vst v63  }
0x322: {  	_ =	swait.ge [sflag:s28], $0x2800  }
0x323: {  	[sflag:s28] =	ssyncset.done $0x0  }
0x324: {  	[sflag:s28] =	ssyncadd.s32 $0xFFFFD800  }
0x325: {  	[tilespmem:$0x8100] =	vst v52  }
0x326: {  	v54 =	vadd.s32 $0x2578, v0;
	[tilespmem:$0x8110] =	vst v53  }
0x327: {  	v60 =	vadd.s32 $0x2588, v0;
	[tilespmem:$0x8120] =	vst v54  }
0x328: {  	v61 =	vadd.s32 $0x2598, v0;
	[tilespmem:$0x8130] =	vst v60  }
0x329: {  	[tilespmem:$0x8140] =	vst v61  }
0x32a: {  	[tilespmem:s6], [sflag:$0x3] =	stream.indirect.gather [spmem:s4], $0x80, s26, s23, $0xb8;
	[tilespmem:$0x1EC00] =	vst v63  }
0x32b: {  	_ =	swait.ge [sflag:s28], $0x2800  }
0x32c: {  	[sflag:s28] =	ssyncset.done $0x0  }
0x32d: {  	s8 =	rddreg [dreg:$0x14];
	[sflag:s28] =	ssyncadd.s32 $0xFFFFD800  }
0x32e: {  	[hbm4b:s8+s6] =	stream.linear.scatter [tilespmem:s6], [sflag:$0x3], $0x2800, $0x38;
	[tilespmem:$0x1EC00] =	vst v63  }
0x32f: {  	_ =	swait.ge [sflag:s28], $0x2800  }
0x330: {  	[sflag:s28] =	ssyncset.done $0x0  }
0x331: {  	v62 =	vadd.s32 $0x25A8, v0;
	[sflag:s28] =	ssyncadd.s32 $0xFFFFD800  }
0x332: {  	v63 =	vadd.s32 $0x25B8, v0;
	[tilespmem:$0x8100] =	vst v62  }
0x333: {  	v57 =	vadd.s32 $0x25C8, v0;
	[tilespmem:$0x8110] =	vst v63  }
0x334: {  	v58 =	vadd.s32 $0x25D8, v0;
	[tilespmem:$0x8120] =	vst v57  }
0x335: {  	v59 =	vadd.s32 $0x25E8, v0;
	[tilespmem:$0x8130] =	vst v58  }
0x336: {  	[tilespmem:$0x8140] =	vst v59  }
0x337: {  	[tilespmem:s6], [sflag:$0x3] =	stream.indirect.gather [spmem:s4], $0x80, s26, s23, $0xb8;
	[tilespmem:$0x1EC00] =	vst v63  }
0x338: {  	_ =	swait.ge [sflag:s28], $0x2800  }
0x339: {  	[sflag:s28] =	ssyncset.done $0x0  }
0x33a: {  	s15 =	rddreg [dreg:$0x15];
	[sflag:s28] =	ssyncadd.s32 $0xFFFFD800  }
0x33b: {  	[hbm4b:s15+s6] =	stream.linear.scatter [tilespmem:s6], [sflag:$0x3], $0x2800, $0x38;
	[tilespmem:$0x1EC00] =	vst v63  }
0x33c: {  	_ =	swait.ge [sflag:s28], $0x2800  }
0x33d: {  	[sflag:s28] =	ssyncset.done $0x0  }
0x33e: {  	v60 =	vadd.s32 $0x25F8, v0;
	[sflag:s28] =	ssyncadd.s32 $0xFFFFD800  }
0x33f: {  	[tilespmem:$0x8100] =	vst v60  }
0x340: {  	[tilespmem:$0x8110] =	vst v22  }
0x341: {  	[tilespmem:$0x8120] =	vst v23  }
0x342: {  	[tilespmem:$0x8130] =	vst v24  }
0x343: {  	[tilespmem:$0x8140] =	vst v25  }
0x344: {  	[tilespmem:s6], [sflag:$0x3] =	stream.indirect.gather [spmem:s4], $0x80, s26, s23, $0xb8;
	[tilespmem:$0x1EC00] =	vst v63  }
0x345: {  	_ =	swait.ge [sflag:s28], $0x2800  }
0x346: {  	[sflag:s28] =	ssyncset.done $0x0  }
0x347: {  	s25 =	rddreg [dreg:$0x16];
	[sflag:s28] =	ssyncadd.s32 $0xFFFFD800  }
0x348: {  	[hbm4b:s25+s6] =	stream.linear.scatter [tilespmem:s6], [sflag:$0x3], $0x2800, $0x38;
	[tilespmem:$0x1EC00] =	vst v63  }
0x349: {  	_ =	swait.ge [sflag:s28], $0x2800  }
0x34a: {  	[sflag:s28] =	ssyncset.done $0x0  }
0x34b: {  	[sflag:s28] =	ssyncadd.s32 $0xFFFFD800  }
0x34c: {  	[tilespmem:$0x8100] =	vst v26  }
0x34d: {  	[tilespmem:$0x8110] =	vst v27  }
0x34e: {  	[tilespmem:$0x8120] =	vst v28  }
0x34f: {  	[tilespmem:$0x8130] =	vst v29  }
0x350: {  	[tilespmem:$0x8140] =	vst v30  }
0x351: {  	[tilespmem:s6], [sflag:$0x3] =	stream.indirect.gather [spmem:s4], $0x80, s26, s23, $0xb8;
	[tilespmem:$0x1EC00] =	vst v63  }
0x352: {  	_ =	swait.ge [sflag:s28], $0x2800  }
0x353: {  	[sflag:s28] =	ssyncset.done $0x0  }
0x354: {  	s8 =	rddreg [dreg:$0x17];
	[sflag:s28] =	ssyncadd.s32 $0xFFFFD800  }
0x355: {  	[hbm4b:s8+s6] =	stream.linear.scatter [tilespmem:s6], [sflag:$0x3], $0x2800, $0x38;
	[tilespmem:$0x1EC00] =	vst v63  }
0x356: {  	_ =	swait.ge [sflag:s28], $0x2800  }
0x357: {  	[sflag:s28] =	ssyncset.done $0x0  }
0x358: {  	[sflag:s28] =	ssyncadd.s32 $0xFFFFD800  }
0x359: {  	[tilespmem:$0x8100] =	vst v31  }
0x35a: {  	[tilespmem:$0x8110] =	vst v32  }
0x35b: {  	[tilespmem:$0x8120] =	vst v33  }
0x35c: {  	[tilespmem:$0x8130] =	vst v34  }
0x35d: {  	[tilespmem:$0x8140] =	vst v35  }
0x35e: {  	[tilespmem:s6], [sflag:$0x3] =	stream.indirect.gather [spmem:s4], $0x80, s26, s23, $0xb8;
	[tilespmem:$0x1EC00] =	vst v63  }
0x35f: {  	_ =	swait.ge [sflag:s28], $0x2800  }
0x360: {  	[sflag:s28] =	ssyncset.done $0x0  }
0x361: {  	s15 =	rddreg [dreg:$0x18];
	[sflag:s28] =	ssyncadd.s32 $0xFFFFD800  }
0x362: {  	[hbm4b:s15+s6] =	stream.linear.scatter [tilespmem:s6], [sflag:$0x3], $0x2800, $0x38;
	[tilespmem:$0x1EC00] =	vst v63  }
0x363: {  	_ =	swait.ge [sflag:s28], $0x2800  }
0x364: {  	[sflag:s28] =	ssyncset.done $0x0  }
0x365: {  	[sflag:s28] =	ssyncadd.s32 $0xFFFFD800  }
0x366: {  	[tilespmem:$0x8100] =	vst v36  }
0x367: {  	v61 =	vadd.s32 $0x2708, v0;
	[tilespmem:$0x8110] =	vst v37  }
0x368: {  	v62 =	vadd.s32 $0x2718, v0;
	[tilespmem:$0x8120] =	vst v61  }
0x369: {  	v63 =	vadd.s32 $0x2728, v0;
	[tilespmem:$0x8130] =	vst v62  }
0x36a: {  	[tilespmem:$0x8140] =	vst v63  }
0x36b: {  	[tilespmem:s6], [sflag:$0x3] =	stream.indirect.gather [spmem:s4], $0x80, s26, s23, $0xb8;
	[tilespmem:$0x1EC00] =	vst v63  }
0x36c: {  	_ =	swait.ge [sflag:s28], $0x2800  }
0x36d: {  	[sflag:s28] =	ssyncset.done $0x0  }
.Ltmp14:
0x36e: {  	s25 =	rddreg [dreg:$0x19];
	[sflag:s28] =	ssyncadd.s32 $0xFFFFD800;
	(pc) =	sbr.rel .LBB2_22-.Ltmp14, $4  }
0x36f: {  	[hbm4b:s25+s6] =	stream.linear.scatter [tilespmem:s6], [sflag:$0x3], $0x1400, $0x38;
	[tilespmem:$0x1EC00] =	vst v63  }
0x370: {  	_ =	swait.ge [sflag:s28], $0x1400  }
0x371: {  	[sflag:s28] =	ssyncset.done $0x0  }
0x372: {  	s7 =	rddreg [dreg:$0x9];
	[sflag:s28] =	ssyncadd.s32 $0xFFFFEC00  }
.LBB2_10:
0x373: {  	[tilespmem:$0x8110] =	vst v7  }
0x374: {  	[tilespmem:$0x8120] =	vst v8  }
0x375: {  	[tilespmem:$0x8130] =	vst v9  }
0x376: {  	[tilespmem:$0x8140] =	vst v10  }
0x377: {  	[tilespmem:s6], [sflag:$0x3] =	stream.indirect.gather [spmem:s4], $0x80, s26, s23, $0xb8;
	[tilespmem:$0x1EC00] =	vst v63  }
0x378: {  	_ =	swait.ge [sflag:s28], $0x2800  }
0x379: {  	[sflag:s28] =	ssyncset.done $0x0  }
0x37a: {  	s7 =	rddreg [dreg:$0xb];
	[sflag:s28] =	ssyncadd.s32 $0xFFFFD800  }
0x37b: {  	[hbm4b:s7+s6] =	stream.linear.scatter [tilespmem:s6], [sflag:$0x3], $0x2800, $0x38;
	[tilespmem:$0x1EC00] =	vst v63  }
0x37c: {  	_ =	swait.ge [sflag:s28], $0x2800  }
0x37d: {  	[sflag:s28] =	ssyncset.done $0x0  }
0x37e: {  	[sflag:s28] =	ssyncadd.s32 $0xFFFFD800  }
0x37f: {  	[tilespmem:$0x8100] =	vst v11  }
0x380: {  	[tilespmem:$0x8110] =	vst v12  }
0x381: {  	[tilespmem:$0x8120] =	vst v13  }
0x382: {  	[tilespmem:$0x8130] =	vst v14  }
0x383: {  	[tilespmem:$0x8140] =	vst v15  }
0x384: {  	[tilespmem:s6], [sflag:$0x3] =	stream.indirect.gather [spmem:s4], $0x80, s26, s23, $0xb8;
	[tilespmem:$0x1EC00] =	vst v63  }
0x385: {  	_ =	swait.ge [sflag:s28], $0x2800  }
0x386: {  	[sflag:s28] =	ssyncset.done $0x0  }
0x387: {  	s25 =	rddreg [dreg:$0xc];
	[sflag:s28] =	ssyncadd.s32 $0xFFFFD800  }
0x388: {  	[hbm4b:s25+s6] =	stream.linear.scatter [tilespmem:s6], [sflag:$0x3], $0x2800, $0x38;
	[tilespmem:$0x1EC00] =	vst v63  }
0x389: {  	_ =	swait.ge [sflag:s28], $0x2800  }
0x38a: {  	[sflag:s28] =	ssyncset.done $0x0  }
0x38b: {  	[sflag:s28] =	ssyncadd.s32 $0xFFFFD800  }
0x38c: {  	[tilespmem:$0x8100] =	vst v16  }
0x38d: {  	[tilespmem:$0x8110] =	vst v17  }
0x38e: {  	[tilespmem:$0x8120] =	vst v18  }
0x38f: {  	[tilespmem:$0x8130] =	vst v19  }
0x390: {  	[tilespmem:$0x8140] =	vst v20  }
0x391: {  	[tilespmem:s6], [sflag:$0x3] =	stream.indirect.gather [spmem:s4], $0x80, s26, s23, $0xb8;
	[tilespmem:$0x1EC00] =	vst v63  }
0x392: {  	_ =	swait.ge [sflag:s28], $0x2800  }
0x393: {  	[sflag:s28] =	ssyncset.done $0x0  }
0x394: {  	s8 =	rddreg [dreg:$0xd];
	[sflag:s28] =	ssyncadd.s32 $0xFFFFD800  }
0x395: {  	[hbm4b:s8+s6] =	stream.linear.scatter [tilespmem:s6], [sflag:$0x3], $0x2800, $0x38;
	[tilespmem:$0x1EC00] =	vst v63  }
0x396: {  	_ =	swait.ge [sflag:s28], $0x2800  }
0x397: {  	[sflag:s28] =	ssyncset.done $0x0  }
0x398: {  	[sflag:s28] =	ssyncadd.s32 $0xFFFFD800  }
0x399: {  	[tilespmem:$0x8100] =	vst v21  }
0x39a: {  	[tilespmem:$0x8110] =	vst v22  }
0x39b: {  	[tilespmem:$0x8120] =	vst v23  }
0x39c: {  	[tilespmem:$0x8130] =	vst v24  }
0x39d: {  	[tilespmem:$0x8140] =	vst v25  }
0x39e: {  	[tilespmem:s6], [sflag:$0x3] =	stream.indirect.gather [spmem:s4], $0x80, s26, s23, $0xb8;
	[tilespmem:$0x1EC00] =	vst v63  }
0x39f: {  	_ =	swait.ge [sflag:s28], $0x2800  }
0x3a0: {  	[sflag:s28] =	ssyncset.done $0x0  }
0x3a1: {  	s15 =	rddreg [dreg:$0xe];
	[sflag:s28] =	ssyncadd.s32 $0xFFFFD800  }
0x3a2: {  	[hbm4b:s15+s6] =	stream.linear.scatter [tilespmem:s6], [sflag:$0x3], $0x2800, $0x38;
	[tilespmem:$0x1EC00] =	vst v63  }
0x3a3: {  	_ =	swait.ge [sflag:s28], $0x2800  }
0x3a4: {  	[sflag:s28] =	ssyncset.done $0x0  }
0x3a5: {  	[sflag:s28] =	ssyncadd.s32 $0xFFFFD800  }
0x3a6: {  	[tilespmem:$0x8100] =	vst v26  }
0x3a7: {  	[tilespmem:$0x8110] =	vst v27  }
0x3a8: {  	[tilespmem:$0x8120] =	vst v28  }
0x3a9: {  	[tilespmem:$0x8130] =	vst v29  }
0x3aa: {  	[tilespmem:$0x8140] =	vst v30  }
0x3ab: {  	[tilespmem:s6], [sflag:$0x3] =	stream.indirect.gather [spmem:s4], $0x80, s26, s23, $0xb8;
	[tilespmem:$0x1EC00] =	vst v63  }
0x3ac: {  	_ =	swait.ge [sflag:s28], $0x2800  }
0x3ad: {  	[sflag:s28] =	ssyncset.done $0x0  }
0x3ae: {  	s25 =	rddreg [dreg:$0xf];
	[sflag:s28] =	ssyncadd.s32 $0xFFFFD800  }
0x3af: {  	[hbm4b:s25+s6] =	stream.linear.scatter [tilespmem:s6], [sflag:$0x3], $0x2800, $0x38;
	[tilespmem:$0x1EC00] =	vst v63  }
0x3b0: {  	_ =	swait.ge [sflag:s28], $0x2800  }
0x3b1: {  	[sflag:s28] =	ssyncset.done $0x0  }
0x3b2: {  	[sflag:s28] =	ssyncadd.s32 $0xFFFFD800  }
0x3b3: {  	[tilespmem:$0x8100] =	vst v31  }
0x3b4: {  	[tilespmem:$0x8110] =	vst v32  }
0x3b5: {  	[tilespmem:$0x8120] =	vst v33  }
0x3b6: {  	[tilespmem:$0x8130] =	vst v34  }
0x3b7: {  	[tilespmem:$0x8140] =	vst v35  }
0x3b8: {  	[tilespmem:s6], [sflag:$0x3] =	stream.indirect.gather [spmem:s4], $0x80, s26, s23, $0xb8;
	[tilespmem:$0x1EC00] =	vst v63  }
0x3b9: {  	_ =	swait.ge [sflag:s28], $0x2800  }
0x3ba: {  	[sflag:s28] =	ssyncset.done $0x0  }
0x3bb: {  	s8 =	rddreg [dreg:$0x10];
	[sflag:s28] =	ssyncadd.s32 $0xFFFFD800  }
0x3bc: {  	[hbm4b:s8+s6] =	stream.linear.scatter [tilespmem:s6], [sflag:$0x3], $0x2800, $0x38;
	[tilespmem:$0x1EC00] =	vst v63  }
0x3bd: {  	_ =	swait.ge [sflag:s28], $0x2800  }
0x3be: {  	[sflag:s28] =	ssyncset.done $0x0  }
0x3bf: {  	[sflag:s28] =	ssyncadd.s32 $0xFFFFD800  }
0x3c0: {  	[tilespmem:$0x8100] =	vst v36  }
0x3c1: {  	[tilespmem:$0x8110] =	vst v37  }
0x3c2: {  	[tilespmem:$0x8120] =	vst v38  }
0x3c3: {  	[tilespmem:$0x8130] =	vst v39  }
0x3c4: {  	[tilespmem:$0x8140] =	vst v40  }
0x3c5: {  	[tilespmem:s6], [sflag:$0x3] =	stream.indirect.gather [spmem:s4], $0x80, s26, s23, $0xb8;
	[tilespmem:$0x1EC00] =	vst v63  }
0x3c6: {  	_ =	swait.ge [sflag:s28], $0x2800  }
0x3c7: {  	[sflag:s28] =	ssyncset.done $0x0  }
0x3c8: {  	s15 =	rddreg [dreg:$0x11];
	[sflag:s28] =	ssyncadd.s32 $0xFFFFD800  }
0x3c9: {  	[hbm4b:s15+s6] =	stream.linear.scatter [tilespmem:s6], [sflag:$0x3], $0x2800, $0x38;
	[tilespmem:$0x1EC00] =	vst v63  }
0x3ca: {  	_ =	swait.ge [sflag:s28], $0x2800  }
0x3cb: {  	[sflag:s28] =	ssyncset.done $0x0  }
0x3cc: {  	[sflag:s28] =	ssyncadd.s32 $0xFFFFD800  }
0x3cd: {  	[tilespmem:$0x8100] =	vst v41  }
0x3ce: {  	[tilespmem:$0x8110] =	vst v42  }
0x3cf: {  	[tilespmem:$0x8120] =	vst v43  }
0x3d0: {  	[tilespmem:$0x8130] =	vst v45  }
0x3d1: {  	[tilespmem:$0x8140] =	vst v46  }
0x3d2: {  	[tilespmem:s6], [sflag:$0x3] =	stream.indirect.gather [spmem:s4], $0x80, s26, s23, $0xb8;
	[tilespmem:$0x1EC00] =	vst v63  }
0x3d3: {  	_ =	swait.ge [sflag:s28], $0x2800  }
0x3d4: {  	[sflag:s28] =	ssyncset.done $0x0  }
.Ltmp15:
0x3d5: {  	s25 =	rddreg [dreg:$0x12];
	[sflag:s28] =	ssyncadd.s32 $0xFFFFD800;
	(pc) =	sbr.rel .LBB2_22-.Ltmp15, $4  }
0x3d6: {  	[hbm4b:s25+s6] =	stream.linear.scatter [tilespmem:s6], [sflag:$0x3], $0x2400, $0x38;
	[tilespmem:$0x1EC00] =	vst v63  }
0x3d7: {  	_ =	swait.ge [sflag:s28], $0x2400  }
0x3d8: {  	[sflag:s28] =	ssyncset.done $0x0  }
0x3d9: {  	s7 =	rddreg [dreg:$0x9];
	[sflag:s28] =	ssyncadd.s32 $0xFFFFDC00  }
.LBB2_23:
0x3da: {  	_ =	sfence.sel $0x180000  }
0x3db: {  	[bflag:$0x0] =	sbarrier.arrive $0xFFFF  }
0x3dc: {  	_ =	strace $0x90000047  }
0x3dd: {  	[bflag:$0x2] =	sbarrier.arrive $0xFFFF  }
0x3de: {  	s0 =	rddreg [dreg:$0x8]  }
0x3df: {  	s0 =	sadd.s32 @!p1 $0x100000, s0  }
0x3e0: {  	[sflag:s0] =	ssyncadd.tile.s32 @!p1 $0x1;
	_ =	shalt  }
.Lfunc_end2:
_tile_overlayer_lowered:
.L_overlay_start_2:
0x3e1: {  	(tag) =	ssettag $0x2  }
0x3e2: {  	s0 =	rddreg [dreg:$0x0];
	s2 =	stileid.u32  }
0x3e3: {  	s1 =	rddreg [dreg:$0x1];
	p0 =	sne.s32 s2, $0x0  }
0x3e4: {  	s3 =	rddreg [dreg:$0x2];
	[bflag:$0x3] =	sbarrier.arrive $0xFFFF;
	s2 =	simm.s32 @!p0 $0x1C03  }
0x3e5: {  	[timem:s3], [sflag:s2] =	dma.local @!p0 [hbm:s0], s1  }
0x3e6: {  	s0 =	simm.s32 @!p0 $0x3  }
0x3e7: {  	_ =	swait.ge @!p0 [sflag:s0], s1  }
0x3e8: {  	s1 =	ssub.s32 @!p0 $0x0, s1;
	[sflag:s0] =	ssyncset.done @!p0 $0x0  }
0x3e9: {  	[sflag:s0] =	ssyncadd.s32 @!p0 s1  }
0x3ea: {  	[bflag:$0x3] =	sbarrier.arrive $0xFFFF  }
0x3eb: {  	_ =	shalt  }

</sc_bundles>
